<compile_context>
chip_gen: v7x
topology: tpu7x:2x2x1
jax: 0.10.2.dev20260603
libtpu: 0.0.44.dev20260713+nightly
codegen_flags: <defaults>
</compile_context>

<pallas_src>
import functools

import jax
import jax.numpy as jnp
from jax import lax
from jax.experimental import pallas as pl
from jax.experimental.pallas import tpu as pltpu
from jax.experimental.pallas import tpu_sc as plsc

_N = 10000
_E = 320000
_NPAD = 10240
_NATOM = 11
_ND = 10001

_NC, _NS, _LANES = 2, 16, 16
_CH = 100
_NCHL = _E // (_NC * _NS * _CH)
_NCHP = _E // (_NS * _CH)
_RPT = _NPAD // _NS
_HD = 64

_BM = 512
_GRID = _NPAD // _BM

_f32 = jnp.float32

_sc_mesh = plsc.VectorSubcoreMesh(
    core_axis_name="c", subcore_axis_name="s",
    num_cores=_NC, num_subcores=_NS)
_sc_params = pltpu.CompilerParams(use_tc_tiling_on_sc=False)


def _fill_1d(buf, n, value):
    v = jnp.full((_LANES,), value, _f32)

    def body(i, _):
        buf[pl.ds(i * _LANES, _LANES)] = v
        return 0

    lax.fori_loop(0, n // _LANES, body, 0)


def _fill_2d(buf, rows, cols, value):
    v = jnp.full((_LANES,), value, _f32)
    nseg = cols // _LANES

    def body(i, _):
        for k in range(nseg):
            buf[i, pl.ds(k * _LANES, _LANES)] = v
        return 0

    lax.fori_loop(0, rows, body, 0)


class _Stream:

    def __init__(self, y_hbm, gidx, sidx2, acc_s, b0, b1, gs0, gs1):
        self.y_hbm = y_hbm
        self.gidx = gidx
        self.sidx = sidx2
        self.acc = acc_s
        self.b = (b0, b1)
        self.gs = (gs0, gs1)

    def start(self, k, j):
        pltpu.async_copy(self.y_hbm.at[self.gidx.at[j]], self.b[k],
                         self.gs[k])

    def gwait(self, k):
        pltpu.make_async_copy(self.y_hbm.at[pl.ds(0, _CH)], self.b[k],
                              self.gs[k]).wait()

    def scat(self, k, j):
        pltpu.sync_copy(self.b[k], self.acc.at[self.sidx.at[j]],
                        add=True)


def _run_stream(st, nch, base):
    st.start(0, base)
    st.start(1, base + 1)

    def body(t, _):
        j = base + 2 * t
        st.gwait(0)
        st.scat(0, j)

        @pl.when(j + 2 < base + nch)
        def _():
            st.start(0, j + 2)

        st.gwait(1)
        st.scat(1, j + 1)

        @pl.when(j + 3 < base + nch)
        def _():
            st.start(1, j + 3)

        return 0

    lax.fori_loop(0, nch // 2, body, 0)


class _Stream4:

    def __init__(self, y_hbm, gidx, sidx2, acc_s, bufs, sems):
        self.y_hbm = y_hbm
        self.gidx = gidx
        self.sidx = sidx2
        self.acc = acc_s
        self.b = bufs
        self.gs = sems

    def start(self, k, j):
        pltpu.async_copy(self.y_hbm.at[self.gidx.at[j]], self.b[k],
                         self.gs[k])

    def gwait(self, k):
        pltpu.make_async_copy(self.y_hbm.at[pl.ds(0, _CH)], self.b[k],
                              self.gs[k]).wait()

    def scat(self, k, j):
        pltpu.sync_copy(self.b[k], self.acc.at[self.sidx.at[j]],
                        add=True)


def _run_stream4(st, nch):
    for k in range(4):
        st.start(k, k)

    def body(t, _):
        j = 4 * t
        for k in range(4):
            st.gwait(k)
            st.scat(k, j + k)

            @pl.when(j + k + 4 < nch)
            def _():
                st.start(k, j + k + 4)

        return 0

    lax.fori_loop(0, nch // 4, body, 0)


def _deg_body(ep_hbm, el_hbm, outp_hbm, outl_hbm,
              idx_v, ones_v, zed_v, histp_s, histl_s, sem):
    c = lax.axis_index("c")
    s = lax.axis_index("s")
    _fill_1d(zed_v, _RPT, 0.0)
    _fill_1d(ones_v, 112, 1.0)
    pltpu.sync_copy(zed_v, histp_s.at[pl.ds(s * _RPT, _RPT)])
    pltpu.sync_copy(zed_v, histl_s.at[pl.ds(s * _RPT, _RPT)])
    plsc.subcore_barrier()

    ones_sl = ones_v.at[pl.ds(0, _CH)]

    def scatter_ones(hist_s):
        def wait_one():
            pltpu.make_async_copy(ones_sl, hist_s.at[idx_v.at[0]],
                                  sem).wait()

        def body(j, _):
            @pl.when(j >= 5)
            def _():
                wait_one()

            pltpu.async_copy(ones_sl, hist_s.at[idx_v.at[j]], sem,
                             add=True)
            return 0

        lax.fori_loop(0, _NCHL, body, 0)
        for _k in range(5):
            wait_one()

    pltpu.sync_copy(ep_hbm.at[1, s, pl.ds(c * _NCHL, _NCHL)], idx_v)
    scatter_ones(histp_s)
    pltpu.sync_copy(el_hbm.at[1, s, pl.ds(c * _NCHL, _NCHL)], idx_v)
    scatter_ones(histl_s)
    plsc.subcore_barrier()
    sl = pl.ds(s * _RPT, _RPT)
    pltpu.sync_copy(histp_s.at[sl], outp_hbm.at[c, sl])
    pltpu.sync_copy(histl_s.at[sl], outl_hbm.at[c, sl])


_deg_call = pl.kernel(
    _deg_body,
    out_type=[jax.ShapeDtypeStruct((_NC, _NPAD), _f32),
              jax.ShapeDtypeStruct((_NC, _NPAD), _f32)],
    mesh=_sc_mesh,
    compiler_params=_sc_params,
    scratch_types=[
        pltpu.VMEM((_NCHL, _CH), jnp.int32),
        pltpu.VMEM((112,), _f32),
        pltpu.VMEM((_RPT,), _f32),
        pltpu.VMEM_SHARED((_NPAD,), _f32),
        pltpu.VMEM_SHARED((_NPAD,), _f32),
        pltpu.SemaphoreType.DMA,
    ])


def _zero_acc2d(gbuf, acc_s, s, cols):
    _fill_2d(gbuf, _CH, cols, 0.0)
    zsl = gbuf.at[pl.ds(0, 80)]
    for k in range(_RPT // 80):
        pltpu.sync_copy(zsl, acc_s.at[pl.ds(s * _RPT + k * 80, 80)])


def _mid_body(yp_hbm, ep_hbm, inv_hbm, yl_hbm, el_hbm,
              aggp_hbm, g_hbm, aggl_hbm,
              sidx, didx, lsidx, ldidx,
              rb0, rb1, rb2, rb3, vb0, vb1, vb2, vb3,
              lb0, lb1, lb2, lb3,
              accp_s, gacc_s, accl_s,
              rs0, rs1, rs2, rs3, gs0, gs1, gs2, gs3,
              ls0, ls1, ls2, ls3):
    c = lax.axis_index("c")
    s = lax.axis_index("s")
    _zero_acc2d(rb0, accp_s, s, _HD)
    _zero_acc2d(lb0, accl_s, s, 16)
    _fill_1d(vb0, 96, 0.0)
    zvs = vb0.at[pl.ds(0, 80)]
    for k in range(_RPT // 80):
        pltpu.sync_copy(zvs, gacc_s.at[pl.ds(s * _RPT + k * 80, 80)])
    plsc.subcore_barrier()

    pltpu.sync_copy(el_hbm.at[0, s, pl.ds(c * _NCHL, _NCHL)], lsidx)
    pltpu.sync_copy(el_hbm.at[1, s, pl.ds(c * _NCHL, _NCHL)], ldidx)

    R = _Stream4(yp_hbm.at[c], sidx, didx, accp_s,
                 (rb0, rb1, rb2, rb3), (rs0, rs1, rs2, rs3))
    G = _Stream4(inv_hbm, didx, sidx, gacc_s,
                 (vb0, vb1, vb2, vb3), (gs0, gs1, gs2, gs3))
    L = _Stream4(yl_hbm, lsidx, ldidx, accl_s,
                 (lb0, lb1, lb2, lb3), (ls0, ls1, ls2, ls3))

    for p in range(2):
        pltpu.sync_copy(ep_hbm.at[0, s, pl.ds(p * _NCHL, _NCHL)], sidx)
        pltpu.sync_copy(ep_hbm.at[1, s, pl.ds(p * _NCHL, _NCHL)], didx)
        for k in range(4):
            R.start(k, k)

        @pl.when(c == p)
        def _():
            for k in range(4):
                G.start(k, k)

        if p == 0:
            for k in range(4):
                L.start(k, k)

        def body(t, _):
            j = 4 * t
            for k in range(4):
                R.gwait(k)
                R.scat(k, j + k)

                @pl.when(j + k + 4 < _NCHL)
                def _():
                    R.start(k, j + k + 4)

                @pl.when(c == p)
                def _():
                    G.gwait(k)
                    G.scat(k, j + k)

                    @pl.when(j + k + 4 < _NCHL)
                    def _():
                        G.start(k, j + k + 4)

                if p == 0:
                    L.gwait(k)
                    L.scat(k, j + k)

                    @pl.when(j + k + 4 < _NCHL)
                    def _():
                        L.start(k, j + k + 4)

            return 0

        lax.fori_loop(0, _NCHL // 4, body, 0)

    plsc.subcore_barrier()
    sl = pl.ds(s * _RPT, _RPT)
    pltpu.sync_copy(accp_s.at[sl], aggp_hbm.at[c, sl])
    pltpu.sync_copy(gacc_s.at[sl], g_hbm.at[c, sl])
    pltpu.sync_copy(accl_s.at[sl], aggl_hbm.at[c, sl])


_mid_call = pl.kernel(
    _mid_body,
    out_type=[jax.ShapeDtypeStruct((_NC, _NPAD, _HD), _f32),
              jax.ShapeDtypeStruct((_NC, _NPAD), _f32),
              jax.ShapeDtypeStruct((_NC, _NPAD, 16), _f32)],
    mesh=_sc_mesh,
    compiler_params=_sc_params,
    scratch_types=[
        pltpu.VMEM((_NCHL, _CH), jnp.int32),
        pltpu.VMEM((_NCHL, _CH), jnp.int32),
        pltpu.VMEM((_NCHL, _CH), jnp.int32),
        pltpu.VMEM((_NCHL, _CH), jnp.int32),
        pltpu.VMEM((_CH, _HD), _f32),
        pltpu.VMEM((_CH, _HD), _f32),
        pltpu.VMEM((_CH, _HD), _f32),
        pltpu.VMEM((_CH, _HD), _f32),
        pltpu.VMEM((_CH,), _f32),
        pltpu.VMEM((_CH,), _f32),
        pltpu.VMEM((_CH,), _f32),
        pltpu.VMEM((_CH,), _f32),
        pltpu.VMEM((_CH, 16), _f32),
        pltpu.VMEM((_CH, 16), _f32),
        pltpu.VMEM((_CH, 16), _f32),
        pltpu.VMEM((_CH, 16), _f32),
        pltpu.VMEM_SHARED((_NPAD, _HD), _f32),
        pltpu.VMEM_SHARED((_NPAD,), _f32),
        pltpu.VMEM_SHARED((_NPAD, 16), _f32),
    ] + [pltpu.SemaphoreType.DMA] * 12)


def _l2_body(y2_hbm, el_hbm, agg_hbm,
             sidx, didx, gb0, gb1, gb2, gb3, acc_s, gs0, gs1, gs2, gs3):
    c = lax.axis_index("c")
    s = lax.axis_index("s")
    _zero_acc2d(gb0, acc_s, s, _HD)
    plsc.subcore_barrier()
    pltpu.sync_copy(el_hbm.at[0, s], sidx)
    pltpu.sync_copy(el_hbm.at[1, s], didx)
    st = _Stream4(y2_hbm.at[c], sidx, didx, acc_s,
                  (gb0, gb1, gb2, gb3), (gs0, gs1, gs2, gs3))
    _run_stream4(st, _NCHP)
    plsc.subcore_barrier()
    sl = pl.ds(s * _RPT, _RPT)
    pltpu.sync_copy(acc_s.at[sl], agg_hbm.at[c, sl])


_l2_call = pl.kernel(
    _l2_body,
    out_type=[jax.ShapeDtypeStruct((_NC, _NPAD, _HD), _f32)],
    mesh=_sc_mesh,
    compiler_params=_sc_params,
    scratch_types=[
        pltpu.VMEM((_NCHP, _CH), jnp.int32),
        pltpu.VMEM((_NCHP, _CH), jnp.int32),
        pltpu.VMEM((_CH, _HD), _f32),
        pltpu.VMEM((_CH, _HD), _f32),
        pltpu.VMEM((_CH, _HD), _f32),
        pltpu.VMEM((_CH, _HD), _f32),
        pltpu.VMEM_SHARED((_NPAD, _HD), _f32),
        pltpu.SemaphoreType.DMA,
        pltpu.SemaphoreType.DMA,
        pltpu.SemaphoreType.DMA,
        pltpu.SemaphoreType.DMA,
    ])


def _prep_body(degp_ref, degl_ref, xp_ref, xl_ref,
               yp_ref, yl_ref, invp_ref, invl_ref):
    invp = lax.rsqrt(degp_ref[...])
    invl = lax.rsqrt(degl_ref[...])
    invp_ref[...] = invp
    invl_ref[...] = invl
    yp = xp_ref[...] * invp
    yp_ref[0, :, :] = yp[:, :_HD]
    yp_ref[1, :, :] = yp[:, _HD:]
    xl16 = jnp.concatenate(
        [xl_ref[...], jnp.zeros((_BM, 1), _f32)], axis=1)
    yl_ref[...] = xl16 * invl


def _prep_call(degp, degl, x_p, x_l):
    blkc = lambda c: pl.BlockSpec((_NC, _BM, c), lambda i: (0, i, 0))
    return pl.pallas_call(
        _prep_body,
        grid=(_GRID,),
        in_specs=[pl.BlockSpec((_BM, 1), lambda i: (i, 0)),
                  pl.BlockSpec((_BM, 1), lambda i: (i, 0)),
                  pl.BlockSpec((_BM, 128), lambda i: (i, 0)),
                  pl.BlockSpec((_BM, 15), lambda i: (i, 0))],
        out_specs=[blkc(_HD),
                   pl.BlockSpec((_BM, 16), lambda i: (i, 0)),
                   pl.BlockSpec((_BM, 1), lambda i: (i, 0)),
                   pl.BlockSpec((_BM, 1), lambda i: (i, 0))],
        out_shape=[jax.ShapeDtypeStruct((_NC, _NPAD, _HD), _f32),
                   jax.ShapeDtypeStruct((_NPAD, 16), _f32),
                   jax.ShapeDtypeStruct((_NPAD, 1), _f32),
                   jax.ShapeDtypeStruct((_NPAD, 1), _f32)],
    )(degp, degl, x_p, x_l)


def _mid_tc_body(ap_ref, yp_ref, invp_ref, g_ref,
                 al_ref, yl_ref, invl_ref,
                 wp1_ref, bp1_ref, wp2_ref, bp2_ref, wl1_ref, bl1_ref,
                 y2_ref, zp_ref, sacc_ref):
    i = pl.program_id(0)
    invp = invp_ref[...]
    aggp = invp * jnp.concatenate(
        [ap_ref[0] + yp_ref[0], ap_ref[1] + yp_ref[1]], axis=1)
    h = jnp.maximum(
        jnp.dot(aggp, wp1_ref[...], preferred_element_type=_f32)
        + bp1_ref[...], 0.0)
    rowid = lax.broadcasted_iota(jnp.int32, (_BM, 1), 0) + i * _BM
    cvec = jnp.where(rowid < _N, invp * (g_ref[...] + invp), 0.0)

    @pl.when(i == 0)
    def _():
        sacc_ref[...] = jnp.zeros_like(sacc_ref)

    sacc_ref[...] += jnp.sum(cvec * h, axis=0, keepdims=True)

    invl = invl_ref[...]
    aggl = invl * (al_ref[0] + al_ref[1] + yl_ref[...])
    wl1p = jnp.concatenate([wl1_ref[...], jnp.zeros((1, 128), _f32)],
                           axis=0)
    hl = jnp.maximum(
        jnp.dot(aggl, wl1p, preferred_element_type=_f32)
        + bl1_ref[...], 0.0)
    y2 = invl * hl
    y2_ref[0, :, :] = y2[:, :_HD]
    y2_ref[1, :, :] = y2[:, _HD:]

    @pl.when(i == _GRID - 1)
    def _():
        zp = jnp.dot(sacc_ref[...] / _N, wp2_ref[...],
                     preferred_element_type=_f32) + bp2_ref[...]
        zp_ref[...] = zp[0]


def _mid_tc_call(aggp, yp3, invp, gmat, aggl, yl, invl,
                 Wp1, bp1, Wp2, bp2, Wl1, bl1):
    blk = lambda r, c: pl.BlockSpec((r, c), lambda i: (i, 0))
    blk3 = lambda c: pl.BlockSpec((_NC, _BM, c), lambda i: (0, i, 0))
    cst = lambda r, c: pl.BlockSpec((r, c), lambda i: (0, 0))
    return pl.pallas_call(
        _mid_tc_body,
        grid=(_GRID,),
        in_specs=[blk3(_HD), blk3(_HD), blk(_BM, 1), blk(_BM, 1),
                  blk3(16), blk(_BM, 16), blk(_BM, 1),
                  cst(128, 128), cst(1, 128), cst(128, 128), cst(1, 128),
                  cst(15, 128), cst(1, 128)],
        out_specs=[blk3(_HD),
                   pl.BlockSpec((128,), lambda i: (0,))],
        out_shape=[jax.ShapeDtypeStruct((_NC, _NPAD, _HD), _f32),
                   jax.ShapeDtypeStruct((128,), _f32)],
        scratch_shapes=[pltpu.VMEM((1, 128), _f32)],
    )(aggp, yp3, invp, gmat, aggl, yl, invl,
      Wp1, bp1[None, :], Wp2, bp2[None, :], Wl1, bl1[None, :])


def _dec_body(bfs_ref, xl_ref, xlf_ref,
              wd1_ref, bd1_ref, wd2_ref, bd2_ref,
              zv_ref, ht_ref, zvsum_ref, labB_ref):
    i = pl.program_id(0)
    rowid = lax.broadcasted_iota(jnp.int32, (_BM, 1), 0) + i * _BM

    @pl.when(i == 0)
    def _():
        zvsum_ref[...] = jnp.zeros_like(zvsum_ref)
        labB_ref[...] = jnp.zeros_like(labB_ref)

    stop_row = jnp.where(
        lax.broadcasted_iota(jnp.int32, (1, _NATOM), 1) == _NATOM - 1,
        1.0, 0.0)
    lab = jnp.where(rowid < _N, xl_ref[...][:, 4:], 0.0)
    lab = jnp.where(rowid == _N, stop_row, lab)
    labB_ref[...] += jnp.sum(jnp.where(rowid < _ND, lab, 0.0), axis=0,
                             keepdims=True)

    src0 = bfs_ref[0, 0]
    dst0 = bfs_ref[1, 0]
    same = src0 == dst0
    isq = 0.70710678118654752
    x_s0 = xlf_ref[pl.ds(src0, 1), :][:, 4:]
    x_d0 = xlf_ref[pl.ds(dst0, 1), :][:, 4:]
    agg_d = jnp.where(same, x_d0, isq * x_s0 + 0.5 * x_d0)
    h_spec = jnp.maximum(
        jnp.dot(agg_d, wd1_ref[...], preferred_element_type=_f32)
        + bd1_ref[...], 0.0)
    h_src0 = jnp.maximum(
        jnp.dot(x_s0, wd1_ref[...], preferred_element_type=_f32)
        + bd1_ref[...], 0.0)
    agg2_d = jnp.where(same, h_spec, isq * h_src0 + 0.5 * h_spec)
    z_spec = jnp.dot(agg2_d, wd2_ref[...], preferred_element_type=_f32) \
        + bd2_ref[...]
    h = jnp.maximum(
        jnp.dot(lab, wd1_ref[...], preferred_element_type=_f32)
        + bd1_ref[...], 0.0)
    h = jnp.where(rowid == dst0, h_spec, h)
    zv = jnp.dot(h, wd2_ref[...], preferred_element_type=_f32) \
        + bd2_ref[...]
    zv = jnp.where(rowid == dst0, z_spec, zv)
    zv_ref[...] = zv
    zvsum_ref[...] += jnp.sum(jnp.where(rowid < _ND, zv, 0.0), axis=0,
                              keepdims=True)

    @pl.when(i == _GRID - 1)
    def _():
        ht = jnp.concatenate([zvsum_ref[...] / _ND, labB_ref[...] / _ND],
                             axis=1)
        ht_ref[...] = ht[0]


def _dec_call(bfs, x_l, Wd1, bd1, Wd2, bd2):
    blk = lambda r, c: pl.BlockSpec((r, c), lambda i: (i, 0))
    cst = lambda r, c: pl.BlockSpec((r, c), lambda i: (0, 0))
    return pl.pallas_call(
        _dec_body,
        grid=(_GRID,),
        in_specs=[pl.BlockSpec(memory_space=pltpu.SMEM),
                  blk(_BM, 15),
                  cst(_N, 15),
                  cst(_NATOM, 128), cst(1, 128), cst(128, 128),
                  cst(1, 128)],
        out_specs=[blk(_BM, 128),
                   pl.BlockSpec((139,), lambda i: (0,))],
        out_shape=[jax.ShapeDtypeStruct((_ND, 128), _f32),
                   jax.ShapeDtypeStruct((139,), _f32)],
        scratch_shapes=[pltpu.VMEM((1, 128), _f32),
                        pltpu.VMEM((1, _NATOM), _f32)],
    )(bfs, x_l, x_l, Wd1, bd1[None, :], Wd2, bd2[None, :])


def _lig_body(q_ref, y2_ref, invl_ref, xl_ref,
              wl2_ref, bl2_ref, wf_ref, bf_ref,
              lp_ref, hi_ref, zlsum_ref, labA_ref):
    i = pl.program_id(0)
    rowid = lax.broadcasted_iota(jnp.int32, (_BM, 1), 0) + i * _BM

    @pl.when(i == 0)
    def _():
        lp_ref[...] = jnp.zeros_like(lp_ref)
        zlsum_ref[...] = jnp.zeros_like(zlsum_ref)
        labA_ref[...] = jnp.zeros_like(labA_ref)

    lab = jnp.where(rowid < _N, xl_ref[...][:, 4:], 0.0)
    invl = invl_ref[...]
    aggl2 = invl * jnp.concatenate(
        [q_ref[0] + y2_ref[0], q_ref[1] + y2_ref[1]], axis=1)
    zl = jnp.dot(aggl2, wl2_ref[...], preferred_element_type=_f32) \
        + bl2_ref[...]
    lmask = jnp.where(
        lax.broadcasted_iota(jnp.int32, (1, _NATOM), 1) == _NATOM - 1,
        -1e9, 0.0)
    logits = jnp.dot(zl, wf_ref[...], preferred_element_type=_f32) \
        + bf_ref[...] + lmask
    m = jnp.max(logits, axis=1, keepdims=True)
    e = jnp.exp(logits - m)
    num = jnp.sum(e * lab, axis=1, keepdims=True)
    den = jnp.sum(e, axis=1, keepdims=True)
    lig_mask = rowid < _N
    inner = jnp.where(lig_mask, num / den, 1.0)
    lp_ref[...] += jnp.sum(jnp.log(inner), axis=0, keepdims=True)
    zlsum_ref[...] += jnp.sum(jnp.where(lig_mask, zl, 0.0), axis=0,
                              keepdims=True)
    labA_ref[...] += jnp.sum(jnp.where(lig_mask, lab, 0.0), axis=0,
                             keepdims=True)

    @pl.when(i == _GRID - 1)
    def _():
        hi = jnp.concatenate([zlsum_ref[...] / _N, labA_ref[...] / _N],
                             axis=1)
        hi_ref[...] = hi[0]


def _lig_call(aggl2, y23, invl, x_l, Wl2, bl2, Wf, bf):
    blk = lambda r, c: pl.BlockSpec((r, c), lambda i: (i, 0))
    blk3 = lambda c: pl.BlockSpec((_NC, _BM, c), lambda i: (0, i, 0))
    cst = lambda r, c: pl.BlockSpec((r, c), lambda i: (0, 0))
    return pl.pallas_call(
        _lig_body,
        grid=(_GRID,),
        in_specs=[blk3(_HD), blk3(_HD), blk(_BM, 1), blk(_BM, 15),
                  cst(128, 128), cst(1, 128), cst(128, _NATOM),
                  cst(1, _NATOM)],
        out_specs=[cst(1, 1),
                   pl.BlockSpec((139,), lambda i: (0,))],
        out_shape=[jax.ShapeDtypeStruct((1, 1), _f32),
                   jax.ShapeDtypeStruct((139,), _f32)],
        scratch_shapes=[pltpu.VMEM((1, 128), _f32),
                        pltpu.VMEM((1, _NATOM), _f32)],
    )(aggl2, y23, invl, x_l, Wl2, bl2[None, :], Wf, bf[None, :])


def kernel(x_p, edge_index_p, x_l, edge_index_l, bfs_init, Wp1, bp1, Wp2,
           bp2, Wl1, bl1, Wl2, bl2, Wd1, bd1, Wd2, bd2, Wf, bf):
    ep4 = edge_index_p.reshape(2, _NS, _NCHP, _CH)
    el4 = edge_index_l.reshape(2, _NS, _NCHP, _CH)

    z_v, H_t = _dec_call(bfs_init, x_l, Wd1, bd1, Wd2, bd2)

    dp, dl = _deg_call(ep4, el4)
    degp = (dp[0] + dp[1] + 1.0)[:, None]
    degl = (dl[0] + dl[1] + 1.0)[:, None]

    yp3, yl, invp, invl = _prep_call(degp, degl, x_p, x_l)

    aggp, gmat, aggl = _mid_call(yp3, ep4, invp.reshape(_NPAD), yl, el4)
    gcol = (gmat[0] + gmat[1])[:, None]

    y23, z_pocket = _mid_tc_call(aggp, yp3, invp, gcol, aggl, yl, invl,
                                 Wp1, bp1, Wp2, bp2, Wl1, bl1)

    (aggl2,) = _l2_call(y23, el4)

    lp, H_init = _lig_call(aggl2, y23, invl, x_l, Wl2, bl2, Wf, bf)

    return (lp[0, 0], z_pocket, z_v, H_init, H_t)

# --- scband reference (transcript-rebuilt; emitter-appended) ---
"""Pipeline reference for scband-teacher-forcer-17806934409667 (READ-ONLY COPY).

The authoritative reference and input builder live on the scoring server;
editing this copy changes nothing except your own understanding.
"""

import jax, jax.numpy as jnp
import numpy as np

N_P = 10000; E_P = 320000; D_P = 128
N_L = 10000; E_L = 320000; D_L = 15
HID = 128; N_ATOM = 11


def gcn_layer(x, src, dst, W, b, n):
    si = jnp.arange(n, dtype=src.dtype)
    s = jnp.concatenate([src, si])
    d = jnp.concatenate([dst, si])
    deg = jnp.zeros((n,), x.dtype).at[d].add(1.0)
    inv = jax.lax.rsqrt(jnp.maximum(deg, 1.0))
    norm = (inv[s] * inv[d])[:, None]
    msg = x[s] * norm
    agg = jax.ops.segment_sum(msg, d, num_segments=n)
    return agg @ W + b


def gcn_encoder(x, edge_index, W1, b1, W2, b2):
    n = x.shape[0]
    src = edge_index[0]
    dst = edge_index[1]
    h = jax.nn.relu(gcn_layer(x, src, dst, W1, b1, n))
    return gcn_layer(h, src, dst, W2, b2, n)


def _forward(x_p, edge_index_p, x_l, edge_index_l, bfs_init, Wp1, bp1, Wp2, bp2, Wl1, bl1, Wl2, bl2, Wd1, bd1, Wd2, bd2, Wf, bf):
    z_pocket_atoms = gcn_encoder(x_p, edge_index_p, Wp1, bp1, Wp2, bp2)
    z_pocket = jnp.mean(z_pocket_atoms, axis=0)
    z_ligand_atoms = gcn_encoder(x_l, edge_index_l, Wl1, bl1, Wl2, bl2)
    n_l = x_l.shape[0]
    label_mask = jnp.concatenate([jnp.zeros((n_l, N_ATOM - 1), jnp.float32), jnp.full((n_l, 1), -1e9, jnp.float32)], axis=1)
    lab_probs = jax.nn.softmax(z_ligand_atoms @ Wf + bf + label_mask, axis=1)
    lab_v = x_l[:, 4:]
    log_prob = jnp.sum(jnp.log(jnp.sum(lab_probs * lab_v, axis=1)))
    H_init = jnp.mean(jnp.concatenate([z_ligand_atoms, lab_v], axis=1), axis=0)
    l_stop = jnp.zeros((N_ATOM,), jnp.float32).at[N_ATOM - 1].set(1.0)
    lab_v2 = jnp.concatenate([lab_v, l_stop[None, :]], axis=0)
    z_v = gcn_encoder(lab_v2, bfs_init, Wd1, bd1, Wd2, bd2)
    H_t = jnp.mean(jnp.concatenate([z_v, lab_v2], axis=1), axis=0)
    return (log_prob, z_pocket, z_v, H_init, H_t)


def setup_inputs(seed: int = 0) -> dict:
    key = jax.random.key(seed)
    ks = [jax.random.fold_in(key, i) for i in range(32)]
    def w(k, shape):
        return jax.random.normal(k, shape, jnp.float32) * 0.05
    inp = {}
    inp['x_p'] = jax.random.normal(ks[0], (N_P, D_P), jnp.float32)
    inp['edge_index_p'] = jax.random.randint(ks[1], (2, E_P), 0, N_P)
    inp['x_l'] = jax.random.uniform(ks[2], (N_L, D_L), jnp.float32)
    inp['edge_index_l'] = jax.random.randint(ks[3], (2, E_L), 0, N_L)
    inp['bfs_init'] = jax.random.randint(ks[4], (2, 1), 0, N_L)
    inp['Wp1'] = w(ks[5], (D_P, HID)); inp['bp1'] = jnp.zeros((HID,), jnp.float32)
    inp['Wp2'] = w(ks[6], (HID, HID)); inp['bp2'] = jnp.zeros((HID,), jnp.float32)
    inp['Wl1'] = w(ks[7], (D_L, HID)); inp['bl1'] = jnp.zeros((HID,), jnp.float32)
    inp['Wl2'] = w(ks[8], (HID, HID)); inp['bl2'] = jnp.zeros((HID,), jnp.float32)
    inp['Wd1'] = w(ks[9], (N_ATOM, HID)); inp['bd1'] = jnp.zeros((HID,), jnp.float32)
    inp['Wd2'] = w(ks[10], (HID, HID)); inp['bd2'] = jnp.zeros((HID,), jnp.float32)
    inp['Wf'] = w(ks[11], (HID, N_ATOM)); inp['bf'] = jnp.zeros((N_ATOM,), jnp.float32)
    return inp


def reference(x_p, edge_index_p, x_l, edge_index_l, bfs_init, Wp1, bp1, Wp2, bp2, Wl1, bl1, Wl2, bl2, Wd1, bd1, Wd2, bd2, Wf, bf):
    return _forward(x_p, edge_index_p, x_l, edge_index_l, bfs_init, Wp1, bp1, Wp2, bp2, Wl1, bl1, Wl2, bl2, Wd1, bd1, Wd2, bd2, Wf, bf)

if __name__ == "__main__":
    import jax
    _d = setup_inputs()
    print(jax.jit(kernel)(*tuple(_d.values())))

</pallas_src>

<mosaic_0001>
#map = affine_map<(d0, d1) -> (0, 0, 0)>
#map1 = affine_map<(d0, d1) -> (0, 0, 0, 0)>
module attributes {stable_mosaic.version = 14 : i64} {
  func.func @_l2_body(%arg0: i32, %arg1: i32, %arg2: memref<2x10240x64xf32, #tpu.memory_space<hbm>>, %arg3: memref<2x16x200x100xi32, #tpu.memory_space<hbm>>, %arg4: memref<2x10240x64xf32, #tpu.memory_space<hbm>>, %arg5: memref<200x100xi32, #tpu.memory_space<vmem>>, %arg6: memref<200x100xi32, #tpu.memory_space<vmem>>, %arg7: memref<100x64xf32, #tpu.memory_space<vmem>>, %arg8: memref<100x64xf32, #tpu.memory_space<vmem>>, %arg9: memref<100x64xf32, #tpu.memory_space<vmem>>, %arg10: memref<100x64xf32, #tpu.memory_space<vmem>>, %arg11: memref<10240x64xf32, #tpu.memory_space<vmem_shared>>, %arg12: memref<!tpu.dma_semaphore, #tpu.memory_space<semaphore_mem>>, %arg13: memref<!tpu.dma_semaphore, #tpu.memory_space<semaphore_mem>>, %arg14: memref<!tpu.dma_semaphore, #tpu.memory_space<semaphore_mem>>, %arg15: memref<!tpu.dma_semaphore, #tpu.memory_space<semaphore_mem>>) attributes {dimension_semantics = [#tpu.dimension_semantics<core_parallel>, #tpu.dimension_semantics<subcore_parallel>], iteration_bounds = array<i64: 2, 16>, scalar_prefetch = 0 : i64, scratch_operands = 11 : i64, tpu.core_type = #tpu.core_type<sc_vector_subcore>, window_params = [{transform_indices = #map}, {transform_indices = #map1}, {transform_indices = #map}]} {
    %broadcast_in_dim3A = arith.constant 0.000000e+00 : f32
    %broadcast_in_dim3A_0 = vector.broadcast %broadcast_in_dim3A : f32 to vector<16xf32>
    %scan3A = arith.constant 0 : i32
    %scan3A_1 = arith.constant 0 : i32
    %scan3A_2 = arith.constant 100 : i32
    %scan3A_3 = arith.addi %scan3A_1, %scan3A_2 : i32
    %scan3A_4 = arith.constant 1 : i32
    %scan3A_5 = scf.for %scan3A_91 = %scan3A_1 to %scan3A_3 step %scan3A_4 iter_args(%scan3A_92 = %scan3A) -> (i32)  : i32 {
      %swap3A = arith.index_cast %scan3A_91 : i32 to index
      %swap3A_93 = arith.constant 0 : index
      %swap3A_94 = tpu.vector_load %arg7[%swap3A, %swap3A_93] {strides = array<i32>} : memref<100x64xf32, #tpu.memory_space<vmem>>, vector<1x16xf32>,
      %swap3A_95 = vector.shape_cast %swap3A_94 : vector<1x16xf32> to vector<16xf32>
      %swap3A_96 = vector.shape_cast %broadcast_in_dim3A_0 : vector<16xf32> to vector<1x16xf32>
      tpu.vector_store %arg7[%swap3A, %swap3A_93], %swap3A_96 {strides = array<i32>} : memref<100x64xf32, #tpu.memory_space<vmem>>, vector<1x16xf32>,
      %swap3A_97 = arith.index_cast %scan3A_91 : i32 to index
      %swap3A_98 = arith.constant 16 : index
      %swap3A_99 = tpu.vector_load %arg7[%swap3A_97, %swap3A_98] {strides = array<i32>} : memref<100x64xf32, #tpu.memory_space<vmem>>, vector<1x16xf32>,
      %swap3A_100 = vector.shape_cast %swap3A_99 : vector<1x16xf32> to vector<16xf32>
      %swap3A_101 = vector.shape_cast %broadcast_in_dim3A_0 : vector<16xf32> to vector<1x16xf32>
      tpu.vector_store %arg7[%swap3A_97, %swap3A_98], %swap3A_101 {strides = array<i32>} : memref<100x64xf32, #tpu.memory_space<vmem>>, vector<1x16xf32>,
      %swap3A_102 = arith.index_cast %scan3A_91 : i32 to index
      %swap3A_103 = arith.constant 32 : index
      %swap3A_104 = tpu.vector_load %arg7[%swap3A_102, %swap3A_103] {strides = array<i32>} : memref<100x64xf32, #tpu.memory_space<vmem>>, vector<1x16xf32>,
      %swap3A_105 = vector.shape_cast %swap3A_104 : vector<1x16xf32> to vector<16xf32>
      %swap3A_106 = vector.shape_cast %broadcast_in_dim3A_0 : vector<16xf32> to vector<1x16xf32>
      tpu.vector_store %arg7[%swap3A_102, %swap3A_103], %swap3A_106 {strides = array<i32>} : memref<100x64xf32, #tpu.memory_space<vmem>>, vector<1x16xf32>,
      %swap3A_107 = arith.index_cast %scan3A_91 : i32 to index
      %swap3A_108 = arith.constant 48 : index
      %swap3A_109 = tpu.vector_load %arg7[%swap3A_107, %swap3A_108] {strides = array<i32>} : memref<100x64xf32, #tpu.memory_space<vmem>>, vector<1x16xf32>,
      %swap3A_110 = vector.shape_cast %swap3A_109 : vector<1x16xf32> to vector<16xf32>
      %swap3A_111 = vector.shape_cast %broadcast_in_dim3A_0 : vector<16xf32> to vector<1x16xf32>
      tpu.vector_store %arg7[%swap3A_107, %swap3A_108], %swap3A_111 {strides = array<i32>} : memref<100x64xf32, #tpu.memory_space<vmem>>, vector<1x16xf32>,
      %scan3A_112 = arith.constant 0 : i32
      scf.yield %scan3A_112 : i32
    }
    %scan3A_6 = arith.constant 100 : i32
    %mul3A = arith.constant 640 : i32
    %mul3A_7 = arith.muli %arg1, %mul3A : i32
    %add3A = arith.constant 0 : i32
    %add3A_8 = arith.addi %mul3A_7, %add3A : i32
    "tpu.region"() ({
      %run_scoped3A_91 = tpu.sem_alloc : memref<!tpu.dma_semaphore, #tpu.memory_space<semaphore_mem>>
      %dma_start3A_92 = arith.constant 0 : i32
      %dma_start3A_93 = arith.constant 0 : i32
      %dma_start3A_94 = tpu.memref_slice %arg7[%dma_start3A_92, %dma_start3A_93] : memref<100x64xf32, #tpu.memory_space<vmem>> -> memref<80x64xf32, #tpu.memory_space<vmem>>
      %dma_start3A_95 = arith.constant 0 : i32
      %dma_start3A_96 = tpu.memref_slice %arg11[%add3A_8, %dma_start3A_95] : memref<10240x64xf32, #tpu.memory_space<vmem_shared>> -> memref<80x64xf32, #tpu.memory_space<vmem_shared>>
      %dma_start3A_97 = arith.constant 0 : i32
      %dma_start3A_98 = tpu.memref_slice %arg11[%add3A_8, %dma_start3A_97] : memref<10240x64xf32, #tpu.memory_space<vmem_shared>> -> memref<80x64xf32, #tpu.memory_space<vmem_shared>>
      %dma_start3A_99 = arith.constant 0 : i32
      %dma_start3A_100 = arith.constant 0 : i32
      %dma_start3A_101 = tpu.memref_slice %arg7[%dma_start3A_99, %dma_start3A_100] : memref<100x64xf32, #tpu.memory_space<vmem>> -> memref<80x64xf32, #tpu.memory_space<vmem>>
      tpu.enqueue_dma source(%dma_start3A_101 : memref<80x64xf32, #tpu.memory_space<vmem>>) target(%dma_start3A_98 : memref<80x64xf32, #tpu.memory_space<vmem_shared>>) target_semaphore(%run_scoped3A_91 : memref<!tpu.dma_semaphore, #tpu.memory_space<semaphore_mem>>)
      %dma_wait3A = arith.constant 0 : i32
      %dma_wait3A_102 = arith.constant 0 : i32
      %dma_wait3A_103 = tpu.memref_slice %arg7[%dma_wait3A, %dma_wait3A_102] : memref<100x64xf32, #tpu.memory_space<vmem>> -> memref<80x64xf32, #tpu.memory_space<vmem>>
      %dma_wait3A_104 = arith.constant 0 : i32
      %dma_wait3A_105 = tpu.memref_slice %arg11[%add3A_8, %dma_wait3A_104] : memref<10240x64xf32, #tpu.memory_space<vmem_shared>> -> memref<80x64xf32, #tpu.memory_space<vmem_shared>>
      %dma_wait3A_106 = arith.constant 0 : i32
      %dma_wait3A_107 = tpu.memref_slice %arg11[%add3A_8, %dma_wait3A_106] : memref<10240x64xf32, #tpu.memory_space<vmem_shared>> -> memref<80x64xf32, #tpu.memory_space<vmem_shared>>
      %dma_wait3A_108 = arith.constant 0 : i32
      %dma_wait3A_109 = arith.constant 0 : i32
      %dma_wait3A_110 = tpu.memref_slice %arg7[%dma_wait3A_108, %dma_wait3A_109] : memref<100x64xf32, #tpu.memory_space<vmem>> -> memref<80x64xf32, #tpu.memory_space<vmem>>
      tpu.wait_dma2 semaphore(%run_scoped3A_91 : memref<!tpu.dma_semaphore, #tpu.memory_space<semaphore_mem>>) src(%dma_wait3A_110 : memref<80x64xf32, #tpu.memory_space<vmem>>) dst(%dma_wait3A_107 : memref<80x64xf32, #tpu.memory_space<vmem_shared>>)
      tpu.yield
    }) : () -> ()
    %mul3A_9 = arith.constant 640 : i32
    %mul3A_10 = arith.muli %arg1, %mul3A_9 : i32
    %add3A_11 = arith.constant 80 : i32
    %add3A_12 = arith.addi %mul3A_10, %add3A_11 : i32
    "tpu.region"() ({
      %run_scoped3A_91 = tpu.sem_alloc : memref<!tpu.dma_semaphore, #tpu.memory_space<semaphore_mem>>
      %dma_start3A_92 = arith.constant 0 : i32
      %dma_start3A_93 = arith.constant 0 : i32
      %dma_start3A_94 = tpu.memref_slice %arg7[%dma_start3A_92, %dma_start3A_93] : memref<100x64xf32, #tpu.memory_space<vmem>> -> memref<80x64xf32, #tpu.memory_space<vmem>>
      %dma_start3A_95 = arith.constant 0 : i32
      %dma_start3A_96 = tpu.memref_slice %arg11[%add3A_12, %dma_start3A_95] : memref<10240x64xf32, #tpu.memory_space<vmem_shared>> -> memref<80x64xf32, #tpu.memory_space<vmem_shared>>
      %dma_start3A_97 = arith.constant 0 : i32
      %dma_start3A_98 = tpu.memref_slice %arg11[%add3A_12, %dma_start3A_97] : memref<10240x64xf32, #tpu.memory_space<vmem_shared>> -> memref<80x64xf32, #tpu.memory_space<vmem_shared>>
      %dma_start3A_99 = arith.constant 0 : i32
      %dma_start3A_100 = arith.constant 0 : i32
      %dma_start3A_101 = tpu.memref_slice %arg7[%dma_start3A_99, %dma_start3A_100] : memref<100x64xf32, #tpu.memory_space<vmem>> -> memref<80x64xf32, #tpu.memory_space<vmem>>
      tpu.enqueue_dma source(%dma_start3A_101 : memref<80x64xf32, #tpu.memory_space<vmem>>) target(%dma_start3A_98 : memref<80x64xf32, #tpu.memory_space<vmem_shared>>) target_semaphore(%run_scoped3A_91 : memref<!tpu.dma_semaphore, #tpu.memory_space<semaphore_mem>>)
      %dma_wait3A = arith.constant 0 : i32
      %dma_wait3A_102 = arith.constant 0 : i32
      %dma_wait3A_103 = tpu.memref_slice %arg7[%dma_wait3A, %dma_wait3A_102] : memref<100x64xf32, #tpu.memory_space<vmem>> -> memref<80x64xf32, #tpu.memory_space<vmem>>
      %dma_wait3A_104 = arith.constant 0 : i32
      %dma_wait3A_105 = tpu.memref_slice %arg11[%add3A_12, %dma_wait3A_104] : memref<10240x64xf32, #tpu.memory_space<vmem_shared>> -> memref<80x64xf32, #tpu.memory_space<vmem_shared>>
      %dma_wait3A_106 = arith.constant 0 : i32
      %dma_wait3A_107 = tpu.memref_slice %arg11[%add3A_12, %dma_wait3A_106] : memref<10240x64xf32, #tpu.memory_space<vmem_shared>> -> memref<80x64xf32, #tpu.memory_space<vmem_shared>>
      %dma_wait3A_108 = arith.constant 0 : i32
      %dma_wait3A_109 = arith.constant 0 : i32
      %dma_wait3A_110 = tpu.memref_slice %arg7[%dma_wait3A_108, %dma_wait3A_109] : memref<100x64xf32, #tpu.memory_space<vmem>> -> memref<80x64xf32, #tpu.memory_space<vmem>>
      tpu.wait_dma2 semaphore(%run_scoped3A_91 : memref<!tpu.dma_semaphore, #tpu.memory_space<semaphore_mem>>) src(%dma_wait3A_110 : memref<80x64xf32, #tpu.memory_space<vmem>>) dst(%dma_wait3A_107 : memref<80x64xf32, #tpu.memory_space<vmem_shared>>)
      tpu.yield
    }) : () -> ()
    %mul3A_13 = arith.constant 640 : i32
    %mul3A_14 = arith.muli %arg1, %mul3A_13 : i32
    %add3A_15 = arith.constant 160 : i32
    %add3A_16 = arith.addi %mul3A_14, %add3A_15 : i32
    "tpu.region"() ({
      %run_scoped3A_91 = tpu.sem_alloc : memref<!tpu.dma_semaphore, #tpu.memory_space<semaphore_mem>>
      %dma_start3A_92 = arith.constant 0 : i32
      %dma_start3A_93 = arith.constant 0 : i32
      %dma_start3A_94 = tpu.memref_slice %arg7[%dma_start3A_92, %dma_start3A_93] : memref<100x64xf32, #tpu.memory_space<vmem>> -> memref<80x64xf32, #tpu.memory_space<vmem>>
      %dma_start3A_95 = arith.constant 0 : i32
      %dma_start3A_96 = tpu.memref_slice %arg11[%add3A_16, %dma_start3A_95] : memref<10240x64xf32, #tpu.memory_space<vmem_shared>> -> memref<80x64xf32, #tpu.memory_space<vmem_shared>>
      %dma_start3A_97 = arith.constant 0 : i32
      %dma_start3A_98 = tpu.memref_slice %arg11[%add3A_16, %dma_start3A_97] : memref<10240x64xf32, #tpu.memory_space<vmem_shared>> -> memref<80x64xf32, #tpu.memory_space<vmem_shared>>
      %dma_start3A_99 = arith.constant 0 : i32
      %dma_start3A_100 = arith.constant 0 : i32
      %dma_start3A_101 = tpu.memref_slice %arg7[%dma_start3A_99, %dma_start3A_100] : memref<100x64xf32, #tpu.memory_space<vmem>> -> memref<80x64xf32, #tpu.memory_space<vmem>>
      tpu.enqueue_dma source(%dma_start3A_101 : memref<80x64xf32, #tpu.memory_space<vmem>>) target(%dma_start3A_98 : memref<80x64xf32, #tpu.memory_space<vmem_shared>>) target_semaphore(%run_scoped3A_91 : memref<!tpu.dma_semaphore, #tpu.memory_space<semaphore_mem>>)
      %dma_wait3A = arith.constant 0 : i32
      %dma_wait3A_102 = arith.constant 0 : i32
      %dma_wait3A_103 = tpu.memref_slice %arg7[%dma_wait3A, %dma_wait3A_102] : memref<100x64xf32, #tpu.memory_space<vmem>> -> memref<80x64xf32, #tpu.memory_space<vmem>>
      %dma_wait3A_104 = arith.constant 0 : i32
      %dma_wait3A_105 = tpu.memref_slice %arg11[%add3A_16, %dma_wait3A_104] : memref<10240x64xf32, #tpu.memory_space<vmem_shared>> -> memref<80x64xf32, #tpu.memory_space<vmem_shared>>
      %dma_wait3A_106 = arith.constant 0 : i32
      %dma_wait3A_107 = tpu.memref_slice %arg11[%add3A_16, %dma_wait3A_106] : memref<10240x64xf32, #tpu.memory_space<vmem_shared>> -> memref<80x64xf32, #tpu.memory_space<vmem_shared>>
      %dma_wait3A_108 = arith.constant 0 : i32
      %dma_wait3A_109 = arith.constant 0 : i32
      %dma_wait3A_110 = tpu.memref_slice %arg7[%dma_wait3A_108, %dma_wait3A_109] : memref<100x64xf32, #tpu.memory_space<vmem>> -> memref<80x64xf32, #tpu.memory_space<vmem>>
      tpu.wait_dma2 semaphore(%run_scoped3A_91 : memref<!tpu.dma_semaphore, #tpu.memory_space<semaphore_mem>>) src(%dma_wait3A_110 : memref<80x64xf32, #tpu.memory_space<vmem>>) dst(%dma_wait3A_107 : memref<80x64xf32, #tpu.memory_space<vmem_shared>>)
      tpu.yield
    }) : () -> ()
    %mul3A_17 = arith.constant 640 : i32
    %mul3A_18 = arith.muli %arg1, %mul3A_17 : i32
    %add3A_19 = arith.constant 240 : i32
    %add3A_20 = arith.addi %mul3A_18, %add3A_19 : i32
    "tpu.region"() ({
      %run_scoped3A_91 = tpu.sem_alloc : memref<!tpu.dma_semaphore, #tpu.memory_space<semaphore_mem>>
      %dma_start3A_92 = arith.constant 0 : i32
      %dma_start3A_93 = arith.constant 0 : i32
      %dma_start3A_94 = tpu.memref_slice %arg7[%dma_start3A_92, %dma_start3A_93] : memref<100x64xf32, #tpu.memory_space<vmem>> -> memref<80x64xf32, #tpu.memory_space<vmem>>
      %dma_start3A_95 = arith.constant 0 : i32
      %dma_start3A_96 = tpu.memref_slice %arg11[%add3A_20, %dma_start3A_95] : memref<10240x64xf32, #tpu.memory_space<vmem_shared>> -> memref<80x64xf32, #tpu.memory_space<vmem_shared>>
      %dma_start3A_97 = arith.constant 0 : i32
      %dma_start3A_98 = tpu.memref_slice %arg11[%add3A_20, %dma_start3A_97] : memref<10240x64xf32, #tpu.memory_space<vmem_shared>> -> memref<80x64xf32, #tpu.memory_space<vmem_shared>>
      %dma_start3A_99 = arith.constant 0 : i32
      %dma_start3A_100 = arith.constant 0 : i32
      %dma_start3A_101 = tpu.memref_slice %arg7[%dma_start3A_99, %dma_start3A_100] : memref<100x64xf32, #tpu.memory_space<vmem>> -> memref<80x64xf32, #tpu.memory_space<vmem>>
      tpu.enqueue_dma source(%dma_start3A_101 : memref<80x64xf32, #tpu.memory_space<vmem>>) target(%dma_start3A_98 : memref<80x64xf32, #tpu.memory_space<vmem_shared>>) target_semaphore(%run_scoped3A_91 : memref<!tpu.dma_semaphore, #tpu.memory_space<semaphore_mem>>)
      %dma_wait3A = arith.constant 0 : i32
      %dma_wait3A_102 = arith.constant 0 : i32
      %dma_wait3A_103 = tpu.memref_slice %arg7[%dma_wait3A, %dma_wait3A_102] : memref<100x64xf32, #tpu.memory_space<vmem>> -> memref<80x64xf32, #tpu.memory_space<vmem>>
      %dma_wait3A_104 = arith.constant 0 : i32
      %dma_wait3A_105 = tpu.memref_slice %arg11[%add3A_20, %dma_wait3A_104] : memref<10240x64xf32, #tpu.memory_space<vmem_shared>> -> memref<80x64xf32, #tpu.memory_space<vmem_shared>>
      %dma_wait3A_106 = arith.constant 0 : i32
      %dma_wait3A_107 = tpu.memref_slice %arg11[%add3A_20, %dma_wait3A_106] : memref<10240x64xf32, #tpu.memory_space<vmem_shared>> -> memref<80x64xf32, #tpu.memory_space<vmem_shared>>
      %dma_wait3A_108 = arith.constant 0 : i32
      %dma_wait3A_109 = arith.constant 0 : i32
      %dma_wait3A_110 = tpu.memref_slice %arg7[%dma_wait3A_108, %dma_wait3A_109] : memref<100x64xf32, #tpu.memory_space<vmem>> -> memref<80x64xf32, #tpu.memory_space<vmem>>
      tpu.wait_dma2 semaphore(%run_scoped3A_91 : memref<!tpu.dma_semaphore, #tpu.memory_space<semaphore_mem>>) src(%dma_wait3A_110 : memref<80x64xf32, #tpu.memory_space<vmem>>) dst(%dma_wait3A_107 : memref<80x64xf32, #tpu.memory_space<vmem_shared>>)
      tpu.yield
    }) : () -> ()
    %mul3A_21 = arith.constant 640 : i32
    %mul3A_22 = arith.muli %arg1, %mul3A_21 : i32
    %add3A_23 = arith.constant 320 : i32
    %add3A_24 = arith.addi %mul3A_22, %add3A_23 : i32
    "tpu.region"() ({
      %run_scoped3A_91 = tpu.sem_alloc : memref<!tpu.dma_semaphore, #tpu.memory_space<semaphore_mem>>
      %dma_start3A_92 = arith.constant 0 : i32
      %dma_start3A_93 = arith.constant 0 : i32
      %dma_start3A_94 = tpu.memref_slice %arg7[%dma_start3A_92, %dma_start3A_93] : memref<100x64xf32, #tpu.memory_space<vmem>> -> memref<80x64xf32, #tpu.memory_space<vmem>>
      %dma_start3A_95 = arith.constant 0 : i32
      %dma_start3A_96 = tpu.memref_slice %arg11[%add3A_24, %dma_start3A_95] : memref<10240x64xf32, #tpu.memory_space<vmem_shared>> -> memref<80x64xf32, #tpu.memory_space<vmem_shared>>
      %dma_start3A_97 = arith.constant 0 : i32
      %dma_start3A_98 = tpu.memref_slice %arg11[%add3A_24, %dma_start3A_97] : memref<10240x64xf32, #tpu.memory_space<vmem_shared>> -> memref<80x64xf32, #tpu.memory_space<vmem_shared>>
      %dma_start3A_99 = arith.constant 0 : i32
      %dma_start3A_100 = arith.constant 0 : i32
      %dma_start3A_101 = tpu.memref_slice %arg7[%dma_start3A_99, %dma_start3A_100] : memref<100x64xf32, #tpu.memory_space<vmem>> -> memref<80x64xf32, #tpu.memory_space<vmem>>
      tpu.enqueue_dma source(%dma_start3A_101 : memref<80x64xf32, #tpu.memory_space<vmem>>) target(%dma_start3A_98 : memref<80x64xf32, #tpu.memory_space<vmem_shared>>) target_semaphore(%run_scoped3A_91 : memref<!tpu.dma_semaphore, #tpu.memory_space<semaphore_mem>>)
      %dma_wait3A = arith.constant 0 : i32
      %dma_wait3A_102 = arith.constant 0 : i32
      %dma_wait3A_103 = tpu.memref_slice %arg7[%dma_wait3A, %dma_wait3A_102] : memref<100x64xf32, #tpu.memory_space<vmem>> -> memref<80x64xf32, #tpu.memory_space<vmem>>
      %dma_wait3A_104 = arith.constant 0 : i32
      %dma_wait3A_105 = tpu.memref_slice %arg11[%add3A_24, %dma_wait3A_104] : memref<10240x64xf32, #tpu.memory_space<vmem_shared>> -> memref<80x64xf32, #tpu.memory_space<vmem_shared>>
      %dma_wait3A_106 = arith.constant 0 : i32
      %dma_wait3A_107 = tpu.memref_slice %arg11[%add3A_24, %dma_wait3A_106] : memref<10240x64xf32, #tpu.memory_space<vmem_shared>> -> memref<80x64xf32, #tpu.memory_space<vmem_shared>>
      %dma_wait3A_108 = arith.constant 0 : i32
      %dma_wait3A_109 = arith.constant 0 : i32
      %dma_wait3A_110 = tpu.memref_slice %arg7[%dma_wait3A_108, %dma_wait3A_109] : memref<100x64xf32, #tpu.memory_space<vmem>> -> memref<80x64xf32, #tpu.memory_space<vmem>>
      tpu.wait_dma2 semaphore(%run_scoped3A_91 : memref<!tpu.dma_semaphore, #tpu.memory_space<semaphore_mem>>) src(%dma_wait3A_110 : memref<80x64xf32, #tpu.memory_space<vmem>>) dst(%dma_wait3A_107 : memref<80x64xf32, #tpu.memory_space<vmem_shared>>)
      tpu.yield
    }) : () -> ()
    %mul3A_25 = arith.constant 640 : i32
    %mul3A_26 = arith.muli %arg1, %mul3A_25 : i32
    %add3A_27 = arith.constant 400 : i32
    %add3A_28 = arith.addi %mul3A_26, %add3A_27 : i32
    "tpu.region"() ({
      %run_scoped3A_91 = tpu.sem_alloc : memref<!tpu.dma_semaphore, #tpu.memory_space<semaphore_mem>>
      %dma_start3A_92 = arith.constant 0 : i32
      %dma_start3A_93 = arith.constant 0 : i32
      %dma_start3A_94 = tpu.memref_slice %arg7[%dma_start3A_92, %dma_start3A_93] : memref<100x64xf32, #tpu.memory_space<vmem>> -> memref<80x64xf32, #tpu.memory_space<vmem>>
      %dma_start3A_95 = arith.constant 0 : i32
      %dma_start3A_96 = tpu.memref_slice %arg11[%add3A_28, %dma_start3A_95] : memref<10240x64xf32, #tpu.memory_space<vmem_shared>> -> memref<80x64xf32, #tpu.memory_space<vmem_shared>>
      %dma_start3A_97 = arith.constant 0 : i32
      %dma_start3A_98 = tpu.memref_slice %arg11[%add3A_28, %dma_start3A_97] : memref<10240x64xf32, #tpu.memory_space<vmem_shared>> -> memref<80x64xf32, #tpu.memory_space<vmem_shared>>
      %dma_start3A_99 = arith.constant 0 : i32
      %dma_start3A_100 = arith.constant 0 : i32
      %dma_start3A_101 = tpu.memref_slice %arg7[%dma_start3A_99, %dma_start3A_100] : memref<100x64xf32, #tpu.memory_space<vmem>> -> memref<80x64xf32, #tpu.memory_space<vmem>>
      tpu.enqueue_dma source(%dma_start3A_101 : memref<80x64xf32, #tpu.memory_space<vmem>>) target(%dma_start3A_98 : memref<80x64xf32, #tpu.memory_space<vmem_shared>>) target_semaphore(%run_scoped3A_91 : memref<!tpu.dma_semaphore, #tpu.memory_space<semaphore_mem>>)
      %dma_wait3A = arith.constant 0 : i32
      %dma_wait3A_102 = arith.constant 0 : i32
      %dma_wait3A_103 = tpu.memref_slice %arg7[%dma_wait3A, %dma_wait3A_102] : memref<100x64xf32, #tpu.memory_space<vmem>> -> memref<80x64xf32, #tpu.memory_space<vmem>>
      %dma_wait3A_104 = arith.constant 0 : i32
      %dma_wait3A_105 = tpu.memref_slice %arg11[%add3A_28, %dma_wait3A_104] : memref<10240x64xf32, #tpu.memory_space<vmem_shared>> -> memref<80x64xf32, #tpu.memory_space<vmem_shared>>
      %dma_wait3A_106 = arith.constant 0 : i32
      %dma_wait3A_107 = tpu.memref_slice %arg11[%add3A_28, %dma_wait3A_106] : memref<10240x64xf32, #tpu.memory_space<vmem_shared>> -> memref<80x64xf32, #tpu.memory_space<vmem_shared>>
      %dma_wait3A_108 = arith.constant 0 : i32
      %dma_wait3A_109 = arith.constant 0 : i32
      %dma_wait3A_110 = tpu.memref_slice %arg7[%dma_wait3A_108, %dma_wait3A_109] : memref<100x64xf32, #tpu.memory_space<vmem>> -> memref<80x64xf32, #tpu.memory_space<vmem>>
      tpu.wait_dma2 semaphore(%run_scoped3A_91 : memref<!tpu.dma_semaphore, #tpu.memory_space<semaphore_mem>>) src(%dma_wait3A_110 : memref<80x64xf32, #tpu.memory_space<vmem>>) dst(%dma_wait3A_107 : memref<80x64xf32, #tpu.memory_space<vmem_shared>>)
      tpu.yield
    }) : () -> ()
    %mul3A_29 = arith.constant 640 : i32
    %mul3A_30 = arith.muli %arg1, %mul3A_29 : i32
    %add3A_31 = arith.constant 480 : i32
    %add3A_32 = arith.addi %mul3A_30, %add3A_31 : i32
    "tpu.region"() ({
      %run_scoped3A_91 = tpu.sem_alloc : memref<!tpu.dma_semaphore, #tpu.memory_space<semaphore_mem>>
      %dma_start3A_92 = arith.constant 0 : i32
      %dma_start3A_93 = arith.constant 0 : i32
      %dma_start3A_94 = tpu.memref_slice %arg7[%dma_start3A_92, %dma_start3A_93] : memref<100x64xf32, #tpu.memory_space<vmem>> -> memref<80x64xf32, #tpu.memory_space<vmem>>
      %dma_start3A_95 = arith.constant 0 : i32
      %dma_start3A_96 = tpu.memref_slice %arg11[%add3A_32, %dma_start3A_95] : memref<10240x64xf32, #tpu.memory_space<vmem_shared>> -> memref<80x64xf32, #tpu.memory_space<vmem_shared>>
      %dma_start3A_97 = arith.constant 0 : i32
      %dma_start3A_98 = tpu.memref_slice %arg11[%add3A_32, %dma_start3A_97] : memref<10240x64xf32, #tpu.memory_space<vmem_shared>> -> memref<80x64xf32, #tpu.memory_space<vmem_shared>>
      %dma_start3A_99 = arith.constant 0 : i32
      %dma_start3A_100 = arith.constant 0 : i32
      %dma_start3A_101 = tpu.memref_slice %arg7[%dma_start3A_99, %dma_start3A_100] : memref<100x64xf32, #tpu.memory_space<vmem>> -> memref<80x64xf32, #tpu.memory_space<vmem>>
      tpu.enqueue_dma source(%dma_start3A_101 : memref<80x64xf32, #tpu.memory_space<vmem>>) target(%dma_start3A_98 : memref<80x64xf32, #tpu.memory_space<vmem_shared>>) target_semaphore(%run_scoped3A_91 : memref<!tpu.dma_semaphore, #tpu.memory_space<semaphore_mem>>)
      %dma_wait3A = arith.constant 0 : i32
      %dma_wait3A_102 = arith.constant 0 : i32
      %dma_wait3A_103 = tpu.memref_slice %arg7[%dma_wait3A, %dma_wait3A_102] : memref<100x64xf32, #tpu.memory_space<vmem>> -> memref<80x64xf32, #tpu.memory_space<vmem>>
      %dma_wait3A_104 = arith.constant 0 : i32
      %dma_wait3A_105 = tpu.memref_slice %arg11[%add3A_32, %dma_wait3A_104] : memref<10240x64xf32, #tpu.memory_space<vmem_shared>> -> memref<80x64xf32, #tpu.memory_space<vmem_shared>>
      %dma_wait3A_106 = arith.constant 0 : i32
      %dma_wait3A_107 = tpu.memref_slice %arg11[%add3A_32, %dma_wait3A_106] : memref<10240x64xf32, #tpu.memory_space<vmem_shared>> -> memref<80x64xf32, #tpu.memory_space<vmem_shared>>
      %dma_wait3A_108 = arith.constant 0 : i32
      %dma_wait3A_109 = arith.constant 0 : i32
      %dma_wait3A_110 = tpu.memref_slice %arg7[%dma_wait3A_108, %dma_wait3A_109] : memref<100x64xf32, #tpu.memory_space<vmem>> -> memref<80x64xf32, #tpu.memory_space<vmem>>
      tpu.wait_dma2 semaphore(%run_scoped3A_91 : memref<!tpu.dma_semaphore, #tpu.memory_space<semaphore_mem>>) src(%dma_wait3A_110 : memref<80x64xf32, #tpu.memory_space<vmem>>) dst(%dma_wait3A_107 : memref<80x64xf32, #tpu.memory_space<vmem_shared>>)
      tpu.yield
    }) : () -> ()
    %mul3A_33 = arith.constant 640 : i32
    %mul3A_34 = arith.muli %arg1, %mul3A_33 : i32
    %add3A_35 = arith.constant 560 : i32
    %add3A_36 = arith.addi %mul3A_34, %add3A_35 : i32
    "tpu.region"() ({
      %run_scoped3A_91 = tpu.sem_alloc : memref<!tpu.dma_semaphore, #tpu.memory_space<semaphore_mem>>
      %dma_start3A_92 = arith.constant 0 : i32
      %dma_start3A_93 = arith.constant 0 : i32
      %dma_start3A_94 = tpu.memref_slice %arg7[%dma_start3A_92, %dma_start3A_93] : memref<100x64xf32, #tpu.memory_space<vmem>> -> memref<80x64xf32, #tpu.memory_space<vmem>>
      %dma_start3A_95 = arith.constant 0 : i32
      %dma_start3A_96 = tpu.memref_slice %arg11[%add3A_36, %dma_start3A_95] : memref<10240x64xf32, #tpu.memory_space<vmem_shared>> -> memref<80x64xf32, #tpu.memory_space<vmem_shared>>
      %dma_start3A_97 = arith.constant 0 : i32
      %dma_start3A_98 = tpu.memref_slice %arg11[%add3A_36, %dma_start3A_97] : memref<10240x64xf32, #tpu.memory_space<vmem_shared>> -> memref<80x64xf32, #tpu.memory_space<vmem_shared>>
      %dma_start3A_99 = arith.constant 0 : i32
      %dma_start3A_100 = arith.constant 0 : i32
      %dma_start3A_101 = tpu.memref_slice %arg7[%dma_start3A_99, %dma_start3A_100] : memref<100x64xf32, #tpu.memory_space<vmem>> -> memref<80x64xf32, #tpu.memory_space<vmem>>
      tpu.enqueue_dma source(%dma_start3A_101 : memref<80x64xf32, #tpu.memory_space<vmem>>) target(%dma_start3A_98 : memref<80x64xf32, #tpu.memory_space<vmem_shared>>) target_semaphore(%run_scoped3A_91 : memref<!tpu.dma_semaphore, #tpu.memory_space<semaphore_mem>>)
      %dma_wait3A = arith.constant 0 : i32
      %dma_wait3A_102 = arith.constant 0 : i32
      %dma_wait3A_103 = tpu.memref_slice %arg7[%dma_wait3A, %dma_wait3A_102] : memref<100x64xf32, #tpu.memory_space<vmem>> -> memref<80x64xf32, #tpu.memory_space<vmem>>
      %dma_wait3A_104 = arith.constant 0 : i32
      %dma_wait3A_105 = tpu.memref_slice %arg11[%add3A_36, %dma_wait3A_104] : memref<10240x64xf32, #tpu.memory_space<vmem_shared>> -> memref<80x64xf32, #tpu.memory_space<vmem_shared>>
      %dma_wait3A_106 = arith.constant 0 : i32
      %dma_wait3A_107 = tpu.memref_slice %arg11[%add3A_36, %dma_wait3A_106] : memref<10240x64xf32, #tpu.memory_space<vmem_shared>> -> memref<80x64xf32, #tpu.memory_space<vmem_shared>>
      %dma_wait3A_108 = arith.constant 0 : i32
      %dma_wait3A_109 = arith.constant 0 : i32
      %dma_wait3A_110 = tpu.memref_slice %arg7[%dma_wait3A_108, %dma_wait3A_109] : memref<100x64xf32, #tpu.memory_space<vmem>> -> memref<80x64xf32, #tpu.memory_space<vmem>>
      tpu.wait_dma2 semaphore(%run_scoped3A_91 : memref<!tpu.dma_semaphore, #tpu.memory_space<semaphore_mem>>) src(%dma_wait3A_110 : memref<80x64xf32, #tpu.memory_space<vmem>>) dst(%dma_wait3A_107 : memref<80x64xf32, #tpu.memory_space<vmem_shared>>)
      tpu.yield
    }) : () -> ()
    %barrier3A = arith.constant 0 : index
    tpu.barrier barrier_id(%barrier3A)
    %run_scoped3A = arith.constant 0 : i32
    "tpu.region"() ({
      %run_scoped3A_91 = tpu.sem_alloc : memref<!tpu.dma_semaphore, #tpu.memory_space<semaphore_mem>>
      %dma_start3A_92 = arith.constant 0 : i32
      %dma_start3A_93 = arith.constant 0 : i32
      %dma_start3A_94 = tpu.memref_slice %arg3[%run_scoped3A, %arg1, %dma_start3A_92, %dma_start3A_93] : memref<2x16x200x100xi32, #tpu.memory_space<hbm>> -> memref<1x1x200x100xi32, #tpu.memory_space<hbm>>
      %dma_start3A_95 = tpu.memref_squeeze %dma_start3A_94 : memref<1x1x200x100xi32, #tpu.memory_space<hbm>> -> memref<200x100xi32, #tpu.memory_space<hbm>>
      %dma_start3A_96 = arith.constant 0 : i32
      %dma_start3A_97 = arith.constant 0 : i32
      %dma_start3A_98 = tpu.memref_slice %arg3[%run_scoped3A, %arg1, %dma_start3A_96, %dma_start3A_97] : memref<2x16x200x100xi32, #tpu.memory_space<hbm>> -> memref<1x1x200x100xi32, #tpu.memory_space<hbm>>
      %dma_start3A_99 = tpu.memref_squeeze %dma_start3A_98 : memref<1x1x200x100xi32, #tpu.memory_space<hbm>> -> memref<200x100xi32, #tpu.memory_space<hbm>>
      tpu.enqueue_dma source(%dma_start3A_99 : memref<200x100xi32, #tpu.memory_space<hbm>>) target(%arg5 : memref<200x100xi32, #tpu.memory_space<vmem>>) target_semaphore(%run_scoped3A_91 : memref<!tpu.dma_semaphore, #tpu.memory_space<semaphore_mem>>)
      %dma_wait3A = arith.constant 0 : i32
      %dma_wait3A_100 = arith.constant 0 : i32
      %dma_wait3A_101 = tpu.memref_slice %arg3[%run_scoped3A, %arg1, %dma_wait3A, %dma_wait3A_100] : memref<2x16x200x100xi32, #tpu.memory_space<hbm>> -> memref<1x1x200x100xi32, #tpu.memory_space<hbm>>
      %dma_wait3A_102 = tpu.memref_squeeze %dma_wait3A_101 : memref<1x1x200x100xi32, #tpu.memory_space<hbm>> -> memref<200x100xi32, #tpu.memory_space<hbm>>
      %dma_wait3A_103 = arith.constant 0 : i32
      %dma_wait3A_104 = arith.constant 0 : i32
      %dma_wait3A_105 = tpu.memref_slice %arg3[%run_scoped3A, %arg1, %dma_wait3A_103, %dma_wait3A_104] : memref<2x16x200x100xi32, #tpu.memory_space<hbm>> -> memref<1x1x200x100xi32, #tpu.memory_space<hbm>>
      %dma_wait3A_106 = tpu.memref_squeeze %dma_wait3A_105 : memref<1x1x200x100xi32, #tpu.memory_space<hbm>> -> memref<200x100xi32, #tpu.memory_space<hbm>>
      tpu.wait_dma2 semaphore(%run_scoped3A_91 : memref<!tpu.dma_semaphore, #tpu.memory_space<semaphore_mem>>) src(%dma_wait3A_106 : memref<200x100xi32, #tpu.memory_space<hbm>>) dst(%arg5 : memref<200x100xi32, #tpu.memory_space<vmem>>)
      tpu.yield
    }) : () -> ()
    %run_scoped3A_37 = arith.constant 1 : i32
    "tpu.region"() ({
      %run_scoped3A_91 = tpu.sem_alloc : memref<!tpu.dma_semaphore, #tpu.memory_space<semaphore_mem>>
      %dma_start3A_92 = arith.constant 0 : i32
      %dma_start3A_93 = arith.constant 0 : i32
      %dma_start3A_94 = tpu.memref_slice %arg3[%run_scoped3A_37, %arg1, %dma_start3A_92, %dma_start3A_93] : memref<2x16x200x100xi32, #tpu.memory_space<hbm>> -> memref<1x1x200x100xi32, #tpu.memory_space<hbm>>
      %dma_start3A_95 = tpu.memref_squeeze %dma_start3A_94 : memref<1x1x200x100xi32, #tpu.memory_space<hbm>> -> memref<200x100xi32, #tpu.memory_space<hbm>>
      %dma_start3A_96 = arith.constant 0 : i32
      %dma_start3A_97 = arith.constant 0 : i32
      %dma_start3A_98 = tpu.memref_slice %arg3[%run_scoped3A_37, %arg1, %dma_start3A_96, %dma_start3A_97] : memref<2x16x200x100xi32, #tpu.memory_space<hbm>> -> memref<1x1x200x100xi32, #tpu.memory_space<hbm>>
      %dma_start3A_99 = tpu.memref_squeeze %dma_start3A_98 : memref<1x1x200x100xi32, #tpu.memory_space<hbm>> -> memref<200x100xi32, #tpu.memory_space<hbm>>
      tpu.enqueue_dma source(%dma_start3A_99 : memref<200x100xi32, #tpu.memory_space<hbm>>) target(%arg6 : memref<200x100xi32, #tpu.memory_space<vmem>>) target_semaphore(%run_scoped3A_91 : memref<!tpu.dma_semaphore, #tpu.memory_space<semaphore_mem>>)
      %dma_wait3A = arith.constant 0 : i32
      %dma_wait3A_100 = arith.constant 0 : i32
      %dma_wait3A_101 = tpu.memref_slice %arg3[%run_scoped3A_37, %arg1, %dma_wait3A, %dma_wait3A_100] : memref<2x16x200x100xi32, #tpu.memory_space<hbm>> -> memref<1x1x200x100xi32, #tpu.memory_space<hbm>>
      %dma_wait3A_102 = tpu.memref_squeeze %dma_wait3A_101 : memref<1x1x200x100xi32, #tpu.memory_space<hbm>> -> memref<200x100xi32, #tpu.memory_space<hbm>>
      %dma_wait3A_103 = arith.constant 0 : i32
      %dma_wait3A_104 = arith.constant 0 : i32
      %dma_wait3A_105 = tpu.memref_slice %arg3[%run_scoped3A_37, %arg1, %dma_wait3A_103, %dma_wait3A_104] : memref<2x16x200x100xi32, #tpu.memory_space<hbm>> -> memref<1x1x200x100xi32, #tpu.memory_space<hbm>>
      %dma_wait3A_106 = tpu.memref_squeeze %dma_wait3A_105 : memref<1x1x200x100xi32, #tpu.memory_space<hbm>> -> memref<200x100xi32, #tpu.memory_space<hbm>>
      tpu.wait_dma2 semaphore(%run_scoped3A_91 : memref<!tpu.dma_semaphore, #tpu.memory_space<semaphore_mem>>) src(%dma_wait3A_106 : memref<200x100xi32, #tpu.memory_space<hbm>>) dst(%arg6 : memref<200x100xi32, #tpu.memory_space<vmem>>)
      tpu.yield
    }) : () -> ()
    %dma_start3A = arith.constant 0 : i32
    %dma_start3A_38 = arith.constant 0 : i32
    %dma_start3A_39 = tpu.memref_slice %arg5[%dma_start3A, %dma_start3A_38] : memref<200x100xi32, #tpu.memory_space<vmem>> -> memref<1x100xi32, #tpu.memory_space<vmem>>
    %dma_start3A_40 = tpu.memref_squeeze %dma_start3A_39 : memref<1x100xi32, #tpu.memory_space<vmem>> -> memref<100xi32, #tpu.memory_space<vmem>>
    %dma_start3A_41 = arith.constant 0 : i32
    %dma_start3A_42 = arith.constant 0 : i32
    %dma_start3A_43 = tpu.memref_slice %arg2[%arg0, %dma_start3A_41, %dma_start3A_42] : memref<2x10240x64xf32, #tpu.memory_space<hbm>> -> memref<1x10240x64xf32, #tpu.memory_space<hbm>>
    %dma_start3A_44 = tpu.memref_squeeze %dma_start3A_43 : memref<1x10240x64xf32, #tpu.memory_space<hbm>> -> memref<10240x64xf32, #tpu.memory_space<hbm>>
    %dma_start3A_45 = arith.constant 0 : i32
    %dma_start3A_46 = arith.constant 0 : i32
    %dma_start3A_47 = tpu.memref_slice %dma_start3A_44[%dma_start3A_45, %dma_start3A_46] : memref<10240x64xf32, #tpu.memory_space<hbm>> -> memref<10240x64xf32, #tpu.memory_space<hbm>>
    tpu.enqueue_indirect_dma source(%dma_start3A_47 : memref<10240x64xf32, #tpu.memory_space<hbm>>) target(%arg7 : memref<100x64xf32, #tpu.memory_space<vmem>>) offsets(%dma_start3A_40 : memref<100xi32, #tpu.memory_space<vmem>>) semaphore(%arg12 : memref<!tpu.dma_semaphore, #tpu.memory_space<semaphore_mem>>)
    %dma_start3A_48 = arith.constant 1 : i32
    %dma_start3A_49 = arith.constant 0 : i32
    %dma_start3A_50 = tpu.memref_slice %arg5[%dma_start3A_48, %dma_start3A_49] : memref<200x100xi32, #tpu.memory_space<vmem>> -> memref<1x100xi32, #tpu.memory_space<vmem>>
    %dma_start3A_51 = tpu.memref_squeeze %dma_start3A_50 : memref<1x100xi32, #tpu.memory_space<vmem>> -> memref<100xi32, #tpu.memory_space<vmem>>
    %dma_start3A_52 = arith.constant 0 : i32
    %dma_start3A_53 = arith.constant 0 : i32
    %dma_start3A_54 = tpu.memref_slice %arg2[%arg0, %dma_start3A_52, %dma_start3A_53] : memref<2x10240x64xf32, #tpu.memory_space<hbm>> -> memref<1x10240x64xf32, #tpu.memory_space<hbm>>
    %dma_start3A_55 = tpu.memref_squeeze %dma_start3A_54 : memref<1x10240x64xf32, #tpu.memory_space<hbm>> -> memref<10240x64xf32, #tpu.memory_space<hbm>>
    %dma_start3A_56 = arith.constant 0 : i32
    %dma_start3A_57 = arith.constant 0 : i32
    %dma_start3A_58 = tpu.memref_slice %dma_start3A_55[%dma_start3A_56, %dma_start3A_57] : memref<10240x64xf32, #tpu.memory_space<hbm>> -> memref<10240x64xf32, #tpu.memory_space<hbm>>
    tpu.enqueue_indirect_dma source(%dma_start3A_58 : memref<10240x64xf32, #tpu.memory_space<hbm>>) target(%arg8 : memref<100x64xf32, #tpu.memory_space<vmem>>) offsets(%dma_start3A_51 : memref<100xi32, #tpu.memory_space<vmem>>) semaphore(%arg13 : memref<!tpu.dma_semaphore, #tpu.memory_space<semaphore_mem>>)
    %dma_start3A_59 = arith.constant 2 : i32
    %dma_start3A_60 = arith.constant 0 : i32
    %dma_start3A_61 = tpu.memref_slice %arg5[%dma_start3A_59, %dma_start3A_60] : memref<200x100xi32, #tpu.memory_space<vmem>> -> memref<1x100xi32, #tpu.memory_space<vmem>>
    %dma_start3A_62 = tpu.memref_squeeze %dma_start3A_61 : memref<1x100xi32, #tpu.memory_space<vmem>> -> memref<100xi32, #tpu.memory_space<vmem>>
    %dma_start3A_63 = arith.constant 0 : i32
    %dma_start3A_64 = arith.constant 0 : i32
    %dma_start3A_65 = tpu.memref_slice %arg2[%arg0, %dma_start3A_63, %dma_start3A_64] : memref<2x10240x64xf32, #tpu.memory_space<hbm>> -> memref<1x10240x64xf32, #tpu.memory_space<hbm>>
    %dma_start3A_66 = tpu.memref_squeeze %dma_start3A_65 : memref<1x10240x64xf32, #tpu.memory_space<hbm>> -> memref<10240x64xf32, #tpu.memory_space<hbm>>
    %dma_start3A_67 = arith.constant 0 : i32
    %dma_start3A_68 = arith.constant 0 : i32
    %dma_start3A_69 = tpu.memref_slice %dma_start3A_66[%dma_start3A_67, %dma_start3A_68] : memref<10240x64xf32, #tpu.memory_space<hbm>> -> memref<10240x64xf32, #tpu.memory_space<hbm>>
    tpu.enqueue_indirect_dma source(%dma_start3A_69 : memref<10240x64xf32, #tpu.memory_space<hbm>>) target(%arg9 : memref<100x64xf32, #tpu.memory_space<vmem>>) offsets(%dma_start3A_62 : memref<100xi32, #tpu.memory_space<vmem>>) semaphore(%arg14 : memref<!tpu.dma_semaphore, #tpu.memory_space<semaphore_mem>>)
    %dma_start3A_70 = arith.constant 3 : i32
    %dma_start3A_71 = arith.constant 0 : i32
    %dma_start3A_72 = tpu.memref_slice %arg5[%dma_start3A_70, %dma_start3A_71] : memref<200x100xi32, #tpu.memory_space<vmem>> -> memref<1x100xi32, #tpu.memory_space<vmem>>
    %dma_start3A_73 = tpu.memref_squeeze %dma_start3A_72 : memref<1x100xi32, #tpu.memory_space<vmem>> -> memref<100xi32, #tpu.memory_space<vmem>>
    %dma_start3A_74 = arith.constant 0 : i32
    %dma_start3A_75 = arith.constant 0 : i32
    %dma_start3A_76 = tpu.memref_slice %arg2[%arg0, %dma_start3A_74, %dma_start3A_75] : memref<2x10240x64xf32, #tpu.memory_space<hbm>> -> memref<1x10240x64xf32, #tpu.memory_space<hbm>>
    %dma_start3A_77 = tpu.memref_squeeze %dma_start3A_76 : memref<1x10240x64xf32, #tpu.memory_space<hbm>> -> memref<10240x64xf32, #tpu.memory_space<hbm>>
    %dma_start3A_78 = arith.constant 0 : i32
    %dma_start3A_79 = arith.constant 0 : i32
    %dma_start3A_80 = tpu.memref_slice %dma_start3A_77[%dma_start3A_78, %dma_start3A_79] : memref<10240x64xf32, #tpu.memory_space<hbm>> -> memref<10240x64xf32, #tpu.memory_space<hbm>>
    tpu.enqueue_indirect_dma source(%dma_start3A_80 : memref<10240x64xf32, #tpu.memory_space<hbm>>) target(%arg10 : memref<100x64xf32, #tpu.memory_space<vmem>>) offsets(%dma_start3A_73 : memref<100xi32, #tpu.memory_space<vmem>>) semaphore(%arg15 : memref<!tpu.dma_semaphore, #tpu.memory_space<semaphore_mem>>)
    %scan3A_81 = arith.constant 0 : i32
    %scan3A_82 = arith.constant 0 : i32
    %scan3A_83 = arith.constant 50 : i32
    %scan3A_84 = arith.addi %scan3A_82, %scan3A_83 : i32
    %scan3A_85 = arith.constant 1 : i32
    %scan3A_86 = scf.for %scan3A_91 = %scan3A_82 to %scan3A_84 step %scan3A_85 iter_args(%scan3A_92 = %scan3A_81) -> (i32)  : i32 {
      %mul3A_93 = arith.constant 4 : i32
      %mul3A_94 = arith.muli %mul3A_93, %scan3A_91 : i32
      %dma_wait3A = arith.constant 0 : i32
      %dma_wait3A_95 = arith.constant 0 : i32
      %dma_wait3A_96 = tpu.memref_slice %arg2[%arg0, %dma_wait3A, %dma_wait3A_95] : memref<2x10240x64xf32, #tpu.memory_space<hbm>> -> memref<1x10240x64xf32, #tpu.memory_space<hbm>>
      %dma_wait3A_97 = tpu.memref_squeeze %dma_wait3A_96 : memref<1x10240x64xf32, #tpu.memory_space<hbm>> -> memref<10240x64xf32, #tpu.memory_space<hbm>>
      %dma_wait3A_98 = arith.constant 0 : i32
      %dma_wait3A_99 = arith.constant 0 : i32
      %dma_wait3A_100 = tpu.memref_slice %dma_wait3A_97[%dma_wait3A_98, %dma_wait3A_99] : memref<10240x64xf32, #tpu.memory_space<hbm>> -> memref<100x64xf32, #tpu.memory_space<hbm>>
      %dma_wait3A_101 = arith.constant 0 : i32
      %dma_wait3A_102 = arith.constant 0 : i32
      %dma_wait3A_103 = tpu.memref_slice %arg2[%arg0, %dma_wait3A_101, %dma_wait3A_102] : memref<2x10240x64xf32, #tpu.memory_space<hbm>> -> memref<1x10240x64xf32, #tpu.memory_space<hbm>>
      %dma_wait3A_104 = tpu.memref_squeeze %dma_wait3A_103 : memref<1x10240x64xf32, #tpu.memory_space<hbm>> -> memref<10240x64xf32, #tpu.memory_space<hbm>>
      %dma_wait3A_105 = arith.constant 0 : i32
      %dma_wait3A_106 = arith.constant 0 : i32
      %dma_wait3A_107 = tpu.memref_slice %dma_wait3A_104[%dma_wait3A_105, %dma_wait3A_106] : memref<10240x64xf32, #tpu.memory_space<hbm>> -> memref<100x64xf32, #tpu.memory_space<hbm>>
      tpu.wait_dma2 semaphore(%arg12 : memref<!tpu.dma_semaphore, #tpu.memory_space<semaphore_mem>>) src(%dma_wait3A_107 : memref<100x64xf32, #tpu.memory_space<hbm>>) dst(%arg7 : memref<100x64xf32, #tpu.memory_space<vmem>>)
      %add3A_108 = arith.constant 0 : i32
      %add3A_109 = arith.addi %mul3A_94, %add3A_108 : i32
      "tpu.region"() ({
        %run_scoped3A_192 = tpu.sem_alloc : memref<!tpu.dma_semaphore, #tpu.memory_space<semaphore_mem>>
        %dma_start3A_193 = arith.constant 0 : i32
        %dma_start3A_194 = tpu.memref_slice %arg6[%add3A_109, %dma_start3A_193] : memref<200x100xi32, #tpu.memory_space<vmem>> -> memref<1x100xi32, #tpu.memory_space<vmem>>
        %dma_start3A_195 = tpu.memref_squeeze %dma_start3A_194 : memref<1x100xi32, #tpu.memory_space<vmem>> -> memref<100xi32, #tpu.memory_space<vmem>>
        %dma_start3A_196 = arith.constant 0 : i32
        %dma_start3A_197 = arith.constant 0 : i32
        %dma_start3A_198 = tpu.memref_slice %arg11[%dma_start3A_196, %dma_start3A_197] : memref<10240x64xf32, #tpu.memory_space<vmem_shared>> -> memref<10240x64xf32, #tpu.memory_space<vmem_shared>>
        tpu.enqueue_indirect_dma source(%arg7 : memref<100x64xf32, #tpu.memory_space<vmem>>) target(%dma_start3A_198 : memref<10240x64xf32, #tpu.memory_space<vmem_shared>>) offsets(%dma_start3A_195 : memref<100xi32, #tpu.memory_space<vmem>>) semaphore(%run_scoped3A_192 : memref<!tpu.dma_semaphore, #tpu.memory_space<semaphore_mem>>) {add = true}
        %dma_wait3A_199 = arith.constant 0 : i32
        %dma_wait3A_200 = tpu.memref_slice %arg6[%add3A_109, %dma_wait3A_199] : memref<200x100xi32, #tpu.memory_space<vmem>> -> memref<1x100xi32, #tpu.memory_space<vmem>>
        %dma_wait3A_201 = tpu.memref_squeeze %dma_wait3A_200 : memref<1x100xi32, #tpu.memory_space<vmem>> -> memref<100xi32, #tpu.memory_space<vmem>>
        %dma_wait3A_202 = arith.constant 0 : i32
        %dma_wait3A_203 = arith.constant 0 : i32
        %dma_wait3A_204 = tpu.memref_slice %arg11[%dma_wait3A_202, %dma_wait3A_203] : memref<10240x64xf32, #tpu.memory_space<vmem_shared>> -> memref<10240x64xf32, #tpu.memory_space<vmem_shared>>
        tpu.wait_indirect_dma semaphore(%run_scoped3A_192 : memref<!tpu.dma_semaphore, #tpu.memory_space<semaphore_mem>>) src(%arg7 : memref<100x64xf32, #tpu.memory_space<vmem>>) dst(%dma_wait3A_204 : memref<10240x64xf32, #tpu.memory_space<vmem_shared>>)
        tpu.yield
      }) : () -> ()
      %add3A_110 = arith.constant 0 : i32
      %add3A_111 = arith.addi %mul3A_94, %add3A_110 : i32
      %add3A_112 = arith.constant 4 : i32
      %add3A_113 = arith.addi %add3A_111, %add3A_112 : i32
      %lt3A = arith.constant 200 : i32
      %lt3A_114 = arith.cmpi slt, %add3A_113, %lt3A : i32
      %convert_element_type3A = arith.extui %lt3A_114 : i1 to i32
      %cond3A = arith.constant 0 : i32
      %cond3A_115 = arith.cmpi ne, %convert_element_type3A, %cond3A : i32
      scf.if %cond3A_115 {
        %add3A_192 = arith.constant 0 : i32
        %add3A_193 = arith.addi %mul3A_94, %add3A_192 : i32
        %add3A_194 = arith.constant 4 : i32
        %add3A_195 = arith.addi %add3A_193, %add3A_194 : i32
        %dma_start3A_196 = arith.constant 0 : i32
        %dma_start3A_197 = tpu.memref_slice %arg5[%add3A_195, %dma_start3A_196] : memref<200x100xi32, #tpu.memory_space<vmem>> -> memref<1x100xi32, #tpu.memory_space<vmem>>
        %dma_start3A_198 = tpu.memref_squeeze %dma_start3A_197 : memref<1x100xi32, #tpu.memory_space<vmem>> -> memref<100xi32, #tpu.memory_space<vmem>>
        %dma_start3A_199 = arith.constant 0 : i32
        %dma_start3A_200 = arith.constant 0 : i32
        %dma_start3A_201 = tpu.memref_slice %arg2[%arg0, %dma_start3A_199, %dma_start3A_200] : memref<2x10240x64xf32, #tpu.memory_space<hbm>> -> memref<1x10240x64xf32, #tpu.memory_space<hbm>>
        %dma_start3A_202 = tpu.memref_squeeze %dma_start3A_201 : memref<1x10240x64xf32, #tpu.memory_space<hbm>> -> memref<10240x64xf32, #tpu.memory_space<hbm>>
        %dma_start3A_203 = arith.constant 0 : i32
        %dma_start3A_204 = arith.constant 0 : i32
        %dma_start3A_205 = tpu.memref_slice %dma_start3A_202[%dma_start3A_203, %dma_start3A_204] : memref<10240x64xf32, #tpu.memory_space<hbm>> -> memref<10240x64xf32, #tpu.memory_space<hbm>>
        tpu.enqueue_indirect_dma source(%dma_start3A_205 : memref<10240x64xf32, #tpu.memory_space<hbm>>) target(%arg7 : memref<100x64xf32, #tpu.memory_space<vmem>>) offsets(%dma_start3A_198 : memref<100xi32, #tpu.memory_space<vmem>>) semaphore(%arg12 : memref<!tpu.dma_semaphore, #tpu.memory_space<semaphore_mem>>)
      } else {
      }
      %dma_wait3A_116 = arith.constant 0 : i32
      %dma_wait3A_117 = arith.constant 0 : i32
      %dma_wait3A_118 = tpu.memref_slice %arg2[%arg0, %dma_wait3A_116, %dma_wait3A_117] : memref<2x10240x64xf32, #tpu.memory_space<hbm>> -> memref<1x10240x64xf32, #tpu.memory_space<hbm>>
      %dma_wait3A_119 = tpu.memref_squeeze %dma_wait3A_118 : memref<1x10240x64xf32, #tpu.memory_space<hbm>> -> memref<10240x64xf32, #tpu.memory_space<hbm>>
      %dma_wait3A_120 = arith.constant 0 : i32
      %dma_wait3A_121 = arith.constant 0 : i32
      %dma_wait3A_122 = tpu.memref_slice %dma_wait3A_119[%dma_wait3A_120, %dma_wait3A_121] : memref<10240x64xf32, #tpu.memory_space<hbm>> -> memref<100x64xf32, #tpu.memory_space<hbm>>
      %dma_wait3A_123 = arith.constant 0 : i32
      %dma_wait3A_124 = arith.constant 0 : i32
      %dma_wait3A_125 = tpu.memref_slice %arg2[%arg0, %dma_wait3A_123, %dma_wait3A_124] : memref<2x10240x64xf32, #tpu.memory_space<hbm>> -> memref<1x10240x64xf32, #tpu.memory_space<hbm>>
      %dma_wait3A_126 = tpu.memref_squeeze %dma_wait3A_125 : memref<1x10240x64xf32, #tpu.memory_space<hbm>> -> memref<10240x64xf32, #tpu.memory_space<hbm>>
      %dma_wait3A_127 = arith.constant 0 : i32
      %dma_wait3A_128 = arith.constant 0 : i32
      %dma_wait3A_129 = tpu.memref_slice %dma_wait3A_126[%dma_wait3A_127, %dma_wait3A_128] : memref<10240x64xf32, #tpu.memory_space<hbm>> -> memref<100x64xf32, #tpu.memory_space<hbm>>
      tpu.wait_dma2 semaphore(%arg13 : memref<!tpu.dma_semaphore, #tpu.memory_space<semaphore_mem>>) src(%dma_wait3A_129 : memref<100x64xf32, #tpu.memory_space<hbm>>) dst(%arg8 : memref<100x64xf32, #tpu.memory_space<vmem>>)
      %add3A_130 = arith.constant 1 : i32
      %add3A_131 = arith.addi %mul3A_94, %add3A_130 : i32
      "tpu.region"() ({
        %run_scoped3A_192 = tpu.sem_alloc : memref<!tpu.dma_semaphore, #tpu.memory_space<semaphore_mem>>
        %dma_start3A_193 = arith.constant 0 : i32
        %dma_start3A_194 = tpu.memref_slice %arg6[%add3A_131, %dma_start3A_193] : memref<200x100xi32, #tpu.memory_space<vmem>> -> memref<1x100xi32, #tpu.memory_space<vmem>>
        %dma_start3A_195 = tpu.memref_squeeze %dma_start3A_194 : memref<1x100xi32, #tpu.memory_space<vmem>> -> memref<100xi32, #tpu.memory_space<vmem>>
        %dma_start3A_196 = arith.constant 0 : i32
        %dma_start3A_197 = arith.constant 0 : i32
        %dma_start3A_198 = tpu.memref_slice %arg11[%dma_start3A_196, %dma_start3A_197] : memref<10240x64xf32, #tpu.memory_space<vmem_shared>> -> memref<10240x64xf32, #tpu.memory_space<vmem_shared>>
        tpu.enqueue_indirect_dma source(%arg8 : memref<100x64xf32, #tpu.memory_space<vmem>>) target(%dma_start3A_198 : memref<10240x64xf32, #tpu.memory_space<vmem_shared>>) offsets(%dma_start3A_195 : memref<100xi32, #tpu.memory_space<vmem>>) semaphore(%run_scoped3A_192 : memref<!tpu.dma_semaphore, #tpu.memory_space<semaphore_mem>>) {add = true}
        %dma_wait3A_199 = arith.constant 0 : i32
        %dma_wait3A_200 = tpu.memref_slice %arg6[%add3A_131, %dma_wait3A_199] : memref<200x100xi32, #tpu.memory_space<vmem>> -> memref<1x100xi32, #tpu.memory_space<vmem>>
        %dma_wait3A_201 = tpu.memref_squeeze %dma_wait3A_200 : memref<1x100xi32, #tpu.memory_space<vmem>> -> memref<100xi32, #tpu.memory_space<vmem>>
        %dma_wait3A_202 = arith.constant 0 : i32
        %dma_wait3A_203 = arith.constant 0 : i32
        %dma_wait3A_204 = tpu.memref_slice %arg11[%dma_wait3A_202, %dma_wait3A_203] : memref<10240x64xf32, #tpu.memory_space<vmem_shared>> -> memref<10240x64xf32, #tpu.memory_space<vmem_shared>>
        tpu.wait_indirect_dma semaphore(%run_scoped3A_192 : memref<!tpu.dma_semaphore, #tpu.memory_space<semaphore_mem>>) src(%arg8 : memref<100x64xf32, #tpu.memory_space<vmem>>) dst(%dma_wait3A_204 : memref<10240x64xf32, #tpu.memory_space<vmem_shared>>)
        tpu.yield
      }) : () -> ()
      %add3A_132 = arith.constant 1 : i32
      %add3A_133 = arith.addi %mul3A_94, %add3A_132 : i32
      %add3A_134 = arith.constant 4 : i32
      %add3A_135 = arith.addi %add3A_133, %add3A_134 : i32
      %lt3A_136 = arith.constant 200 : i32
      %lt3A_137 = arith.cmpi slt, %add3A_135, %lt3A_136 : i32
      %convert_element_type3A_138 = arith.extui %lt3A_137 : i1 to i32
      %cond3A_139 = arith.constant 0 : i32
      %cond3A_140 = arith.cmpi ne, %convert_element_type3A_138, %cond3A_139 : i32
      scf.if %cond3A_140 {
        %add3A_192 = arith.constant 1 : i32
        %add3A_193 = arith.addi %mul3A_94, %add3A_192 : i32
        %add3A_194 = arith.constant 4 : i32
        %add3A_195 = arith.addi %add3A_193, %add3A_194 : i32
        %dma_start3A_196 = arith.constant 0 : i32
        %dma_start3A_197 = tpu.memref_slice %arg5[%add3A_195, %dma_start3A_196] : memref<200x100xi32, #tpu.memory_space<vmem>> -> memref<1x100xi32, #tpu.memory_space<vmem>>
        %dma_start3A_198 = tpu.memref_squeeze %dma_start3A_197 : memref<1x100xi32, #tpu.memory_space<vmem>> -> memref<100xi32, #tpu.memory_space<vmem>>
        %dma_start3A_199 = arith.constant 0 : i32
        %dma_start3A_200 = arith.constant 0 : i32
        %dma_start3A_201 = tpu.memref_slice %arg2[%arg0, %dma_start3A_199, %dma_start3A_200] : memref<2x10240x64xf32, #tpu.memory_space<hbm>> -> memref<1x10240x64xf32, #tpu.memory_space<hbm>>
        %dma_start3A_202 = tpu.memref_squeeze %dma_start3A_201 : memref<1x10240x64xf32, #tpu.memory_space<hbm>> -> memref<10240x64xf32, #tpu.memory_space<hbm>>
        %dma_start3A_203 = arith.constant 0 : i32
        %dma_start3A_204 = arith.constant 0 : i32
        %dma_start3A_205 = tpu.memref_slice %dma_start3A_202[%dma_start3A_203, %dma_start3A_204] : memref<10240x64xf32, #tpu.memory_space<hbm>> -> memref<10240x64xf32, #tpu.memory_space<hbm>>
        tpu.enqueue_indirect_dma source(%dma_start3A_205 : memref<10240x64xf32, #tpu.memory_space<hbm>>) target(%arg8 : memref<100x64xf32, #tpu.memory_space<vmem>>) offsets(%dma_start3A_198 : memref<100xi32, #tpu.memory_space<vmem>>) semaphore(%arg13 : memref<!tpu.dma_semaphore, #tpu.memory_space<semaphore_mem>>)
      } else {
      }
      %dma_wait3A_141 = arith.constant 0 : i32
      %dma_wait3A_142 = arith.constant 0 : i32
      %dma_wait3A_143 = tpu.memref_slice %arg2[%arg0, %dma_wait3A_141, %dma_wait3A_142] : memref<2x10240x64xf32, #tpu.memory_space<hbm>> -> memref<1x10240x64xf32, #tpu.memory_space<hbm>>
      %dma_wait3A_144 = tpu.memref_squeeze %dma_wait3A_143 : memref<1x10240x64xf32, #tpu.memory_space<hbm>> -> memref<10240x64xf32, #tpu.memory_space<hbm>>
      %dma_wait3A_145 = arith.constant 0 : i32
      %dma_wait3A_146 = arith.constant 0 : i32
      %dma_wait3A_147 = tpu.memref_slice %dma_wait3A_144[%dma_wait3A_145, %dma_wait3A_146] : memref<10240x64xf32, #tpu.memory_space<hbm>> -> memref<100x64xf32, #tpu.memory_space<hbm>>
      %dma_wait3A_148 = arith.constant 0 : i32
      %dma_wait3A_149 = arith.constant 0 : i32
      %dma_wait3A_150 = tpu.memref_slice %arg2[%arg0, %dma_wait3A_148, %dma_wait3A_149] : memref<2x10240x64xf32, #tpu.memory_space<hbm>> -> memref<1x10240x64xf32, #tpu.memory_space<hbm>>
      %dma_wait3A_151 = tpu.memref_squeeze %dma_wait3A_150 : memref<1x10240x64xf32, #tpu.memory_space<hbm>> -> memref<10240x64xf32, #tpu.memory_space<hbm>>
      %dma_wait3A_152 = arith.constant 0 : i32
      %dma_wait3A_153 = arith.constant 0 : i32
      %dma_wait3A_154 = tpu.memref_slice %dma_wait3A_151[%dma_wait3A_152, %dma_wait3A_153] : memref<10240x64xf32, #tpu.memory_space<hbm>> -> memref<100x64xf32, #tpu.memory_space<hbm>>
      tpu.wait_dma2 semaphore(%arg14 : memref<!tpu.dma_semaphore, #tpu.memory_space<semaphore_mem>>) src(%dma_wait3A_154 : memref<100x64xf32, #tpu.memory_space<hbm>>) dst(%arg9 : memref<100x64xf32, #tpu.memory_space<vmem>>)
      %add3A_155 = arith.constant 2 : i32
      %add3A_156 = arith.addi %mul3A_94, %add3A_155 : i32
      "tpu.region"() ({
        %run_scoped3A_192 = tpu.sem_alloc : memref<!tpu.dma_semaphore, #tpu.memory_space<semaphore_mem>>
        %dma_start3A_193 = arith.constant 0 : i32
        %dma_start3A_194 = tpu.memref_slice %arg6[%add3A_156, %dma_start3A_193] : memref<200x100xi32, #tpu.memory_space<vmem>> -> memref<1x100xi32, #tpu.memory_space<vmem>>
        %dma_start3A_195 = tpu.memref_squeeze %dma_start3A_194 : memref<1x100xi32, #tpu.memory_space<vmem>> -> memref<100xi32, #tpu.memory_space<vmem>>
        %dma_start3A_196 = arith.constant 0 : i32
        %dma_start3A_197 = arith.constant 0 : i32
        %dma_start3A_198 = tpu.memref_slice %arg11[%dma_start3A_196, %dma_start3A_197] : memref<10240x64xf32, #tpu.memory_space<vmem_shared>> -> memref<10240x64xf32, #tpu.memory_space<vmem_shared>>
        tpu.enqueue_indirect_dma source(%arg9 : memref<100x64xf32, #tpu.memory_space<vmem>>) target(%dma_start3A_198 : memref<10240x64xf32, #tpu.memory_space<vmem_shared>>) offsets(%dma_start3A_195 : memref<100xi32, #tpu.memory_space<vmem>>) semaphore(%run_scoped3A_192 : memref<!tpu.dma_semaphore, #tpu.memory_space<semaphore_mem>>) {add = true}
        %dma_wait3A_199 = arith.constant 0 : i32
        %dma_wait3A_200 = tpu.memref_slice %arg6[%add3A_156, %dma_wait3A_199] : memref<200x100xi32, #tpu.memory_space<vmem>> -> memref<1x100xi32, #tpu.memory_space<vmem>>
        %dma_wait3A_201 = tpu.memref_squeeze %dma_wait3A_200 : memref<1x100xi32, #tpu.memory_space<vmem>> -> memref<100xi32, #tpu.memory_space<vmem>>
        %dma_wait3A_202 = arith.constant 0 : i32
        %dma_wait3A_203 = arith.constant 0 : i32
        %dma_wait3A_204 = tpu.memref_slice %arg11[%dma_wait3A_202, %dma_wait3A_203] : memref<10240x64xf32, #tpu.memory_space<vmem_shared>> -> memref<10240x64xf32, #tpu.memory_space<vmem_shared>>
        tpu.wait_indirect_dma semaphore(%run_scoped3A_192 : memref<!tpu.dma_semaphore, #tpu.memory_space<semaphore_mem>>) src(%arg9 : memref<100x64xf32, #tpu.memory_space<vmem>>) dst(%dma_wait3A_204 : memref<10240x64xf32, #tpu.memory_space<vmem_shared>>)
        tpu.yield
      }) : () -> ()
      %add3A_157 = arith.constant 2 : i32
      %add3A_158 = arith.addi %mul3A_94, %add3A_157 : i32
      %add3A_159 = arith.constant 4 : i32
      %add3A_160 = arith.addi %add3A_158, %add3A_159 : i32
      %lt3A_161 = arith.constant 200 : i32
      %lt3A_162 = arith.cmpi slt, %add3A_160, %lt3A_161 : i32
      %convert_element_type3A_163 = arith.extui %lt3A_162 : i1 to i32
      %cond3A_164 = arith.constant 0 : i32
      %cond3A_165 = arith.cmpi ne, %convert_element_type3A_163, %cond3A_164 : i32
      scf.if %cond3A_165 {
        %add3A_192 = arith.constant 2 : i32
        %add3A_193 = arith.addi %mul3A_94, %add3A_192 : i32
        %add3A_194 = arith.constant 4 : i32
        %add3A_195 = arith.addi %add3A_193, %add3A_194 : i32
        %dma_start3A_196 = arith.constant 0 : i32
        %dma_start3A_197 = tpu.memref_slice %arg5[%add3A_195, %dma_start3A_196] : memref<200x100xi32, #tpu.memory_space<vmem>> -> memref<1x100xi32, #tpu.memory_space<vmem>>
        %dma_start3A_198 = tpu.memref_squeeze %dma_start3A_197 : memref<1x100xi32, #tpu.memory_space<vmem>> -> memref<100xi32, #tpu.memory_space<vmem>>
        %dma_start3A_199 = arith.constant 0 : i32
        %dma_start3A_200 = arith.constant 0 : i32
        %dma_start3A_201 = tpu.memref_slice %arg2[%arg0, %dma_start3A_199, %dma_start3A_200] : memref<2x10240x64xf32, #tpu.memory_space<hbm>> -> memref<1x10240x64xf32, #tpu.memory_space<hbm>>
        %dma_start3A_202 = tpu.memref_squeeze %dma_start3A_201 : memref<1x10240x64xf32, #tpu.memory_space<hbm>> -> memref<10240x64xf32, #tpu.memory_space<hbm>>
        %dma_start3A_203 = arith.constant 0 : i32
        %dma_start3A_204 = arith.constant 0 : i32
        %dma_start3A_205 = tpu.memref_slice %dma_start3A_202[%dma_start3A_203, %dma_start3A_204] : memref<10240x64xf32, #tpu.memory_space<hbm>> -> memref<10240x64xf32, #tpu.memory_space<hbm>>
        tpu.enqueue_indirect_dma source(%dma_start3A_205 : memref<10240x64xf32, #tpu.memory_space<hbm>>) target(%arg9 : memref<100x64xf32, #tpu.memory_space<vmem>>) offsets(%dma_start3A_198 : memref<100xi32, #tpu.memory_space<vmem>>) semaphore(%arg14 : memref<!tpu.dma_semaphore, #tpu.memory_space<semaphore_mem>>)
      } else {
      }
      %dma_wait3A_166 = arith.constant 0 : i32
      %dma_wait3A_167 = arith.constant 0 : i32
      %dma_wait3A_168 = tpu.memref_slice %arg2[%arg0, %dma_wait3A_166, %dma_wait3A_167] : memref<2x10240x64xf32, #tpu.memory_space<hbm>> -> memref<1x10240x64xf32, #tpu.memory_space<hbm>>
      %dma_wait3A_169 = tpu.memref_squeeze %dma_wait3A_168 : memref<1x10240x64xf32, #tpu.memory_space<hbm>> -> memref<10240x64xf32, #tpu.memory_space<hbm>>
      %dma_wait3A_170 = arith.constant 0 : i32
      %dma_wait3A_171 = arith.constant 0 : i32
      %dma_wait3A_172 = tpu.memref_slice %dma_wait3A_169[%dma_wait3A_170, %dma_wait3A_171] : memref<10240x64xf32, #tpu.memory_space<hbm>> -> memref<100x64xf32, #tpu.memory_space<hbm>>
      %dma_wait3A_173 = arith.constant 0 : i32
      %dma_wait3A_174 = arith.constant 0 : i32
      %dma_wait3A_175 = tpu.memref_slice %arg2[%arg0, %dma_wait3A_173, %dma_wait3A_174] : memref<2x10240x64xf32, #tpu.memory_space<hbm>> -> memref<1x10240x64xf32, #tpu.memory_space<hbm>>
      %dma_wait3A_176 = tpu.memref_squeeze %dma_wait3A_175 : memref<1x10240x64xf32, #tpu.memory_space<hbm>> -> memref<10240x64xf32, #tpu.memory_space<hbm>>
      %dma_wait3A_177 = arith.constant 0 : i32
      %dma_wait3A_178 = arith.constant 0 : i32
      %dma_wait3A_179 = tpu.memref_slice %dma_wait3A_176[%dma_wait3A_177, %dma_wait3A_178] : memref<10240x64xf32, #tpu.memory_space<hbm>> -> memref<100x64xf32, #tpu.memory_space<hbm>>
      tpu.wait_dma2 semaphore(%arg15 : memref<!tpu.dma_semaphore, #tpu.memory_space<semaphore_mem>>) src(%dma_wait3A_179 : memref<100x64xf32, #tpu.memory_space<hbm>>) dst(%arg10 : memref<100x64xf32, #tpu.memory_space<vmem>>)
      %add3A_180 = arith.constant 3 : i32
      %add3A_181 = arith.addi %mul3A_94, %add3A_180 : i32
      "tpu.region"() ({
        %run_scoped3A_192 = tpu.sem_alloc : memref<!tpu.dma_semaphore, #tpu.memory_space<semaphore_mem>>
        %dma_start3A_193 = arith.constant 0 : i32
        %dma_start3A_194 = tpu.memref_slice %arg6[%add3A_181, %dma_start3A_193] : memref<200x100xi32, #tpu.memory_space<vmem>> -> memref<1x100xi32, #tpu.memory_space<vmem>>
        %dma_start3A_195 = tpu.memref_squeeze %dma_start3A_194 : memref<1x100xi32, #tpu.memory_space<vmem>> -> memref<100xi32, #tpu.memory_space<vmem>>
        %dma_start3A_196 = arith.constant 0 : i32
        %dma_start3A_197 = arith.constant 0 : i32
        %dma_start3A_198 = tpu.memref_slice %arg11[%dma_start3A_196, %dma_start3A_197] : memref<10240x64xf32, #tpu.memory_space<vmem_shared>> -> memref<10240x64xf32, #tpu.memory_space<vmem_shared>>
        tpu.enqueue_indirect_dma source(%arg10 : memref<100x64xf32, #tpu.memory_space<vmem>>) target(%dma_start3A_198 : memref<10240x64xf32, #tpu.memory_space<vmem_shared>>) offsets(%dma_start3A_195 : memref<100xi32, #tpu.memory_space<vmem>>) semaphore(%run_scoped3A_192 : memref<!tpu.dma_semaphore, #tpu.memory_space<semaphore_mem>>) {add = true}
        %dma_wait3A_199 = arith.constant 0 : i32
        %dma_wait3A_200 = tpu.memref_slice %arg6[%add3A_181, %dma_wait3A_199] : memref<200x100xi32, #tpu.memory_space<vmem>> -> memref<1x100xi32, #tpu.memory_space<vmem>>
        %dma_wait3A_201 = tpu.memref_squeeze %dma_wait3A_200 : memref<1x100xi32, #tpu.memory_space<vmem>> -> memref<100xi32, #tpu.memory_space<vmem>>
        %dma_wait3A_202 = arith.constant 0 : i32
        %dma_wait3A_203 = arith.constant 0 : i32
        %dma_wait3A_204 = tpu.memref_slice %arg11[%dma_wait3A_202, %dma_wait3A_203] : memref<10240x64xf32, #tpu.memory_space<vmem_shared>> -> memref<10240x64xf32, #tpu.memory_space<vmem_shared>>
        tpu.wait_indirect_dma semaphore(%run_scoped3A_192 : memref<!tpu.dma_semaphore, #tpu.memory_space<semaphore_mem>>) src(%arg10 : memref<100x64xf32, #tpu.memory_space<vmem>>) dst(%dma_wait3A_204 : memref<10240x64xf32, #tpu.memory_space<vmem_shared>>)
        tpu.yield
      }) : () -> ()
      %add3A_182 = arith.constant 3 : i32
      %add3A_183 = arith.addi %mul3A_94, %add3A_182 : i32
      %add3A_184 = arith.constant 4 : i32
      %add3A_185 = arith.addi %add3A_183, %add3A_184 : i32
      %lt3A_186 = arith.constant 200 : i32
      %lt3A_187 = arith.cmpi slt, %add3A_185, %lt3A_186 : i32
      %convert_element_type3A_188 = arith.extui %lt3A_187 : i1 to i32
      %cond3A_189 = arith.constant 0 : i32
      %cond3A_190 = arith.cmpi ne, %convert_element_type3A_188, %cond3A_189 : i32
      scf.if %cond3A_190 {
        %add3A_192 = arith.constant 3 : i32
        %add3A_193 = arith.addi %mul3A_94, %add3A_192 : i32
        %add3A_194 = arith.constant 4 : i32
        %add3A_195 = arith.addi %add3A_193, %add3A_194 : i32
        %dma_start3A_196 = arith.constant 0 : i32
        %dma_start3A_197 = tpu.memref_slice %arg5[%add3A_195, %dma_start3A_196] : memref<200x100xi32, #tpu.memory_space<vmem>> -> memref<1x100xi32, #tpu.memory_space<vmem>>
        %dma_start3A_198 = tpu.memref_squeeze %dma_start3A_197 : memref<1x100xi32, #tpu.memory_space<vmem>> -> memref<100xi32, #tpu.memory_space<vmem>>
        %dma_start3A_199 = arith.constant 0 : i32
        %dma_start3A_200 = arith.constant 0 : i32
        %dma_start3A_201 = tpu.memref_slice %arg2[%arg0, %dma_start3A_199, %dma_start3A_200] : memref<2x10240x64xf32, #tpu.memory_space<hbm>> -> memref<1x10240x64xf32, #tpu.memory_space<hbm>>
        %dma_start3A_202 = tpu.memref_squeeze %dma_start3A_201 : memref<1x10240x64xf32, #tpu.memory_space<hbm>> -> memref<10240x64xf32, #tpu.memory_space<hbm>>
        %dma_start3A_203 = arith.constant 0 : i32
        %dma_start3A_204 = arith.constant 0 : i32
        %dma_start3A_205 = tpu.memref_slice %dma_start3A_202[%dma_start3A_203, %dma_start3A_204] : memref<10240x64xf32, #tpu.memory_space<hbm>> -> memref<10240x64xf32, #tpu.memory_space<hbm>>
        tpu.enqueue_indirect_dma source(%dma_start3A_205 : memref<10240x64xf32, #tpu.memory_space<hbm>>) target(%arg10 : memref<100x64xf32, #tpu.memory_space<vmem>>) offsets(%dma_start3A_198 : memref<100xi32, #tpu.memory_space<vmem>>) semaphore(%arg15 : memref<!tpu.dma_semaphore, #tpu.memory_space<semaphore_mem>>)
      } else {
      }
      %scan3A_191 = arith.constant 0 : i32
      scf.yield %scan3A_191 : i32
    }
    %scan3A_87 = arith.constant 50 : i32
    %barrier3A_88 = arith.constant 0 : index
    tpu.barrier barrier_id(%barrier3A_88)
    %mul3A_89 = arith.constant 640 : i32
    %mul3A_90 = arith.muli %arg1, %mul3A_89 : i32
    "tpu.region"() ({
      %run_scoped3A_91 = tpu.sem_alloc : memref<!tpu.dma_semaphore, #tpu.memory_space<semaphore_mem>>
      %dma_start3A_92 = arith.constant 0 : i32
      %dma_start3A_93 = tpu.memref_slice %arg4[%arg0, %mul3A_90, %dma_start3A_92] : memref<2x10240x64xf32, #tpu.memory_space<hbm>> -> memref<1x640x64xf32, #tpu.memory_space<hbm>>
      %dma_start3A_94 = tpu.memref_squeeze %dma_start3A_93 : memref<1x640x64xf32, #tpu.memory_space<hbm>> -> memref<640x64xf32, #tpu.memory_space<hbm>>
      %dma_start3A_95 = arith.constant 0 : i32
      %dma_start3A_96 = tpu.memref_slice %arg11[%mul3A_90, %dma_start3A_95] : memref<10240x64xf32, #tpu.memory_space<vmem_shared>> -> memref<640x64xf32, #tpu.memory_space<vmem_shared>>
      tpu.enqueue_dma source(%dma_start3A_96 : memref<640x64xf32, #tpu.memory_space<vmem_shared>>) target(%dma_start3A_94 : memref<640x64xf32, #tpu.memory_space<hbm>>) target_semaphore(%run_scoped3A_91 : memref<!tpu.dma_semaphore, #tpu.memory_space<semaphore_mem>>)
      %dma_wait3A = arith.constant 0 : i32
      %dma_wait3A_97 = tpu.memref_slice %arg4[%arg0, %mul3A_90, %dma_wait3A] : memref<2x10240x64xf32, #tpu.memory_space<hbm>> -> memref<1x640x64xf32, #tpu.memory_space<hbm>>
      %dma_wait3A_98 = tpu.memref_squeeze %dma_wait3A_97 : memref<1x640x64xf32, #tpu.memory_space<hbm>> -> memref<640x64xf32, #tpu.memory_space<hbm>>
      %dma_wait3A_99 = arith.constant 0 : i32
      %dma_wait3A_100 = tpu.memref_slice %arg11[%mul3A_90, %dma_wait3A_99] : memref<10240x64xf32, #tpu.memory_space<vmem_shared>> -> memref<640x64xf32, #tpu.memory_space<vmem_shared>>
      tpu.wait_dma2 semaphore(%run_scoped3A_91 : memref<!tpu.dma_semaphore, #tpu.memory_space<semaphore_mem>>) src(%dma_wait3A_100 : memref<640x64xf32, #tpu.memory_space<vmem_shared>>) dst(%dma_wait3A_98 : memref<640x64xf32, #tpu.memory_space<hbm>>)
      tpu.yield
    }) : () -> ()
    return
  }
}

#map = affine_map<(d0, d1) -> (0, 0, 0, 0)>
#map1 = affine_map<(d0, d1) -> (0, 0)>
module attributes {stable_mosaic.version = 14 : i64} {
  func.func @_deg_body(%arg0: i32, %arg1: i32, %arg2: memref<2x16x200x100xi32, #tpu.memory_space<hbm>>, %arg3: memref<2x16x200x100xi32, #tpu.memory_space<hbm>>, %arg4: memref<2x10240xf32, #tpu.memory_space<hbm>>, %arg5: memref<2x10240xf32, #tpu.memory_space<hbm>>, %arg6: memref<100x100xi32, #tpu.memory_space<vmem>>, %arg7: memref<112xf32, #tpu.memory_space<vmem>>, %arg8: memref<640xf32, #tpu.memory_space<vmem>>, %arg9: memref<10240xf32, #tpu.memory_space<vmem_shared>>, %arg10: memref<10240xf32, #tpu.memory_space<vmem_shared>>, %arg11: memref<!tpu.dma_semaphore, #tpu.memory_space<semaphore_mem>>) attributes {dimension_semantics = [#tpu.dimension_semantics<core_parallel>, #tpu.dimension_semantics<subcore_parallel>], iteration_bounds = array<i64: 2, 16>, scalar_prefetch = 0 : i64, scratch_operands = 6 : i64, tpu.core_type = #tpu.core_type<sc_vector_subcore>, window_params = [{transform_indices = #map}, {transform_indices = #map}, {transform_indices = #map1}, {transform_indices = #map1}]} {
    %broadcast_in_dim3A = arith.constant 0.000000e+00 : f32
    %broadcast_in_dim3A_0 = vector.broadcast %broadcast_in_dim3A : f32 to vector<16xf32>
    %scan3A = arith.constant 0 : i32
    %scan3A_1 = arith.constant 0 : i32
    %scan3A_2 = arith.constant 40 : i32
    %scan3A_3 = arith.addi %scan3A_1, %scan3A_2 : i32
    %scan3A_4 = arith.constant 1 : i32
    %scan3A_5 = scf.for %scan3A_120 = %scan3A_1 to %scan3A_3 step %scan3A_4 iter_args(%scan3A_121 = %scan3A) -> (i32)  : i32 {
      %mul3A_122 = arith.constant 16 : i32
      %mul3A_123 = arith.muli %scan3A_120, %mul3A_122 : i32
      %swap3A = arith.index_cast %mul3A_123 : i32 to index
      %swap3A_124 = tpu.vector_load %arg8[%swap3A] {strides = array<i32>} : memref<640xf32, #tpu.memory_space<vmem>>, vector<16xf32>,
      %swap3A_125 = vector.shape_cast %swap3A_124 : vector<16xf32> to vector<16xf32>
      %swap3A_126 = vector.shape_cast %broadcast_in_dim3A_0 : vector<16xf32> to vector<16xf32>
      tpu.vector_store %arg8[%swap3A], %swap3A_126 {strides = array<i32>} : memref<640xf32, #tpu.memory_space<vmem>>, vector<16xf32>,
      %scan3A_127 = arith.constant 0 : i32
      scf.yield %scan3A_127 : i32
    }
    %scan3A_6 = arith.constant 40 : i32
    %broadcast_in_dim3A_7 = arith.constant 1.000000e+00 : f32
    %broadcast_in_dim3A_8 = vector.broadcast %broadcast_in_dim3A_7 : f32 to vector<16xf32>
    %scan3A_9 = arith.constant 0 : i32
    %scan3A_10 = arith.constant 0 : i32
    %scan3A_11 = arith.constant 7 : i32
    %scan3A_12 = arith.addi %scan3A_10, %scan3A_11 : i32
    %scan3A_13 = arith.constant 1 : i32
    %scan3A_14 = scf.for %scan3A_120 = %scan3A_10 to %scan3A_12 step %scan3A_13 iter_args(%scan3A_121 = %scan3A_9) -> (i32)  : i32 {
      %mul3A_122 = arith.constant 16 : i32
      %mul3A_123 = arith.muli %scan3A_120, %mul3A_122 : i32
      %swap3A = arith.index_cast %mul3A_123 : i32 to index
      %swap3A_124 = tpu.vector_load %arg7[%swap3A] {strides = array<i32>} : memref<112xf32, #tpu.memory_space<vmem>>, vector<16xf32>,
      %swap3A_125 = vector.shape_cast %swap3A_124 : vector<16xf32> to vector<16xf32>
      %swap3A_126 = vector.shape_cast %broadcast_in_dim3A_8 : vector<16xf32> to vector<16xf32>
      tpu.vector_store %arg7[%swap3A], %swap3A_126 {strides = array<i32>} : memref<112xf32, #tpu.memory_space<vmem>>, vector<16xf32>,
      %scan3A_127 = arith.constant 0 : i32
      scf.yield %scan3A_127 : i32
    }
    %scan3A_15 = arith.constant 7 : i32
    %mul3A = arith.constant 640 : i32
    %mul3A_16 = arith.muli %arg1, %mul3A : i32
    "tpu.region"() ({
      %run_scoped3A_120 = tpu.sem_alloc : memref<!tpu.dma_semaphore, #tpu.memory_space<semaphore_mem>>
      %dma_start3A = tpu.memref_slice %arg9[%mul3A_16] : memref<10240xf32, #tpu.memory_space<vmem_shared>> -> memref<640xf32, #tpu.memory_space<vmem_shared>>
      %dma_start3A_121 = tpu.memref_slice %arg9[%mul3A_16] : memref<10240xf32, #tpu.memory_space<vmem_shared>> -> memref<640xf32, #tpu.memory_space<vmem_shared>>
      tpu.enqueue_dma source(%arg8 : memref<640xf32, #tpu.memory_space<vmem>>) target(%dma_start3A_121 : memref<640xf32, #tpu.memory_space<vmem_shared>>) target_semaphore(%run_scoped3A_120 : memref<!tpu.dma_semaphore, #tpu.memory_space<semaphore_mem>>)
      %dma_wait3A_122 = tpu.memref_slice %arg9[%mul3A_16] : memref<10240xf32, #tpu.memory_space<vmem_shared>> -> memref<640xf32, #tpu.memory_space<vmem_shared>>
      %dma_wait3A_123 = tpu.memref_slice %arg9[%mul3A_16] : memref<10240xf32, #tpu.memory_space<vmem_shared>> -> memref<640xf32, #tpu.memory_space<vmem_shared>>
      tpu.wait_dma2 semaphore(%run_scoped3A_120 : memref<!tpu.dma_semaphore, #tpu.memory_space<semaphore_mem>>) src(%arg8 : memref<640xf32, #tpu.memory_space<vmem>>) dst(%dma_wait3A_123 : memref<640xf32, #tpu.memory_space<vmem_shared>>)
      tpu.yield
    }) : () -> ()
    %mul3A_17 = arith.constant 640 : i32
    %mul3A_18 = arith.muli %arg1, %mul3A_17 : i32
    "tpu.region"() ({
      %run_scoped3A_120 = tpu.sem_alloc : memref<!tpu.dma_semaphore, #tpu.memory_space<semaphore_mem>>
      %dma_start3A = tpu.memref_slice %arg10[%mul3A_18] : memref<10240xf32, #tpu.memory_space<vmem_shared>> -> memref<640xf32, #tpu.memory_space<vmem_shared>>
      %dma_start3A_121 = tpu.memref_slice %arg10[%mul3A_18] : memref<10240xf32, #tpu.memory_space<vmem_shared>> -> memref<640xf32, #tpu.memory_space<vmem_shared>>
      tpu.enqueue_dma source(%arg8 : memref<640xf32, #tpu.memory_space<vmem>>) target(%dma_start3A_121 : memref<640xf32, #tpu.memory_space<vmem_shared>>) target_semaphore(%run_scoped3A_120 : memref<!tpu.dma_semaphore, #tpu.memory_space<semaphore_mem>>)
      %dma_wait3A_122 = tpu.memref_slice %arg10[%mul3A_18] : memref<10240xf32, #tpu.memory_space<vmem_shared>> -> memref<640xf32, #tpu.memory_space<vmem_shared>>
      %dma_wait3A_123 = tpu.memref_slice %arg10[%mul3A_18] : memref<10240xf32, #tpu.memory_space<vmem_shared>> -> memref<640xf32, #tpu.memory_space<vmem_shared>>
      tpu.wait_dma2 semaphore(%run_scoped3A_120 : memref<!tpu.dma_semaphore, #tpu.memory_space<semaphore_mem>>) src(%arg8 : memref<640xf32, #tpu.memory_space<vmem>>) dst(%dma_wait3A_123 : memref<640xf32, #tpu.memory_space<vmem_shared>>)
      tpu.yield
    }) : () -> ()
    %barrier3A = arith.constant 0 : index
    tpu.barrier barrier_id(%barrier3A)
    %mul3A_19 = arith.constant 100 : i32
    %mul3A_20 = arith.muli %arg0, %mul3A_19 : i32
    %run_scoped3A = arith.constant 1 : i32
    "tpu.region"() ({
      %run_scoped3A_120 = tpu.sem_alloc : memref<!tpu.dma_semaphore, #tpu.memory_space<semaphore_mem>>
      %dma_start3A = arith.constant 0 : i32
      %dma_start3A_121 = tpu.memref_slice %arg2[%run_scoped3A, %arg1, %mul3A_20, %dma_start3A] : memref<2x16x200x100xi32, #tpu.memory_space<hbm>> -> memref<1x1x100x100xi32, #tpu.memory_space<hbm>>
      %dma_start3A_122 = tpu.memref_squeeze %dma_start3A_121 : memref<1x1x100x100xi32, #tpu.memory_space<hbm>> -> memref<100x100xi32, #tpu.memory_space<hbm>>
      %dma_start3A_123 = arith.constant 0 : i32
      %dma_start3A_124 = tpu.memref_slice %arg2[%run_scoped3A, %arg1, %mul3A_20, %dma_start3A_123] : memref<2x16x200x100xi32, #tpu.memory_space<hbm>> -> memref<1x1x100x100xi32, #tpu.memory_space<hbm>>
      %dma_start3A_125 = tpu.memref_squeeze %dma_start3A_124 : memref<1x1x100x100xi32, #tpu.memory_space<hbm>> -> memref<100x100xi32, #tpu.memory_space<hbm>>
      tpu.enqueue_dma source(%dma_start3A_125 : memref<100x100xi32, #tpu.memory_space<hbm>>) target(%arg6 : memref<100x100xi32, #tpu.memory_space<vmem>>) target_semaphore(%run_scoped3A_120 : memref<!tpu.dma_semaphore, #tpu.memory_space<semaphore_mem>>)
      %dma_wait3A_126 = arith.constant 0 : i32
      %dma_wait3A_127 = tpu.memref_slice %arg2[%run_scoped3A, %arg1, %mul3A_20, %dma_wait3A_126] : memref<2x16x200x100xi32, #tpu.memory_space<hbm>> -> memref<1x1x100x100xi32, #tpu.memory_space<hbm>>
      %dma_wait3A_128 = tpu.memref_squeeze %dma_wait3A_127 : memref<1x1x100x100xi32, #tpu.memory_space<hbm>> -> memref<100x100xi32, #tpu.memory_space<hbm>>
      %dma_wait3A_129 = arith.constant 0 : i32
      %dma_wait3A_130 = tpu.memref_slice %arg2[%run_scoped3A, %arg1, %mul3A_20, %dma_wait3A_129] : memref<2x16x200x100xi32, #tpu.memory_space<hbm>> -> memref<1x1x100x100xi32, #tpu.memory_space<hbm>>
      %dma_wait3A_131 = tpu.memref_squeeze %dma_wait3A_130 : memref<1x1x100x100xi32, #tpu.memory_space<hbm>> -> memref<100x100xi32, #tpu.memory_space<hbm>>
      tpu.wait_dma2 semaphore(%run_scoped3A_120 : memref<!tpu.dma_semaphore, #tpu.memory_space<semaphore_mem>>) src(%dma_wait3A_131 : memref<100x100xi32, #tpu.memory_space<hbm>>) dst(%arg6 : memref<100x100xi32, #tpu.memory_space<vmem>>)
      tpu.yield
    }) : () -> ()
    %scan3A_21 = arith.constant 0 : i32
    %scan3A_22 = arith.constant 0 : i32
    %scan3A_23 = arith.constant 100 : i32
    %scan3A_24 = arith.addi %scan3A_22, %scan3A_23 : i32
    %scan3A_25 = arith.constant 1 : i32
    %scan3A_26 = scf.for %scan3A_120 = %scan3A_22 to %scan3A_24 step %scan3A_25 iter_args(%scan3A_121 = %scan3A_21) -> (i32)  : i32 {
      %ge3A = arith.constant 5 : i32
      %ge3A_122 = arith.cmpi sge, %scan3A_120, %ge3A : i32
      %convert_element_type3A = arith.extui %ge3A_122 : i1 to i32
      %cond3A = arith.constant 0 : i32
      %cond3A_123 = arith.cmpi ne, %convert_element_type3A, %cond3A : i32
      scf.if %cond3A_123 {
        %dma_wait3A_131 = arith.constant 0 : i32
        %dma_wait3A_132 = arith.constant 0 : i32
        %dma_wait3A_133 = tpu.memref_slice %arg7[%dma_wait3A_132] : memref<112xf32, #tpu.memory_space<vmem>> -> memref<100xf32, #tpu.memory_space<vmem>>
        %dma_wait3A_134 = arith.constant 0 : i32
        %dma_wait3A_135 = tpu.memref_slice %arg6[%dma_wait3A_131, %dma_wait3A_134] : memref<100x100xi32, #tpu.memory_space<vmem>> -> memref<1x100xi32, #tpu.memory_space<vmem>>
        %dma_wait3A_136 = tpu.memref_squeeze %dma_wait3A_135 : memref<1x100xi32, #tpu.memory_space<vmem>> -> memref<100xi32, #tpu.memory_space<vmem>>
        %dma_wait3A_137 = arith.constant 0 : i32
        %dma_wait3A_138 = tpu.memref_slice %arg9[%dma_wait3A_137] : memref<10240xf32, #tpu.memory_space<vmem_shared>> -> memref<10240xf32, #tpu.memory_space<vmem_shared>>
        tpu.wait_indirect_dma semaphore(%arg11 : memref<!tpu.dma_semaphore, #tpu.memory_space<semaphore_mem>>) src(%dma_wait3A_133 : memref<100xf32, #tpu.memory_space<vmem>>) dst(%dma_wait3A_138 : memref<10240xf32, #tpu.memory_space<vmem_shared>>)
      } else {
      }
      %dma_start3A = arith.constant 0 : i32
      %dma_start3A_124 = tpu.memref_slice %arg7[%dma_start3A] : memref<112xf32, #tpu.memory_space<vmem>> -> memref<100xf32, #tpu.memory_space<vmem>>
      %dma_start3A_125 = arith.constant 0 : i32
      %dma_start3A_126 = tpu.memref_slice %arg6[%scan3A_120, %dma_start3A_125] : memref<100x100xi32, #tpu.memory_space<vmem>> -> memref<1x100xi32, #tpu.memory_space<vmem>>
      %dma_start3A_127 = tpu.memref_squeeze %dma_start3A_126 : memref<1x100xi32, #tpu.memory_space<vmem>> -> memref<100xi32, #tpu.memory_space<vmem>>
      %dma_start3A_128 = arith.constant 0 : i32
      %dma_start3A_129 = tpu.memref_slice %arg9[%dma_start3A_128] : memref<10240xf32, #tpu.memory_space<vmem_shared>> -> memref<10240xf32, #tpu.memory_space<vmem_shared>>
      tpu.enqueue_indirect_dma source(%dma_start3A_124 : memref<100xf32, #tpu.memory_space<vmem>>) target(%dma_start3A_129 : memref<10240xf32, #tpu.memory_space<vmem_shared>>) offsets(%dma_start3A_127 : memref<100xi32, #tpu.memory_space<vmem>>) semaphore(%arg11 : memref<!tpu.dma_semaphore, #tpu.memory_space<semaphore_mem>>) {add = true}
      %scan3A_130 = arith.constant 0 : i32
      scf.yield %scan3A_130 : i32
    }
    %scan3A_27 = arith.constant 100 : i32
    %dma_wait3A = arith.constant 0 : i32
    %dma_wait3A_28 = arith.constant 0 : i32
    %dma_wait3A_29 = tpu.memref_slice %arg7[%dma_wait3A_28] : memref<112xf32, #tpu.memory_space<vmem>> -> memref<100xf32, #tpu.memory_space<vmem>>
    %dma_wait3A_30 = arith.constant 0 : i32
    %dma_wait3A_31 = tpu.memref_slice %arg6[%dma_wait3A, %dma_wait3A_30] : memref<100x100xi32, #tpu.memory_space<vmem>> -> memref<1x100xi32, #tpu.memory_space<vmem>>
    %dma_wait3A_32 = tpu.memref_squeeze %dma_wait3A_31 : memref<1x100xi32, #tpu.memory_space<vmem>> -> memref<100xi32, #tpu.memory_space<vmem>>
    %dma_wait3A_33 = arith.constant 0 : i32
    %dma_wait3A_34 = tpu.memref_slice %arg9[%dma_wait3A_33] : memref<10240xf32, #tpu.memory_space<vmem_shared>> -> memref<10240xf32, #tpu.memory_space<vmem_shared>>
    tpu.wait_indirect_dma semaphore(%arg11 : memref<!tpu.dma_semaphore, #tpu.memory_space<semaphore_mem>>) src(%dma_wait3A_29 : memref<100xf32, #tpu.memory_space<vmem>>) dst(%dma_wait3A_34 : memref<10240xf32, #tpu.memory_space<vmem_shared>>)
    %dma_wait3A_35 = arith.constant 0 : i32
    %dma_wait3A_36 = arith.constant 0 : i32
    %dma_wait3A_37 = tpu.memref_slice %arg7[%dma_wait3A_36] : memref<112xf32, #tpu.memory_space<vmem>> -> memref<100xf32, #tpu.memory_space<vmem>>
    %dma_wait3A_38 = arith.constant 0 : i32
    %dma_wait3A_39 = tpu.memref_slice %arg6[%dma_wait3A_35, %dma_wait3A_38] : memref<100x100xi32, #tpu.memory_space<vmem>> -> memref<1x100xi32, #tpu.memory_space<vmem>>
    %dma_wait3A_40 = tpu.memref_squeeze %dma_wait3A_39 : memref<1x100xi32, #tpu.memory_space<vmem>> -> memref<100xi32, #tpu.memory_space<vmem>>
    %dma_wait3A_41 = arith.constant 0 : i32
    %dma_wait3A_42 = tpu.memref_slice %arg9[%dma_wait3A_41] : memref<10240xf32, #tpu.memory_space<vmem_shared>> -> memref<10240xf32, #tpu.memory_space<vmem_shared>>
    tpu.wait_indirect_dma semaphore(%arg11 : memref<!tpu.dma_semaphore, #tpu.memory_space<semaphore_mem>>) src(%dma_wait3A_37 : memref<100xf32, #tpu.memory_space<vmem>>) dst(%dma_wait3A_42 : memref<10240xf32, #tpu.memory_space<vmem_shared>>)
    %dma_wait3A_43 = arith.constant 0 : i32
    %dma_wait3A_44 = arith.constant 0 : i32
    %dma_wait3A_45 = tpu.memref_slice %arg7[%dma_wait3A_44] : memref<112xf32, #tpu.memory_space<vmem>> -> memref<100xf32, #tpu.memory_space<vmem>>
    %dma_wait3A_46 = arith.constant 0 : i32
    %dma_wait3A_47 = tpu.memref_slice %arg6[%dma_wait3A_43, %dma_wait3A_46] : memref<100x100xi32, #tpu.memory_space<vmem>> -> memref<1x100xi32, #tpu.memory_space<vmem>>
    %dma_wait3A_48 = tpu.memref_squeeze %dma_wait3A_47 : memref<1x100xi32, #tpu.memory_space<vmem>> -> memref<100xi32, #tpu.memory_space<vmem>>
    %dma_wait3A_49 = arith.constant 0 : i32
    %dma_wait3A_50 = tpu.memref_slice %arg9[%dma_wait3A_49] : memref<10240xf32, #tpu.memory_space<vmem_shared>> -> memref<10240xf32, #tpu.memory_space<vmem_shared>>
    tpu.wait_indirect_dma semaphore(%arg11 : memref<!tpu.dma_semaphore, #tpu.memory_space<semaphore_mem>>) src(%dma_wait3A_45 : memref<100xf32, #tpu.memory_space<vmem>>) dst(%dma_wait3A_50 : memref<10240xf32, #tpu.memory_space<vmem_shared>>)
    %dma_wait3A_51 = arith.constant 0 : i32
    %dma_wait3A_52 = arith.constant 0 : i32
    %dma_wait3A_53 = tpu.memref_slice %arg7[%dma_wait3A_52] : memref<112xf32, #tpu.memory_space<vmem>> -> memref<100xf32, #tpu.memory_space<vmem>>
    %dma_wait3A_54 = arith.constant 0 : i32
    %dma_wait3A_55 = tpu.memref_slice %arg6[%dma_wait3A_51, %dma_wait3A_54] : memref<100x100xi32, #tpu.memory_space<vmem>> -> memref<1x100xi32, #tpu.memory_space<vmem>>
    %dma_wait3A_56 = tpu.memref_squeeze %dma_wait3A_55 : memref<1x100xi32, #tpu.memory_space<vmem>> -> memref<100xi32, #tpu.memory_space<vmem>>
    %dma_wait3A_57 = arith.constant 0 : i32
    %dma_wait3A_58 = tpu.memref_slice %arg9[%dma_wait3A_57] : memref<10240xf32, #tpu.memory_space<vmem_shared>> -> memref<10240xf32, #tpu.memory_space<vmem_shared>>
    tpu.wait_indirect_dma semaphore(%arg11 : memref<!tpu.dma_semaphore, #tpu.memory_space<semaphore_mem>>) src(%dma_wait3A_53 : memref<100xf32, #tpu.memory_space<vmem>>) dst(%dma_wait3A_58 : memref<10240xf32, #tpu.memory_space<vmem_shared>>)
    %dma_wait3A_59 = arith.constant 0 : i32
    %dma_wait3A_60 = arith.constant 0 : i32
    %dma_wait3A_61 = tpu.memref_slice %arg7[%dma_wait3A_60] : memref<112xf32, #tpu.memory_space<vmem>> -> memref<100xf32, #tpu.memory_space<vmem>>
    %dma_wait3A_62 = arith.constant 0 : i32
    %dma_wait3A_63 = tpu.memref_slice %arg6[%dma_wait3A_59, %dma_wait3A_62] : memref<100x100xi32, #tpu.memory_space<vmem>> -> memref<1x100xi32, #tpu.memory_space<vmem>>
    %dma_wait3A_64 = tpu.memref_squeeze %dma_wait3A_63 : memref<1x100xi32, #tpu.memory_space<vmem>> -> memref<100xi32, #tpu.memory_space<vmem>>
    %dma_wait3A_65 = arith.constant 0 : i32
    %dma_wait3A_66 = tpu.memref_slice %arg9[%dma_wait3A_65] : memref<10240xf32, #tpu.memory_space<vmem_shared>> -> memref<10240xf32, #tpu.memory_space<vmem_shared>>
    tpu.wait_indirect_dma semaphore(%arg11 : memref<!tpu.dma_semaphore, #tpu.memory_space<semaphore_mem>>) src(%dma_wait3A_61 : memref<100xf32, #tpu.memory_space<vmem>>) dst(%dma_wait3A_66 : memref<10240xf32, #tpu.memory_space<vmem_shared>>)
    %mul3A_67 = arith.constant 100 : i32
    %mul3A_68 = arith.muli %arg0, %mul3A_67 : i32
    %run_scoped3A_69 = arith.constant 1 : i32
    "tpu.region"() ({
      %run_scoped3A_120 = tpu.sem_alloc : memref<!tpu.dma_semaphore, #tpu.memory_space<semaphore_mem>>
      %dma_start3A = arith.constant 0 : i32
      %dma_start3A_121 = tpu.memref_slice %arg3[%run_scoped3A_69, %arg1, %mul3A_68, %dma_start3A] : memref<2x16x200x100xi32, #tpu.memory_space<hbm>> -> memref<1x1x100x100xi32, #tpu.memory_space<hbm>>
      %dma_start3A_122 = tpu.memref_squeeze %dma_start3A_121 : memref<1x1x100x100xi32, #tpu.memory_space<hbm>> -> memref<100x100xi32, #tpu.memory_space<hbm>>
      %dma_start3A_123 = arith.constant 0 : i32
      %dma_start3A_124 = tpu.memref_slice %arg3[%run_scoped3A_69, %arg1, %mul3A_68, %dma_start3A_123] : memref<2x16x200x100xi32, #tpu.memory_space<hbm>> -> memref<1x1x100x100xi32, #tpu.memory_space<hbm>>
      %dma_start3A_125 = tpu.memref_squeeze %dma_start3A_124 : memref<1x1x100x100xi32, #tpu.memory_space<hbm>> -> memref<100x100xi32, #tpu.memory_space<hbm>>
      tpu.enqueue_dma source(%dma_start3A_125 : memref<100x100xi32, #tpu.memory_space<hbm>>) target(%arg6 : memref<100x100xi32, #tpu.memory_space<vmem>>) target_semaphore(%run_scoped3A_120 : memref<!tpu.dma_semaphore, #tpu.memory_space<semaphore_mem>>)
      %dma_wait3A_126 = arith.constant 0 : i32
      %dma_wait3A_127 = tpu.memref_slice %arg3[%run_scoped3A_69, %arg1, %mul3A_68, %dma_wait3A_126] : memref<2x16x200x100xi32, #tpu.memory_space<hbm>> -> memref<1x1x100x100xi32, #tpu.memory_space<hbm>>
      %dma_wait3A_128 = tpu.memref_squeeze %dma_wait3A_127 : memref<1x1x100x100xi32, #tpu.memory_space<hbm>> -> memref<100x100xi32, #tpu.memory_space<hbm>>
      %dma_wait3A_129 = arith.constant 0 : i32
      %dma_wait3A_130 = tpu.memref_slice %arg3[%run_scoped3A_69, %arg1, %mul3A_68, %dma_wait3A_129] : memref<2x16x200x100xi32, #tpu.memory_space<hbm>> -> memref<1x1x100x100xi32, #tpu.memory_space<hbm>>
      %dma_wait3A_131 = tpu.memref_squeeze %dma_wait3A_130 : memref<1x1x100x100xi32, #tpu.memory_space<hbm>> -> memref<100x100xi32, #tpu.memory_space<hbm>>
      tpu.wait_dma2 semaphore(%run_scoped3A_120 : memref<!tpu.dma_semaphore, #tpu.memory_space<semaphore_mem>>) src(%dma_wait3A_131 : memref<100x100xi32, #tpu.memory_space<hbm>>) dst(%arg6 : memref<100x100xi32, #tpu.memory_space<vmem>>)
      tpu.yield
    }) : () -> ()
    %scan3A_70 = arith.constant 0 : i32
    %scan3A_71 = arith.constant 0 : i32
    %scan3A_72 = arith.constant 100 : i32
    %scan3A_73 = arith.addi %scan3A_71, %scan3A_72 : i32
    %scan3A_74 = arith.constant 1 : i32
    %scan3A_75 = scf.for %scan3A_120 = %scan3A_71 to %scan3A_73 step %scan3A_74 iter_args(%scan3A_121 = %scan3A_70) -> (i32)  : i32 {
      %ge3A = arith.constant 5 : i32
      %ge3A_122 = arith.cmpi sge, %scan3A_120, %ge3A : i32
      %convert_element_type3A = arith.extui %ge3A_122 : i1 to i32
      %cond3A = arith.constant 0 : i32
      %cond3A_123 = arith.cmpi ne, %convert_element_type3A, %cond3A : i32
      scf.if %cond3A_123 {
        %dma_wait3A_131 = arith.constant 0 : i32
        %dma_wait3A_132 = arith.constant 0 : i32
        %dma_wait3A_133 = tpu.memref_slice %arg7[%dma_wait3A_132] : memref<112xf32, #tpu.memory_space<vmem>> -> memref<100xf32, #tpu.memory_space<vmem>>
        %dma_wait3A_134 = arith.constant 0 : i32
        %dma_wait3A_135 = tpu.memref_slice %arg6[%dma_wait3A_131, %dma_wait3A_134] : memref<100x100xi32, #tpu.memory_space<vmem>> -> memref<1x100xi32, #tpu.memory_space<vmem>>
        %dma_wait3A_136 = tpu.memref_squeeze %dma_wait3A_135 : memref<1x100xi32, #tpu.memory_space<vmem>> -> memref<100xi32, #tpu.memory_space<vmem>>
        %dma_wait3A_137 = arith.constant 0 : i32
        %dma_wait3A_138 = tpu.memref_slice %arg10[%dma_wait3A_137] : memref<10240xf32, #tpu.memory_space<vmem_shared>> -> memref<10240xf32, #tpu.memory_space<vmem_shared>>
        tpu.wait_indirect_dma semaphore(%arg11 : memref<!tpu.dma_semaphore, #tpu.memory_space<semaphore_mem>>) src(%dma_wait3A_133 : memref<100xf32, #tpu.memory_space<vmem>>) dst(%dma_wait3A_138 : memref<10240xf32, #tpu.memory_space<vmem_shared>>)
      } else {
      }
      %dma_start3A = arith.constant 0 : i32
      %dma_start3A_124 = tpu.memref_slice %arg7[%dma_start3A] : memref<112xf32, #tpu.memory_space<vmem>> -> memref<100xf32, #tpu.memory_space<vmem>>
      %dma_start3A_125 = arith.constant 0 : i32
      %dma_start3A_126 = tpu.memref_slice %arg6[%scan3A_120, %dma_start3A_125] : memref<100x100xi32, #tpu.memory_space<vmem>> -> memref<1x100xi32, #tpu.memory_space<vmem>>
      %dma_start3A_127 = tpu.memref_squeeze %dma_start3A_126 : memref<1x100xi32, #tpu.memory_space<vmem>> -> memref<100xi32, #tpu.memory_space<vmem>>
      %dma_start3A_128 = arith.constant 0 : i32
      %dma_start3A_129 = tpu.memref_slice %arg10[%dma_start3A_128] : memref<10240xf32, #tpu.memory_space<vmem_shared>> -> memref<10240xf32, #tpu.memory_space<vmem_shared>>
      tpu.enqueue_indirect_dma source(%dma_start3A_124 : memref<100xf32, #tpu.memory_space<vmem>>) target(%dma_start3A_129 : memref<10240xf32, #tpu.memory_space<vmem_shared>>) offsets(%dma_start3A_127 : memref<100xi32, #tpu.memory_space<vmem>>) semaphore(%arg11 : memref<!tpu.dma_semaphore, #tpu.memory_space<semaphore_mem>>) {add = true}
      %scan3A_130 = arith.constant 0 : i32
      scf.yield %scan3A_130 : i32
    }
    %scan3A_76 = arith.constant 100 : i32
    %dma_wait3A_77 = arith.constant 0 : i32
    %dma_wait3A_78 = arith.constant 0 : i32
    %dma_wait3A_79 = tpu.memref_slice %arg7[%dma_wait3A_78] : memref<112xf32, #tpu.memory_space<vmem>> -> memref<100xf32, #tpu.memory_space<vmem>>
    %dma_wait3A_80 = arith.constant 0 : i32
    %dma_wait3A_81 = tpu.memref_slice %arg6[%dma_wait3A_77, %dma_wait3A_80] : memref<100x100xi32, #tpu.memory_space<vmem>> -> memref<1x100xi32, #tpu.memory_space<vmem>>
    %dma_wait3A_82 = tpu.memref_squeeze %dma_wait3A_81 : memref<1x100xi32, #tpu.memory_space<vmem>> -> memref<100xi32, #tpu.memory_space<vmem>>
    %dma_wait3A_83 = arith.constant 0 : i32
    %dma_wait3A_84 = tpu.memref_slice %arg10[%dma_wait3A_83] : memref<10240xf32, #tpu.memory_space<vmem_shared>> -> memref<10240xf32, #tpu.memory_space<vmem_shared>>
    tpu.wait_indirect_dma semaphore(%arg11 : memref<!tpu.dma_semaphore, #tpu.memory_space<semaphore_mem>>) src(%dma_wait3A_79 : memref<100xf32, #tpu.memory_space<vmem>>) dst(%dma_wait3A_84 : memref<10240xf32, #tpu.memory_space<vmem_shared>>)
    %dma_wait3A_85 = arith.constant 0 : i32
    %dma_wait3A_86 = arith.constant 0 : i32
    %dma_wait3A_87 = tpu.memref_slice %arg7[%dma_wait3A_86] : memref<112xf32, #tpu.memory_space<vmem>> -> memref<100xf32, #tpu.memory_space<vmem>>
    %dma_wait3A_88 = arith.constant 0 : i32
    %dma_wait3A_89 = tpu.memref_slice %arg6[%dma_wait3A_85, %dma_wait3A_88] : memref<100x100xi32, #tpu.memory_space<vmem>> -> memref<1x100xi32, #tpu.memory_space<vmem>>
    %dma_wait3A_90 = tpu.memref_squeeze %dma_wait3A_89 : memref<1x100xi32, #tpu.memory_space<vmem>> -> memref<100xi32, #tpu.memory_space<vmem>>
    %dma_wait3A_91 = arith.constant 0 : i32
    %dma_wait3A_92 = tpu.memref_slice %arg10[%dma_wait3A_91] : memref<10240xf32, #tpu.memory_space<vmem_shared>> -> memref<10240xf32, #tpu.memory_space<vmem_shared>>
    tpu.wait_indirect_dma semaphore(%arg11 : memref<!tpu.dma_semaphore, #tpu.memory_space<semaphore_mem>>) src(%dma_wait3A_87 : memref<100xf32, #tpu.memory_space<vmem>>) dst(%dma_wait3A_92 : memref<10240xf32, #tpu.memory_space<vmem_shared>>)
    %dma_wait3A_93 = arith.constant 0 : i32
    %dma_wait3A_94 = arith.constant 0 : i32
    %dma_wait3A_95 = tpu.memref_slice %arg7[%dma_wait3A_94] : memref<112xf32, #tpu.memory_space<vmem>> -> memref<100xf32, #tpu.memory_space<vmem>>
    %dma_wait3A_96 = arith.constant 0 : i32
    %dma_wait3A_97 = tpu.memref_slice %arg6[%dma_wait3A_93, %dma_wait3A_96] : memref<100x100xi32, #tpu.memory_space<vmem>> -> memref<1x100xi32, #tpu.memory_space<vmem>>
    %dma_wait3A_98 = tpu.memref_squeeze %dma_wait3A_97 : memref<1x100xi32, #tpu.memory_space<vmem>> -> memref<100xi32, #tpu.memory_space<vmem>>
    %dma_wait3A_99 = arith.constant 0 : i32
    %dma_wait3A_100 = tpu.memref_slice %arg10[%dma_wait3A_99] : memref<10240xf32, #tpu.memory_space<vmem_shared>> -> memref<10240xf32, #tpu.memory_space<vmem_shared>>
    tpu.wait_indirect_dma semaphore(%arg11 : memref<!tpu.dma_semaphore, #tpu.memory_space<semaphore_mem>>) src(%dma_wait3A_95 : memref<100xf32, #tpu.memory_space<vmem>>) dst(%dma_wait3A_100 : memref<10240xf32, #tpu.memory_space<vmem_shared>>)
    %dma_wait3A_101 = arith.constant 0 : i32
    %dma_wait3A_102 = arith.constant 0 : i32
    %dma_wait3A_103 = tpu.memref_slice %arg7[%dma_wait3A_102] : memref<112xf32, #tpu.memory_space<vmem>> -> memref<100xf32, #tpu.memory_space<vmem>>
    %dma_wait3A_104 = arith.constant 0 : i32
    %dma_wait3A_105 = tpu.memref_slice %arg6[%dma_wait3A_101, %dma_wait3A_104] : memref<100x100xi32, #tpu.memory_space<vmem>> -> memref<1x100xi32, #tpu.memory_space<vmem>>
    %dma_wait3A_106 = tpu.memref_squeeze %dma_wait3A_105 : memref<1x100xi32, #tpu.memory_space<vmem>> -> memref<100xi32, #tpu.memory_space<vmem>>
    %dma_wait3A_107 = arith.constant 0 : i32
    %dma_wait3A_108 = tpu.memref_slice %arg10[%dma_wait3A_107] : memref<10240xf32, #tpu.memory_space<vmem_shared>> -> memref<10240xf32, #tpu.memory_space<vmem_shared>>
    tpu.wait_indirect_dma semaphore(%arg11 : memref<!tpu.dma_semaphore, #tpu.memory_space<semaphore_mem>>) src(%dma_wait3A_103 : memref<100xf32, #tpu.memory_space<vmem>>) dst(%dma_wait3A_108 : memref<10240xf32, #tpu.memory_space<vmem_shared>>)
    %dma_wait3A_109 = arith.constant 0 : i32
    %dma_wait3A_110 = arith.constant 0 : i32
    %dma_wait3A_111 = tpu.memref_slice %arg7[%dma_wait3A_110] : memref<112xf32, #tpu.memory_space<vmem>> -> memref<100xf32, #tpu.memory_space<vmem>>
    %dma_wait3A_112 = arith.constant 0 : i32
    %dma_wait3A_113 = tpu.memref_slice %arg6[%dma_wait3A_109, %dma_wait3A_112] : memref<100x100xi32, #tpu.memory_space<vmem>> -> memref<1x100xi32, #tpu.memory_space<vmem>>
    %dma_wait3A_114 = tpu.memref_squeeze %dma_wait3A_113 : memref<1x100xi32, #tpu.memory_space<vmem>> -> memref<100xi32, #tpu.memory_space<vmem>>
    %dma_wait3A_115 = arith.constant 0 : i32
    %dma_wait3A_116 = tpu.memref_slice %arg10[%dma_wait3A_115] : memref<10240xf32, #tpu.memory_space<vmem_shared>> -> memref<10240xf32, #tpu.memory_space<vmem_shared>>
    tpu.wait_indirect_dma semaphore(%arg11 : memref<!tpu.dma_semaphore, #tpu.memory_space<semaphore_mem>>) src(%dma_wait3A_111 : memref<100xf32, #tpu.memory_space<vmem>>) dst(%dma_wait3A_116 : memref<10240xf32, #tpu.memory_space<vmem_shared>>)
    %barrier3A_117 = arith.constant 0 : index
    tpu.barrier barrier_id(%barrier3A_117)
    %mul3A_118 = arith.constant 640 : i32
    %mul3A_119 = arith.muli %arg1, %mul3A_118 : i32
    "tpu.region"() ({
      %run_scoped3A_120 = tpu.sem_alloc : memref<!tpu.dma_semaphore, #tpu.memory_space<semaphore_mem>>
      %dma_start3A = tpu.memref_slice %arg4[%arg0, %mul3A_119] : memref<2x10240xf32, #tpu.memory_space<hbm>> -> memref<1x640xf32, #tpu.memory_space<hbm>>
      %dma_start3A_121 = tpu.memref_squeeze %dma_start3A : memref<1x640xf32, #tpu.memory_space<hbm>> -> memref<640xf32, #tpu.memory_space<hbm>>
      %dma_start3A_122 = tpu.memref_slice %arg9[%mul3A_119] : memref<10240xf32, #tpu.memory_space<vmem_shared>> -> memref<640xf32, #tpu.memory_space<vmem_shared>>
      tpu.enqueue_dma source(%dma_start3A_122 : memref<640xf32, #tpu.memory_space<vmem_shared>>) target(%dma_start3A_121 : memref<640xf32, #tpu.memory_space<hbm>>) target_semaphore(%run_scoped3A_120 : memref<!tpu.dma_semaphore, #tpu.memory_space<semaphore_mem>>)
      %dma_wait3A_123 = tpu.memref_slice %arg4[%arg0, %mul3A_119] : memref<2x10240xf32, #tpu.memory_space<hbm>> -> memref<1x640xf32, #tpu.memory_space<hbm>>
      %dma_wait3A_124 = tpu.memref_squeeze %dma_wait3A_123 : memref<1x640xf32, #tpu.memory_space<hbm>> -> memref<640xf32, #tpu.memory_space<hbm>>
      %dma_wait3A_125 = tpu.memref_slice %arg9[%mul3A_119] : memref<10240xf32, #tpu.memory_space<vmem_shared>> -> memref<640xf32, #tpu.memory_space<vmem_shared>>
      tpu.wait_dma2 semaphore(%run_scoped3A_120 : memref<!tpu.dma_semaphore, #tpu.memory_space<semaphore_mem>>) src(%dma_wait3A_125 : memref<640xf32, #tpu.memory_space<vmem_shared>>) dst(%dma_wait3A_124 : memref<640xf32, #tpu.memory_space<hbm>>)
      tpu.yield
    }) : () -> ()
    "tpu.region"() ({
      %run_scoped3A_120 = tpu.sem_alloc : memref<!tpu.dma_semaphore, #tpu.memory_space<semaphore_mem>>
      %dma_start3A = tpu.memref_slice %arg5[%arg0, %mul3A_119] : memref<2x10240xf32, #tpu.memory_space<hbm>> -> memref<1x640xf32, #tpu.memory_space<hbm>>
      %dma_start3A_121 = tpu.memref_squeeze %dma_start3A : memref<1x640xf32, #tpu.memory_space<hbm>> -> memref<640xf32, #tpu.memory_space<hbm>>
      %dma_start3A_122 = tpu.memref_slice %arg10[%mul3A_119] : memref<10240xf32, #tpu.memory_space<vmem_shared>> -> memref<640xf32, #tpu.memory_space<vmem_shared>>
      tpu.enqueue_dma source(%dma_start3A_122 : memref<640xf32, #tpu.memory_space<vmem_shared>>) target(%dma_start3A_121 : memref<640xf32, #tpu.memory_space<hbm>>) target_semaphore(%run_scoped3A_120 : memref<!tpu.dma_semaphore, #tpu.memory_space<semaphore_mem>>)
      %dma_wait3A_123 = tpu.memref_slice %arg5[%arg0, %mul3A_119] : memref<2x10240xf32, #tpu.memory_space<hbm>> -> memref<1x640xf32, #tpu.memory_space<hbm>>
      %dma_wait3A_124 = tpu.memref_squeeze %dma_wait3A_123 : memref<1x640xf32, #tpu.memory_space<hbm>> -> memref<640xf32, #tpu.memory_space<hbm>>
      %dma_wait3A_125 = tpu.memref_slice %arg10[%mul3A_119] : memref<10240xf32, #tpu.memory_space<vmem_shared>> -> memref<640xf32, #tpu.memory_space<vmem_shared>>
      tpu.wait_dma2 semaphore(%run_scoped3A_120 : memref<!tpu.dma_semaphore, #tpu.memory_space<semaphore_mem>>) src(%dma_wait3A_125 : memref<640xf32, #tpu.memory_space<vmem_shared>>) dst(%dma_wait3A_124 : memref<640xf32, #tpu.memory_space<hbm>>)
      tpu.yield
    }) : () -> ()
    return
  }
}

#map = affine_map<(d0, d1) -> (0, 0, 0)>
#map1 = affine_map<(d0, d1) -> (0, 0, 0, 0)>
#map2 = affine_map<(d0, d1) -> (0)>
#map3 = affine_map<(d0, d1) -> (0, 0)>
module attributes {stable_mosaic.version = 14 : i64} {
  func.func @_mid_body(%arg0: i32, %arg1: i32, %arg2: memref<2x10240x64xf32, #tpu.memory_space<hbm>>, %arg3: memref<2x16x200x100xi32, #tpu.memory_space<hbm>>, %arg4: memref<10240xf32, #tpu.memory_space<hbm>>, %arg5: memref<10240x16xf32, #tpu.memory_space<hbm>>, %arg6: memref<2x16x200x100xi32, #tpu.memory_space<hbm>>, %arg7: memref<2x10240x64xf32, #tpu.memory_space<hbm>>, %arg8: memref<2x10240xf32, #tpu.memory_space<hbm>>, %arg9: memref<2x10240x16xf32, #tpu.memory_space<hbm>>, %arg10: memref<100x100xi32, #tpu.memory_space<vmem>>, %arg11: memref<100x100xi32, #tpu.memory_space<vmem>>, %arg12: memref<100x100xi32, #tpu.memory_space<vmem>>, %arg13: memref<100x100xi32, #tpu.memory_space<vmem>>, %arg14: memref<100x64xf32, #tpu.memory_space<vmem>>, %arg15: memref<100x64xf32, #tpu.memory_space<vmem>>, %arg16: memref<100x64xf32, #tpu.memory_space<vmem>>, %arg17: memref<100x64xf32, #tpu.memory_space<vmem>>, %arg18: memref<100xf32, #tpu.memory_space<vmem>>, %arg19: memref<100xf32, #tpu.memory_space<vmem>>, %arg20: memref<100xf32, #tpu.memory_space<vmem>>, %arg21: memref<100xf32, #tpu.memory_space<vmem>>, %arg22: memref<100x16xf32, #tpu.memory_space<vmem>>, %arg23: memref<100x16xf32, #tpu.memory_space<vmem>>, %arg24: memref<100x16xf32, #tpu.memory_space<vmem>>, %arg25: memref<100x16xf32, #tpu.memory_space<vmem>>, %arg26: memref<10240x64xf32, #tpu.memory_space<vmem_shared>>, %arg27: memref<10240xf32, #tpu.memory_space<vmem_shared>>, %arg28: memref<10240x16xf32, #tpu.memory_space<vmem_shared>>, %arg29: memref<!tpu.dma_semaphore, #tpu.memory_space<semaphore_mem>>, %arg30: memref<!tpu.dma_semaphore, #tpu.memory_space<semaphore_mem>>, %arg31: memref<!tpu.dma_semaphore, #tpu.memory_space<semaphore_mem>>, %arg32: memref<!tpu.dma_semaphore, #tpu.memory_space<semaphore_mem>>, %arg33: memref<!tpu.dma_semaphore, #tpu.memory_space<semaphore_mem>>, %arg34: memref<!tpu.dma_semaphore, #tpu.memory_space<semaphore_mem>>, %arg35: memref<!tpu.dma_semaphore, #tpu.memory_space<semaphore_mem>>, %arg36: memref<!tpu.dma_semaphore, #tpu.memory_space<semaphore_mem>>, %arg37: memref<!tpu.dma_semaphore, #tpu.memory_space<semaphore_mem>>, %arg38: memref<!tpu.dma_semaphore, #tpu.memory_space<semaphore_mem>>, %arg39: memref<!tpu.dma_semaphore, #tpu.memory_space<semaphore_mem>>, %arg40: memref<!tpu.dma_semaphore, #tpu.memory_space<semaphore_mem>>) attributes {dimension_semantics = [#tpu.dimension_semantics<core_parallel>, #tpu.dimension_semantics<subcore_parallel>], iteration_bounds = array<i64: 2, 16>, scalar_prefetch = 0 : i64, scratch_operands = 31 : i64, tpu.core_type = #tpu.core_type<sc_vector_subcore>, window_params = [{transform_indices = #map}, {transform_indices = #map1}, {transform_indices = #map2}, {transform_indices = #map3}, {transform_indices = #map1}, {transform_indices = #map}, {transform_indices = #map3}, {transform_indices = #map}]} {
    %broadcast_in_dim3A = arith.constant 0.000000e+00 : f32
    %broadcast_in_dim3A_0 = vector.broadcast %broadcast_in_dim3A : f32 to vector<16xf32>
    %scan3A = arith.constant 0 : i32
    %scan3A_1 = arith.constant 0 : i32
    %scan3A_2 = arith.constant 100 : i32
    %scan3A_3 = arith.addi %scan3A_1, %scan3A_2 : i32
    %scan3A_4 = arith.constant 1 : i32
    %scan3A_5 = scf.for %scan3A_267 = %scan3A_1 to %scan3A_3 step %scan3A_4 iter_args(%scan3A_268 = %scan3A) -> (i32)  : i32 {
      %swap3A = arith.index_cast %scan3A_267 : i32 to index
      %swap3A_269 = arith.constant 0 : index
      %swap3A_270 = tpu.vector_load %arg14[%swap3A, %swap3A_269] {strides = array<i32>} : memref<100x64xf32, #tpu.memory_space<vmem>>, vector<1x16xf32>,
      %swap3A_271 = vector.shape_cast %swap3A_270 : vector<1x16xf32> to vector<16xf32>
      %swap3A_272 = vector.shape_cast %broadcast_in_dim3A_0 : vector<16xf32> to vector<1x16xf32>
      tpu.vector_store %arg14[%swap3A, %swap3A_269], %swap3A_272 {strides = array<i32>} : memref<100x64xf32, #tpu.memory_space<vmem>>, vector<1x16xf32>,
      %swap3A_273 = arith.index_cast %scan3A_267 : i32 to index
      %swap3A_274 = arith.constant 16 : index
      %swap3A_275 = tpu.vector_load %arg14[%swap3A_273, %swap3A_274] {strides = array<i32>} : memref<100x64xf32, #tpu.memory_space<vmem>>, vector<1x16xf32>,
      %swap3A_276 = vector.shape_cast %swap3A_275 : vector<1x16xf32> to vector<16xf32>
      %swap3A_277 = vector.shape_cast %broadcast_in_dim3A_0 : vector<16xf32> to vector<1x16xf32>
      tpu.vector_store %arg14[%swap3A_273, %swap3A_274], %swap3A_277 {strides = array<i32>} : memref<100x64xf32, #tpu.memory_space<vmem>>, vector<1x16xf32>,
      %swap3A_278 = arith.index_cast %scan3A_267 : i32 to index
      %swap3A_279 = arith.constant 32 : index
      %swap3A_280 = tpu.vector_load %arg14[%swap3A_278, %swap3A_279] {strides = array<i32>} : memref<100x64xf32, #tpu.memory_space<vmem>>, vector<1x16xf32>,
      %swap3A_281 = vector.shape_cast %swap3A_280 : vector<1x16xf32> to vector<16xf32>
      %swap3A_282 = vector.shape_cast %broadcast_in_dim3A_0 : vector<16xf32> to vector<1x16xf32>
      tpu.vector_store %arg14[%swap3A_278, %swap3A_279], %swap3A_282 {strides = array<i32>} : memref<100x64xf32, #tpu.memory_space<vmem>>, vector<1x16xf32>,
      %swap3A_283 = arith.index_cast %scan3A_267 : i32 to index
      %swap3A_284 = arith.constant 48 : index
      %swap3A_285 = tpu.vector_load %arg14[%swap3A_283, %swap3A_284] {strides = array<i32>} : memref<100x64xf32, #tpu.memory_space<vmem>>, vector<1x16xf32>,
      %swap3A_286 = vector.shape_cast %swap3A_285 : vector<1x16xf32> to vector<16xf32>
      %swap3A_287 = vector.shape_cast %broadcast_in_dim3A_0 : vector<16xf32> to vector<1x16xf32>
      tpu.vector_store %arg14[%swap3A_283, %swap3A_284], %swap3A_287 {strides = array<i32>} : memref<100x64xf32, #tpu.memory_space<vmem>>, vector<1x16xf32>,
      %scan3A_288 = arith.constant 0 : i32
      scf.yield %scan3A_288 : i32
    }
    %scan3A_6 = arith.constant 100 : i32
    %mul3A = arith.constant 640 : i32
    %mul3A_7 = arith.muli %arg1, %mul3A : i32
    %add3A = arith.constant 0 : i32
    %add3A_8 = arith.addi %mul3A_7, %add3A : i32
    "tpu.region"() ({
      %run_scoped3A_267 = tpu.sem_alloc : memref<!tpu.dma_semaphore, #tpu.memory_space<semaphore_mem>>
      %dma_start3A_268 = arith.constant 0 : i32
      %dma_start3A_269 = arith.constant 0 : i32
      %dma_start3A_270 = tpu.memref_slice %arg14[%dma_start3A_268, %dma_start3A_269] : memref<100x64xf32, #tpu.memory_space<vmem>> -> memref<80x64xf32, #tpu.memory_space<vmem>>
      %dma_start3A_271 = arith.constant 0 : i32
      %dma_start3A_272 = tpu.memref_slice %arg26[%add3A_8, %dma_start3A_271] : memref<10240x64xf32, #tpu.memory_space<vmem_shared>> -> memref<80x64xf32, #tpu.memory_space<vmem_shared>>
      %dma_start3A_273 = arith.constant 0 : i32
      %dma_start3A_274 = tpu.memref_slice %arg26[%add3A_8, %dma_start3A_273] : memref<10240x64xf32, #tpu.memory_space<vmem_shared>> -> memref<80x64xf32, #tpu.memory_space<vmem_shared>>
      %dma_start3A_275 = arith.constant 0 : i32
      %dma_start3A_276 = arith.constant 0 : i32
      %dma_start3A_277 = tpu.memref_slice %arg14[%dma_start3A_275, %dma_start3A_276] : memref<100x64xf32, #tpu.memory_space<vmem>> -> memref<80x64xf32, #tpu.memory_space<vmem>>
      tpu.enqueue_dma source(%dma_start3A_277 : memref<80x64xf32, #tpu.memory_space<vmem>>) target(%dma_start3A_274 : memref<80x64xf32, #tpu.memory_space<vmem_shared>>) target_semaphore(%run_scoped3A_267 : memref<!tpu.dma_semaphore, #tpu.memory_space<semaphore_mem>>)
      %dma_wait3A = arith.constant 0 : i32
      %dma_wait3A_278 = arith.constant 0 : i32
      %dma_wait3A_279 = tpu.memref_slice %arg14[%dma_wait3A, %dma_wait3A_278] : memref<100x64xf32, #tpu.memory_space<vmem>> -> memref<80x64xf32, #tpu.memory_space<vmem>>
      %dma_wait3A_280 = arith.constant 0 : i32
      %dma_wait3A_281 = tpu.memref_slice %arg26[%add3A_8, %dma_wait3A_280] : memref<10240x64xf32, #tpu.memory_space<vmem_shared>> -> memref<80x64xf32, #tpu.memory_space<vmem_shared>>
      %dma_wait3A_282 = arith.constant 0 : i32
      %dma_wait3A_283 = tpu.memref_slice %arg26[%add3A_8, %dma_wait3A_282] : memref<10240x64xf32, #tpu.memory_space<vmem_shared>> -> memref<80x64xf32, #tpu.memory_space<vmem_shared>>
      %dma_wait3A_284 = arith.constant 0 : i32
      %dma_wait3A_285 = arith.constant 0 : i32
      %dma_wait3A_286 = tpu.memref_slice %arg14[%dma_wait3A_284, %dma_wait3A_285] : memref<100x64xf32, #tpu.memory_space<vmem>> -> memref<80x64xf32, #tpu.memory_space<vmem>>
      tpu.wait_dma2 semaphore(%run_scoped3A_267 : memref<!tpu.dma_semaphore, #tpu.memory_space<semaphore_mem>>) src(%dma_wait3A_286 : memref<80x64xf32, #tpu.memory_space<vmem>>) dst(%dma_wait3A_283 : memref<80x64xf32, #tpu.memory_space<vmem_shared>>)
      tpu.yield
    }) : () -> ()
    %mul3A_9 = arith.constant 640 : i32
    %mul3A_10 = arith.muli %arg1, %mul3A_9 : i32
    %add3A_11 = arith.constant 80 : i32
    %add3A_12 = arith.addi %mul3A_10, %add3A_11 : i32
    "tpu.region"() ({
      %run_scoped3A_267 = tpu.sem_alloc : memref<!tpu.dma_semaphore, #tpu.memory_space<semaphore_mem>>
      %dma_start3A_268 = arith.constant 0 : i32
      %dma_start3A_269 = arith.constant 0 : i32
      %dma_start3A_270 = tpu.memref_slice %arg14[%dma_start3A_268, %dma_start3A_269] : memref<100x64xf32, #tpu.memory_space<vmem>> -> memref<80x64xf32, #tpu.memory_space<vmem>>
      %dma_start3A_271 = arith.constant 0 : i32
      %dma_start3A_272 = tpu.memref_slice %arg26[%add3A_12, %dma_start3A_271] : memref<10240x64xf32, #tpu.memory_space<vmem_shared>> -> memref<80x64xf32, #tpu.memory_space<vmem_shared>>
      %dma_start3A_273 = arith.constant 0 : i32
      %dma_start3A_274 = tpu.memref_slice %arg26[%add3A_12, %dma_start3A_273] : memref<10240x64xf32, #tpu.memory_space<vmem_shared>> -> memref<80x64xf32, #tpu.memory_space<vmem_shared>>
      %dma_start3A_275 = arith.constant 0 : i32
      %dma_start3A_276 = arith.constant 0 : i32
      %dma_start3A_277 = tpu.memref_slice %arg14[%dma_start3A_275, %dma_start3A_276] : memref<100x64xf32, #tpu.memory_space<vmem>> -> memref<80x64xf32, #tpu.memory_space<vmem>>
      tpu.enqueue_dma source(%dma_start3A_277 : memref<80x64xf32, #tpu.memory_space<vmem>>) target(%dma_start3A_274 : memref<80x64xf32, #tpu.memory_space<vmem_shared>>) target_semaphore(%run_scoped3A_267 : memref<!tpu.dma_semaphore, #tpu.memory_space<semaphore_mem>>)
      %dma_wait3A = arith.constant 0 : i32
      %dma_wait3A_278 = arith.constant 0 : i32
      %dma_wait3A_279 = tpu.memref_slice %arg14[%dma_wait3A, %dma_wait3A_278] : memref<100x64xf32, #tpu.memory_space<vmem>> -> memref<80x64xf32, #tpu.memory_space<vmem>>
      %dma_wait3A_280 = arith.constant 0 : i32
      %dma_wait3A_281 = tpu.memref_slice %arg26[%add3A_12, %dma_wait3A_280] : memref<10240x64xf32, #tpu.memory_space<vmem_shared>> -> memref<80x64xf32, #tpu.memory_space<vmem_shared>>
      %dma_wait3A_282 = arith.constant 0 : i32
      %dma_wait3A_283 = tpu.memref_slice %arg26[%add3A_12, %dma_wait3A_282] : memref<10240x64xf32, #tpu.memory_space<vmem_shared>> -> memref<80x64xf32, #tpu.memory_space<vmem_shared>>
      %dma_wait3A_284 = arith.constant 0 : i32
      %dma_wait3A_285 = arith.constant 0 : i32
      %dma_wait3A_286 = tpu.memref_slice %arg14[%dma_wait3A_284, %dma_wait3A_285] : memref<100x64xf32, #tpu.memory_space<vmem>> -> memref<80x64xf32, #tpu.memory_space<vmem>>
      tpu.wait_dma2 semaphore(%run_scoped3A_267 : memref<!tpu.dma_semaphore, #tpu.memory_space<semaphore_mem>>) src(%dma_wait3A_286 : memref<80x64xf32, #tpu.memory_space<vmem>>) dst(%dma_wait3A_283 : memref<80x64xf32, #tpu.memory_space<vmem_shared>>)
      tpu.yield
    }) : () -> ()
    %mul3A_13 = arith.constant 640 : i32
    %mul3A_14 = arith.muli %arg1, %mul3A_13 : i32
    %add3A_15 = arith.constant 160 : i32
    %add3A_16 = arith.addi %mul3A_14, %add3A_15 : i32
    "tpu.region"() ({
      %run_scoped3A_267 = tpu.sem_alloc : memref<!tpu.dma_semaphore, #tpu.memory_space<semaphore_mem>>
      %dma_start3A_268 = arith.constant 0 : i32
      %dma_start3A_269 = arith.constant 0 : i32
      %dma_start3A_270 = tpu.memref_slice %arg14[%dma_start3A_268, %dma_start3A_269] : memref<100x64xf32, #tpu.memory_space<vmem>> -> memref<80x64xf32, #tpu.memory_space<vmem>>
      %dma_start3A_271 = arith.constant 0 : i32
      %dma_start3A_272 = tpu.memref_slice %arg26[%add3A_16, %dma_start3A_271] : memref<10240x64xf32, #tpu.memory_space<vmem_shared>> -> memref<80x64xf32, #tpu.memory_space<vmem_shared>>
      %dma_start3A_273 = arith.constant 0 : i32
      %dma_start3A_274 = tpu.memref_slice %arg26[%add3A_16, %dma_start3A_273] : memref<10240x64xf32, #tpu.memory_space<vmem_shared>> -> memref<80x64xf32, #tpu.memory_space<vmem_shared>>
      %dma_start3A_275 = arith.constant 0 : i32
      %dma_start3A_276 = arith.constant 0 : i32
      %dma_start3A_277 = tpu.memref_slice %arg14[%dma_start3A_275, %dma_start3A_276] : memref<100x64xf32, #tpu.memory_space<vmem>> -> memref<80x64xf32, #tpu.memory_space<vmem>>
      tpu.enqueue_dma source(%dma_start3A_277 : memref<80x64xf32, #tpu.memory_space<vmem>>) target(%dma_start3A_274 : memref<80x64xf32, #tpu.memory_space<vmem_shared>>) target_semaphore(%run_scoped3A_267 : memref<!tpu.dma_semaphore, #tpu.memory_space<semaphore_mem>>)
      %dma_wait3A = arith.constant 0 : i32
      %dma_wait3A_278 = arith.constant 0 : i32
      %dma_wait3A_279 = tpu.memref_slice %arg14[%dma_wait3A, %dma_wait3A_278] : memref<100x64xf32, #tpu.memory_space<vmem>> -> memref<80x64xf32, #tpu.memory_space<vmem>>
      %dma_wait3A_280 = arith.constant 0 : i32
      %dma_wait3A_281 = tpu.memref_slice %arg26[%add3A_16, %dma_wait3A_280] : memref<10240x64xf32, #tpu.memory_space<vmem_shared>> -> memref<80x64xf32, #tpu.memory_space<vmem_shared>>
      %dma_wait3A_282 = arith.constant 0 : i32
      %dma_wait3A_283 = tpu.memref_slice %arg26[%add3A_16, %dma_wait3A_282] : memref<10240x64xf32, #tpu.memory_space<vmem_shared>> -> memref<80x64xf32, #tpu.memory_space<vmem_shared>>
      %dma_wait3A_284 = arith.constant 0 : i32
      %dma_wait3A_285 = arith.constant 0 : i32
      %dma_wait3A_286 = tpu.memref_slice %arg14[%dma_wait3A_284, %dma_wait3A_285] : memref<100x64xf32, #tpu.memory_space<vmem>> -> memref<80x64xf32, #tpu.memory_space<vmem>>
      tpu.wait_dma2 semaphore(%run_scoped3A_267 : memref<!tpu.dma_semaphore, #tpu.memory_space<semaphore_mem>>) src(%dma_wait3A_286 : memref<80x64xf32, #tpu.memory_space<vmem>>) dst(%dma_wait3A_283 : memref<80x64xf32, #tpu.memory_space<vmem_shared>>)
      tpu.yield
    }) : () -> ()
    %mul3A_17 = arith.constant 640 : i32
    %mul3A_18 = arith.muli %arg1, %mul3A_17 : i32
    %add3A_19 = arith.constant 240 : i32
    %add3A_20 = arith.addi %mul3A_18, %add3A_19 : i32
    "tpu.region"() ({
      %run_scoped3A_267 = tpu.sem_alloc : memref<!tpu.dma_semaphore, #tpu.memory_space<semaphore_mem>>
      %dma_start3A_268 = arith.constant 0 : i32
      %dma_start3A_269 = arith.constant 0 : i32
      %dma_start3A_270 = tpu.memref_slice %arg14[%dma_start3A_268, %dma_start3A_269] : memref<100x64xf32, #tpu.memory_space<vmem>> -> memref<80x64xf32, #tpu.memory_space<vmem>>
      %dma_start3A_271 = arith.constant 0 : i32
      %dma_start3A_272 = tpu.memref_slice %arg26[%add3A_20, %dma_start3A_271] : memref<10240x64xf32, #tpu.memory_space<vmem_shared>> -> memref<80x64xf32, #tpu.memory_space<vmem_shared>>
      %dma_start3A_273 = arith.constant 0 : i32
      %dma_start3A_274 = tpu.memref_slice %arg26[%add3A_20, %dma_start3A_273] : memref<10240x64xf32, #tpu.memory_space<vmem_shared>> -> memref<80x64xf32, #tpu.memory_space<vmem_shared>>
      %dma_start3A_275 = arith.constant 0 : i32
      %dma_start3A_276 = arith.constant 0 : i32
      %dma_start3A_277 = tpu.memref_slice %arg14[%dma_start3A_275, %dma_start3A_276] : memref<100x64xf32, #tpu.memory_space<vmem>> -> memref<80x64xf32, #tpu.memory_space<vmem>>
      tpu.enqueue_dma source(%dma_start3A_277 : memref<80x64xf32, #tpu.memory_space<vmem>>) target(%dma_start3A_274 : memref<80x64xf32, #tpu.memory_space<vmem_shared>>) target_semaphore(%run_scoped3A_267 : memref<!tpu.dma_semaphore, #tpu.memory_space<semaphore_mem>>)
      %dma_wait3A = arith.constant 0 : i32
      %dma_wait3A_278 = arith.constant 0 : i32
      %dma_wait3A_279 = tpu.memref_slice %arg14[%dma_wait3A, %dma_wait3A_278] : memref<100x64xf32, #tpu.memory_space<vmem>> -> memref<80x64xf32, #tpu.memory_space<vmem>>
      %dma_wait3A_280 = arith.constant 0 : i32
      %dma_wait3A_281 = tpu.memref_slice %arg26[%add3A_20, %dma_wait3A_280] : memref<10240x64xf32, #tpu.memory_space<vmem_shared>> -> memref<80x64xf32, #tpu.memory_space<vmem_shared>>
      %dma_wait3A_282 = arith.constant 0 : i32
      %dma_wait3A_283 = tpu.memref_slice %arg26[%add3A_20, %dma_wait3A_282] : memref<10240x64xf32, #tpu.memory_space<vmem_shared>> -> memref<80x64xf32, #tpu.memory_space<vmem_shared>>
      %dma_wait3A_284 = arith.constant 0 : i32
      %dma_wait3A_285 = arith.constant 0 : i32
      %dma_wait3A_286 = tpu.memref_slice %arg14[%dma_wait3A_284, %dma_wait3A_285] : memref<100x64xf32, #tpu.memory_space<vmem>> -> memref<80x64xf32, #tpu.memory_space<vmem>>
      tpu.wait_dma2 semaphore(%run_scoped3A_267 : memref<!tpu.dma_semaphore, #tpu.memory_space<semaphore_mem>>) src(%dma_wait3A_286 : memref<80x64xf32, #tpu.memory_space<vmem>>) dst(%dma_wait3A_283 : memref<80x64xf32, #tpu.memory_space<vmem_shared>>)
      tpu.yield
    }) : () -> ()
    %mul3A_21 = arith.constant 640 : i32
    %mul3A_22 = arith.muli %arg1, %mul3A_21 : i32
    %add3A_23 = arith.constant 320 : i32
    %add3A_24 = arith.addi %mul3A_22, %add3A_23 : i32
    "tpu.region"() ({
      %run_scoped3A_267 = tpu.sem_alloc : memref<!tpu.dma_semaphore, #tpu.memory_space<semaphore_mem>>
      %dma_start3A_268 = arith.constant 0 : i32
      %dma_start3A_269 = arith.constant 0 : i32
      %dma_start3A_270 = tpu.memref_slice %arg14[%dma_start3A_268, %dma_start3A_269] : memref<100x64xf32, #tpu.memory_space<vmem>> -> memref<80x64xf32, #tpu.memory_space<vmem>>
      %dma_start3A_271 = arith.constant 0 : i32
      %dma_start3A_272 = tpu.memref_slice %arg26[%add3A_24, %dma_start3A_271] : memref<10240x64xf32, #tpu.memory_space<vmem_shared>> -> memref<80x64xf32, #tpu.memory_space<vmem_shared>>
      %dma_start3A_273 = arith.constant 0 : i32
      %dma_start3A_274 = tpu.memref_slice %arg26[%add3A_24, %dma_start3A_273] : memref<10240x64xf32, #tpu.memory_space<vmem_shared>> -> memref<80x64xf32, #tpu.memory_space<vmem_shared>>
      %dma_start3A_275 = arith.constant 0 : i32
      %dma_start3A_276 = arith.constant 0 : i32
      %dma_start3A_277 = tpu.memref_slice %arg14[%dma_start3A_275, %dma_start3A_276] : memref<100x64xf32, #tpu.memory_space<vmem>> -> memref<80x64xf32, #tpu.memory_space<vmem>>
      tpu.enqueue_dma source(%dma_start3A_277 : memref<80x64xf32, #tpu.memory_space<vmem>>) target(%dma_start3A_274 : memref<80x64xf32, #tpu.memory_space<vmem_shared>>) target_semaphore(%run_scoped3A_267 : memref<!tpu.dma_semaphore, #tpu.memory_space<semaphore_mem>>)
      %dma_wait3A = arith.constant 0 : i32
      %dma_wait3A_278 = arith.constant 0 : i32
      %dma_wait3A_279 = tpu.memref_slice %arg14[%dma_wait3A, %dma_wait3A_278] : memref<100x64xf32, #tpu.memory_space<vmem>> -> memref<80x64xf32, #tpu.memory_space<vmem>>
      %dma_wait3A_280 = arith.constant 0 : i32
      %dma_wait3A_281 = tpu.memref_slice %arg26[%add3A_24, %dma_wait3A_280] : memref<10240x64xf32, #tpu.memory_space<vmem_shared>> -> memref<80x64xf32, #tpu.memory_space<vmem_shared>>
      %dma_wait3A_282 = arith.constant 0 : i32
      %dma_wait3A_283 = tpu.memref_slice %arg26[%add3A_24, %dma_wait3A_282] : memref<10240x64xf32, #tpu.memory_space<vmem_shared>> -> memref<80x64xf32, #tpu.memory_space<vmem_shared>>
      %dma_wait3A_284 = arith.constant 0 : i32
      %dma_wait3A_285 = arith.constant 0 : i32
      %dma_wait3A_286 = tpu.memref_slice %arg14[%dma_wait3A_284, %dma_wait3A_285] : memref<100x64xf32, #tpu.memory_space<vmem>> -> memref<80x64xf32, #tpu.memory_space<vmem>>
      tpu.wait_dma2 semaphore(%run_scoped3A_267 : memref<!tpu.dma_semaphore, #tpu.memory_space<semaphore_mem>>) src(%dma_wait3A_286 : memref<80x64xf32, #tpu.memory_space<vmem>>) dst(%dma_wait3A_283 : memref<80x64xf32, #tpu.memory_space<vmem_shared>>)
      tpu.yield
    }) : () -> ()
    %mul3A_25 = arith.constant 640 : i32
    %mul3A_26 = arith.muli %arg1, %mul3A_25 : i32
    %add3A_27 = arith.constant 400 : i32
    %add3A_28 = arith.addi %mul3A_26, %add3A_27 : i32
    "tpu.region"() ({
      %run_scoped3A_267 = tpu.sem_alloc : memref<!tpu.dma_semaphore, #tpu.memory_space<semaphore_mem>>
      %dma_start3A_268 = arith.constant 0 : i32
      %dma_start3A_269 = arith.constant 0 : i32
      %dma_start3A_270 = tpu.memref_slice %arg14[%dma_start3A_268, %dma_start3A_269] : memref<100x64xf32, #tpu.memory_space<vmem>> -> memref<80x64xf32, #tpu.memory_space<vmem>>
      %dma_start3A_271 = arith.constant 0 : i32
      %dma_start3A_272 = tpu.memref_slice %arg26[%add3A_28, %dma_start3A_271] : memref<10240x64xf32, #tpu.memory_space<vmem_shared>> -> memref<80x64xf32, #tpu.memory_space<vmem_shared>>
      %dma_start3A_273 = arith.constant 0 : i32
      %dma_start3A_274 = tpu.memref_slice %arg26[%add3A_28, %dma_start3A_273] : memref<10240x64xf32, #tpu.memory_space<vmem_shared>> -> memref<80x64xf32, #tpu.memory_space<vmem_shared>>
      %dma_start3A_275 = arith.constant 0 : i32
      %dma_start3A_276 = arith.constant 0 : i32
      %dma_start3A_277 = tpu.memref_slice %arg14[%dma_start3A_275, %dma_start3A_276] : memref<100x64xf32, #tpu.memory_space<vmem>> -> memref<80x64xf32, #tpu.memory_space<vmem>>
      tpu.enqueue_dma source(%dma_start3A_277 : memref<80x64xf32, #tpu.memory_space<vmem>>) target(%dma_start3A_274 : memref<80x64xf32, #tpu.memory_space<vmem_shared>>) target_semaphore(%run_scoped3A_267 : memref<!tpu.dma_semaphore, #tpu.memory_space<semaphore_mem>>)
      %dma_wait3A = arith.constant 0 : i32
      %dma_wait3A_278 = arith.constant 0 : i32
      %dma_wait3A_279 = tpu.memref_slice %arg14[%dma_wait3A, %dma_wait3A_278] : memref<100x64xf32, #tpu.memory_space<vmem>> -> memref<80x64xf32, #tpu.memory_space<vmem>>
      %dma_wait3A_280 = arith.constant 0 : i32
      %dma_wait3A_281 = tpu.memref_slice %arg26[%add3A_28, %dma_wait3A_280] : memref<10240x64xf32, #tpu.memory_space<vmem_shared>> -> memref<80x64xf32, #tpu.memory_space<vmem_shared>>
      %dma_wait3A_282 = arith.constant 0 : i32
      %dma_wait3A_283 = tpu.memref_slice %arg26[%add3A_28, %dma_wait3A_282] : memref<10240x64xf32, #tpu.memory_space<vmem_shared>> -> memref<80x64xf32, #tpu.memory_space<vmem_shared>>
      %dma_wait3A_284 = arith.constant 0 : i32
      %dma_wait3A_285 = arith.constant 0 : i32
      %dma_wait3A_286 = tpu.memref_slice %arg14[%dma_wait3A_284, %dma_wait3A_285] : memref<100x64xf32, #tpu.memory_space<vmem>> -> memref<80x64xf32, #tpu.memory_space<vmem>>
      tpu.wait_dma2 semaphore(%run_scoped3A_267 : memref<!tpu.dma_semaphore, #tpu.memory_space<semaphore_mem>>) src(%dma_wait3A_286 : memref<80x64xf32, #tpu.memory_space<vmem>>) dst(%dma_wait3A_283 : memref<80x64xf32, #tpu.memory_space<vmem_shared>>)
      tpu.yield
    }) : () -> ()
    %mul3A_29 = arith.constant 640 : i32
    %mul3A_30 = arith.muli %arg1, %mul3A_29 : i32
    %add3A_31 = arith.constant 480 : i32
    %add3A_32 = arith.addi %mul3A_30, %add3A_31 : i32
    "tpu.region"() ({
      %run_scoped3A_267 = tpu.sem_alloc : memref<!tpu.dma_semaphore, #tpu.memory_space<semaphore_mem>>
      %dma_start3A_268 = arith.constant 0 : i32
      %dma_start3A_269 = arith.constant 0 : i32
      %dma_start3A_270 = tpu.memref_slice %arg14[%dma_start3A_268, %dma_start3A_269] : memref<100x64xf32, #tpu.memory_space<vmem>> -> memref<80x64xf32, #tpu.memory_space<vmem>>
      %dma_start3A_271 = arith.constant 0 : i32
      %dma_start3A_272 = tpu.memref_slice %arg26[%add3A_32, %dma_start3A_271] : memref<10240x64xf32, #tpu.memory_space<vmem_shared>> -> memref<80x64xf32, #tpu.memory_space<vmem_shared>>
      %dma_start3A_273 = arith.constant 0 : i32
      %dma_start3A_274 = tpu.memref_slice %arg26[%add3A_32, %dma_start3A_273] : memref<10240x64xf32, #tpu.memory_space<vmem_shared>> -> memref<80x64xf32, #tpu.memory_space<vmem_shared>>
      %dma_start3A_275 = arith.constant 0 : i32
      %dma_start3A_276 = arith.constant 0 : i32
      %dma_start3A_277 = tpu.memref_slice %arg14[%dma_start3A_275, %dma_start3A_276] : memref<100x64xf32, #tpu.memory_space<vmem>> -> memref<80x64xf32, #tpu.memory_space<vmem>>
      tpu.enqueue_dma source(%dma_start3A_277 : memref<80x64xf32, #tpu.memory_space<vmem>>) target(%dma_start3A_274 : memref<80x64xf32, #tpu.memory_space<vmem_shared>>) target_semaphore(%run_scoped3A_267 : memref<!tpu.dma_semaphore, #tpu.memory_space<semaphore_mem>>)
      %dma_wait3A = arith.constant 0 : i32
      %dma_wait3A_278 = arith.constant 0 : i32
      %dma_wait3A_279 = tpu.memref_slice %arg14[%dma_wait3A, %dma_wait3A_278] : memref<100x64xf32, #tpu.memory_space<vmem>> -> memref<80x64xf32, #tpu.memory_space<vmem>>
      %dma_wait3A_280 = arith.constant 0 : i32
      %dma_wait3A_281 = tpu.memref_slice %arg26[%add3A_32, %dma_wait3A_280] : memref<10240x64xf32, #tpu.memory_space<vmem_shared>> -> memref<80x64xf32, #tpu.memory_space<vmem_shared>>
      %dma_wait3A_282 = arith.constant 0 : i32
      %dma_wait3A_283 = tpu.memref_slice %arg26[%add3A_32, %dma_wait3A_282] : memref<10240x64xf32, #tpu.memory_space<vmem_shared>> -> memref<80x64xf32, #tpu.memory_space<vmem_shared>>
      %dma_wait3A_284 = arith.constant 0 : i32
      %dma_wait3A_285 = arith.constant 0 : i32
      %dma_wait3A_286 = tpu.memref_slice %arg14[%dma_wait3A_284, %dma_wait3A_285] : memref<100x64xf32, #tpu.memory_space<vmem>> -> memref<80x64xf32, #tpu.memory_space<vmem>>
      tpu.wait_dma2 semaphore(%run_scoped3A_267 : memref<!tpu.dma_semaphore, #tpu.memory_space<semaphore_mem>>) src(%dma_wait3A_286 : memref<80x64xf32, #tpu.memory_space<vmem>>) dst(%dma_wait3A_283 : memref<80x64xf32, #tpu.memory_space<vmem_shared>>)
      tpu.yield
    }) : () -> ()
    %mul3A_33 = arith.constant 640 : i32
    %mul3A_34 = arith.muli %arg1, %mul3A_33 : i32
    %add3A_35 = arith.constant 560 : i32
    %add3A_36 = arith.addi %mul3A_34, %add3A_35 : i32
    "tpu.region"() ({
      %run_scoped3A_267 = tpu.sem_alloc : memref<!tpu.dma_semaphore, #tpu.memory_space<semaphore_mem>>
      %dma_start3A_268 = arith.constant 0 : i32
      %dma_start3A_269 = arith.constant 0 : i32
      %dma_start3A_270 = tpu.memref_slice %arg14[%dma_start3A_268, %dma_start3A_269] : memref<100x64xf32, #tpu.memory_space<vmem>> -> memref<80x64xf32, #tpu.memory_space<vmem>>
      %dma_start3A_271 = arith.constant 0 : i32
      %dma_start3A_272 = tpu.memref_slice %arg26[%add3A_36, %dma_start3A_271] : memref<10240x64xf32, #tpu.memory_space<vmem_shared>> -> memref<80x64xf32, #tpu.memory_space<vmem_shared>>
      %dma_start3A_273 = arith.constant 0 : i32
      %dma_start3A_274 = tpu.memref_slice %arg26[%add3A_36, %dma_start3A_273] : memref<10240x64xf32, #tpu.memory_space<vmem_shared>> -> memref<80x64xf32, #tpu.memory_space<vmem_shared>>
      %dma_start3A_275 = arith.constant 0 : i32
      %dma_start3A_276 = arith.constant 0 : i32
      %dma_start3A_277 = tpu.memref_slice %arg14[%dma_start3A_275, %dma_start3A_276] : memref<100x64xf32, #tpu.memory_space<vmem>> -> memref<80x64xf32, #tpu.memory_space<vmem>>
      tpu.enqueue_dma source(%dma_start3A_277 : memref<80x64xf32, #tpu.memory_space<vmem>>) target(%dma_start3A_274 : memref<80x64xf32, #tpu.memory_space<vmem_shared>>) target_semaphore(%run_scoped3A_267 : memref<!tpu.dma_semaphore, #tpu.memory_space<semaphore_mem>>)
      %dma_wait3A = arith.constant 0 : i32
      %dma_wait3A_278 = arith.constant 0 : i32
      %dma_wait3A_279 = tpu.memref_slice %arg14[%dma_wait3A, %dma_wait3A_278] : memref<100x64xf32, #tpu.memory_space<vmem>> -> memref<80x64xf32, #tpu.memory_space<vmem>>
      %dma_wait3A_280 = arith.constant 0 : i32
      %dma_wait3A_281 = tpu.memref_slice %arg26[%add3A_36, %dma_wait3A_280] : memref<10240x64xf32, #tpu.memory_space<vmem_shared>> -> memref<80x64xf32, #tpu.memory_space<vmem_shared>>
      %dma_wait3A_282 = arith.constant 0 : i32
      %dma_wait3A_283 = tpu.memref_slice %arg26[%add3A_36, %dma_wait3A_282] : memref<10240x64xf32, #tpu.memory_space<vmem_shared>> -> memref<80x64xf32, #tpu.memory_space<vmem_shared>>
      %dma_wait3A_284 = arith.constant 0 : i32
      %dma_wait3A_285 = arith.constant 0 : i32
      %dma_wait3A_286 = tpu.memref_slice %arg14[%dma_wait3A_284, %dma_wait3A_285] : memref<100x64xf32, #tpu.memory_space<vmem>> -> memref<80x64xf32, #tpu.memory_space<vmem>>
      tpu.wait_dma2 semaphore(%run_scoped3A_267 : memref<!tpu.dma_semaphore, #tpu.memory_space<semaphore_mem>>) src(%dma_wait3A_286 : memref<80x64xf32, #tpu.memory_space<vmem>>) dst(%dma_wait3A_283 : memref<80x64xf32, #tpu.memory_space<vmem_shared>>)
      tpu.yield
    }) : () -> ()
    %broadcast_in_dim3A_37 = arith.constant 0.000000e+00 : f32
    %broadcast_in_dim3A_38 = vector.broadcast %broadcast_in_dim3A_37 : f32 to vector<16xf32>
    %scan3A_39 = arith.constant 0 : i32
    %scan3A_40 = arith.constant 0 : i32
    %scan3A_41 = arith.constant 100 : i32
    %scan3A_42 = arith.addi %scan3A_40, %scan3A_41 : i32
    %scan3A_43 = arith.constant 1 : i32
    %scan3A_44 = scf.for %scan3A_267 = %scan3A_40 to %scan3A_42 step %scan3A_43 iter_args(%scan3A_268 = %scan3A_39) -> (i32)  : i32 {
      %swap3A = arith.index_cast %scan3A_267 : i32 to index
      %swap3A_269 = arith.constant 0 : index
      %swap3A_270 = tpu.vector_load %arg22[%swap3A, %swap3A_269] {strides = array<i32>} : memref<100x16xf32, #tpu.memory_space<vmem>>, vector<1x16xf32>,
      %swap3A_271 = vector.shape_cast %swap3A_270 : vector<1x16xf32> to vector<16xf32>
      %swap3A_272 = vector.shape_cast %broadcast_in_dim3A_38 : vector<16xf32> to vector<1x16xf32>
      tpu.vector_store %arg22[%swap3A, %swap3A_269], %swap3A_272 {strides = array<i32>} : memref<100x16xf32, #tpu.memory_space<vmem>>, vector<1x16xf32>,
      %scan3A_273 = arith.constant 0 : i32
      scf.yield %scan3A_273 : i32
    }
    %scan3A_45 = arith.constant 100 : i32
    %mul3A_46 = arith.constant 640 : i32
    %mul3A_47 = arith.muli %arg1, %mul3A_46 : i32
    %add3A_48 = arith.constant 0 : i32
    %add3A_49 = arith.addi %mul3A_47, %add3A_48 : i32
    "tpu.region"() ({
      %run_scoped3A_267 = tpu.sem_alloc : memref<!tpu.dma_semaphore, #tpu.memory_space<semaphore_mem>>
      %dma_start3A_268 = arith.constant 0 : i32
      %dma_start3A_269 = arith.constant 0 : i32
      %dma_start3A_270 = tpu.memref_slice %arg22[%dma_start3A_268, %dma_start3A_269] : memref<100x16xf32, #tpu.memory_space<vmem>> -> memref<80x16xf32, #tpu.memory_space<vmem>>
      %dma_start3A_271 = arith.constant 0 : i32
      %dma_start3A_272 = tpu.memref_slice %arg28[%add3A_49, %dma_start3A_271] : memref<10240x16xf32, #tpu.memory_space<vmem_shared>> -> memref<80x16xf32, #tpu.memory_space<vmem_shared>>
      %dma_start3A_273 = arith.constant 0 : i32
      %dma_start3A_274 = tpu.memref_slice %arg28[%add3A_49, %dma_start3A_273] : memref<10240x16xf32, #tpu.memory_space<vmem_shared>> -> memref<80x16xf32, #tpu.memory_space<vmem_shared>>
      %dma_start3A_275 = arith.constant 0 : i32
      %dma_start3A_276 = arith.constant 0 : i32
      %dma_start3A_277 = tpu.memref_slice %arg22[%dma_start3A_275, %dma_start3A_276] : memref<100x16xf32, #tpu.memory_space<vmem>> -> memref<80x16xf32, #tpu.memory_space<vmem>>
      tpu.enqueue_dma source(%dma_start3A_277 : memref<80x16xf32, #tpu.memory_space<vmem>>) target(%dma_start3A_274 : memref<80x16xf32, #tpu.memory_space<vmem_shared>>) target_semaphore(%run_scoped3A_267 : memref<!tpu.dma_semaphore, #tpu.memory_space<semaphore_mem>>)
      %dma_wait3A = arith.constant 0 : i32
      %dma_wait3A_278 = arith.constant 0 : i32
      %dma_wait3A_279 = tpu.memref_slice %arg22[%dma_wait3A, %dma_wait3A_278] : memref<100x16xf32, #tpu.memory_space<vmem>> -> memref<80x16xf32, #tpu.memory_space<vmem>>
      %dma_wait3A_280 = arith.constant 0 : i32
      %dma_wait3A_281 = tpu.memref_slice %arg28[%add3A_49, %dma_wait3A_280] : memref<10240x16xf32, #tpu.memory_space<vmem_shared>> -> memref<80x16xf32, #tpu.memory_space<vmem_shared>>
      %dma_wait3A_282 = arith.constant 0 : i32
      %dma_wait3A_283 = tpu.memref_slice %arg28[%add3A_49, %dma_wait3A_282] : memref<10240x16xf32, #tpu.memory_space<vmem_shared>> -> memref<80x16xf32, #tpu.memory_space<vmem_shared>>
      %dma_wait3A_284 = arith.constant 0 : i32
      %dma_wait3A_285 = arith.constant 0 : i32
      %dma_wait3A_286 = tpu.memref_slice %arg22[%dma_wait3A_284, %dma_wait3A_285] : memref<100x16xf32, #tpu.memory_space<vmem>> -> memref<80x16xf32, #tpu.memory_space<vmem>>
      tpu.wait_dma2 semaphore(%run_scoped3A_267 : memref<!tpu.dma_semaphore, #tpu.memory_space<semaphore_mem>>) src(%dma_wait3A_286 : memref<80x16xf32, #tpu.memory_space<vmem>>) dst(%dma_wait3A_283 : memref<80x16xf32, #tpu.memory_space<vmem_shared>>)
      tpu.yield
    }) : () -> ()
    %mul3A_50 = arith.constant 640 : i32
    %mul3A_51 = arith.muli %arg1, %mul3A_50 : i32
    %add3A_52 = arith.constant 80 : i32
    %add3A_53 = arith.addi %mul3A_51, %add3A_52 : i32
    "tpu.region"() ({
      %run_scoped3A_267 = tpu.sem_alloc : memref<!tpu.dma_semaphore, #tpu.memory_space<semaphore_mem>>
      %dma_start3A_268 = arith.constant 0 : i32
      %dma_start3A_269 = arith.constant 0 : i32
      %dma_start3A_270 = tpu.memref_slice %arg22[%dma_start3A_268, %dma_start3A_269] : memref<100x16xf32, #tpu.memory_space<vmem>> -> memref<80x16xf32, #tpu.memory_space<vmem>>
      %dma_start3A_271 = arith.constant 0 : i32
      %dma_start3A_272 = tpu.memref_slice %arg28[%add3A_53, %dma_start3A_271] : memref<10240x16xf32, #tpu.memory_space<vmem_shared>> -> memref<80x16xf32, #tpu.memory_space<vmem_shared>>
      %dma_start3A_273 = arith.constant 0 : i32
      %dma_start3A_274 = tpu.memref_slice %arg28[%add3A_53, %dma_start3A_273] : memref<10240x16xf32, #tpu.memory_space<vmem_shared>> -> memref<80x16xf32, #tpu.memory_space<vmem_shared>>
      %dma_start3A_275 = arith.constant 0 : i32
      %dma_start3A_276 = arith.constant 0 : i32
      %dma_start3A_277 = tpu.memref_slice %arg22[%dma_start3A_275, %dma_start3A_276] : memref<100x16xf32, #tpu.memory_space<vmem>> -> memref<80x16xf32, #tpu.memory_space<vmem>>
      tpu.enqueue_dma source(%dma_start3A_277 : memref<80x16xf32, #tpu.memory_space<vmem>>) target(%dma_start3A_274 : memref<80x16xf32, #tpu.memory_space<vmem_shared>>) target_semaphore(%run_scoped3A_267 : memref<!tpu.dma_semaphore, #tpu.memory_space<semaphore_mem>>)
      %dma_wait3A = arith.constant 0 : i32
      %dma_wait3A_278 = arith.constant 0 : i32
      %dma_wait3A_279 = tpu.memref_slice %arg22[%dma_wait3A, %dma_wait3A_278] : memref<100x16xf32, #tpu.memory_space<vmem>> -> memref<80x16xf32, #tpu.memory_space<vmem>>
      %dma_wait3A_280 = arith.constant 0 : i32
      %dma_wait3A_281 = tpu.memref_slice %arg28[%add3A_53, %dma_wait3A_280] : memref<10240x16xf32, #tpu.memory_space<vmem_shared>> -> memref<80x16xf32, #tpu.memory_space<vmem_shared>>
      %dma_wait3A_282 = arith.constant 0 : i32
      %dma_wait3A_283 = tpu.memref_slice %arg28[%add3A_53, %dma_wait3A_282] : memref<10240x16xf32, #tpu.memory_space<vmem_shared>> -> memref<80x16xf32, #tpu.memory_space<vmem_shared>>
      %dma_wait3A_284 = arith.constant 0 : i32
      %dma_wait3A_285 = arith.constant 0 : i32
      %dma_wait3A_286 = tpu.memref_slice %arg22[%dma_wait3A_284, %dma_wait3A_285] : memref<100x16xf32, #tpu.memory_space<vmem>> -> memref<80x16xf32, #tpu.memory_space<vmem>>
      tpu.wait_dma2 semaphore(%run_scoped3A_267 : memref<!tpu.dma_semaphore, #tpu.memory_space<semaphore_mem>>) src(%dma_wait3A_286 : memref<80x16xf32, #tpu.memory_space<vmem>>) dst(%dma_wait3A_283 : memref<80x16xf32, #tpu.memory_space<vmem_shared>>)
      tpu.yield
    }) : () -> ()
    %mul3A_54 = arith.constant 640 : i32
    %mul3A_55 = arith.muli %arg1, %mul3A_54 : i32
    %add3A_56 = arith.constant 160 : i32
    %add3A_57 = arith.addi %mul3A_55, %add3A_56 : i32
    "tpu.region"() ({
      %run_scoped3A_267 = tpu.sem_alloc : memref<!tpu.dma_semaphore, #tpu.memory_space<semaphore_mem>>
      %dma_start3A_268 = arith.constant 0 : i32
      %dma_start3A_269 = arith.constant 0 : i32
      %dma_start3A_270 = tpu.memref_slice %arg22[%dma_start3A_268, %dma_start3A_269] : memref<100x16xf32, #tpu.memory_space<vmem>> -> memref<80x16xf32, #tpu.memory_space<vmem>>
      %dma_start3A_271 = arith.constant 0 : i32
      %dma_start3A_272 = tpu.memref_slice %arg28[%add3A_57, %dma_start3A_271] : memref<10240x16xf32, #tpu.memory_space<vmem_shared>> -> memref<80x16xf32, #tpu.memory_space<vmem_shared>>
      %dma_start3A_273 = arith.constant 0 : i32
      %dma_start3A_274 = tpu.memref_slice %arg28[%add3A_57, %dma_start3A_273] : memref<10240x16xf32, #tpu.memory_space<vmem_shared>> -> memref<80x16xf32, #tpu.memory_space<vmem_shared>>
      %dma_start3A_275 = arith.constant 0 : i32
      %dma_start3A_276 = arith.constant 0 : i32
      %dma_start3A_277 = tpu.memref_slice %arg22[%dma_start3A_275, %dma_start3A_276] : memref<100x16xf32, #tpu.memory_space<vmem>> -> memref<80x16xf32, #tpu.memory_space<vmem>>
      tpu.enqueue_dma source(%dma_start3A_277 : memref<80x16xf32, #tpu.memory_space<vmem>>) target(%dma_start3A_274 : memref<80x16xf32, #tpu.memory_space<vmem_shared>>) target_semaphore(%run_scoped3A_267 : memref<!tpu.dma_semaphore, #tpu.memory_space<semaphore_mem>>)
      %dma_wait3A = arith.constant 0 : i32
      %dma_wait3A_278 = arith.constant 0 : i32
      %dma_wait3A_279 = tpu.memref_slice %arg22[%dma_wait3A, %dma_wait3A_278] : memref<100x16xf32, #tpu.memory_space<vmem>> -> memref<80x16xf32, #tpu.memory_space<vmem>>
      %dma_wait3A_280 = arith.constant 0 : i32
      %dma_wait3A_281 = tpu.memref_slice %arg28[%add3A_57, %dma_wait3A_280] : memref<10240x16xf32, #tpu.memory_space<vmem_shared>> -> memref<80x16xf32, #tpu.memory_space<vmem_shared>>
      %dma_wait3A_282 = arith.constant 0 : i32
      %dma_wait3A_283 = tpu.memref_slice %arg28[%add3A_57, %dma_wait3A_282] : memref<10240x16xf32, #tpu.memory_space<vmem_shared>> -> memref<80x16xf32, #tpu.memory_space<vmem_shared>>
      %dma_wait3A_284 = arith.constant 0 : i32
      %dma_wait3A_285 = arith.constant 0 : i32
      %dma_wait3A_286 = tpu.memref_slice %arg22[%dma_wait3A_284, %dma_wait3A_285] : memref<100x16xf32, #tpu.memory_space<vmem>> -> memref<80x16xf32, #tpu.memory_space<vmem>>
      tpu.wait_dma2 semaphore(%run_scoped3A_267 : memref<!tpu.dma_semaphore, #tpu.memory_space<semaphore_mem>>) src(%dma_wait3A_286 : memref<80x16xf32, #tpu.memory_space<vmem>>) dst(%dma_wait3A_283 : memref<80x16xf32, #tpu.memory_space<vmem_shared>>)
      tpu.yield
    }) : () -> ()
    %mul3A_58 = arith.constant 640 : i32
    %mul3A_59 = arith.muli %arg1, %mul3A_58 : i32
    %add3A_60 = arith.constant 240 : i32
    %add3A_61 = arith.addi %mul3A_59, %add3A_60 : i32
    "tpu.region"() ({
      %run_scoped3A_267 = tpu.sem_alloc : memref<!tpu.dma_semaphore, #tpu.memory_space<semaphore_mem>>
      %dma_start3A_268 = arith.constant 0 : i32
      %dma_start3A_269 = arith.constant 0 : i32
      %dma_start3A_270 = tpu.memref_slice %arg22[%dma_start3A_268, %dma_start3A_269] : memref<100x16xf32, #tpu.memory_space<vmem>> -> memref<80x16xf32, #tpu.memory_space<vmem>>
      %dma_start3A_271 = arith.constant 0 : i32
      %dma_start3A_272 = tpu.memref_slice %arg28[%add3A_61, %dma_start3A_271] : memref<10240x16xf32, #tpu.memory_space<vmem_shared>> -> memref<80x16xf32, #tpu.memory_space<vmem_shared>>
      %dma_start3A_273 = arith.constant 0 : i32
      %dma_start3A_274 = tpu.memref_slice %arg28[%add3A_61, %dma_start3A_273] : memref<10240x16xf32, #tpu.memory_space<vmem_shared>> -> memref<80x16xf32, #tpu.memory_space<vmem_shared>>
      %dma_start3A_275 = arith.constant 0 : i32
      %dma_start3A_276 = arith.constant 0 : i32
      %dma_start3A_277 = tpu.memref_slice %arg22[%dma_start3A_275, %dma_start3A_276] : memref<100x16xf32, #tpu.memory_space<vmem>> -> memref<80x16xf32, #tpu.memory_space<vmem>>
      tpu.enqueue_dma source(%dma_start3A_277 : memref<80x16xf32, #tpu.memory_space<vmem>>) target(%dma_start3A_274 : memref<80x16xf32, #tpu.memory_space<vmem_shared>>) target_semaphore(%run_scoped3A_267 : memref<!tpu.dma_semaphore, #tpu.memory_space<semaphore_mem>>)
      %dma_wait3A = arith.constant 0 : i32
      %dma_wait3A_278 = arith.constant 0 : i32
      %dma_wait3A_279 = tpu.memref_slice %arg22[%dma_wait3A, %dma_wait3A_278] : memref<100x16xf32, #tpu.memory_space<vmem>> -> memref<80x16xf32, #tpu.memory_space<vmem>>
      %dma_wait3A_280 = arith.constant 0 : i32
      %dma_wait3A_281 = tpu.memref_slice %arg28[%add3A_61, %dma_wait3A_280] : memref<10240x16xf32, #tpu.memory_space<vmem_shared>> -> memref<80x16xf32, #tpu.memory_space<vmem_shared>>
      %dma_wait3A_282 = arith.constant 0 : i32
      %dma_wait3A_283 = tpu.memref_slice %arg28[%add3A_61, %dma_wait3A_282] : memref<10240x16xf32, #tpu.memory_space<vmem_shared>> -> memref<80x16xf32, #tpu.memory_space<vmem_shared>>
      %dma_wait3A_284 = arith.constant 0 : i32
      %dma_wait3A_285 = arith.constant 0 : i32
      %dma_wait3A_286 = tpu.memref_slice %arg22[%dma_wait3A_284, %dma_wait3A_285] : memref<100x16xf32, #tpu.memory_space<vmem>> -> memref<80x16xf32, #tpu.memory_space<vmem>>
      tpu.wait_dma2 semaphore(%run_scoped3A_267 : memref<!tpu.dma_semaphore, #tpu.memory_space<semaphore_mem>>) src(%dma_wait3A_286 : memref<80x16xf32, #tpu.memory_space<vmem>>) dst(%dma_wait3A_283 : memref<80x16xf32, #tpu.memory_space<vmem_shared>>)
      tpu.yield
    }) : () -> ()
    %mul3A_62 = arith.constant 640 : i32
    %mul3A_63 = arith.muli %arg1, %mul3A_62 : i32
    %add3A_64 = arith.constant 320 : i32
    %add3A_65 = arith.addi %mul3A_63, %add3A_64 : i32
    "tpu.region"() ({
      %run_scoped3A_267 = tpu.sem_alloc : memref<!tpu.dma_semaphore, #tpu.memory_space<semaphore_mem>>
      %dma_start3A_268 = arith.constant 0 : i32
      %dma_start3A_269 = arith.constant 0 : i32
      %dma_start3A_270 = tpu.memref_slice %arg22[%dma_start3A_268, %dma_start3A_269] : memref<100x16xf32, #tpu.memory_space<vmem>> -> memref<80x16xf32, #tpu.memory_space<vmem>>
      %dma_start3A_271 = arith.constant 0 : i32
      %dma_start3A_272 = tpu.memref_slice %arg28[%add3A_65, %dma_start3A_271] : memref<10240x16xf32, #tpu.memory_space<vmem_shared>> -> memref<80x16xf32, #tpu.memory_space<vmem_shared>>
      %dma_start3A_273 = arith.constant 0 : i32
      %dma_start3A_274 = tpu.memref_slice %arg28[%add3A_65, %dma_start3A_273] : memref<10240x16xf32, #tpu.memory_space<vmem_shared>> -> memref<80x16xf32, #tpu.memory_space<vmem_shared>>
      %dma_start3A_275 = arith.constant 0 : i32
      %dma_start3A_276 = arith.constant 0 : i32
      %dma_start3A_277 = tpu.memref_slice %arg22[%dma_start3A_275, %dma_start3A_276] : memref<100x16xf32, #tpu.memory_space<vmem>> -> memref<80x16xf32, #tpu.memory_space<vmem>>
      tpu.enqueue_dma source(%dma_start3A_277 : memref<80x16xf32, #tpu.memory_space<vmem>>) target(%dma_start3A_274 : memref<80x16xf32, #tpu.memory_space<vmem_shared>>) target_semaphore(%run_scoped3A_267 : memref<!tpu.dma_semaphore, #tpu.memory_space<semaphore_mem>>)
      %dma_wait3A = arith.constant 0 : i32
      %dma_wait3A_278 = arith.constant 0 : i32
      %dma_wait3A_279 = tpu.memref_slice %arg22[%dma_wait3A, %dma_wait3A_278] : memref<100x16xf32, #tpu.memory_space<vmem>> -> memref<80x16xf32, #tpu.memory_space<vmem>>
      %dma_wait3A_280 = arith.constant 0 : i32
      %dma_wait3A_281 = tpu.memref_slice %arg28[%add3A_65, %dma_wait3A_280] : memref<10240x16xf32, #tpu.memory_space<vmem_shared>> -> memref<80x16xf32, #tpu.memory_space<vmem_shared>>
      %dma_wait3A_282 = arith.constant 0 : i32
      %dma_wait3A_283 = tpu.memref_slice %arg28[%add3A_65, %dma_wait3A_282] : memref<10240x16xf32, #tpu.memory_space<vmem_shared>> -> memref<80x16xf32, #tpu.memory_space<vmem_shared>>
      %dma_wait3A_284 = arith.constant 0 : i32
      %dma_wait3A_285 = arith.constant 0 : i32
      %dma_wait3A_286 = tpu.memref_slice %arg22[%dma_wait3A_284, %dma_wait3A_285] : memref<100x16xf32, #tpu.memory_space<vmem>> -> memref<80x16xf32, #tpu.memory_space<vmem>>
      tpu.wait_dma2 semaphore(%run_scoped3A_267 : memref<!tpu.dma_semaphore, #tpu.memory_space<semaphore_mem>>) src(%dma_wait3A_286 : memref<80x16xf32, #tpu.memory_space<vmem>>) dst(%dma_wait3A_283 : memref<80x16xf32, #tpu.memory_space<vmem_shared>>)
      tpu.yield
    }) : () -> ()
    %mul3A_66 = arith.constant 640 : i32
    %mul3A_67 = arith.muli %arg1, %mul3A_66 : i32
    %add3A_68 = arith.constant 400 : i32
    %add3A_69 = arith.addi %mul3A_67, %add3A_68 : i32
    "tpu.region"() ({
      %run_scoped3A_267 = tpu.sem_alloc : memref<!tpu.dma_semaphore, #tpu.memory_space<semaphore_mem>>
      %dma_start3A_268 = arith.constant 0 : i32
      %dma_start3A_269 = arith.constant 0 : i32
      %dma_start3A_270 = tpu.memref_slice %arg22[%dma_start3A_268, %dma_start3A_269] : memref<100x16xf32, #tpu.memory_space<vmem>> -> memref<80x16xf32, #tpu.memory_space<vmem>>
      %dma_start3A_271 = arith.constant 0 : i32
      %dma_start3A_272 = tpu.memref_slice %arg28[%add3A_69, %dma_start3A_271] : memref<10240x16xf32, #tpu.memory_space<vmem_shared>> -> memref<80x16xf32, #tpu.memory_space<vmem_shared>>
      %dma_start3A_273 = arith.constant 0 : i32
      %dma_start3A_274 = tpu.memref_slice %arg28[%add3A_69, %dma_start3A_273] : memref<10240x16xf32, #tpu.memory_space<vmem_shared>> -> memref<80x16xf32, #tpu.memory_space<vmem_shared>>
      %dma_start3A_275 = arith.constant 0 : i32
      %dma_start3A_276 = arith.constant 0 : i32
      %dma_start3A_277 = tpu.memref_slice %arg22[%dma_start3A_275, %dma_start3A_276] : memref<100x16xf32, #tpu.memory_space<vmem>> -> memref<80x16xf32, #tpu.memory_space<vmem>>
      tpu.enqueue_dma source(%dma_start3A_277 : memref<80x16xf32, #tpu.memory_space<vmem>>) target(%dma_start3A_274 : memref<80x16xf32, #tpu.memory_space<vmem_shared>>) target_semaphore(%run_scoped3A_267 : memref<!tpu.dma_semaphore, #tpu.memory_space<semaphore_mem>>)
      %dma_wait3A = arith.constant 0 : i32
      %dma_wait3A_278 = arith.constant 0 : i32
      %dma_wait3A_279 = tpu.memref_slice %arg22[%dma_wait3A, %dma_wait3A_278] : memref<100x16xf32, #tpu.memory_space<vmem>> -> memref<80x16xf32, #tpu.memory_space<vmem>>
      %dma_wait3A_280 = arith.constant 0 : i32
      %dma_wait3A_281 = tpu.memref_slice %arg28[%add3A_69, %dma_wait3A_280] : memref<10240x16xf32, #tpu.memory_space<vmem_shared>> -> memref<80x16xf32, #tpu.memory_space<vmem_shared>>
      %dma_wait3A_282 = arith.constant 0 : i32
      %dma_wait3A_283 = tpu.memref_slice %arg28[%add3A_69, %dma_wait3A_282] : memref<10240x16xf32, #tpu.memory_space<vmem_shared>> -> memref<80x16xf32, #tpu.memory_space<vmem_shared>>
      %dma_wait3A_284 = arith.constant 0 : i32
      %dma_wait3A_285 = arith.constant 0 : i32
      %dma_wait3A_286 = tpu.memref_slice %arg22[%dma_wait3A_284, %dma_wait3A_285] : memref<100x16xf32, #tpu.memory_space<vmem>> -> memref<80x16xf32, #tpu.memory_space<vmem>>
      tpu.wait_dma2 semaphore(%run_scoped3A_267 : memref<!tpu.dma_semaphore, #tpu.memory_space<semaphore_mem>>) src(%dma_wait3A_286 : memref<80x16xf32, #tpu.memory_space<vmem>>) dst(%dma_wait3A_283 : memref<80x16xf32, #tpu.memory_space<vmem_shared>>)
      tpu.yield
    }) : () -> ()
    %mul3A_70 = arith.constant 640 : i32
    %mul3A_71 = arith.muli %arg1, %mul3A_70 : i32
    %add3A_72 = arith.constant 480 : i32
    %add3A_73 = arith.addi %mul3A_71, %add3A_72 : i32
    "tpu.region"() ({
      %run_scoped3A_267 = tpu.sem_alloc : memref<!tpu.dma_semaphore, #tpu.memory_space<semaphore_mem>>
      %dma_start3A_268 = arith.constant 0 : i32
      %dma_start3A_269 = arith.constant 0 : i32
      %dma_start3A_270 = tpu.memref_slice %arg22[%dma_start3A_268, %dma_start3A_269] : memref<100x16xf32, #tpu.memory_space<vmem>> -> memref<80x16xf32, #tpu.memory_space<vmem>>
      %dma_start3A_271 = arith.constant 0 : i32
      %dma_start3A_272 = tpu.memref_slice %arg28[%add3A_73, %dma_start3A_271] : memref<10240x16xf32, #tpu.memory_space<vmem_shared>> -> memref<80x16xf32, #tpu.memory_space<vmem_shared>>
      %dma_start3A_273 = arith.constant 0 : i32
      %dma_start3A_274 = tpu.memref_slice %arg28[%add3A_73, %dma_start3A_273] : memref<10240x16xf32, #tpu.memory_space<vmem_shared>> -> memref<80x16xf32, #tpu.memory_space<vmem_shared>>
      %dma_start3A_275 = arith.constant 0 : i32
      %dma_start3A_276 = arith.constant 0 : i32
      %dma_start3A_277 = tpu.memref_slice %arg22[%dma_start3A_275, %dma_start3A_276] : memref<100x16xf32, #tpu.memory_space<vmem>> -> memref<80x16xf32, #tpu.memory_space<vmem>>
      tpu.enqueue_dma source(%dma_start3A_277 : memref<80x16xf32, #tpu.memory_space<vmem>>) target(%dma_start3A_274 : memref<80x16xf32, #tpu.memory_space<vmem_shared>>) target_semaphore(%run_scoped3A_267 : memref<!tpu.dma_semaphore, #tpu.memory_space<semaphore_mem>>)
      %dma_wait3A = arith.constant 0 : i32
      %dma_wait3A_278 = arith.constant 0 : i32
      %dma_wait3A_279 = tpu.memref_slice %arg22[%dma_wait3A, %dma_wait3A_278] : memref<100x16xf32, #tpu.memory_space<vmem>> -> memref<80x16xf32, #tpu.memory_space<vmem>>
      %dma_wait3A_280 = arith.constant 0 : i32
      %dma_wait3A_281 = tpu.memref_slice %arg28[%add3A_73, %dma_wait3A_280] : memref<10240x16xf32, #tpu.memory_space<vmem_shared>> -> memref<80x16xf32, #tpu.memory_space<vmem_shared>>
      %dma_wait3A_282 = arith.constant 0 : i32
      %dma_wait3A_283 = tpu.memref_slice %arg28[%add3A_73, %dma_wait3A_282] : memref<10240x16xf32, #tpu.memory_space<vmem_shared>> -> memref<80x16xf32, #tpu.memory_space<vmem_shared>>
      %dma_wait3A_284 = arith.constant 0 : i32
      %dma_wait3A_285 = arith.constant 0 : i32
      %dma_wait3A_286 = tpu.memref_slice %arg22[%dma_wait3A_284, %dma_wait3A_285] : memref<100x16xf32, #tpu.memory_space<vmem>> -> memref<80x16xf32, #tpu.memory_space<vmem>>
      tpu.wait_dma2 semaphore(%run_scoped3A_267 : memref<!tpu.dma_semaphore, #tpu.memory_space<semaphore_mem>>) src(%dma_wait3A_286 : memref<80x16xf32, #tpu.memory_space<vmem>>) dst(%dma_wait3A_283 : memref<80x16xf32, #tpu.memory_space<vmem_shared>>)
      tpu.yield
    }) : () -> ()
    %mul3A_74 = arith.constant 640 : i32
    %mul3A_75 = arith.muli %arg1, %mul3A_74 : i32
    %add3A_76 = arith.constant 560 : i32
    %add3A_77 = arith.addi %mul3A_75, %add3A_76 : i32
    "tpu.region"() ({
      %run_scoped3A_267 = tpu.sem_alloc : memref<!tpu.dma_semaphore, #tpu.memory_space<semaphore_mem>>
      %dma_start3A_268 = arith.constant 0 : i32
      %dma_start3A_269 = arith.constant 0 : i32
      %dma_start3A_270 = tpu.memref_slice %arg22[%dma_start3A_268, %dma_start3A_269] : memref<100x16xf32, #tpu.memory_space<vmem>> -> memref<80x16xf32, #tpu.memory_space<vmem>>
      %dma_start3A_271 = arith.constant 0 : i32
      %dma_start3A_272 = tpu.memref_slice %arg28[%add3A_77, %dma_start3A_271] : memref<10240x16xf32, #tpu.memory_space<vmem_shared>> -> memref<80x16xf32, #tpu.memory_space<vmem_shared>>
      %dma_start3A_273 = arith.constant 0 : i32
      %dma_start3A_274 = tpu.memref_slice %arg28[%add3A_77, %dma_start3A_273] : memref<10240x16xf32, #tpu.memory_space<vmem_shared>> -> memref<80x16xf32, #tpu.memory_space<vmem_shared>>
      %dma_start3A_275 = arith.constant 0 : i32
      %dma_start3A_276 = arith.constant 0 : i32
      %dma_start3A_277 = tpu.memref_slice %arg22[%dma_start3A_275, %dma_start3A_276] : memref<100x16xf32, #tpu.memory_space<vmem>> -> memref<80x16xf32, #tpu.memory_space<vmem>>
      tpu.enqueue_dma source(%dma_start3A_277 : memref<80x16xf32, #tpu.memory_space<vmem>>) target(%dma_start3A_274 : memref<80x16xf32, #tpu.memory_space<vmem_shared>>) target_semaphore(%run_scoped3A_267 : memref<!tpu.dma_semaphore, #tpu.memory_space<semaphore_mem>>)
      %dma_wait3A = arith.constant 0 : i32
      %dma_wait3A_278 = arith.constant 0 : i32
      %dma_wait3A_279 = tpu.memref_slice %arg22[%dma_wait3A, %dma_wait3A_278] : memref<100x16xf32, #tpu.memory_space<vmem>> -> memref<80x16xf32, #tpu.memory_space<vmem>>
      %dma_wait3A_280 = arith.constant 0 : i32
      %dma_wait3A_281 = tpu.memref_slice %arg28[%add3A_77, %dma_wait3A_280] : memref<10240x16xf32, #tpu.memory_space<vmem_shared>> -> memref<80x16xf32, #tpu.memory_space<vmem_shared>>
      %dma_wait3A_282 = arith.constant 0 : i32
      %dma_wait3A_283 = tpu.memref_slice %arg28[%add3A_77, %dma_wait3A_282] : memref<10240x16xf32, #tpu.memory_space<vmem_shared>> -> memref<80x16xf32, #tpu.memory_space<vmem_shared>>
      %dma_wait3A_284 = arith.constant 0 : i32
      %dma_wait3A_285 = arith.constant 0 : i32
      %dma_wait3A_286 = tpu.memref_slice %arg22[%dma_wait3A_284, %dma_wait3A_285] : memref<100x16xf32, #tpu.memory_space<vmem>> -> memref<80x16xf32, #tpu.memory_space<vmem>>
      tpu.wait_dma2 semaphore(%run_scoped3A_267 : memref<!tpu.dma_semaphore, #tpu.memory_space<semaphore_mem>>) src(%dma_wait3A_286 : memref<80x16xf32, #tpu.memory_space<vmem>>) dst(%dma_wait3A_283 : memref<80x16xf32, #tpu.memory_space<vmem_shared>>)
      tpu.yield
    }) : () -> ()
    %broadcast_in_dim3A_78 = arith.constant 0.000000e+00 : f32
    %broadcast_in_dim3A_79 = vector.broadcast %broadcast_in_dim3A_78 : f32 to vector<16xf32>
    %scan3A_80 = arith.constant 0 : i32
    %scan3A_81 = arith.constant 0 : i32
    %scan3A_82 = arith.constant 6 : i32
    %scan3A_83 = arith.addi %scan3A_81, %scan3A_82 : i32
    %scan3A_84 = arith.constant 1 : i32
    %scan3A_85 = scf.for %scan3A_267 = %scan3A_81 to %scan3A_83 step %scan3A_84 iter_args(%scan3A_268 = %scan3A_80) -> (i32)  : i32 {
      %mul3A_269 = arith.constant 16 : i32
      %mul3A_270 = arith.muli %scan3A_267, %mul3A_269 : i32
      %swap3A = arith.index_cast %mul3A_270 : i32 to index
      %swap3A_271 = tpu.vector_load %arg18[%swap3A] {strides = array<i32>} : memref<100xf32, #tpu.memory_space<vmem>>, vector<16xf32>,
      %swap3A_272 = vector.shape_cast %swap3A_271 : vector<16xf32> to vector<16xf32>
      %swap3A_273 = vector.shape_cast %broadcast_in_dim3A_79 : vector<16xf32> to vector<16xf32>
      tpu.vector_store %arg18[%swap3A], %swap3A_273 {strides = array<i32>} : memref<100xf32, #tpu.memory_space<vmem>>, vector<16xf32>,
      %scan3A_274 = arith.constant 0 : i32
      scf.yield %scan3A_274 : i32
    }
    %scan3A_86 = arith.constant 6 : i32
    %mul3A_87 = arith.constant 640 : i32
    %mul3A_88 = arith.muli %arg1, %mul3A_87 : i32
    %add3A_89 = arith.constant 0 : i32
    %add3A_90 = arith.addi %mul3A_88, %add3A_89 : i32
    "tpu.region"() ({
      %run_scoped3A_267 = tpu.sem_alloc : memref<!tpu.dma_semaphore, #tpu.memory_space<semaphore_mem>>
      %dma_start3A_268 = arith.constant 0 : i32
      %dma_start3A_269 = tpu.memref_slice %arg18[%dma_start3A_268] : memref<100xf32, #tpu.memory_space<vmem>> -> memref<80xf32, #tpu.memory_space<vmem>>
      %dma_start3A_270 = tpu.memref_slice %arg27[%add3A_90] : memref<10240xf32, #tpu.memory_space<vmem_shared>> -> memref<80xf32, #tpu.memory_space<vmem_shared>>
      %dma_start3A_271 = tpu.memref_slice %arg27[%add3A_90] : memref<10240xf32, #tpu.memory_space<vmem_shared>> -> memref<80xf32, #tpu.memory_space<vmem_shared>>
      %dma_start3A_272 = arith.constant 0 : i32
      %dma_start3A_273 = tpu.memref_slice %arg18[%dma_start3A_272] : memref<100xf32, #tpu.memory_space<vmem>> -> memref<80xf32, #tpu.memory_space<vmem>>
      tpu.enqueue_dma source(%dma_start3A_273 : memref<80xf32, #tpu.memory_space<vmem>>) target(%dma_start3A_271 : memref<80xf32, #tpu.memory_space<vmem_shared>>) target_semaphore(%run_scoped3A_267 : memref<!tpu.dma_semaphore, #tpu.memory_space<semaphore_mem>>)
      %dma_wait3A = arith.constant 0 : i32
      %dma_wait3A_274 = tpu.memref_slice %arg18[%dma_wait3A] : memref<100xf32, #tpu.memory_space<vmem>> -> memref<80xf32, #tpu.memory_space<vmem>>
      %dma_wait3A_275 = tpu.memref_slice %arg27[%add3A_90] : memref<10240xf32, #tpu.memory_space<vmem_shared>> -> memref<80xf32, #tpu.memory_space<vmem_shared>>
      %dma_wait3A_276 = tpu.memref_slice %arg27[%add3A_90] : memref<10240xf32, #tpu.memory_space<vmem_shared>> -> memref<80xf32, #tpu.memory_space<vmem_shared>>
      %dma_wait3A_277 = arith.constant 0 : i32
      %dma_wait3A_278 = tpu.memref_slice %arg18[%dma_wait3A_277] : memref<100xf32, #tpu.memory_space<vmem>> -> memref<80xf32, #tpu.memory_space<vmem>>
      tpu.wait_dma2 semaphore(%run_scoped3A_267 : memref<!tpu.dma_semaphore, #tpu.memory_space<semaphore_mem>>) src(%dma_wait3A_278 : memref<80xf32, #tpu.memory_space<vmem>>) dst(%dma_wait3A_276 : memref<80xf32, #tpu.memory_space<vmem_shared>>)
      tpu.yield
    }) : () -> ()
    %mul3A_91 = arith.constant 640 : i32
    %mul3A_92 = arith.muli %arg1, %mul3A_91 : i32
    %add3A_93 = arith.constant 80 : i32
    %add3A_94 = arith.addi %mul3A_92, %add3A_93 : i32
    "tpu.region"() ({
      %run_scoped3A_267 = tpu.sem_alloc : memref<!tpu.dma_semaphore, #tpu.memory_space<semaphore_mem>>
      %dma_start3A_268 = arith.constant 0 : i32
      %dma_start3A_269 = tpu.memref_slice %arg18[%dma_start3A_268] : memref<100xf32, #tpu.memory_space<vmem>> -> memref<80xf32, #tpu.memory_space<vmem>>
      %dma_start3A_270 = tpu.memref_slice %arg27[%add3A_94] : memref<10240xf32, #tpu.memory_space<vmem_shared>> -> memref<80xf32, #tpu.memory_space<vmem_shared>>
      %dma_start3A_271 = tpu.memref_slice %arg27[%add3A_94] : memref<10240xf32, #tpu.memory_space<vmem_shared>> -> memref<80xf32, #tpu.memory_space<vmem_shared>>
      %dma_start3A_272 = arith.constant 0 : i32
      %dma_start3A_273 = tpu.memref_slice %arg18[%dma_start3A_272] : memref<100xf32, #tpu.memory_space<vmem>> -> memref<80xf32, #tpu.memory_space<vmem>>
      tpu.enqueue_dma source(%dma_start3A_273 : memref<80xf32, #tpu.memory_space<vmem>>) target(%dma_start3A_271 : memref<80xf32, #tpu.memory_space<vmem_shared>>) target_semaphore(%run_scoped3A_267 : memref<!tpu.dma_semaphore, #tpu.memory_space<semaphore_mem>>)
      %dma_wait3A = arith.constant 0 : i32
      %dma_wait3A_274 = tpu.memref_slice %arg18[%dma_wait3A] : memref<100xf32, #tpu.memory_space<vmem>> -> memref<80xf32, #tpu.memory_space<vmem>>
      %dma_wait3A_275 = tpu.memref_slice %arg27[%add3A_94] : memref<10240xf32, #tpu.memory_space<vmem_shared>> -> memref<80xf32, #tpu.memory_space<vmem_shared>>
      %dma_wait3A_276 = tpu.memref_slice %arg27[%add3A_94] : memref<10240xf32, #tpu.memory_space<vmem_shared>> -> memref<80xf32, #tpu.memory_space<vmem_shared>>
      %dma_wait3A_277 = arith.constant 0 : i32
      %dma_wait3A_278 = tpu.memref_slice %arg18[%dma_wait3A_277] : memref<100xf32, #tpu.memory_space<vmem>> -> memref<80xf32, #tpu.memory_space<vmem>>
      tpu.wait_dma2 semaphore(%run_scoped3A_267 : memref<!tpu.dma_semaphore, #tpu.memory_space<semaphore_mem>>) src(%dma_wait3A_278 : memref<80xf32, #tpu.memory_space<vmem>>) dst(%dma_wait3A_276 : memref<80xf32, #tpu.memory_space<vmem_shared>>)
      tpu.yield
    }) : () -> ()
    %mul3A_95 = arith.constant 640 : i32
    %mul3A_96 = arith.muli %arg1, %mul3A_95 : i32
    %add3A_97 = arith.constant 160 : i32
    %add3A_98 = arith.addi %mul3A_96, %add3A_97 : i32
    "tpu.region"() ({
      %run_scoped3A_267 = tpu.sem_alloc : memref<!tpu.dma_semaphore, #tpu.memory_space<semaphore_mem>>
      %dma_start3A_268 = arith.constant 0 : i32
      %dma_start3A_269 = tpu.memref_slice %arg18[%dma_start3A_268] : memref<100xf32, #tpu.memory_space<vmem>> -> memref<80xf32, #tpu.memory_space<vmem>>
      %dma_start3A_270 = tpu.memref_slice %arg27[%add3A_98] : memref<10240xf32, #tpu.memory_space<vmem_shared>> -> memref<80xf32, #tpu.memory_space<vmem_shared>>
      %dma_start3A_271 = tpu.memref_slice %arg27[%add3A_98] : memref<10240xf32, #tpu.memory_space<vmem_shared>> -> memref<80xf32, #tpu.memory_space<vmem_shared>>
      %dma_start3A_272 = arith.constant 0 : i32
      %dma_start3A_273 = tpu.memref_slice %arg18[%dma_start3A_272] : memref<100xf32, #tpu.memory_space<vmem>> -> memref<80xf32, #tpu.memory_space<vmem>>
      tpu.enqueue_dma source(%dma_start3A_273 : memref<80xf32, #tpu.memory_space<vmem>>) target(%dma_start3A_271 : memref<80xf32, #tpu.memory_space<vmem_shared>>) target_semaphore(%run_scoped3A_267 : memref<!tpu.dma_semaphore, #tpu.memory_space<semaphore_mem>>)
      %dma_wait3A = arith.constant 0 : i32
      %dma_wait3A_274 = tpu.memref_slice %arg18[%dma_wait3A] : memref<100xf32, #tpu.memory_space<vmem>> -> memref<80xf32, #tpu.memory_space<vmem>>
      %dma_wait3A_275 = tpu.memref_slice %arg27[%add3A_98] : memref<10240xf32, #tpu.memory_space<vmem_shared>> -> memref<80xf32, #tpu.memory_space<vmem_shared>>
      %dma_wait3A_276 = tpu.memref_slice %arg27[%add3A_98] : memref<10240xf32, #tpu.memory_space<vmem_shared>> -> memref<80xf32, #tpu.memory_space<vmem_shared>>
      %dma_wait3A_277 = arith.constant 0 : i32
      %dma_wait3A_278 = tpu.memref_slice %arg18[%dma_wait3A_277] : memref<100xf32, #tpu.memory_space<vmem>> -> memref<80xf32, #tpu.memory_space<vmem>>
      tpu.wait_dma2 semaphore(%run_scoped3A_267 : memref<!tpu.dma_semaphore, #tpu.memory_space<semaphore_mem>>) src(%dma_wait3A_278 : memref<80xf32, #tpu.memory_space<vmem>>) dst(%dma_wait3A_276 : memref<80xf32, #tpu.memory_space<vmem_shared>>)
      tpu.yield
    }) : () -> ()
    %mul3A_99 = arith.constant 640 : i32
    %mul3A_100 = arith.muli %arg1, %mul3A_99 : i32
    %add3A_101 = arith.constant 240 : i32
    %add3A_102 = arith.addi %mul3A_100, %add3A_101 : i32
    "tpu.region"() ({
      %run_scoped3A_267 = tpu.sem_alloc : memref<!tpu.dma_semaphore, #tpu.memory_space<semaphore_mem>>
      %dma_start3A_268 = arith.constant 0 : i32
      %dma_start3A_269 = tpu.memref_slice %arg18[%dma_start3A_268] : memref<100xf32, #tpu.memory_space<vmem>> -> memref<80xf32, #tpu.memory_space<vmem>>
      %dma_start3A_270 = tpu.memref_slice %arg27[%add3A_102] : memref<10240xf32, #tpu.memory_space<vmem_shared>> -> memref<80xf32, #tpu.memory_space<vmem_shared>>
      %dma_start3A_271 = tpu.memref_slice %arg27[%add3A_102] : memref<10240xf32, #tpu.memory_space<vmem_shared>> -> memref<80xf32, #tpu.memory_space<vmem_shared>>
      %dma_start3A_272 = arith.constant 0 : i32
      %dma_start3A_273 = tpu.memref_slice %arg18[%dma_start3A_272] : memref<100xf32, #tpu.memory_space<vmem>> -> memref<80xf32, #tpu.memory_space<vmem>>
      tpu.enqueue_dma source(%dma_start3A_273 : memref<80xf32, #tpu.memory_space<vmem>>) target(%dma_start3A_271 : memref<80xf32, #tpu.memory_space<vmem_shared>>) target_semaphore(%run_scoped3A_267 : memref<!tpu.dma_semaphore, #tpu.memory_space<semaphore_mem>>)
      %dma_wait3A = arith.constant 0 : i32
      %dma_wait3A_274 = tpu.memref_slice %arg18[%dma_wait3A] : memref<100xf32, #tpu.memory_space<vmem>> -> memref<80xf32, #tpu.memory_space<vmem>>
      %dma_wait3A_275 = tpu.memref_slice %arg27[%add3A_102] : memref<10240xf32, #tpu.memory_space<vmem_shared>> -> memref<80xf32, #tpu.memory_space<vmem_shared>>
      %dma_wait3A_276 = tpu.memref_slice %arg27[%add3A_102] : memref<10240xf32, #tpu.memory_space<vmem_shared>> -> memref<80xf32, #tpu.memory_space<vmem_shared>>
      %dma_wait3A_277 = arith.constant 0 : i32
      %dma_wait3A_278 = tpu.memref_slice %arg18[%dma_wait3A_277] : memref<100xf32, #tpu.memory_space<vmem>> -> memref<80xf32, #tpu.memory_space<vmem>>
      tpu.wait_dma2 semaphore(%run_scoped3A_267 : memref<!tpu.dma_semaphore, #tpu.memory_space<semaphore_mem>>) src(%dma_wait3A_278 : memref<80xf32, #tpu.memory_space<vmem>>) dst(%dma_wait3A_276 : memref<80xf32, #tpu.memory_space<vmem_shared>>)
      tpu.yield
    }) : () -> ()
    %mul3A_103 = arith.constant 640 : i32
    %mul3A_104 = arith.muli %arg1, %mul3A_103 : i32
    %add3A_105 = arith.constant 320 : i32
    %add3A_106 = arith.addi %mul3A_104, %add3A_105 : i32
    "tpu.region"() ({
      %run_scoped3A_267 = tpu.sem_alloc : memref<!tpu.dma_semaphore, #tpu.memory_space<semaphore_mem>>
      %dma_start3A_268 = arith.constant 0 : i32
      %dma_start3A_269 = tpu.memref_slice %arg18[%dma_start3A_268] : memref<100xf32, #tpu.memory_space<vmem>> -> memref<80xf32, #tpu.memory_space<vmem>>
      %dma_start3A_270 = tpu.memref_slice %arg27[%add3A_106] : memref<10240xf32, #tpu.memory_space<vmem_shared>> -> memref<80xf32, #tpu.memory_space<vmem_shared>>
      %dma_start3A_271 = tpu.memref_slice %arg27[%add3A_106] : memref<10240xf32, #tpu.memory_space<vmem_shared>> -> memref<80xf32, #tpu.memory_space<vmem_shared>>
      %dma_start3A_272 = arith.constant 0 : i32
      %dma_start3A_273 = tpu.memref_slice %arg18[%dma_start3A_272] : memref<100xf32, #tpu.memory_space<vmem>> -> memref<80xf32, #tpu.memory_space<vmem>>
      tpu.enqueue_dma source(%dma_start3A_273 : memref<80xf32, #tpu.memory_space<vmem>>) target(%dma_start3A_271 : memref<80xf32, #tpu.memory_space<vmem_shared>>) target_semaphore(%run_scoped3A_267 : memref<!tpu.dma_semaphore, #tpu.memory_space<semaphore_mem>>)
      %dma_wait3A = arith.constant 0 : i32
      %dma_wait3A_274 = tpu.memref_slice %arg18[%dma_wait3A] : memref<100xf32, #tpu.memory_space<vmem>> -> memref<80xf32, #tpu.memory_space<vmem>>
      %dma_wait3A_275 = tpu.memref_slice %arg27[%add3A_106] : memref<10240xf32, #tpu.memory_space<vmem_shared>> -> memref<80xf32, #tpu.memory_space<vmem_shared>>
      %dma_wait3A_276 = tpu.memref_slice %arg27[%add3A_106] : memref<10240xf32, #tpu.memory_space<vmem_shared>> -> memref<80xf32, #tpu.memory_space<vmem_shared>>
      %dma_wait3A_277 = arith.constant 0 : i32
      %dma_wait3A_278 = tpu.memref_slice %arg18[%dma_wait3A_277] : memref<100xf32, #tpu.memory_space<vmem>> -> memref<80xf32, #tpu.memory_space<vmem>>
      tpu.wait_dma2 semaphore(%run_scoped3A_267 : memref<!tpu.dma_semaphore, #tpu.memory_space<semaphore_mem>>) src(%dma_wait3A_278 : memref<80xf32, #tpu.memory_space<vmem>>) dst(%dma_wait3A_276 : memref<80xf32, #tpu.memory_space<vmem_shared>>)
      tpu.yield
    }) : () -> ()
    %mul3A_107 = arith.constant 640 : i32
    %mul3A_108 = arith.muli %arg1, %mul3A_107 : i32
    %add3A_109 = arith.constant 400 : i32
    %add3A_110 = arith.addi %mul3A_108, %add3A_109 : i32
    "tpu.region"() ({
      %run_scoped3A_267 = tpu.sem_alloc : memref<!tpu.dma_semaphore, #tpu.memory_space<semaphore_mem>>
      %dma_start3A_268 = arith.constant 0 : i32
      %dma_start3A_269 = tpu.memref_slice %arg18[%dma_start3A_268] : memref<100xf32, #tpu.memory_space<vmem>> -> memref<80xf32, #tpu.memory_space<vmem>>
      %dma_start3A_270 = tpu.memref_slice %arg27[%add3A_110] : memref<10240xf32, #tpu.memory_space<vmem_shared>> -> memref<80xf32, #tpu.memory_space<vmem_shared>>
      %dma_start3A_271 = tpu.memref_slice %arg27[%add3A_110] : memref<10240xf32, #tpu.memory_space<vmem_shared>> -> memref<80xf32, #tpu.memory_space<vmem_shared>>
      %dma_start3A_272 = arith.constant 0 : i32
      %dma_start3A_273 = tpu.memref_slice %arg18[%dma_start3A_272] : memref<100xf32, #tpu.memory_space<vmem>> -> memref<80xf32, #tpu.memory_space<vmem>>
      tpu.enqueue_dma source(%dma_start3A_273 : memref<80xf32, #tpu.memory_space<vmem>>) target(%dma_start3A_271 : memref<80xf32, #tpu.memory_space<vmem_shared>>) target_semaphore(%run_scoped3A_267 : memref<!tpu.dma_semaphore, #tpu.memory_space<semaphore_mem>>)
      %dma_wait3A = arith.constant 0 : i32
      %dma_wait3A_274 = tpu.memref_slice %arg18[%dma_wait3A] : memref<100xf32, #tpu.memory_space<vmem>> -> memref<80xf32, #tpu.memory_space<vmem>>
      %dma_wait3A_275 = tpu.memref_slice %arg27[%add3A_110] : memref<10240xf32, #tpu.memory_space<vmem_shared>> -> memref<80xf32, #tpu.memory_space<vmem_shared>>
      %dma_wait3A_276 = tpu.memref_slice %arg27[%add3A_110] : memref<10240xf32, #tpu.memory_space<vmem_shared>> -> memref<80xf32, #tpu.memory_space<vmem_shared>>
      %dma_wait3A_277 = arith.constant 0 : i32
      %dma_wait3A_278 = tpu.memref_slice %arg18[%dma_wait3A_277] : memref<100xf32, #tpu.memory_space<vmem>> -> memref<80xf32, #tpu.memory_space<vmem>>
      tpu.wait_dma2 semaphore(%run_scoped3A_267 : memref<!tpu.dma_semaphore, #tpu.memory_space<semaphore_mem>>) src(%dma_wait3A_278 : memref<80xf32, #tpu.memory_space<vmem>>) dst(%dma_wait3A_276 : memref<80xf32, #tpu.memory_space<vmem_shared>>)
      tpu.yield
    }) : () -> ()
    %mul3A_111 = arith.constant 640 : i32
    %mul3A_112 = arith.muli %arg1, %mul3A_111 : i32
    %add3A_113 = arith.constant 480 : i32
    %add3A_114 = arith.addi %mul3A_112, %add3A_113 : i32
    "tpu.region"() ({
      %run_scoped3A_267 = tpu.sem_alloc : memref<!tpu.dma_semaphore, #tpu.memory_space<semaphore_mem>>
      %dma_start3A_268 = arith.constant 0 : i32
      %dma_start3A_269 = tpu.memref_slice %arg18[%dma_start3A_268] : memref<100xf32, #tpu.memory_space<vmem>> -> memref<80xf32, #tpu.memory_space<vmem>>
      %dma_start3A_270 = tpu.memref_slice %arg27[%add3A_114] : memref<10240xf32, #tpu.memory_space<vmem_shared>> -> memref<80xf32, #tpu.memory_space<vmem_shared>>
      %dma_start3A_271 = tpu.memref_slice %arg27[%add3A_114] : memref<10240xf32, #tpu.memory_space<vmem_shared>> -> memref<80xf32, #tpu.memory_space<vmem_shared>>
      %dma_start3A_272 = arith.constant 0 : i32
      %dma_start3A_273 = tpu.memref_slice %arg18[%dma_start3A_272] : memref<100xf32, #tpu.memory_space<vmem>> -> memref<80xf32, #tpu.memory_space<vmem>>
      tpu.enqueue_dma source(%dma_start3A_273 : memref<80xf32, #tpu.memory_space<vmem>>) target(%dma_start3A_271 : memref<80xf32, #tpu.memory_space<vmem_shared>>) target_semaphore(%run_scoped3A_267 : memref<!tpu.dma_semaphore, #tpu.memory_space<semaphore_mem>>)
      %dma_wait3A = arith.constant 0 : i32
      %dma_wait3A_274 = tpu.memref_slice %arg18[%dma_wait3A] : memref<100xf32, #tpu.memory_space<vmem>> -> memref<80xf32, #tpu.memory_space<vmem>>
      %dma_wait3A_275 = tpu.memref_slice %arg27[%add3A_114] : memref<10240xf32, #tpu.memory_space<vmem_shared>> -> memref<80xf32, #tpu.memory_space<vmem_shared>>
      %dma_wait3A_276 = tpu.memref_slice %arg27[%add3A_114] : memref<10240xf32, #tpu.memory_space<vmem_shared>> -> memref<80xf32, #tpu.memory_space<vmem_shared>>
      %dma_wait3A_277 = arith.constant 0 : i32
      %dma_wait3A_278 = tpu.memref_slice %arg18[%dma_wait3A_277] : memref<100xf32, #tpu.memory_space<vmem>> -> memref<80xf32, #tpu.memory_space<vmem>>
      tpu.wait_dma2 semaphore(%run_scoped3A_267 : memref<!tpu.dma_semaphore, #tpu.memory_space<semaphore_mem>>) src(%dma_wait3A_278 : memref<80xf32, #tpu.memory_space<vmem>>) dst(%dma_wait3A_276 : memref<80xf32, #tpu.memory_space<vmem_shared>>)
      tpu.yield
    }) : () -> ()
    %mul3A_115 = arith.constant 640 : i32
    %mul3A_116 = arith.muli %arg1, %mul3A_115 : i32
    %add3A_117 = arith.constant 560 : i32
    %add3A_118 = arith.addi %mul3A_116, %add3A_117 : i32
    "tpu.region"() ({
      %run_scoped3A_267 = tpu.sem_alloc : memref<!tpu.dma_semaphore, #tpu.memory_space<semaphore_mem>>
      %dma_start3A_268 = arith.constant 0 : i32
      %dma_start3A_269 = tpu.memref_slice %arg18[%dma_start3A_268] : memref<100xf32, #tpu.memory_space<vmem>> -> memref<80xf32, #tpu.memory_space<vmem>>
      %dma_start3A_270 = tpu.memref_slice %arg27[%add3A_118] : memref<10240xf32, #tpu.memory_space<vmem_shared>> -> memref<80xf32, #tpu.memory_space<vmem_shared>>
      %dma_start3A_271 = tpu.memref_slice %arg27[%add3A_118] : memref<10240xf32, #tpu.memory_space<vmem_shared>> -> memref<80xf32, #tpu.memory_space<vmem_shared>>
      %dma_start3A_272 = arith.constant 0 : i32
      %dma_start3A_273 = tpu.memref_slice %arg18[%dma_start3A_272] : memref<100xf32, #tpu.memory_space<vmem>> -> memref<80xf32, #tpu.memory_space<vmem>>
      tpu.enqueue_dma source(%dma_start3A_273 : memref<80xf32, #tpu.memory_space<vmem>>) target(%dma_start3A_271 : memref<80xf32, #tpu.memory_space<vmem_shared>>) target_semaphore(%run_scoped3A_267 : memref<!tpu.dma_semaphore, #tpu.memory_space<semaphore_mem>>)
      %dma_wait3A = arith.constant 0 : i32
      %dma_wait3A_274 = tpu.memref_slice %arg18[%dma_wait3A] : memref<100xf32, #tpu.memory_space<vmem>> -> memref<80xf32, #tpu.memory_space<vmem>>
      %dma_wait3A_275 = tpu.memref_slice %arg27[%add3A_118] : memref<10240xf32, #tpu.memory_space<vmem_shared>> -> memref<80xf32, #tpu.memory_space<vmem_shared>>
      %dma_wait3A_276 = tpu.memref_slice %arg27[%add3A_118] : memref<10240xf32, #tpu.memory_space<vmem_shared>> -> memref<80xf32, #tpu.memory_space<vmem_shared>>
      %dma_wait3A_277 = arith.constant 0 : i32
      %dma_wait3A_278 = tpu.memref_slice %arg18[%dma_wait3A_277] : memref<100xf32, #tpu.memory_space<vmem>> -> memref<80xf32, #tpu.memory_space<vmem>>
      tpu.wait_dma2 semaphore(%run_scoped3A_267 : memref<!tpu.dma_semaphore, #tpu.memory_space<semaphore_mem>>) src(%dma_wait3A_278 : memref<80xf32, #tpu.memory_space<vmem>>) dst(%dma_wait3A_276 : memref<80xf32, #tpu.memory_space<vmem_shared>>)
      tpu.yield
    }) : () -> ()
    %barrier3A = arith.constant 0 : index
    tpu.barrier barrier_id(%barrier3A)
    %mul3A_119 = arith.constant 100 : i32
    %mul3A_120 = arith.muli %arg0, %mul3A_119 : i32
    %run_scoped3A = arith.constant 0 : i32
    "tpu.region"() ({
      %run_scoped3A_267 = tpu.sem_alloc : memref<!tpu.dma_semaphore, #tpu.memory_space<semaphore_mem>>
      %dma_start3A_268 = arith.constant 0 : i32
      %dma_start3A_269 = tpu.memref_slice %arg6[%run_scoped3A, %arg1, %mul3A_120, %dma_start3A_268] : memref<2x16x200x100xi32, #tpu.memory_space<hbm>> -> memref<1x1x100x100xi32, #tpu.memory_space<hbm>>
      %dma_start3A_270 = tpu.memref_squeeze %dma_start3A_269 : memref<1x1x100x100xi32, #tpu.memory_space<hbm>> -> memref<100x100xi32, #tpu.memory_space<hbm>>
      %dma_start3A_271 = arith.constant 0 : i32
      %dma_start3A_272 = tpu.memref_slice %arg6[%run_scoped3A, %arg1, %mul3A_120, %dma_start3A_271] : memref<2x16x200x100xi32, #tpu.memory_space<hbm>> -> memref<1x1x100x100xi32, #tpu.memory_space<hbm>>
      %dma_start3A_273 = tpu.memref_squeeze %dma_start3A_272 : memref<1x1x100x100xi32, #tpu.memory_space<hbm>> -> memref<100x100xi32, #tpu.memory_space<hbm>>
      tpu.enqueue_dma source(%dma_start3A_273 : memref<100x100xi32, #tpu.memory_space<hbm>>) target(%arg12 : memref<100x100xi32, #tpu.memory_space<vmem>>) target_semaphore(%run_scoped3A_267 : memref<!tpu.dma_semaphore, #tpu.memory_space<semaphore_mem>>)
      %dma_wait3A = arith.constant 0 : i32
      %dma_wait3A_274 = tpu.memref_slice %arg6[%run_scoped3A, %arg1, %mul3A_120, %dma_wait3A] : memref<2x16x200x100xi32, #tpu.memory_space<hbm>> -> memref<1x1x100x100xi32, #tpu.memory_space<hbm>>
      %dma_wait3A_275 = tpu.memref_squeeze %dma_wait3A_274 : memref<1x1x100x100xi32, #tpu.memory_space<hbm>> -> memref<100x100xi32, #tpu.memory_space<hbm>>
      %dma_wait3A_276 = arith.constant 0 : i32
      %dma_wait3A_277 = tpu.memref_slice %arg6[%run_scoped3A, %arg1, %mul3A_120, %dma_wait3A_276] : memref<2x16x200x100xi32, #tpu.memory_space<hbm>> -> memref<1x1x100x100xi32, #tpu.memory_space<hbm>>
      %dma_wait3A_278 = tpu.memref_squeeze %dma_wait3A_277 : memref<1x1x100x100xi32, #tpu.memory_space<hbm>> -> memref<100x100xi32, #tpu.memory_space<hbm>>
      tpu.wait_dma2 semaphore(%run_scoped3A_267 : memref<!tpu.dma_semaphore, #tpu.memory_space<semaphore_mem>>) src(%dma_wait3A_278 : memref<100x100xi32, #tpu.memory_space<hbm>>) dst(%arg12 : memref<100x100xi32, #tpu.memory_space<vmem>>)
      tpu.yield
    }) : () -> ()
    %mul3A_121 = arith.constant 100 : i32
    %mul3A_122 = arith.muli %arg0, %mul3A_121 : i32
    %run_scoped3A_123 = arith.constant 1 : i32
    "tpu.region"() ({
      %run_scoped3A_267 = tpu.sem_alloc : memref<!tpu.dma_semaphore, #tpu.memory_space<semaphore_mem>>
      %dma_start3A_268 = arith.constant 0 : i32
      %dma_start3A_269 = tpu.memref_slice %arg6[%run_scoped3A_123, %arg1, %mul3A_122, %dma_start3A_268] : memref<2x16x200x100xi32, #tpu.memory_space<hbm>> -> memref<1x1x100x100xi32, #tpu.memory_space<hbm>>
      %dma_start3A_270 = tpu.memref_squeeze %dma_start3A_269 : memref<1x1x100x100xi32, #tpu.memory_space<hbm>> -> memref<100x100xi32, #tpu.memory_space<hbm>>
      %dma_start3A_271 = arith.constant 0 : i32
      %dma_start3A_272 = tpu.memref_slice %arg6[%run_scoped3A_123, %arg1, %mul3A_122, %dma_start3A_271] : memref<2x16x200x100xi32, #tpu.memory_space<hbm>> -> memref<1x1x100x100xi32, #tpu.memory_space<hbm>>
      %dma_start3A_273 = tpu.memref_squeeze %dma_start3A_272 : memref<1x1x100x100xi32, #tpu.memory_space<hbm>> -> memref<100x100xi32, #tpu.memory_space<hbm>>
      tpu.enqueue_dma source(%dma_start3A_273 : memref<100x100xi32, #tpu.memory_space<hbm>>) target(%arg13 : memref<100x100xi32, #tpu.memory_space<vmem>>) target_semaphore(%run_scoped3A_267 : memref<!tpu.dma_semaphore, #tpu.memory_space<semaphore_mem>>)
      %dma_wait3A = arith.constant 0 : i32
      %dma_wait3A_274 = tpu.memref_slice %arg6[%run_scoped3A_123, %arg1, %mul3A_122, %dma_wait3A] : memref<2x16x200x100xi32, #tpu.memory_space<hbm>> -> memref<1x1x100x100xi32, #tpu.memory_space<hbm>>
      %dma_wait3A_275 = tpu.memref_squeeze %dma_wait3A_274 : memref<1x1x100x100xi32, #tpu.memory_space<hbm>> -> memref<100x100xi32, #tpu.memory_space<hbm>>
      %dma_wait3A_276 = arith.constant 0 : i32
      %dma_wait3A_277 = tpu.memref_slice %arg6[%run_scoped3A_123, %arg1, %mul3A_122, %dma_wait3A_276] : memref<2x16x200x100xi32, #tpu.memory_space<hbm>> -> memref<1x1x100x100xi32, #tpu.memory_space<hbm>>
      %dma_wait3A_278 = tpu.memref_squeeze %dma_wait3A_277 : memref<1x1x100x100xi32, #tpu.memory_space<hbm>> -> memref<100x100xi32, #tpu.memory_space<hbm>>
      tpu.wait_dma2 semaphore(%run_scoped3A_267 : memref<!tpu.dma_semaphore, #tpu.memory_space<semaphore_mem>>) src(%dma_wait3A_278 : memref<100x100xi32, #tpu.memory_space<hbm>>) dst(%arg13 : memref<100x100xi32, #tpu.memory_space<vmem>>)
      tpu.yield
    }) : () -> ()
    %run_scoped3A_124 = arith.constant 0 : i32
    "tpu.region"() ({
      %run_scoped3A_267 = tpu.sem_alloc : memref<!tpu.dma_semaphore, #tpu.memory_space<semaphore_mem>>
      %dma_start3A_268 = arith.constant 0 : i32
      %dma_start3A_269 = arith.constant 0 : i32
      %dma_start3A_270 = tpu.memref_slice %arg3[%run_scoped3A_124, %arg1, %dma_start3A_268, %dma_start3A_269] : memref<2x16x200x100xi32, #tpu.memory_space<hbm>> -> memref<1x1x100x100xi32, #tpu.memory_space<hbm>>
      %dma_start3A_271 = tpu.memref_squeeze %dma_start3A_270 : memref<1x1x100x100xi32, #tpu.memory_space<hbm>> -> memref<100x100xi32, #tpu.memory_space<hbm>>
      %dma_start3A_272 = arith.constant 0 : i32
      %dma_start3A_273 = arith.constant 0 : i32
      %dma_start3A_274 = tpu.memref_slice %arg3[%run_scoped3A_124, %arg1, %dma_start3A_272, %dma_start3A_273] : memref<2x16x200x100xi32, #tpu.memory_space<hbm>> -> memref<1x1x100x100xi32, #tpu.memory_space<hbm>>
      %dma_start3A_275 = tpu.memref_squeeze %dma_start3A_274 : memref<1x1x100x100xi32, #tpu.memory_space<hbm>> -> memref<100x100xi32, #tpu.memory_space<hbm>>
      tpu.enqueue_dma source(%dma_start3A_275 : memref<100x100xi32, #tpu.memory_space<hbm>>) target(%arg10 : memref<100x100xi32, #tpu.memory_space<vmem>>) target_semaphore(%run_scoped3A_267 : memref<!tpu.dma_semaphore, #tpu.memory_space<semaphore_mem>>)
      %dma_wait3A = arith.constant 0 : i32
      %dma_wait3A_276 = arith.constant 0 : i32
      %dma_wait3A_277 = tpu.memref_slice %arg3[%run_scoped3A_124, %arg1, %dma_wait3A, %dma_wait3A_276] : memref<2x16x200x100xi32, #tpu.memory_space<hbm>> -> memref<1x1x100x100xi32, #tpu.memory_space<hbm>>
      %dma_wait3A_278 = tpu.memref_squeeze %dma_wait3A_277 : memref<1x1x100x100xi32, #tpu.memory_space<hbm>> -> memref<100x100xi32, #tpu.memory_space<hbm>>
      %dma_wait3A_279 = arith.constant 0 : i32
      %dma_wait3A_280 = arith.constant 0 : i32
      %dma_wait3A_281 = tpu.memref_slice %arg3[%run_scoped3A_124, %arg1, %dma_wait3A_279, %dma_wait3A_280] : memref<2x16x200x100xi32, #tpu.memory_space<hbm>> -> memref<1x1x100x100xi32, #tpu.memory_space<hbm>>
      %dma_wait3A_282 = tpu.memref_squeeze %dma_wait3A_281 : memref<1x1x100x100xi32, #tpu.memory_space<hbm>> -> memref<100x100xi32, #tpu.memory_space<hbm>>
      tpu.wait_dma2 semaphore(%run_scoped3A_267 : memref<!tpu.dma_semaphore, #tpu.memory_space<semaphore_mem>>) src(%dma_wait3A_282 : memref<100x100xi32, #tpu.memory_space<hbm>>) dst(%arg10 : memref<100x100xi32, #tpu.memory_space<vmem>>)
      tpu.yield
    }) : () -> ()
    %run_scoped3A_125 = arith.constant 1 : i32
    "tpu.region"() ({
      %run_scoped3A_267 = tpu.sem_alloc : memref<!tpu.dma_semaphore, #tpu.memory_space<semaphore_mem>>
      %dma_start3A_268 = arith.constant 0 : i32
      %dma_start3A_269 = arith.constant 0 : i32
      %dma_start3A_270 = tpu.memref_slice %arg3[%run_scoped3A_125, %arg1, %dma_start3A_268, %dma_start3A_269] : memref<2x16x200x100xi32, #tpu.memory_space<hbm>> -> memref<1x1x100x100xi32, #tpu.memory_space<hbm>>
      %dma_start3A_271 = tpu.memref_squeeze %dma_start3A_270 : memref<1x1x100x100xi32, #tpu.memory_space<hbm>> -> memref<100x100xi32, #tpu.memory_space<hbm>>
      %dma_start3A_272 = arith.constant 0 : i32
      %dma_start3A_273 = arith.constant 0 : i32
      %dma_start3A_274 = tpu.memref_slice %arg3[%run_scoped3A_125, %arg1, %dma_start3A_272, %dma_start3A_273] : memref<2x16x200x100xi32, #tpu.memory_space<hbm>> -> memref<1x1x100x100xi32, #tpu.memory_space<hbm>>
      %dma_start3A_275 = tpu.memref_squeeze %dma_start3A_274 : memref<1x1x100x100xi32, #tpu.memory_space<hbm>> -> memref<100x100xi32, #tpu.memory_space<hbm>>
      tpu.enqueue_dma source(%dma_start3A_275 : memref<100x100xi32, #tpu.memory_space<hbm>>) target(%arg11 : memref<100x100xi32, #tpu.memory_space<vmem>>) target_semaphore(%run_scoped3A_267 : memref<!tpu.dma_semaphore, #tpu.memory_space<semaphore_mem>>)
      %dma_wait3A = arith.constant 0 : i32
      %dma_wait3A_276 = arith.constant 0 : i32
      %dma_wait3A_277 = tpu.memref_slice %arg3[%run_scoped3A_125, %arg1, %dma_wait3A, %dma_wait3A_276] : memref<2x16x200x100xi32, #tpu.memory_space<hbm>> -> memref<1x1x100x100xi32, #tpu.memory_space<hbm>>
      %dma_wait3A_278 = tpu.memref_squeeze %dma_wait3A_277 : memref<1x1x100x100xi32, #tpu.memory_space<hbm>> -> memref<100x100xi32, #tpu.memory_space<hbm>>
      %dma_wait3A_279 = arith.constant 0 : i32
      %dma_wait3A_280 = arith.constant 0 : i32
      %dma_wait3A_281 = tpu.memref_slice %arg3[%run_scoped3A_125, %arg1, %dma_wait3A_279, %dma_wait3A_280] : memref<2x16x200x100xi32, #tpu.memory_space<hbm>> -> memref<1x1x100x100xi32, #tpu.memory_space<hbm>>
      %dma_wait3A_282 = tpu.memref_squeeze %dma_wait3A_281 : memref<1x1x100x100xi32, #tpu.memory_space<hbm>> -> memref<100x100xi32, #tpu.memory_space<hbm>>
      tpu.wait_dma2 semaphore(%run_scoped3A_267 : memref<!tpu.dma_semaphore, #tpu.memory_space<semaphore_mem>>) src(%dma_wait3A_282 : memref<100x100xi32, #tpu.memory_space<hbm>>) dst(%arg11 : memref<100x100xi32, #tpu.memory_space<vmem>>)
      tpu.yield
    }) : () -> ()
    %dma_start3A = arith.constant 0 : i32
    %dma_start3A_126 = arith.constant 0 : i32
    %dma_start3A_127 = tpu.memref_slice %arg10[%dma_start3A, %dma_start3A_126] : memref<100x100xi32, #tpu.memory_space<vmem>> -> memref<1x100xi32, #tpu.memory_space<vmem>>
    %dma_start3A_128 = tpu.memref_squeeze %dma_start3A_127 : memref<1x100xi32, #tpu.memory_space<vmem>> -> memref<100xi32, #tpu.memory_space<vmem>>
    %dma_start3A_129 = arith.constant 0 : i32
    %dma_start3A_130 = arith.constant 0 : i32
    %dma_start3A_131 = tpu.memref_slice %arg2[%arg0, %dma_start3A_129, %dma_start3A_130] : memref<2x10240x64xf32, #tpu.memory_space<hbm>> -> memref<1x10240x64xf32, #tpu.memory_space<hbm>>
    %dma_start3A_132 = tpu.memref_squeeze %dma_start3A_131 : memref<1x10240x64xf32, #tpu.memory_space<hbm>> -> memref<10240x64xf32, #tpu.memory_space<hbm>>
    %dma_start3A_133 = arith.constant 0 : i32
    %dma_start3A_134 = arith.constant 0 : i32
    %dma_start3A_135 = tpu.memref_slice %dma_start3A_132[%dma_start3A_133, %dma_start3A_134] : memref<10240x64xf32, #tpu.memory_space<hbm>> -> memref<10240x64xf32, #tpu.memory_space<hbm>>
    tpu.enqueue_indirect_dma source(%dma_start3A_135 : memref<10240x64xf32, #tpu.memory_space<hbm>>) target(%arg14 : memref<100x64xf32, #tpu.memory_space<vmem>>) offsets(%dma_start3A_128 : memref<100xi32, #tpu.memory_space<vmem>>) semaphore(%arg29 : memref<!tpu.dma_semaphore, #tpu.memory_space<semaphore_mem>>)
    %dma_start3A_136 = arith.constant 1 : i32
    %dma_start3A_137 = arith.constant 0 : i32
    %dma_start3A_138 = tpu.memref_slice %arg10[%dma_start3A_136, %dma_start3A_137] : memref<100x100xi32, #tpu.memory_space<vmem>> -> memref<1x100xi32, #tpu.memory_space<vmem>>
    %dma_start3A_139 = tpu.memref_squeeze %dma_start3A_138 : memref<1x100xi32, #tpu.memory_space<vmem>> -> memref<100xi32, #tpu.memory_space<vmem>>
    %dma_start3A_140 = arith.constant 0 : i32
    %dma_start3A_141 = arith.constant 0 : i32
    %dma_start3A_142 = tpu.memref_slice %arg2[%arg0, %dma_start3A_140, %dma_start3A_141] : memref<2x10240x64xf32, #tpu.memory_space<hbm>> -> memref<1x10240x64xf32, #tpu.memory_space<hbm>>
    %dma_start3A_143 = tpu.memref_squeeze %dma_start3A_142 : memref<1x10240x64xf32, #tpu.memory_space<hbm>> -> memref<10240x64xf32, #tpu.memory_space<hbm>>
    %dma_start3A_144 = arith.constant 0 : i32
    %dma_start3A_145 = arith.constant 0 : i32
    %dma_start3A_146 = tpu.memref_slice %dma_start3A_143[%dma_start3A_144, %dma_start3A_145] : memref<10240x64xf32, #tpu.memory_space<hbm>> -> memref<10240x64xf32, #tpu.memory_space<hbm>>
    tpu.enqueue_indirect_dma source(%dma_start3A_146 : memref<10240x64xf32, #tpu.memory_space<hbm>>) target(%arg15 : memref<100x64xf32, #tpu.memory_space<vmem>>) offsets(%dma_start3A_139 : memref<100xi32, #tpu.memory_space<vmem>>) semaphore(%arg30 : memref<!tpu.dma_semaphore, #tpu.memory_space<semaphore_mem>>)
    %dma_start3A_147 = arith.constant 2 : i32
    %dma_start3A_148 = arith.constant 0 : i32
    %dma_start3A_149 = tpu.memref_slice %arg10[%dma_start3A_147, %dma_start3A_148] : memref<100x100xi32, #tpu.memory_space<vmem>> -> memref<1x100xi32, #tpu.memory_space<vmem>>
    %dma_start3A_150 = tpu.memref_squeeze %dma_start3A_149 : memref<1x100xi32, #tpu.memory_space<vmem>> -> memref<100xi32, #tpu.memory_space<vmem>>
    %dma_start3A_151 = arith.constant 0 : i32
    %dma_start3A_152 = arith.constant 0 : i32
    %dma_start3A_153 = tpu.memref_slice %arg2[%arg0, %dma_start3A_151, %dma_start3A_152] : memref<2x10240x64xf32, #tpu.memory_space<hbm>> -> memref<1x10240x64xf32, #tpu.memory_space<hbm>>
    %dma_start3A_154 = tpu.memref_squeeze %dma_start3A_153 : memref<1x10240x64xf32, #tpu.memory_space<hbm>> -> memref<10240x64xf32, #tpu.memory_space<hbm>>
    %dma_start3A_155 = arith.constant 0 : i32
    %dma_start3A_156 = arith.constant 0 : i32
    %dma_start3A_157 = tpu.memref_slice %dma_start3A_154[%dma_start3A_155, %dma_start3A_156] : memref<10240x64xf32, #tpu.memory_space<hbm>> -> memref<10240x64xf32, #tpu.memory_space<hbm>>
    tpu.enqueue_indirect_dma source(%dma_start3A_157 : memref<10240x64xf32, #tpu.memory_space<hbm>>) target(%arg16 : memref<100x64xf32, #tpu.memory_space<vmem>>) offsets(%dma_start3A_150 : memref<100xi32, #tpu.memory_space<vmem>>) semaphore(%arg31 : memref<!tpu.dma_semaphore, #tpu.memory_space<semaphore_mem>>)
    %dma_start3A_158 = arith.constant 3 : i32
    %dma_start3A_159 = arith.constant 0 : i32
    %dma_start3A_160 = tpu.memref_slice %arg10[%dma_start3A_158, %dma_start3A_159] : memref<100x100xi32, #tpu.memory_space<vmem>> -> memref<1x100xi32, #tpu.memory_space<vmem>>
    %dma_start3A_161 = tpu.memref_squeeze %dma_start3A_160 : memref<1x100xi32, #tpu.memory_space<vmem>> -> memref<100xi32, #tpu.memory_space<vmem>>
    %dma_start3A_162 = arith.constant 0 : i32
    %dma_start3A_163 = arith.constant 0 : i32
    %dma_start3A_164 = tpu.memref_slice %arg2[%arg0, %dma_start3A_162, %dma_start3A_163] : memref<2x10240x64xf32, #tpu.memory_space<hbm>> -> memref<1x10240x64xf32, #tpu.memory_space<hbm>>
    %dma_start3A_165 = tpu.memref_squeeze %dma_start3A_164 : memref<1x10240x64xf32, #tpu.memory_space<hbm>> -> memref<10240x64xf32, #tpu.memory_space<hbm>>
    %dma_start3A_166 = arith.constant 0 : i32
    %dma_start3A_167 = arith.constant 0 : i32
    %dma_start3A_168 = tpu.memref_slice %dma_start3A_165[%dma_start3A_166, %dma_start3A_167] : memref<10240x64xf32, #tpu.memory_space<hbm>> -> memref<10240x64xf32, #tpu.memory_space<hbm>>
    tpu.enqueue_indirect_dma source(%dma_start3A_168 : memref<10240x64xf32, #tpu.memory_space<hbm>>) target(%arg17 : memref<100x64xf32, #tpu.memory_space<vmem>>) offsets(%dma_start3A_161 : memref<100xi32, #tpu.memory_space<vmem>>) semaphore(%arg32 : memref<!tpu.dma_semaphore, #tpu.memory_space<semaphore_mem>>)
    %eq3A = arith.constant 0 : i32
    %eq3A_169 = arith.cmpi eq, %arg0, %eq3A : i32
    %convert_element_type3A = arith.extui %eq3A_169 : i1 to i32
    %cond3A = arith.constant 0 : i32
    %cond3A_170 = arith.cmpi ne, %convert_element_type3A, %cond3A : i32
    scf.if %cond3A_170 {
      %dma_start3A_267 = arith.constant 0 : i32
      %dma_start3A_268 = arith.constant 0 : i32
      %dma_start3A_269 = tpu.memref_slice %arg11[%dma_start3A_267, %dma_start3A_268] : memref<100x100xi32, #tpu.memory_space<vmem>> -> memref<1x100xi32, #tpu.memory_space<vmem>>
      %dma_start3A_270 = tpu.memref_squeeze %dma_start3A_269 : memref<1x100xi32, #tpu.memory_space<vmem>> -> memref<100xi32, #tpu.memory_space<vmem>>
      %dma_start3A_271 = arith.constant 0 : i32
      %dma_start3A_272 = tpu.memref_slice %arg4[%dma_start3A_271] : memref<10240xf32, #tpu.memory_space<hbm>> -> memref<10240xf32, #tpu.memory_space<hbm>>
      tpu.enqueue_indirect_dma source(%dma_start3A_272 : memref<10240xf32, #tpu.memory_space<hbm>>) target(%arg18 : memref<100xf32, #tpu.memory_space<vmem>>) offsets(%dma_start3A_270 : memref<100xi32, #tpu.memory_space<vmem>>) semaphore(%arg33 : memref<!tpu.dma_semaphore, #tpu.memory_space<semaphore_mem>>)
      %dma_start3A_273 = arith.constant 1 : i32
      %dma_start3A_274 = arith.constant 0 : i32
      %dma_start3A_275 = tpu.memref_slice %arg11[%dma_start3A_273, %dma_start3A_274] : memref<100x100xi32, #tpu.memory_space<vmem>> -> memref<1x100xi32, #tpu.memory_space<vmem>>
      %dma_start3A_276 = tpu.memref_squeeze %dma_start3A_275 : memref<1x100xi32, #tpu.memory_space<vmem>> -> memref<100xi32, #tpu.memory_space<vmem>>
      %dma_start3A_277 = arith.constant 0 : i32
      %dma_start3A_278 = tpu.memref_slice %arg4[%dma_start3A_277] : memref<10240xf32, #tpu.memory_space<hbm>> -> memref<10240xf32, #tpu.memory_space<hbm>>
      tpu.enqueue_indirect_dma source(%dma_start3A_278 : memref<10240xf32, #tpu.memory_space<hbm>>) target(%arg19 : memref<100xf32, #tpu.memory_space<vmem>>) offsets(%dma_start3A_276 : memref<100xi32, #tpu.memory_space<vmem>>) semaphore(%arg34 : memref<!tpu.dma_semaphore, #tpu.memory_space<semaphore_mem>>)
      %dma_start3A_279 = arith.constant 2 : i32
      %dma_start3A_280 = arith.constant 0 : i32
      %dma_start3A_281 = tpu.memref_slice %arg11[%dma_start3A_279, %dma_start3A_280] : memref<100x100xi32, #tpu.memory_space<vmem>> -> memref<1x100xi32, #tpu.memory_space<vmem>>
      %dma_start3A_282 = tpu.memref_squeeze %dma_start3A_281 : memref<1x100xi32, #tpu.memory_space<vmem>> -> memref<100xi32, #tpu.memory_space<vmem>>
      %dma_start3A_283 = arith.constant 0 : i32
      %dma_start3A_284 = tpu.memref_slice %arg4[%dma_start3A_283] : memref<10240xf32, #tpu.memory_space<hbm>> -> memref<10240xf32, #tpu.memory_space<hbm>>
      tpu.enqueue_indirect_dma source(%dma_start3A_284 : memref<10240xf32, #tpu.memory_space<hbm>>) target(%arg20 : memref<100xf32, #tpu.memory_space<vmem>>) offsets(%dma_start3A_282 : memref<100xi32, #tpu.memory_space<vmem>>) semaphore(%arg35 : memref<!tpu.dma_semaphore, #tpu.memory_space<semaphore_mem>>)
      %dma_start3A_285 = arith.constant 3 : i32
      %dma_start3A_286 = arith.constant 0 : i32
      %dma_start3A_287 = tpu.memref_slice %arg11[%dma_start3A_285, %dma_start3A_286] : memref<100x100xi32, #tpu.memory_space<vmem>> -> memref<1x100xi32, #tpu.memory_space<vmem>>
      %dma_start3A_288 = tpu.memref_squeeze %dma_start3A_287 : memref<1x100xi32, #tpu.memory_space<vmem>> -> memref<100xi32, #tpu.memory_space<vmem>>
      %dma_start3A_289 = arith.constant 0 : i32
      %dma_start3A_290 = tpu.memref_slice %arg4[%dma_start3A_289] : memref<10240xf32, #tpu.memory_space<hbm>> -> memref<10240xf32, #tpu.memory_space<hbm>>
      tpu.enqueue_indirect_dma source(%dma_start3A_290 : memref<10240xf32, #tpu.memory_space<hbm>>) target(%arg21 : memref<100xf32, #tpu.memory_space<vmem>>) offsets(%dma_start3A_288 : memref<100xi32, #tpu.memory_space<vmem>>) semaphore(%arg36 : memref<!tpu.dma_semaphore, #tpu.memory_space<semaphore_mem>>)
    } else {
    }
    %dma_start3A_171 = arith.constant 0 : i32
    %dma_start3A_172 = arith.constant 0 : i32
    %dma_start3A_173 = tpu.memref_slice %arg12[%dma_start3A_171, %dma_start3A_172] : memref<100x100xi32, #tpu.memory_space<vmem>> -> memref<1x100xi32, #tpu.memory_space<vmem>>
    %dma_start3A_174 = tpu.memref_squeeze %dma_start3A_173 : memref<1x100xi32, #tpu.memory_space<vmem>> -> memref<100xi32, #tpu.memory_space<vmem>>
    %dma_start3A_175 = arith.constant 0 : i32
    %dma_start3A_176 = arith.constant 0 : i32
    %dma_start3A_177 = tpu.memref_slice %arg5[%dma_start3A_175, %dma_start3A_176] : memref<10240x16xf32, #tpu.memory_space<hbm>> -> memref<10240x16xf32, #tpu.memory_space<hbm>>
    tpu.enqueue_indirect_dma source(%dma_start3A_177 : memref<10240x16xf32, #tpu.memory_space<hbm>>) target(%arg22 : memref<100x16xf32, #tpu.memory_space<vmem>>) offsets(%dma_start3A_174 : memref<100xi32, #tpu.memory_space<vmem>>) semaphore(%arg37 : memref<!tpu.dma_semaphore, #tpu.memory_space<semaphore_mem>>)
    %dma_start3A_178 = arith.constant 1 : i32
    %dma_start3A_179 = arith.constant 0 : i32
    %dma_start3A_180 = tpu.memref_slice %arg12[%dma_start3A_178, %dma_start3A_179] : memref<100x100xi32, #tpu.memory_space<vmem>> -> memref<1x100xi32, #tpu.memory_space<vmem>>
    %dma_start3A_181 = tpu.memref_squeeze %dma_start3A_180 : memref<1x100xi32, #tpu.memory_space<vmem>> -> memref<100xi32, #tpu.memory_space<vmem>>
    %dma_start3A_182 = arith.constant 0 : i32
    %dma_start3A_183 = arith.constant 0 : i32
    %dma_start3A_184 = tpu.memref_slice %arg5[%dma_start3A_182, %dma_start3A_183] : memref<10240x16xf32, #tpu.memory_space<hbm>> -> memref<10240x16xf32, #tpu.memory_space<hbm>>
    tpu.enqueue_indirect_dma source(%dma_start3A_184 : memref<10240x16xf32, #tpu.memory_space<hbm>>) target(%arg23 : memref<100x16xf32, #tpu.memory_space<vmem>>) offsets(%dma_start3A_181 : memref<100xi32, #tpu.memory_space<vmem>>) semaphore(%arg38 : memref<!tpu.dma_semaphore, #tpu.memory_space<semaphore_mem>>)
    %dma_start3A_185 = arith.constant 2 : i32
    %dma_start3A_186 = arith.constant 0 : i32
    %dma_start3A_187 = tpu.memref_slice %arg12[%dma_start3A_185, %dma_start3A_186] : memref<100x100xi32, #tpu.memory_space<vmem>> -> memref<1x100xi32, #tpu.memory_space<vmem>>
    %dma_start3A_188 = tpu.memref_squeeze %dma_start3A_187 : memref<1x100xi32, #tpu.memory_space<vmem>> -> memref<100xi32, #tpu.memory_space<vmem>>
    %dma_start3A_189 = arith.constant 0 : i32
    %dma_start3A_190 = arith.constant 0 : i32
    %dma_start3A_191 = tpu.memref_slice %arg5[%dma_start3A_189, %dma_start3A_190] : memref<10240x16xf32, #tpu.memory_space<hbm>> -> memref<10240x16xf32, #tpu.memory_space<hbm>>
    tpu.enqueue_indirect_dma source(%dma_start3A_191 : memref<10240x16xf32, #tpu.memory_space<hbm>>) target(%arg24 : memref<100x16xf32, #tpu.memory_space<vmem>>) offsets(%dma_start3A_188 : memref<100xi32, #tpu.memory_space<vmem>>) semaphore(%arg39 : memref<!tpu.dma_semaphore, #tpu.memory_space<semaphore_mem>>)
    %dma_start3A_192 = arith.constant 3 : i32
    %dma_start3A_193 = arith.constant 0 : i32
    %dma_start3A_194 = tpu.memref_slice %arg12[%dma_start3A_192, %dma_start3A_193] : memref<100x100xi32, #tpu.memory_space<vmem>> -> memref<1x100xi32, #tpu.memory_space<vmem>>
    %dma_start3A_195 = tpu.memref_squeeze %dma_start3A_194 : memref<1x100xi32, #tpu.memory_space<vmem>> -> memref<100xi32, #tpu.memory_space<vmem>>
    %dma_start3A_196 = arith.constant 0 : i32
    %dma_start3A_197 = arith.constant 0 : i32
    %dma_start3A_198 = tpu.memref_slice %arg5[%dma_start3A_196, %dma_start3A_197] : memref<10240x16xf32, #tpu.memory_space<hbm>> -> memref<10240x16xf32, #tpu.memory_space<hbm>>
    tpu.enqueue_indirect_dma source(%dma_start3A_198 : memref<10240x16xf32, #tpu.memory_space<hbm>>) target(%arg25 : memref<100x16xf32, #tpu.memory_space<vmem>>) offsets(%dma_start3A_195 : memref<100xi32, #tpu.memory_space<vmem>>) semaphore(%arg40 : memref<!tpu.dma_semaphore, #tpu.memory_space<semaphore_mem>>)
    %scan3A_199 = arith.constant 0 : i32
    %scan3A_200 = arith.constant 0 : i32
    %scan3A_201 = arith.constant 25 : i32
    %scan3A_202 = arith.addi %scan3A_200, %scan3A_201 : i32
    %scan3A_203 = arith.constant 1 : i32
    %scan3A_204 = scf.for %scan3A_267 = %scan3A_200 to %scan3A_202 step %scan3A_203 iter_args(%scan3A_268 = %scan3A_199) -> (i32)  : i32 {
      %mul3A_269 = arith.constant 4 : i32
      %mul3A_270 = arith.muli %mul3A_269, %scan3A_267 : i32
      %dma_wait3A = arith.constant 0 : i32
      %dma_wait3A_271 = arith.constant 0 : i32
      %dma_wait3A_272 = tpu.memref_slice %arg2[%arg0, %dma_wait3A, %dma_wait3A_271] : memref<2x10240x64xf32, #tpu.memory_space<hbm>> -> memref<1x10240x64xf32, #tpu.memory_space<hbm>>
      %dma_wait3A_273 = tpu.memref_squeeze %dma_wait3A_272 : memref<1x10240x64xf32, #tpu.memory_space<hbm>> -> memref<10240x64xf32, #tpu.memory_space<hbm>>
      %dma_wait3A_274 = arith.constant 0 : i32
      %dma_wait3A_275 = arith.constant 0 : i32
      %dma_wait3A_276 = tpu.memref_slice %dma_wait3A_273[%dma_wait3A_274, %dma_wait3A_275] : memref<10240x64xf32, #tpu.memory_space<hbm>> -> memref<100x64xf32, #tpu.memory_space<hbm>>
      %dma_wait3A_277 = arith.constant 0 : i32
      %dma_wait3A_278 = arith.constant 0 : i32
      %dma_wait3A_279 = tpu.memref_slice %arg2[%arg0, %dma_wait3A_277, %dma_wait3A_278] : memref<2x10240x64xf32, #tpu.memory_space<hbm>> -> memref<1x10240x64xf32, #tpu.memory_space<hbm>>
      %dma_wait3A_280 = tpu.memref_squeeze %dma_wait3A_279 : memref<1x10240x64xf32, #tpu.memory_space<hbm>> -> memref<10240x64xf32, #tpu.memory_space<hbm>>
      %dma_wait3A_281 = arith.constant 0 : i32
      %dma_wait3A_282 = arith.constant 0 : i32
      %dma_wait3A_283 = tpu.memref_slice %dma_wait3A_280[%dma_wait3A_281, %dma_wait3A_282] : memref<10240x64xf32, #tpu.memory_space<hbm>> -> memref<100x64xf32, #tpu.memory_space<hbm>>
      tpu.wait_dma2 semaphore(%arg29 : memref<!tpu.dma_semaphore, #tpu.memory_space<semaphore_mem>>) src(%dma_wait3A_283 : memref<100x64xf32, #tpu.memory_space<hbm>>) dst(%arg14 : memref<100x64xf32, #tpu.memory_space<vmem>>)
      %add3A_284 = arith.constant 0 : i32
      %add3A_285 = arith.addi %mul3A_270, %add3A_284 : i32
      "tpu.region"() ({
        %run_scoped3A_458 = tpu.sem_alloc : memref<!tpu.dma_semaphore, #tpu.memory_space<semaphore_mem>>
        %dma_start3A_459 = arith.constant 0 : i32
        %dma_start3A_460 = tpu.memref_slice %arg11[%add3A_285, %dma_start3A_459] : memref<100x100xi32, #tpu.memory_space<vmem>> -> memref<1x100xi32, #tpu.memory_space<vmem>>
        %dma_start3A_461 = tpu.memref_squeeze %dma_start3A_460 : memref<1x100xi32, #tpu.memory_space<vmem>> -> memref<100xi32, #tpu.memory_space<vmem>>
        %dma_start3A_462 = arith.constant 0 : i32
        %dma_start3A_463 = arith.constant 0 : i32
        %dma_start3A_464 = tpu.memref_slice %arg26[%dma_start3A_462, %dma_start3A_463] : memref<10240x64xf32, #tpu.memory_space<vmem_shared>> -> memref<10240x64xf32, #tpu.memory_space<vmem_shared>>
        tpu.enqueue_indirect_dma source(%arg14 : memref<100x64xf32, #tpu.memory_space<vmem>>) target(%dma_start3A_464 : memref<10240x64xf32, #tpu.memory_space<vmem_shared>>) offsets(%dma_start3A_461 : memref<100xi32, #tpu.memory_space<vmem>>) semaphore(%run_scoped3A_458 : memref<!tpu.dma_semaphore, #tpu.memory_space<semaphore_mem>>) {add = true}
        %dma_wait3A_465 = arith.constant 0 : i32
        %dma_wait3A_466 = tpu.memref_slice %arg11[%add3A_285, %dma_wait3A_465] : memref<100x100xi32, #tpu.memory_space<vmem>> -> memref<1x100xi32, #tpu.memory_space<vmem>>
        %dma_wait3A_467 = tpu.memref_squeeze %dma_wait3A_466 : memref<1x100xi32, #tpu.memory_space<vmem>> -> memref<100xi32, #tpu.memory_space<vmem>>
        %dma_wait3A_468 = arith.constant 0 : i32
        %dma_wait3A_469 = arith.constant 0 : i32
        %dma_wait3A_470 = tpu.memref_slice %arg26[%dma_wait3A_468, %dma_wait3A_469] : memref<10240x64xf32, #tpu.memory_space<vmem_shared>> -> memref<10240x64xf32, #tpu.memory_space<vmem_shared>>
        tpu.wait_indirect_dma semaphore(%run_scoped3A_458 : memref<!tpu.dma_semaphore, #tpu.memory_space<semaphore_mem>>) src(%arg14 : memref<100x64xf32, #tpu.memory_space<vmem>>) dst(%dma_wait3A_470 : memref<10240x64xf32, #tpu.memory_space<vmem_shared>>)
        tpu.yield
      }) : () -> ()
      %add3A_286 = arith.constant 0 : i32
      %add3A_287 = arith.addi %mul3A_270, %add3A_286 : i32
      %add3A_288 = arith.constant 4 : i32
      %add3A_289 = arith.addi %add3A_287, %add3A_288 : i32
      %lt3A = arith.constant 100 : i32
      %lt3A_290 = arith.cmpi slt, %add3A_289, %lt3A : i32
      %convert_element_type3A_291 = arith.extui %lt3A_290 : i1 to i32
      %cond3A_292 = arith.constant 0 : i32
      %cond3A_293 = arith.cmpi ne, %convert_element_type3A_291, %cond3A_292 : i32
      scf.if %cond3A_293 {
        %add3A_458 = arith.constant 0 : i32
        %add3A_459 = arith.addi %mul3A_270, %add3A_458 : i32
        %add3A_460 = arith.constant 4 : i32
        %add3A_461 = arith.addi %add3A_459, %add3A_460 : i32
        %dma_start3A_462 = arith.constant 0 : i32
        %dma_start3A_463 = tpu.memref_slice %arg10[%add3A_461, %dma_start3A_462] : memref<100x100xi32, #tpu.memory_space<vmem>> -> memref<1x100xi32, #tpu.memory_space<vmem>>
        %dma_start3A_464 = tpu.memref_squeeze %dma_start3A_463 : memref<1x100xi32, #tpu.memory_space<vmem>> -> memref<100xi32, #tpu.memory_space<vmem>>
        %dma_start3A_465 = arith.constant 0 : i32
        %dma_start3A_466 = arith.constant 0 : i32
        %dma_start3A_467 = tpu.memref_slice %arg2[%arg0, %dma_start3A_465, %dma_start3A_466] : memref<2x10240x64xf32, #tpu.memory_space<hbm>> -> memref<1x10240x64xf32, #tpu.memory_space<hbm>>
        %dma_start3A_468 = tpu.memref_squeeze %dma_start3A_467 : memref<1x10240x64xf32, #tpu.memory_space<hbm>> -> memref<10240x64xf32, #tpu.memory_space<hbm>>
        %dma_start3A_469 = arith.constant 0 : i32
        %dma_start3A_470 = arith.constant 0 : i32
        %dma_start3A_471 = tpu.memref_slice %dma_start3A_468[%dma_start3A_469, %dma_start3A_470] : memref<10240x64xf32, #tpu.memory_space<hbm>> -> memref<10240x64xf32, #tpu.memory_space<hbm>>
        tpu.enqueue_indirect_dma source(%dma_start3A_471 : memref<10240x64xf32, #tpu.memory_space<hbm>>) target(%arg14 : memref<100x64xf32, #tpu.memory_space<vmem>>) offsets(%dma_start3A_464 : memref<100xi32, #tpu.memory_space<vmem>>) semaphore(%arg29 : memref<!tpu.dma_semaphore, #tpu.memory_space<semaphore_mem>>)
      } else {
      }
      %eq3A_294 = arith.constant 0 : i32
      %eq3A_295 = arith.cmpi eq, %arg0, %eq3A_294 : i32
      %convert_element_type3A_296 = arith.extui %eq3A_295 : i1 to i32
      %cond3A_297 = arith.constant 0 : i32
      %cond3A_298 = arith.cmpi ne, %convert_element_type3A_296, %cond3A_297 : i32
      scf.if %cond3A_298 {
        %dma_wait3A_458 = arith.constant 0 : i32
        %dma_wait3A_459 = tpu.memref_slice %arg4[%dma_wait3A_458] : memref<10240xf32, #tpu.memory_space<hbm>> -> memref<100xf32, #tpu.memory_space<hbm>>
        %dma_wait3A_460 = arith.constant 0 : i32
        %dma_wait3A_461 = tpu.memref_slice %arg4[%dma_wait3A_460] : memref<10240xf32, #tpu.memory_space<hbm>> -> memref<100xf32, #tpu.memory_space<hbm>>
        tpu.wait_dma2 semaphore(%arg33 : memref<!tpu.dma_semaphore, #tpu.memory_space<semaphore_mem>>) src(%dma_wait3A_461 : memref<100xf32, #tpu.memory_space<hbm>>) dst(%arg18 : memref<100xf32, #tpu.memory_space<vmem>>)
        %add3A_462 = arith.constant 0 : i32
        %add3A_463 = arith.addi %mul3A_270, %add3A_462 : i32
        "tpu.region"() ({
          %run_scoped3A_473 = tpu.sem_alloc : memref<!tpu.dma_semaphore, #tpu.memory_space<semaphore_mem>>
          %dma_start3A_474 = arith.constant 0 : i32
          %dma_start3A_475 = tpu.memref_slice %arg10[%add3A_463, %dma_start3A_474] : memref<100x100xi32, #tpu.memory_space<vmem>> -> memref<1x100xi32, #tpu.memory_space<vmem>>
          %dma_start3A_476 = tpu.memref_squeeze %dma_start3A_475 : memref<1x100xi32, #tpu.memory_space<vmem>> -> memref<100xi32, #tpu.memory_space<vmem>>
          %dma_start3A_477 = arith.constant 0 : i32
          %dma_start3A_478 = tpu.memref_slice %arg27[%dma_start3A_477] : memref<10240xf32, #tpu.memory_space<vmem_shared>> -> memref<10240xf32, #tpu.memory_space<vmem_shared>>
          tpu.enqueue_indirect_dma source(%arg18 : memref<100xf32, #tpu.memory_space<vmem>>) target(%dma_start3A_478 : memref<10240xf32, #tpu.memory_space<vmem_shared>>) offsets(%dma_start3A_476 : memref<100xi32, #tpu.memory_space<vmem>>) semaphore(%run_scoped3A_473 : memref<!tpu.dma_semaphore, #tpu.memory_space<semaphore_mem>>) {add = true}
          %dma_wait3A_479 = arith.constant 0 : i32
          %dma_wait3A_480 = tpu.memref_slice %arg10[%add3A_463, %dma_wait3A_479] : memref<100x100xi32, #tpu.memory_space<vmem>> -> memref<1x100xi32, #tpu.memory_space<vmem>>
          %dma_wait3A_481 = tpu.memref_squeeze %dma_wait3A_480 : memref<1x100xi32, #tpu.memory_space<vmem>> -> memref<100xi32, #tpu.memory_space<vmem>>
          %dma_wait3A_482 = arith.constant 0 : i32
          %dma_wait3A_483 = tpu.memref_slice %arg27[%dma_wait3A_482] : memref<10240xf32, #tpu.memory_space<vmem_shared>> -> memref<10240xf32, #tpu.memory_space<vmem_shared>>
          tpu.wait_indirect_dma semaphore(%run_scoped3A_473 : memref<!tpu.dma_semaphore, #tpu.memory_space<semaphore_mem>>) src(%arg18 : memref<100xf32, #tpu.memory_space<vmem>>) dst(%dma_wait3A_483 : memref<10240xf32, #tpu.memory_space<vmem_shared>>)
          tpu.yield
        }) : () -> ()
        %add3A_464 = arith.constant 0 : i32
        %add3A_465 = arith.addi %mul3A_270, %add3A_464 : i32
        %add3A_466 = arith.constant 4 : i32
        %add3A_467 = arith.addi %add3A_465, %add3A_466 : i32
        %lt3A_468 = arith.constant 100 : i32
        %lt3A_469 = arith.cmpi slt, %add3A_467, %lt3A_468 : i32
        %convert_element_type3A_470 = arith.extui %lt3A_469 : i1 to i32
        %cond3A_471 = arith.constant 0 : i32
        %cond3A_472 = arith.cmpi ne, %convert_element_type3A_470, %cond3A_471 : i32
        scf.if %cond3A_472 {
          %add3A_473 = arith.constant 0 : i32
          %add3A_474 = arith.addi %mul3A_270, %add3A_473 : i32
          %add3A_475 = arith.constant 4 : i32
          %add3A_476 = arith.addi %add3A_474, %add3A_475 : i32
          %dma_start3A_477 = arith.constant 0 : i32
          %dma_start3A_478 = tpu.memref_slice %arg11[%add3A_476, %dma_start3A_477] : memref<100x100xi32, #tpu.memory_space<vmem>> -> memref<1x100xi32, #tpu.memory_space<vmem>>
          %dma_start3A_479 = tpu.memref_squeeze %dma_start3A_478 : memref<1x100xi32, #tpu.memory_space<vmem>> -> memref<100xi32, #tpu.memory_space<vmem>>
          %dma_start3A_480 = arith.constant 0 : i32
          %dma_start3A_481 = tpu.memref_slice %arg4[%dma_start3A_480] : memref<10240xf32, #tpu.memory_space<hbm>> -> memref<10240xf32, #tpu.memory_space<hbm>>
          tpu.enqueue_indirect_dma source(%dma_start3A_481 : memref<10240xf32, #tpu.memory_space<hbm>>) target(%arg18 : memref<100xf32, #tpu.memory_space<vmem>>) offsets(%dma_start3A_479 : memref<100xi32, #tpu.memory_space<vmem>>) semaphore(%arg33 : memref<!tpu.dma_semaphore, #tpu.memory_space<semaphore_mem>>)
        } else {
        }
      } else {
      }
      %dma_wait3A_299 = arith.constant 0 : i32
      %dma_wait3A_300 = arith.constant 0 : i32
      %dma_wait3A_301 = tpu.memref_slice %arg5[%dma_wait3A_299, %dma_wait3A_300] : memref<10240x16xf32, #tpu.memory_space<hbm>> -> memref<100x16xf32, #tpu.memory_space<hbm>>
      %dma_wait3A_302 = arith.constant 0 : i32
      %dma_wait3A_303 = arith.constant 0 : i32
      %dma_wait3A_304 = tpu.memref_slice %arg5[%dma_wait3A_302, %dma_wait3A_303] : memref<10240x16xf32, #tpu.memory_space<hbm>> -> memref<100x16xf32, #tpu.memory_space<hbm>>
      tpu.wait_dma2 semaphore(%arg37 : memref<!tpu.dma_semaphore, #tpu.memory_space<semaphore_mem>>) src(%dma_wait3A_304 : memref<100x16xf32, #tpu.memory_space<hbm>>) dst(%arg22 : memref<100x16xf32, #tpu.memory_space<vmem>>)
      %add3A_305 = arith.constant 0 : i32
      %add3A_306 = arith.addi %mul3A_270, %add3A_305 : i32
      "tpu.region"() ({
        %run_scoped3A_458 = tpu.sem_alloc : memref<!tpu.dma_semaphore, #tpu.memory_space<semaphore_mem>>
        %dma_start3A_459 = arith.constant 0 : i32
        %dma_start3A_460 = tpu.memref_slice %arg13[%add3A_306, %dma_start3A_459] : memref<100x100xi32, #tpu.memory_space<vmem>> -> memref<1x100xi32, #tpu.memory_space<vmem>>
        %dma_start3A_461 = tpu.memref_squeeze %dma_start3A_460 : memref<1x100xi32, #tpu.memory_space<vmem>> -> memref<100xi32, #tpu.memory_space<vmem>>
        %dma_start3A_462 = arith.constant 0 : i32
        %dma_start3A_463 = arith.constant 0 : i32
        %dma_start3A_464 = tpu.memref_slice %arg28[%dma_start3A_462, %dma_start3A_463] : memref<10240x16xf32, #tpu.memory_space<vmem_shared>> -> memref<10240x16xf32, #tpu.memory_space<vmem_shared>>
        tpu.enqueue_indirect_dma source(%arg22 : memref<100x16xf32, #tpu.memory_space<vmem>>) target(%dma_start3A_464 : memref<10240x16xf32, #tpu.memory_space<vmem_shared>>) offsets(%dma_start3A_461 : memref<100xi32, #tpu.memory_space<vmem>>) semaphore(%run_scoped3A_458 : memref<!tpu.dma_semaphore, #tpu.memory_space<semaphore_mem>>) {add = true}
        %dma_wait3A_465 = arith.constant 0 : i32
        %dma_wait3A_466 = tpu.memref_slice %arg13[%add3A_306, %dma_wait3A_465] : memref<100x100xi32, #tpu.memory_space<vmem>> -> memref<1x100xi32, #tpu.memory_space<vmem>>
        %dma_wait3A_467 = tpu.memref_squeeze %dma_wait3A_466 : memref<1x100xi32, #tpu.memory_space<vmem>> -> memref<100xi32, #tpu.memory_space<vmem>>
        %dma_wait3A_468 = arith.constant 0 : i32
        %dma_wait3A_469 = arith.constant 0 : i32
        %dma_wait3A_470 = tpu.memref_slice %arg28[%dma_wait3A_468, %dma_wait3A_469] : memref<10240x16xf32, #tpu.memory_space<vmem_shared>> -> memref<10240x16xf32, #tpu.memory_space<vmem_shared>>
        tpu.wait_indirect_dma semaphore(%run_scoped3A_458 : memref<!tpu.dma_semaphore, #tpu.memory_space<semaphore_mem>>) src(%arg22 : memref<100x16xf32, #tpu.memory_space<vmem>>) dst(%dma_wait3A_470 : memref<10240x16xf32, #tpu.memory_space<vmem_shared>>)
        tpu.yield
      }) : () -> ()
      %add3A_307 = arith.constant 0 : i32
      %add3A_308 = arith.addi %mul3A_270, %add3A_307 : i32
      %add3A_309 = arith.constant 4 : i32
      %add3A_310 = arith.addi %add3A_308, %add3A_309 : i32
      %lt3A_311 = arith.constant 100 : i32
      %lt3A_312 = arith.cmpi slt, %add3A_310, %lt3A_311 : i32
      %convert_element_type3A_313 = arith.extui %lt3A_312 : i1 to i32
      %cond3A_314 = arith.constant 0 : i32
      %cond3A_315 = arith.cmpi ne, %convert_element_type3A_313, %cond3A_314 : i32
      scf.if %cond3A_315 {
        %add3A_458 = arith.constant 0 : i32
        %add3A_459 = arith.addi %mul3A_270, %add3A_458 : i32
        %add3A_460 = arith.constant 4 : i32
        %add3A_461 = arith.addi %add3A_459, %add3A_460 : i32
        %dma_start3A_462 = arith.constant 0 : i32
        %dma_start3A_463 = tpu.memref_slice %arg12[%add3A_461, %dma_start3A_462] : memref<100x100xi32, #tpu.memory_space<vmem>> -> memref<1x100xi32, #tpu.memory_space<vmem>>
        %dma_start3A_464 = tpu.memref_squeeze %dma_start3A_463 : memref<1x100xi32, #tpu.memory_space<vmem>> -> memref<100xi32, #tpu.memory_space<vmem>>
        %dma_start3A_465 = arith.constant 0 : i32
        %dma_start3A_466 = arith.constant 0 : i32
        %dma_start3A_467 = tpu.memref_slice %arg5[%dma_start3A_465, %dma_start3A_466] : memref<10240x16xf32, #tpu.memory_space<hbm>> -> memref<10240x16xf32, #tpu.memory_space<hbm>>
        tpu.enqueue_indirect_dma source(%dma_start3A_467 : memref<10240x16xf32, #tpu.memory_space<hbm>>) target(%arg22 : memref<100x16xf32, #tpu.memory_space<vmem>>) offsets(%dma_start3A_464 : memref<100xi32, #tpu.memory_space<vmem>>) semaphore(%arg37 : memref<!tpu.dma_semaphore, #tpu.memory_space<semaphore_mem>>)
      } else {
      }
      %dma_wait3A_316 = arith.constant 0 : i32
      %dma_wait3A_317 = arith.constant 0 : i32
      %dma_wait3A_318 = tpu.memref_slice %arg2[%arg0, %dma_wait3A_316, %dma_wait3A_317] : memref<2x10240x64xf32, #tpu.memory_space<hbm>> -> memref<1x10240x64xf32, #tpu.memory_space<hbm>>
      %dma_wait3A_319 = tpu.memref_squeeze %dma_wait3A_318 : memref<1x10240x64xf32, #tpu.memory_space<hbm>> -> memref<10240x64xf32, #tpu.memory_space<hbm>>
      %dma_wait3A_320 = arith.constant 0 : i32
      %dma_wait3A_321 = arith.constant 0 : i32
      %dma_wait3A_322 = tpu.memref_slice %dma_wait3A_319[%dma_wait3A_320, %dma_wait3A_321] : memref<10240x64xf32, #tpu.memory_space<hbm>> -> memref<100x64xf32, #tpu.memory_space<hbm>>
      %dma_wait3A_323 = arith.constant 0 : i32
      %dma_wait3A_324 = arith.constant 0 : i32
      %dma_wait3A_325 = tpu.memref_slice %arg2[%arg0, %dma_wait3A_323, %dma_wait3A_324] : memref<2x10240x64xf32, #tpu.memory_space<hbm>> -> memref<1x10240x64xf32, #tpu.memory_space<hbm>>
      %dma_wait3A_326 = tpu.memref_squeeze %dma_wait3A_325 : memref<1x10240x64xf32, #tpu.memory_space<hbm>> -> memref<10240x64xf32, #tpu.memory_space<hbm>>
      %dma_wait3A_327 = arith.constant 0 : i32
      %dma_wait3A_328 = arith.constant 0 : i32
      %dma_wait3A_329 = tpu.memref_slice %dma_wait3A_326[%dma_wait3A_327, %dma_wait3A_328] : memref<10240x64xf32, #tpu.memory_space<hbm>> -> memref<100x64xf32, #tpu.memory_space<hbm>>
      tpu.wait_dma2 semaphore(%arg30 : memref<!tpu.dma_semaphore, #tpu.memory_space<semaphore_mem>>) src(%dma_wait3A_329 : memref<100x64xf32, #tpu.memory_space<hbm>>) dst(%arg15 : memref<100x64xf32, #tpu.memory_space<vmem>>)
      %add3A_330 = arith.constant 1 : i32
      %add3A_331 = arith.addi %mul3A_270, %add3A_330 : i32
      "tpu.region"() ({
        %run_scoped3A_458 = tpu.sem_alloc : memref<!tpu.dma_semaphore, #tpu.memory_space<semaphore_mem>>
        %dma_start3A_459 = arith.constant 0 : i32
        %dma_start3A_460 = tpu.memref_slice %arg11[%add3A_331, %dma_start3A_459] : memref<100x100xi32, #tpu.memory_space<vmem>> -> memref<1x100xi32, #tpu.memory_space<vmem>>
        %dma_start3A_461 = tpu.memref_squeeze %dma_start3A_460 : memref<1x100xi32, #tpu.memory_space<vmem>> -> memref<100xi32, #tpu.memory_space<vmem>>
        %dma_start3A_462 = arith.constant 0 : i32
        %dma_start3A_463 = arith.constant 0 : i32
        %dma_start3A_464 = tpu.memref_slice %arg26[%dma_start3A_462, %dma_start3A_463] : memref<10240x64xf32, #tpu.memory_space<vmem_shared>> -> memref<10240x64xf32, #tpu.memory_space<vmem_shared>>
        tpu.enqueue_indirect_dma source(%arg15 : memref<100x64xf32, #tpu.memory_space<vmem>>) target(%dma_start3A_464 : memref<10240x64xf32, #tpu.memory_space<vmem_shared>>) offsets(%dma_start3A_461 : memref<100xi32, #tpu.memory_space<vmem>>) semaphore(%run_scoped3A_458 : memref<!tpu.dma_semaphore, #tpu.memory_space<semaphore_mem>>) {add = true}
        %dma_wait3A_465 = arith.constant 0 : i32
        %dma_wait3A_466 = tpu.memref_slice %arg11[%add3A_331, %dma_wait3A_465] : memref<100x100xi32, #tpu.memory_space<vmem>> -> memref<1x100xi32, #tpu.memory_space<vmem>>
        %dma_wait3A_467 = tpu.memref_squeeze %dma_wait3A_466 : memref<1x100xi32, #tpu.memory_space<vmem>> -> memref<100xi32, #tpu.memory_space<vmem>>
        %dma_wait3A_468 = arith.constant 0 : i32
        %dma_wait3A_469 = arith.constant 0 : i32
        %dma_wait3A_470 = tpu.memref_slice %arg26[%dma_wait3A_468, %dma_wait3A_469] : memref<10240x64xf32, #tpu.memory_space<vmem_shared>> -> memref<10240x64xf32, #tpu.memory_space<vmem_shared>>
        tpu.wait_indirect_dma semaphore(%run_scoped3A_458 : memref<!tpu.dma_semaphore, #tpu.memory_space<semaphore_mem>>) src(%arg15 : memref<100x64xf32, #tpu.memory_space<vmem>>) dst(%dma_wait3A_470 : memref<10240x64xf32, #tpu.memory_space<vmem_shared>>)
        tpu.yield
      }) : () -> ()
      %add3A_332 = arith.constant 1 : i32
      %add3A_333 = arith.addi %mul3A_270, %add3A_332 : i32
      %add3A_334 = arith.constant 4 : i32
      %add3A_335 = arith.addi %add3A_333, %add3A_334 : i32
      %lt3A_336 = arith.constant 100 : i32
      %lt3A_337 = arith.cmpi slt, %add3A_335, %lt3A_336 : i32
      %convert_element_type3A_338 = arith.extui %lt3A_337 : i1 to i32
      %cond3A_339 = arith.constant 0 : i32
      %cond3A_340 = arith.cmpi ne, %convert_element_type3A_338, %cond3A_339 : i32
      scf.if %cond3A_340 {
        %add3A_458 = arith.constant 1 : i32
        %add3A_459 = arith.addi %mul3A_270, %add3A_458 : i32
        %add3A_460 = arith.constant 4 : i32
        %add3A_461 = arith.addi %add3A_459, %add3A_460 : i32
        %dma_start3A_462 = arith.constant 0 : i32
        %dma_start3A_463 = tpu.memref_slice %arg10[%add3A_461, %dma_start3A_462] : memref<100x100xi32, #tpu.memory_space<vmem>> -> memref<1x100xi32, #tpu.memory_space<vmem>>
        %dma_start3A_464 = tpu.memref_squeeze %dma_start3A_463 : memref<1x100xi32, #tpu.memory_space<vmem>> -> memref<100xi32, #tpu.memory_space<vmem>>
        %dma_start3A_465 = arith.constant 0 : i32
        %dma_start3A_466 = arith.constant 0 : i32
        %dma_start3A_467 = tpu.memref_slice %arg2[%arg0, %dma_start3A_465, %dma_start3A_466] : memref<2x10240x64xf32, #tpu.memory_space<hbm>> -> memref<1x10240x64xf32, #tpu.memory_space<hbm>>
        %dma_start3A_468 = tpu.memref_squeeze %dma_start3A_467 : memref<1x10240x64xf32, #tpu.memory_space<hbm>> -> memref<10240x64xf32, #tpu.memory_space<hbm>>
        %dma_start3A_469 = arith.constant 0 : i32
        %dma_start3A_470 = arith.constant 0 : i32
        %dma_start3A_471 = tpu.memref_slice %dma_start3A_468[%dma_start3A_469, %dma_start3A_470] : memref<10240x64xf32, #tpu.memory_space<hbm>> -> memref<10240x64xf32, #tpu.memory_space<hbm>>
        tpu.enqueue_indirect_dma source(%dma_start3A_471 : memref<10240x64xf32, #tpu.memory_space<hbm>>) target(%arg15 : memref<100x64xf32, #tpu.memory_space<vmem>>) offsets(%dma_start3A_464 : memref<100xi32, #tpu.memory_space<vmem>>) semaphore(%arg30 : memref<!tpu.dma_semaphore, #tpu.memory_space<semaphore_mem>>)
      } else {
      }
      %eq3A_341 = arith.constant 0 : i32
      %eq3A_342 = arith.cmpi eq, %arg0, %eq3A_341 : i32
      %convert_element_type3A_343 = arith.extui %eq3A_342 : i1 to i32
      %cond3A_344 = arith.constant 0 : i32
      %cond3A_345 = arith.cmpi ne, %convert_element_type3A_343, %cond3A_344 : i32
      scf.if %cond3A_345 {
        %dma_wait3A_458 = arith.constant 0 : i32
        %dma_wait3A_459 = tpu.memref_slice %arg4[%dma_wait3A_458] : memref<10240xf32, #tpu.memory_space<hbm>> -> memref<100xf32, #tpu.memory_space<hbm>>
        %dma_wait3A_460 = arith.constant 0 : i32
        %dma_wait3A_461 = tpu.memref_slice %arg4[%dma_wait3A_460] : memref<10240xf32, #tpu.memory_space<hbm>> -> memref<100xf32, #tpu.memory_space<hbm>>
        tpu.wait_dma2 semaphore(%arg34 : memref<!tpu.dma_semaphore, #tpu.memory_space<semaphore_mem>>) src(%dma_wait3A_461 : memref<100xf32, #tpu.memory_space<hbm>>) dst(%arg19 : memref<100xf32, #tpu.memory_space<vmem>>)
        %add3A_462 = arith.constant 1 : i32
        %add3A_463 = arith.addi %mul3A_270, %add3A_462 : i32
        "tpu.region"() ({
          %run_scoped3A_473 = tpu.sem_alloc : memref<!tpu.dma_semaphore, #tpu.memory_space<semaphore_mem>>
          %dma_start3A_474 = arith.constant 0 : i32
          %dma_start3A_475 = tpu.memref_slice %arg10[%add3A_463, %dma_start3A_474] : memref<100x100xi32, #tpu.memory_space<vmem>> -> memref<1x100xi32, #tpu.memory_space<vmem>>
          %dma_start3A_476 = tpu.memref_squeeze %dma_start3A_475 : memref<1x100xi32, #tpu.memory_space<vmem>> -> memref<100xi32, #tpu.memory_space<vmem>>
          %dma_start3A_477 = arith.constant 0 : i32
          %dma_start3A_478 = tpu.memref_slice %arg27[%dma_start3A_477] : memref<10240xf32, #tpu.memory_space<vmem_shared>> -> memref<10240xf32, #tpu.memory_space<vmem_shared>>
          tpu.enqueue_indirect_dma source(%arg19 : memref<100xf32, #tpu.memory_space<vmem>>) target(%dma_start3A_478 : memref<10240xf32, #tpu.memory_space<vmem_shared>>) offsets(%dma_start3A_476 : memref<100xi32, #tpu.memory_space<vmem>>) semaphore(%run_scoped3A_473 : memref<!tpu.dma_semaphore, #tpu.memory_space<semaphore_mem>>) {add = true}
          %dma_wait3A_479 = arith.constant 0 : i32
          %dma_wait3A_480 = tpu.memref_slice %arg10[%add3A_463, %dma_wait3A_479] : memref<100x100xi32, #tpu.memory_space<vmem>> -> memref<1x100xi32, #tpu.memory_space<vmem>>
          %dma_wait3A_481 = tpu.memref_squeeze %dma_wait3A_480 : memref<1x100xi32, #tpu.memory_space<vmem>> -> memref<100xi32, #tpu.memory_space<vmem>>
          %dma_wait3A_482 = arith.constant 0 : i32
          %dma_wait3A_483 = tpu.memref_slice %arg27[%dma_wait3A_482] : memref<10240xf32, #tpu.memory_space<vmem_shared>> -> memref<10240xf32, #tpu.memory_space<vmem_shared>>
          tpu.wait_indirect_dma semaphore(%run_scoped3A_473 : memref<!tpu.dma_semaphore, #tpu.memory_space<semaphore_mem>>) src(%arg19 : memref<100xf32, #tpu.memory_space<vmem>>) dst(%dma_wait3A_483 : memref<10240xf32, #tpu.memory_space<vmem_shared>>)
          tpu.yield
        }) : () -> ()
        %add3A_464 = arith.constant 1 : i32
        %add3A_465 = arith.addi %mul3A_270, %add3A_464 : i32
        %add3A_466 = arith.constant 4 : i32
        %add3A_467 = arith.addi %add3A_465, %add3A_466 : i32
        %lt3A_468 = arith.constant 100 : i32
        %lt3A_469 = arith.cmpi slt, %add3A_467, %lt3A_468 : i32
        %convert_element_type3A_470 = arith.extui %lt3A_469 : i1 to i32
        %cond3A_471 = arith.constant 0 : i32
        %cond3A_472 = arith.cmpi ne, %convert_element_type3A_470, %cond3A_471 : i32
        scf.if %cond3A_472 {
          %add3A_473 = arith.constant 1 : i32
          %add3A_474 = arith.addi %mul3A_270, %add3A_473 : i32
          %add3A_475 = arith.constant 4 : i32
          %add3A_476 = arith.addi %add3A_474, %add3A_475 : i32
          %dma_start3A_477 = arith.constant 0 : i32
          %dma_start3A_478 = tpu.memref_slice %arg11[%add3A_476, %dma_start3A_477] : memref<100x100xi32, #tpu.memory_space<vmem>> -> memref<1x100xi32, #tpu.memory_space<vmem>>
          %dma_start3A_479 = tpu.memref_squeeze %dma_start3A_478 : memref<1x100xi32, #tpu.memory_space<vmem>> -> memref<100xi32, #tpu.memory_space<vmem>>
          %dma_start3A_480 = arith.constant 0 : i32
          %dma_start3A_481 = tpu.memref_slice %arg4[%dma_start3A_480] : memref<10240xf32, #tpu.memory_space<hbm>> -> memref<10240xf32, #tpu.memory_space<hbm>>
          tpu.enqueue_indirect_dma source(%dma_start3A_481 : memref<10240xf32, #tpu.memory_space<hbm>>) target(%arg19 : memref<100xf32, #tpu.memory_space<vmem>>) offsets(%dma_start3A_479 : memref<100xi32, #tpu.memory_space<vmem>>) semaphore(%arg34 : memref<!tpu.dma_semaphore, #tpu.memory_space<semaphore_mem>>)
        } else {
        }
      } else {
      }
      %dma_wait3A_346 = arith.constant 0 : i32
      %dma_wait3A_347 = arith.constant 0 : i32
      %dma_wait3A_348 = tpu.memref_slice %arg5[%dma_wait3A_346, %dma_wait3A_347] : memref<10240x16xf32, #tpu.memory_space<hbm>> -> memref<100x16xf32, #tpu.memory_space<hbm>>
      %dma_wait3A_349 = arith.constant 0 : i32
      %dma_wait3A_350 = arith.constant 0 : i32
      %dma_wait3A_351 = tpu.memref_slice %arg5[%dma_wait3A_349, %dma_wait3A_350] : memref<10240x16xf32, #tpu.memory_space<hbm>> -> memref<100x16xf32, #tpu.memory_space<hbm>>
      tpu.wait_dma2 semaphore(%arg38 : memref<!tpu.dma_semaphore, #tpu.memory_space<semaphore_mem>>) src(%dma_wait3A_351 : memref<100x16xf32, #tpu.memory_space<hbm>>) dst(%arg23 : memref<100x16xf32, #tpu.memory_space<vmem>>)
      %add3A_352 = arith.constant 1 : i32
      %add3A_353 = arith.addi %mul3A_270, %add3A_352 : i32
      "tpu.region"() ({
        %run_scoped3A_458 = tpu.sem_alloc : memref<!tpu.dma_semaphore, #tpu.memory_space<semaphore_mem>>
        %dma_start3A_459 = arith.constant 0 : i32
        %dma_start3A_460 = tpu.memref_slice %arg13[%add3A_353, %dma_start3A_459] : memref<100x100xi32, #tpu.memory_space<vmem>> -> memref<1x100xi32, #tpu.memory_space<vmem>>
        %dma_start3A_461 = tpu.memref_squeeze %dma_start3A_460 : memref<1x100xi32, #tpu.memory_space<vmem>> -> memref<100xi32, #tpu.memory_space<vmem>>
        %dma_start3A_462 = arith.constant 0 : i32
        %dma_start3A_463 = arith.constant 0 : i32
        %dma_start3A_464 = tpu.memref_slice %arg28[%dma_start3A_462, %dma_start3A_463] : memref<10240x16xf32, #tpu.memory_space<vmem_shared>> -> memref<10240x16xf32, #tpu.memory_space<vmem_shared>>
        tpu.enqueue_indirect_dma source(%arg23 : memref<100x16xf32, #tpu.memory_space<vmem>>) target(%dma_start3A_464 : memref<10240x16xf32, #tpu.memory_space<vmem_shared>>) offsets(%dma_start3A_461 : memref<100xi32, #tpu.memory_space<vmem>>) semaphore(%run_scoped3A_458 : memref<!tpu.dma_semaphore, #tpu.memory_space<semaphore_mem>>) {add = true}
        %dma_wait3A_465 = arith.constant 0 : i32
        %dma_wait3A_466 = tpu.memref_slice %arg13[%add3A_353, %dma_wait3A_465] : memref<100x100xi32, #tpu.memory_space<vmem>> -> memref<1x100xi32, #tpu.memory_space<vmem>>
        %dma_wait3A_467 = tpu.memref_squeeze %dma_wait3A_466 : memref<1x100xi32, #tpu.memory_space<vmem>> -> memref<100xi32, #tpu.memory_space<vmem>>
        %dma_wait3A_468 = arith.constant 0 : i32
        %dma_wait3A_469 = arith.constant 0 : i32
        %dma_wait3A_470 = tpu.memref_slice %arg28[%dma_wait3A_468, %dma_wait3A_469] : memref<10240x16xf32, #tpu.memory_space<vmem_shared>> -> memref<10240x16xf32, #tpu.memory_space<vmem_shared>>
        tpu.wait_indirect_dma semaphore(%run_scoped3A_458 : memref<!tpu.dma_semaphore, #tpu.memory_space<semaphore_mem>>) src(%arg23 : memref<100x16xf32, #tpu.memory_space<vmem>>) dst(%dma_wait3A_470 : memref<10240x16xf32, #tpu.memory_space<vmem_shared>>)
        tpu.yield
      }) : () -> ()
      %add3A_354 = arith.constant 1 : i32
      %add3A_355 = arith.addi %mul3A_270, %add3A_354 : i32
      %add3A_356 = arith.constant 4 : i32
      %add3A_357 = arith.addi %add3A_355, %add3A_356 : i32
      %lt3A_358 = arith.constant 100 : i32
      %lt3A_359 = arith.cmpi slt, %add3A_357, %lt3A_358 : i32
      %convert_element_type3A_360 = arith.extui %lt3A_359 : i1 to i32
      %cond3A_361 = arith.constant 0 : i32
      %cond3A_362 = arith.cmpi ne, %convert_element_type3A_360, %cond3A_361 : i32
      scf.if %cond3A_362 {
        %add3A_458 = arith.constant 1 : i32
        %add3A_459 = arith.addi %mul3A_270, %add3A_458 : i32
        %add3A_460 = arith.constant 4 : i32
        %add3A_461 = arith.addi %add3A_459, %add3A_460 : i32
        %dma_start3A_462 = arith.constant 0 : i32
        %dma_start3A_463 = tpu.memref_slice %arg12[%add3A_461, %dma_start3A_462] : memref<100x100xi32, #tpu.memory_space<vmem>> -> memref<1x100xi32, #tpu.memory_space<vmem>>
        %dma_start3A_464 = tpu.memref_squeeze %dma_start3A_463 : memref<1x100xi32, #tpu.memory_space<vmem>> -> memref<100xi32, #tpu.memory_space<vmem>>
        %dma_start3A_465 = arith.constant 0 : i32
        %dma_start3A_466 = arith.constant 0 : i32
        %dma_start3A_467 = tpu.memref_slice %arg5[%dma_start3A_465, %dma_start3A_466] : memref<10240x16xf32, #tpu.memory_space<hbm>> -> memref<10240x16xf32, #tpu.memory_space<hbm>>
        tpu.enqueue_indirect_dma source(%dma_start3A_467 : memref<10240x16xf32, #tpu.memory_space<hbm>>) target(%arg23 : memref<100x16xf32, #tpu.memory_space<vmem>>) offsets(%dma_start3A_464 : memref<100xi32, #tpu.memory_space<vmem>>) semaphore(%arg38 : memref<!tpu.dma_semaphore, #tpu.memory_space<semaphore_mem>>)
      } else {
      }
      %dma_wait3A_363 = arith.constant 0 : i32
      %dma_wait3A_364 = arith.constant 0 : i32
      %dma_wait3A_365 = tpu.memref_slice %arg2[%arg0, %dma_wait3A_363, %dma_wait3A_364] : memref<2x10240x64xf32, #tpu.memory_space<hbm>> -> memref<1x10240x64xf32, #tpu.memory_space<hbm>>
      %dma_wait3A_366 = tpu.memref_squeeze %dma_wait3A_365 : memref<1x10240x64xf32, #tpu.memory_space<hbm>> -> memref<10240x64xf32, #tpu.memory_space<hbm>>
      %dma_wait3A_367 = arith.constant 0 : i32
      %dma_wait3A_368 = arith.constant 0 : i32
      %dma_wait3A_369 = tpu.memref_slice %dma_wait3A_366[%dma_wait3A_367, %dma_wait3A_368] : memref<10240x64xf32, #tpu.memory_space<hbm>> -> memref<100x64xf32, #tpu.memory_space<hbm>>
      %dma_wait3A_370 = arith.constant 0 : i32
      %dma_wait3A_371 = arith.constant 0 : i32
      %dma_wait3A_372 = tpu.memref_slice %arg2[%arg0, %dma_wait3A_370, %dma_wait3A_371] : memref<2x10240x64xf32, #tpu.memory_space<hbm>> -> memref<1x10240x64xf32, #tpu.memory_space<hbm>>
      %dma_wait3A_373 = tpu.memref_squeeze %dma_wait3A_372 : memref<1x10240x64xf32, #tpu.memory_space<hbm>> -> memref<10240x64xf32, #tpu.memory_space<hbm>>
      %dma_wait3A_374 = arith.constant 0 : i32
      %dma_wait3A_375 = arith.constant 0 : i32
      %dma_wait3A_376 = tpu.memref_slice %dma_wait3A_373[%dma_wait3A_374, %dma_wait3A_375] : memref<10240x64xf32, #tpu.memory_space<hbm>> -> memref<100x64xf32, #tpu.memory_space<hbm>>
      tpu.wait_dma2 semaphore(%arg31 : memref<!tpu.dma_semaphore, #tpu.memory_space<semaphore_mem>>) src(%dma_wait3A_376 : memref<100x64xf32, #tpu.memory_space<hbm>>) dst(%arg16 : memref<100x64xf32, #tpu.memory_space<vmem>>)
      %add3A_377 = arith.constant 2 : i32
      %add3A_378 = arith.addi %mul3A_270, %add3A_377 : i32
      "tpu.region"() ({
        %run_scoped3A_458 = tpu.sem_alloc : memref<!tpu.dma_semaphore, #tpu.memory_space<semaphore_mem>>
        %dma_start3A_459 = arith.constant 0 : i32
        %dma_start3A_460 = tpu.memref_slice %arg11[%add3A_378, %dma_start3A_459] : memref<100x100xi32, #tpu.memory_space<vmem>> -> memref<1x100xi32, #tpu.memory_space<vmem>>
        %dma_start3A_461 = tpu.memref_squeeze %dma_start3A_460 : memref<1x100xi32, #tpu.memory_space<vmem>> -> memref<100xi32, #tpu.memory_space<vmem>>
        %dma_start3A_462 = arith.constant 0 : i32
        %dma_start3A_463 = arith.constant 0 : i32
        %dma_start3A_464 = tpu.memref_slice %arg26[%dma_start3A_462, %dma_start3A_463] : memref<10240x64xf32, #tpu.memory_space<vmem_shared>> -> memref<10240x64xf32, #tpu.memory_space<vmem_shared>>
        tpu.enqueue_indirect_dma source(%arg16 : memref<100x64xf32, #tpu.memory_space<vmem>>) target(%dma_start3A_464 : memref<10240x64xf32, #tpu.memory_space<vmem_shared>>) offsets(%dma_start3A_461 : memref<100xi32, #tpu.memory_space<vmem>>) semaphore(%run_scoped3A_458 : memref<!tpu.dma_semaphore, #tpu.memory_space<semaphore_mem>>) {add = true}
        %dma_wait3A_465 = arith.constant 0 : i32
        %dma_wait3A_466 = tpu.memref_slice %arg11[%add3A_378, %dma_wait3A_465] : memref<100x100xi32, #tpu.memory_space<vmem>> -> memref<1x100xi32, #tpu.memory_space<vmem>>
        %dma_wait3A_467 = tpu.memref_squeeze %dma_wait3A_466 : memref<1x100xi32, #tpu.memory_space<vmem>> -> memref<100xi32, #tpu.memory_space<vmem>>
        %dma_wait3A_468 = arith.constant 0 : i32
        %dma_wait3A_469 = arith.constant 0 : i32
        %dma_wait3A_470 = tpu.memref_slice %arg26[%dma_wait3A_468, %dma_wait3A_469] : memref<10240x64xf32, #tpu.memory_space<vmem_shared>> -> memref<10240x64xf32, #tpu.memory_space<vmem_shared>>
        tpu.wait_indirect_dma semaphore(%run_scoped3A_458 : memref<!tpu.dma_semaphore, #tpu.memory_space<semaphore_mem>>) src(%arg16 : memref<100x64xf32, #tpu.memory_space<vmem>>) dst(%dma_wait3A_470 : memref<10240x64xf32, #tpu.memory_space<vmem_shared>>)
        tpu.yield
      }) : () -> ()
      %add3A_379 = arith.constant 2 : i32
      %add3A_380 = arith.addi %mul3A_270, %add3A_379 : i32
      %add3A_381 = arith.constant 4 : i32
      %add3A_382 = arith.addi %add3A_380, %add3A_381 : i32
      %lt3A_383 = arith.constant 100 : i32
      %lt3A_384 = arith.cmpi slt, %add3A_382, %lt3A_383 : i32
      %convert_element_type3A_385 = arith.extui %lt3A_384 : i1 to i32
      %cond3A_386 = arith.constant 0 : i32
      %cond3A_387 = arith.cmpi ne, %convert_element_type3A_385, %cond3A_386 : i32
      scf.if %cond3A_387 {
        %add3A_458 = arith.constant 2 : i32
        %add3A_459 = arith.addi %mul3A_270, %add3A_458 : i32
        %add3A_460 = arith.constant 4 : i32
        %add3A_461 = arith.addi %add3A_459, %add3A_460 : i32
        %dma_start3A_462 = arith.constant 0 : i32
        %dma_start3A_463 = tpu.memref_slice %arg10[%add3A_461, %dma_start3A_462] : memref<100x100xi32, #tpu.memory_space<vmem>> -> memref<1x100xi32, #tpu.memory_space<vmem>>
        %dma_start3A_464 = tpu.memref_squeeze %dma_start3A_463 : memref<1x100xi32, #tpu.memory_space<vmem>> -> memref<100xi32, #tpu.memory_space<vmem>>
        %dma_start3A_465 = arith.constant 0 : i32
        %dma_start3A_466 = arith.constant 0 : i32
        %dma_start3A_467 = tpu.memref_slice %arg2[%arg0, %dma_start3A_465, %dma_start3A_466] : memref<2x10240x64xf32, #tpu.memory_space<hbm>> -> memref<1x10240x64xf32, #tpu.memory_space<hbm>>
        %dma_start3A_468 = tpu.memref_squeeze %dma_start3A_467 : memref<1x10240x64xf32, #tpu.memory_space<hbm>> -> memref<10240x64xf32, #tpu.memory_space<hbm>>
        %dma_start3A_469 = arith.constant 0 : i32
        %dma_start3A_470 = arith.constant 0 : i32
        %dma_start3A_471 = tpu.memref_slice %dma_start3A_468[%dma_start3A_469, %dma_start3A_470] : memref<10240x64xf32, #tpu.memory_space<hbm>> -> memref<10240x64xf32, #tpu.memory_space<hbm>>
        tpu.enqueue_indirect_dma source(%dma_start3A_471 : memref<10240x64xf32, #tpu.memory_space<hbm>>) target(%arg16 : memref<100x64xf32, #tpu.memory_space<vmem>>) offsets(%dma_start3A_464 : memref<100xi32, #tpu.memory_space<vmem>>) semaphore(%arg31 : memref<!tpu.dma_semaphore, #tpu.memory_space<semaphore_mem>>)
      } else {
      }
      %eq3A_388 = arith.constant 0 : i32
      %eq3A_389 = arith.cmpi eq, %arg0, %eq3A_388 : i32
      %convert_element_type3A_390 = arith.extui %eq3A_389 : i1 to i32
      %cond3A_391 = arith.constant 0 : i32
      %cond3A_392 = arith.cmpi ne, %convert_element_type3A_390, %cond3A_391 : i32
      scf.if %cond3A_392 {
        %dma_wait3A_458 = arith.constant 0 : i32
        %dma_wait3A_459 = tpu.memref_slice %arg4[%dma_wait3A_458] : memref<10240xf32, #tpu.memory_space<hbm>> -> memref<100xf32, #tpu.memory_space<hbm>>
        %dma_wait3A_460 = arith.constant 0 : i32
        %dma_wait3A_461 = tpu.memref_slice %arg4[%dma_wait3A_460] : memref<10240xf32, #tpu.memory_space<hbm>> -> memref<100xf32, #tpu.memory_space<hbm>>
        tpu.wait_dma2 semaphore(%arg35 : memref<!tpu.dma_semaphore, #tpu.memory_space<semaphore_mem>>) src(%dma_wait3A_461 : memref<100xf32, #tpu.memory_space<hbm>>) dst(%arg20 : memref<100xf32, #tpu.memory_space<vmem>>)
        %add3A_462 = arith.constant 2 : i32
        %add3A_463 = arith.addi %mul3A_270, %add3A_462 : i32
        "tpu.region"() ({
          %run_scoped3A_473 = tpu.sem_alloc : memref<!tpu.dma_semaphore, #tpu.memory_space<semaphore_mem>>
          %dma_start3A_474 = arith.constant 0 : i32
          %dma_start3A_475 = tpu.memref_slice %arg10[%add3A_463, %dma_start3A_474] : memref<100x100xi32, #tpu.memory_space<vmem>> -> memref<1x100xi32, #tpu.memory_space<vmem>>
          %dma_start3A_476 = tpu.memref_squeeze %dma_start3A_475 : memref<1x100xi32, #tpu.memory_space<vmem>> -> memref<100xi32, #tpu.memory_space<vmem>>
          %dma_start3A_477 = arith.constant 0 : i32
          %dma_start3A_478 = tpu.memref_slice %arg27[%dma_start3A_477] : memref<10240xf32, #tpu.memory_space<vmem_shared>> -> memref<10240xf32, #tpu.memory_space<vmem_shared>>
          tpu.enqueue_indirect_dma source(%arg20 : memref<100xf32, #tpu.memory_space<vmem>>) target(%dma_start3A_478 : memref<10240xf32, #tpu.memory_space<vmem_shared>>) offsets(%dma_start3A_476 : memref<100xi32, #tpu.memory_space<vmem>>) semaphore(%run_scoped3A_473 : memref<!tpu.dma_semaphore, #tpu.memory_space<semaphore_mem>>) {add = true}
          %dma_wait3A_479 = arith.constant 0 : i32
          %dma_wait3A_480 = tpu.memref_slice %arg10[%add3A_463, %dma_wait3A_479] : memref<100x100xi32, #tpu.memory_space<vmem>> -> memref<1x100xi32, #tpu.memory_space<vmem>>
          %dma_wait3A_481 = tpu.memref_squeeze %dma_wait3A_480 : memref<1x100xi32, #tpu.memory_space<vmem>> -> memref<100xi32, #tpu.memory_space<vmem>>
          %dma_wait3A_482 = arith.constant 0 : i32
          %dma_wait3A_483 = tpu.memref_slice %arg27[%dma_wait3A_482] : memref<10240xf32, #tpu.memory_space<vmem_shared>> -> memref<10240xf32, #tpu.memory_space<vmem_shared>>
          tpu.wait_indirect_dma semaphore(%run_scoped3A_473 : memref<!tpu.dma_semaphore, #tpu.memory_space<semaphore_mem>>) src(%arg20 : memref<100xf32, #tpu.memory_space<vmem>>) dst(%dma_wait3A_483 : memref<10240xf32, #tpu.memory_space<vmem_shared>>)
          tpu.yield
        }) : () -> ()
        %add3A_464 = arith.constant 2 : i32
        %add3A_465 = arith.addi %mul3A_270, %add3A_464 : i32
        %add3A_466 = arith.constant 4 : i32
        %add3A_467 = arith.addi %add3A_465, %add3A_466 : i32
        %lt3A_468 = arith.constant 100 : i32
        %lt3A_469 = arith.cmpi slt, %add3A_467, %lt3A_468 : i32
        %convert_element_type3A_470 = arith.extui %lt3A_469 : i1 to i32
        %cond3A_471 = arith.constant 0 : i32
        %cond3A_472 = arith.cmpi ne, %convert_element_type3A_470, %cond3A_471 : i32
        scf.if %cond3A_472 {
          %add3A_473 = arith.constant 2 : i32
          %add3A_474 = arith.addi %mul3A_270, %add3A_473 : i32
          %add3A_475 = arith.constant 4 : i32
          %add3A_476 = arith.addi %add3A_474, %add3A_475 : i32
          %dma_start3A_477 = arith.constant 0 : i32
          %dma_start3A_478 = tpu.memref_slice %arg11[%add3A_476, %dma_start3A_477] : memref<100x100xi32, #tpu.memory_space<vmem>> -> memref<1x100xi32, #tpu.memory_space<vmem>>
          %dma_start3A_479 = tpu.memref_squeeze %dma_start3A_478 : memref<1x100xi32, #tpu.memory_space<vmem>> -> memref<100xi32, #tpu.memory_space<vmem>>
          %dma_start3A_480 = arith.constant 0 : i32
          %dma_start3A_481 = tpu.memref_slice %arg4[%dma_start3A_480] : memref<10240xf32, #tpu.memory_space<hbm>> -> memref<10240xf32, #tpu.memory_space<hbm>>
          tpu.enqueue_indirect_dma source(%dma_start3A_481 : memref<10240xf32, #tpu.memory_space<hbm>>) target(%arg20 : memref<100xf32, #tpu.memory_space<vmem>>) offsets(%dma_start3A_479 : memref<100xi32, #tpu.memory_space<vmem>>) semaphore(%arg35 : memref<!tpu.dma_semaphore, #tpu.memory_space<semaphore_mem>>)
        } else {
        }
      } else {
      }
      %dma_wait3A_393 = arith.constant 0 : i32
      %dma_wait3A_394 = arith.constant 0 : i32
      %dma_wait3A_395 = tpu.memref_slice %arg5[%dma_wait3A_393, %dma_wait3A_394] : memref<10240x16xf32, #tpu.memory_space<hbm>> -> memref<100x16xf32, #tpu.memory_space<hbm>>
      %dma_wait3A_396 = arith.constant 0 : i32
      %dma_wait3A_397 = arith.constant 0 : i32
      %dma_wait3A_398 = tpu.memref_slice %arg5[%dma_wait3A_396, %dma_wait3A_397] : memref<10240x16xf32, #tpu.memory_space<hbm>> -> memref<100x16xf32, #tpu.memory_space<hbm>>
      tpu.wait_dma2 semaphore(%arg39 : memref<!tpu.dma_semaphore, #tpu.memory_space<semaphore_mem>>) src(%dma_wait3A_398 : memref<100x16xf32, #tpu.memory_space<hbm>>) dst(%arg24 : memref<100x16xf32, #tpu.memory_space<vmem>>)
      %add3A_399 = arith.constant 2 : i32
      %add3A_400 = arith.addi %mul3A_270, %add3A_399 : i32
      "tpu.region"() ({
        %run_scoped3A_458 = tpu.sem_alloc : memref<!tpu.dma_semaphore, #tpu.memory_space<semaphore_mem>>
        %dma_start3A_459 = arith.constant 0 : i32
        %dma_start3A_460 = tpu.memref_slice %arg13[%add3A_400, %dma_start3A_459] : memref<100x100xi32, #tpu.memory_space<vmem>> -> memref<1x100xi32, #tpu.memory_space<vmem>>
        %dma_start3A_461 = tpu.memref_squeeze %dma_start3A_460 : memref<1x100xi32, #tpu.memory_space<vmem>> -> memref<100xi32, #tpu.memory_space<vmem>>
        %dma_start3A_462 = arith.constant 0 : i32
        %dma_start3A_463 = arith.constant 0 : i32
        %dma_start3A_464 = tpu.memref_slice %arg28[%dma_start3A_462, %dma_start3A_463] : memref<10240x16xf32, #tpu.memory_space<vmem_shared>> -> memref<10240x16xf32, #tpu.memory_space<vmem_shared>>
        tpu.enqueue_indirect_dma source(%arg24 : memref<100x16xf32, #tpu.memory_space<vmem>>) target(%dma_start3A_464 : memref<10240x16xf32, #tpu.memory_space<vmem_shared>>) offsets(%dma_start3A_461 : memref<100xi32, #tpu.memory_space<vmem>>) semaphore(%run_scoped3A_458 : memref<!tpu.dma_semaphore, #tpu.memory_space<semaphore_mem>>) {add = true}
        %dma_wait3A_465 = arith.constant 0 : i32
        %dma_wait3A_466 = tpu.memref_slice %arg13[%add3A_400, %dma_wait3A_465] : memref<100x100xi32, #tpu.memory_space<vmem>> -> memref<1x100xi32, #tpu.memory_space<vmem>>
        %dma_wait3A_467 = tpu.memref_squeeze %dma_wait3A_466 : memref<1x100xi32, #tpu.memory_space<vmem>> -> memref<100xi32, #tpu.memory_space<vmem>>
        %dma_wait3A_468 = arith.constant 0 : i32
        %dma_wait3A_469 = arith.constant 0 : i32
        %dma_wait3A_470 = tpu.memref_slice %arg28[%dma_wait3A_468, %dma_wait3A_469] : memref<10240x16xf32, #tpu.memory_space<vmem_shared>> -> memref<10240x16xf32, #tpu.memory_space<vmem_shared>>
        tpu.wait_indirect_dma semaphore(%run_scoped3A_458 : memref<!tpu.dma_semaphore, #tpu.memory_space<semaphore_mem>>) src(%arg24 : memref<100x16xf32, #tpu.memory_space<vmem>>) dst(%dma_wait3A_470 : memref<10240x16xf32, #tpu.memory_space<vmem_shared>>)
        tpu.yield
      }) : () -> ()
      %add3A_401 = arith.constant 2 : i32
      %add3A_402 = arith.addi %mul3A_270, %add3A_401 : i32
      %add3A_403 = arith.constant 4 : i32
      %add3A_404 = arith.addi %add3A_402, %add3A_403 : i32
      %lt3A_405 = arith.constant 100 : i32
      %lt3A_406 = arith.cmpi slt, %add3A_404, %lt3A_405 : i32
      %convert_element_type3A_407 = arith.extui %lt3A_406 : i1 to i32
      %cond3A_408 = arith.constant 0 : i32
      %cond3A_409 = arith.cmpi ne, %convert_element_type3A_407, %cond3A_408 : i32
      scf.if %cond3A_409 {
        %add3A_458 = arith.constant 2 : i32
        %add3A_459 = arith.addi %mul3A_270, %add3A_458 : i32
        %add3A_460 = arith.constant 4 : i32
        %add3A_461 = arith.addi %add3A_459, %add3A_460 : i32
        %dma_start3A_462 = arith.constant 0 : i32
        %dma_start3A_463 = tpu.memref_slice %arg12[%add3A_461, %dma_start3A_462] : memref<100x100xi32, #tpu.memory_space<vmem>> -> memref<1x100xi32, #tpu.memory_space<vmem>>
        %dma_start3A_464 = tpu.memref_squeeze %dma_start3A_463 : memref<1x100xi32, #tpu.memory_space<vmem>> -> memref<100xi32, #tpu.memory_space<vmem>>
        %dma_start3A_465 = arith.constant 0 : i32
        %dma_start3A_466 = arith.constant 0 : i32
        %dma_start3A_467 = tpu.memref_slice %arg5[%dma_start3A_465, %dma_start3A_466] : memref<10240x16xf32, #tpu.memory_space<hbm>> -> memref<10240x16xf32, #tpu.memory_space<hbm>>
        tpu.enqueue_indirect_dma source(%dma_start3A_467 : memref<10240x16xf32, #tpu.memory_space<hbm>>) target(%arg24 : memref<100x16xf32, #tpu.memory_space<vmem>>) offsets(%dma_start3A_464 : memref<100xi32, #tpu.memory_space<vmem>>) semaphore(%arg39 : memref<!tpu.dma_semaphore, #tpu.memory_space<semaphore_mem>>)
      } else {
      }
      %dma_wait3A_410 = arith.constant 0 : i32
      %dma_wait3A_411 = arith.constant 0 : i32
      %dma_wait3A_412 = tpu.memref_slice %arg2[%arg0, %dma_wait3A_410, %dma_wait3A_411] : memref<2x10240x64xf32, #tpu.memory_space<hbm>> -> memref<1x10240x64xf32, #tpu.memory_space<hbm>>
      %dma_wait3A_413 = tpu.memref_squeeze %dma_wait3A_412 : memref<1x10240x64xf32, #tpu.memory_space<hbm>> -> memref<10240x64xf32, #tpu.memory_space<hbm>>
      %dma_wait3A_414 = arith.constant 0 : i32
      %dma_wait3A_415 = arith.constant 0 : i32
      %dma_wait3A_416 = tpu.memref_slice %dma_wait3A_413[%dma_wait3A_414, %dma_wait3A_415] : memref<10240x64xf32, #tpu.memory_space<hbm>> -> memref<100x64xf32, #tpu.memory_space<hbm>>
      %dma_wait3A_417 = arith.constant 0 : i32
      %dma_wait3A_418 = arith.constant 0 : i32
      %dma_wait3A_419 = tpu.memref_slice %arg2[%arg0, %dma_wait3A_417, %dma_wait3A_418] : memref<2x10240x64xf32, #tpu.memory_space<hbm>> -> memref<1x10240x64xf32, #tpu.memory_space<hbm>>
      %dma_wait3A_420 = tpu.memref_squeeze %dma_wait3A_419 : memref<1x10240x64xf32, #tpu.memory_space<hbm>> -> memref<10240x64xf32, #tpu.memory_space<hbm>>
      %dma_wait3A_421 = arith.constant 0 : i32
      %dma_wait3A_422 = arith.constant 0 : i32
      %dma_wait3A_423 = tpu.memref_slice %dma_wait3A_420[%dma_wait3A_421, %dma_wait3A_422] : memref<10240x64xf32, #tpu.memory_space<hbm>> -> memref<100x64xf32, #tpu.memory_space<hbm>>
      tpu.wait_dma2 semaphore(%arg32 : memref<!tpu.dma_semaphore, #tpu.memory_space<semaphore_mem>>) src(%dma_wait3A_423 : memref<100x64xf32, #tpu.memory_space<hbm>>) dst(%arg17 : memref<100x64xf32, #tpu.memory_space<vmem>>)
      %add3A_424 = arith.constant 3 : i32
      %add3A_425 = arith.addi %mul3A_270, %add3A_424 : i32
      "tpu.region"() ({
        %run_scoped3A_458 = tpu.sem_alloc : memref<!tpu.dma_semaphore, #tpu.memory_space<semaphore_mem>>
        %dma_start3A_459 = arith.constant 0 : i32
        %dma_start3A_460 = tpu.memref_slice %arg11[%add3A_425, %dma_start3A_459] : memref<100x100xi32, #tpu.memory_space<vmem>> -> memref<1x100xi32, #tpu.memory_space<vmem>>
        %dma_start3A_461 = tpu.memref_squeeze %dma_start3A_460 : memref<1x100xi32, #tpu.memory_space<vmem>> -> memref<100xi32, #tpu.memory_space<vmem>>
        %dma_start3A_462 = arith.constant 0 : i32
        %dma_start3A_463 = arith.constant 0 : i32
        %dma_start3A_464 = tpu.memref_slice %arg26[%dma_start3A_462, %dma_start3A_463] : memref<10240x64xf32, #tpu.memory_space<vmem_shared>> -> memref<10240x64xf32, #tpu.memory_space<vmem_shared>>
        tpu.enqueue_indirect_dma source(%arg17 : memref<100x64xf32, #tpu.memory_space<vmem>>) target(%dma_start3A_464 : memref<10240x64xf32, #tpu.memory_space<vmem_shared>>) offsets(%dma_start3A_461 : memref<100xi32, #tpu.memory_space<vmem>>) semaphore(%run_scoped3A_458 : memref<!tpu.dma_semaphore, #tpu.memory_space<semaphore_mem>>) {add = true}
        %dma_wait3A_465 = arith.constant 0 : i32
        %dma_wait3A_466 = tpu.memref_slice %arg11[%add3A_425, %dma_wait3A_465] : memref<100x100xi32, #tpu.memory_space<vmem>> -> memref<1x100xi32, #tpu.memory_space<vmem>>
        %dma_wait3A_467 = tpu.memref_squeeze %dma_wait3A_466 : memref<1x100xi32, #tpu.memory_space<vmem>> -> memref<100xi32, #tpu.memory_space<vmem>>
        %dma_wait3A_468 = arith.constant 0 : i32
        %dma_wait3A_469 = arith.constant 0 : i32
        %dma_wait3A_470 = tpu.memref_slice %arg26[%dma_wait3A_468, %dma_wait3A_469] : memref<10240x64xf32, #tpu.memory_space<vmem_shared>> -> memref<10240x64xf32, #tpu.memory_space<vmem_shared>>
        tpu.wait_indirect_dma semaphore(%run_scoped3A_458 : memref<!tpu.dma_semaphore, #tpu.memory_space<semaphore_mem>>) src(%arg17 : memref<100x64xf32, #tpu.memory_space<vmem>>) dst(%dma_wait3A_470 : memref<10240x64xf32, #tpu.memory_space<vmem_shared>>)
        tpu.yield
      }) : () -> ()
      %add3A_426 = arith.constant 3 : i32
      %add3A_427 = arith.addi %mul3A_270, %add3A_426 : i32
      %add3A_428 = arith.constant 4 : i32
      %add3A_429 = arith.addi %add3A_427, %add3A_428 : i32
      %lt3A_430 = arith.constant 100 : i32
      %lt3A_431 = arith.cmpi slt, %add3A_429, %lt3A_430 : i32
      %convert_element_type3A_432 = arith.extui %lt3A_431 : i1 to i32
      %cond3A_433 = arith.constant 0 : i32
      %cond3A_434 = arith.cmpi ne, %convert_element_type3A_432, %cond3A_433 : i32
      scf.if %cond3A_434 {
        %add3A_458 = arith.constant 3 : i32
        %add3A_459 = arith.addi %mul3A_270, %add3A_458 : i32
        %add3A_460 = arith.constant 4 : i32
        %add3A_461 = arith.addi %add3A_459, %add3A_460 : i32
        %dma_start3A_462 = arith.constant 0 : i32
        %dma_start3A_463 = tpu.memref_slice %arg10[%add3A_461, %dma_start3A_462] : memref<100x100xi32, #tpu.memory_space<vmem>> -> memref<1x100xi32, #tpu.memory_space<vmem>>
        %dma_start3A_464 = tpu.memref_squeeze %dma_start3A_463 : memref<1x100xi32, #tpu.memory_space<vmem>> -> memref<100xi32, #tpu.memory_space<vmem>>
        %dma_start3A_465 = arith.constant 0 : i32
        %dma_start3A_466 = arith.constant 0 : i32
        %dma_start3A_467 = tpu.memref_slice %arg2[%arg0, %dma_start3A_465, %dma_start3A_466] : memref<2x10240x64xf32, #tpu.memory_space<hbm>> -> memref<1x10240x64xf32, #tpu.memory_space<hbm>>
        %dma_start3A_468 = tpu.memref_squeeze %dma_start3A_467 : memref<1x10240x64xf32, #tpu.memory_space<hbm>> -> memref<10240x64xf32, #tpu.memory_space<hbm>>
        %dma_start3A_469 = arith.constant 0 : i32
        %dma_start3A_470 = arith.constant 0 : i32
        %dma_start3A_471 = tpu.memref_slice %dma_start3A_468[%dma_start3A_469, %dma_start3A_470] : memref<10240x64xf32, #tpu.memory_space<hbm>> -> memref<10240x64xf32, #tpu.memory_space<hbm>>
        tpu.enqueue_indirect_dma source(%dma_start3A_471 : memref<10240x64xf32, #tpu.memory_space<hbm>>) target(%arg17 : memref<100x64xf32, #tpu.memory_space<vmem>>) offsets(%dma_start3A_464 : memref<100xi32, #tpu.memory_space<vmem>>) semaphore(%arg32 : memref<!tpu.dma_semaphore, #tpu.memory_space<semaphore_mem>>)
      } else {
      }
      %eq3A_435 = arith.constant 0 : i32
      %eq3A_436 = arith.cmpi eq, %arg0, %eq3A_435 : i32
      %convert_element_type3A_437 = arith.extui %eq3A_436 : i1 to i32
      %cond3A_438 = arith.constant 0 : i32
      %cond3A_439 = arith.cmpi ne, %convert_element_type3A_437, %cond3A_438 : i32
      scf.if %cond3A_439 {
        %dma_wait3A_458 = arith.constant 0 : i32
        %dma_wait3A_459 = tpu.memref_slice %arg4[%dma_wait3A_458] : memref<10240xf32, #tpu.memory_space<hbm>> -> memref<100xf32, #tpu.memory_space<hbm>>
        %dma_wait3A_460 = arith.constant 0 : i32
        %dma_wait3A_461 = tpu.memref_slice %arg4[%dma_wait3A_460] : memref<10240xf32, #tpu.memory_space<hbm>> -> memref<100xf32, #tpu.memory_space<hbm>>
        tpu.wait_dma2 semaphore(%arg36 : memref<!tpu.dma_semaphore, #tpu.memory_space<semaphore_mem>>) src(%dma_wait3A_461 : memref<100xf32, #tpu.memory_space<hbm>>) dst(%arg21 : memref<100xf32, #tpu.memory_space<vmem>>)
        %add3A_462 = arith.constant 3 : i32
        %add3A_463 = arith.addi %mul3A_270, %add3A_462 : i32
        "tpu.region"() ({
          %run_scoped3A_473 = tpu.sem_alloc : memref<!tpu.dma_semaphore, #tpu.memory_space<semaphore_mem>>
          %dma_start3A_474 = arith.constant 0 : i32
          %dma_start3A_475 = tpu.memref_slice %arg10[%add3A_463, %dma_start3A_474] : memref<100x100xi32, #tpu.memory_space<vmem>> -> memref<1x100xi32, #tpu.memory_space<vmem>>
          %dma_start3A_476 = tpu.memref_squeeze %dma_start3A_475 : memref<1x100xi32, #tpu.memory_space<vmem>> -> memref<100xi32, #tpu.memory_space<vmem>>
          %dma_start3A_477 = arith.constant 0 : i32
          %dma_start3A_478 = tpu.memref_slice %arg27[%dma_start3A_477] : memref<10240xf32, #tpu.memory_space<vmem_shared>> -> memref<10240xf32, #tpu.memory_space<vmem_shared>>
          tpu.enqueue_indirect_dma source(%arg21 : memref<100xf32, #tpu.memory_space<vmem>>) target(%dma_start3A_478 : memref<10240xf32, #tpu.memory_space<vmem_shared>>) offsets(%dma_start3A_476 : memref<100xi32, #tpu.memory_space<vmem>>) semaphore(%run_scoped3A_473 : memref<!tpu.dma_semaphore, #tpu.memory_space<semaphore_mem>>) {add = true}
          %dma_wait3A_479 = arith.constant 0 : i32
          %dma_wait3A_480 = tpu.memref_slice %arg10[%add3A_463, %dma_wait3A_479] : memref<100x100xi32, #tpu.memory_space<vmem>> -> memref<1x100xi32, #tpu.memory_space<vmem>>
          %dma_wait3A_481 = tpu.memref_squeeze %dma_wait3A_480 : memref<1x100xi32, #tpu.memory_space<vmem>> -> memref<100xi32, #tpu.memory_space<vmem>>
          %dma_wait3A_482 = arith.constant 0 : i32
          %dma_wait3A_483 = tpu.memref_slice %arg27[%dma_wait3A_482] : memref<10240xf32, #tpu.memory_space<vmem_shared>> -> memref<10240xf32, #tpu.memory_space<vmem_shared>>
          tpu.wait_indirect_dma semaphore(%run_scoped3A_473 : memref<!tpu.dma_semaphore, #tpu.memory_space<semaphore_mem>>) src(%arg21 : memref<100xf32, #tpu.memory_space<vmem>>) dst(%dma_wait3A_483 : memref<10240xf32, #tpu.memory_space<vmem_shared>>)
          tpu.yield
        }) : () -> ()
        %add3A_464 = arith.constant 3 : i32
        %add3A_465 = arith.addi %mul3A_270, %add3A_464 : i32
        %add3A_466 = arith.constant 4 : i32
        %add3A_467 = arith.addi %add3A_465, %add3A_466 : i32
        %lt3A_468 = arith.constant 100 : i32
        %lt3A_469 = arith.cmpi slt, %add3A_467, %lt3A_468 : i32
        %convert_element_type3A_470 = arith.extui %lt3A_469 : i1 to i32
        %cond3A_471 = arith.constant 0 : i32
        %cond3A_472 = arith.cmpi ne, %convert_element_type3A_470, %cond3A_471 : i32
        scf.if %cond3A_472 {
          %add3A_473 = arith.constant 3 : i32
          %add3A_474 = arith.addi %mul3A_270, %add3A_473 : i32
          %add3A_475 = arith.constant 4 : i32
          %add3A_476 = arith.addi %add3A_474, %add3A_475 : i32
          %dma_start3A_477 = arith.constant 0 : i32
          %dma_start3A_478 = tpu.memref_slice %arg11[%add3A_476, %dma_start3A_477] : memref<100x100xi32, #tpu.memory_space<vmem>> -> memref<1x100xi32, #tpu.memory_space<vmem>>
          %dma_start3A_479 = tpu.memref_squeeze %dma_start3A_478 : memref<1x100xi32, #tpu.memory_space<vmem>> -> memref<100xi32, #tpu.memory_space<vmem>>
          %dma_start3A_480 = arith.constant 0 : i32
          %dma_start3A_481 = tpu.memref_slice %arg4[%dma_start3A_480] : memref<10240xf32, #tpu.memory_space<hbm>> -> memref<10240xf32, #tpu.memory_space<hbm>>
          tpu.enqueue_indirect_dma source(%dma_start3A_481 : memref<10240xf32, #tpu.memory_space<hbm>>) target(%arg21 : memref<100xf32, #tpu.memory_space<vmem>>) offsets(%dma_start3A_479 : memref<100xi32, #tpu.memory_space<vmem>>) semaphore(%arg36 : memref<!tpu.dma_semaphore, #tpu.memory_space<semaphore_mem>>)
        } else {
        }
      } else {
      }
      %dma_wait3A_440 = arith.constant 0 : i32
      %dma_wait3A_441 = arith.constant 0 : i32
      %dma_wait3A_442 = tpu.memref_slice %arg5[%dma_wait3A_440, %dma_wait3A_441] : memref<10240x16xf32, #tpu.memory_space<hbm>> -> memref<100x16xf32, #tpu.memory_space<hbm>>
      %dma_wait3A_443 = arith.constant 0 : i32
      %dma_wait3A_444 = arith.constant 0 : i32
      %dma_wait3A_445 = tpu.memref_slice %arg5[%dma_wait3A_443, %dma_wait3A_444] : memref<10240x16xf32, #tpu.memory_space<hbm>> -> memref<100x16xf32, #tpu.memory_space<hbm>>
      tpu.wait_dma2 semaphore(%arg40 : memref<!tpu.dma_semaphore, #tpu.memory_space<semaphore_mem>>) src(%dma_wait3A_445 : memref<100x16xf32, #tpu.memory_space<hbm>>) dst(%arg25 : memref<100x16xf32, #tpu.memory_space<vmem>>)
      %add3A_446 = arith.constant 3 : i32
      %add3A_447 = arith.addi %mul3A_270, %add3A_446 : i32
      "tpu.region"() ({
        %run_scoped3A_458 = tpu.sem_alloc : memref<!tpu.dma_semaphore, #tpu.memory_space<semaphore_mem>>
        %dma_start3A_459 = arith.constant 0 : i32
        %dma_start3A_460 = tpu.memref_slice %arg13[%add3A_447, %dma_start3A_459] : memref<100x100xi32, #tpu.memory_space<vmem>> -> memref<1x100xi32, #tpu.memory_space<vmem>>
        %dma_start3A_461 = tpu.memref_squeeze %dma_start3A_460 : memref<1x100xi32, #tpu.memory_space<vmem>> -> memref<100xi32, #tpu.memory_space<vmem>>
        %dma_start3A_462 = arith.constant 0 : i32
        %dma_start3A_463 = arith.constant 0 : i32
        %dma_start3A_464 = tpu.memref_slice %arg28[%dma_start3A_462, %dma_start3A_463] : memref<10240x16xf32, #tpu.memory_space<vmem_shared>> -> memref<10240x16xf32, #tpu.memory_space<vmem_shared>>
        tpu.enqueue_indirect_dma source(%arg25 : memref<100x16xf32, #tpu.memory_space<vmem>>) target(%dma_start3A_464 : memref<10240x16xf32, #tpu.memory_space<vmem_shared>>) offsets(%dma_start3A_461 : memref<100xi32, #tpu.memory_space<vmem>>) semaphore(%run_scoped3A_458 : memref<!tpu.dma_semaphore, #tpu.memory_space<semaphore_mem>>) {add = true}
        %dma_wait3A_465 = arith.constant 0 : i32
        %dma_wait3A_466 = tpu.memref_slice %arg13[%add3A_447, %dma_wait3A_465] : memref<100x100xi32, #tpu.memory_space<vmem>> -> memref<1x100xi32, #tpu.memory_space<vmem>>
        %dma_wait3A_467 = tpu.memref_squeeze %dma_wait3A_466 : memref<1x100xi32, #tpu.memory_space<vmem>> -> memref<100xi32, #tpu.memory_space<vmem>>
        %dma_wait3A_468 = arith.constant 0 : i32
        %dma_wait3A_469 = arith.constant 0 : i32
        %dma_wait3A_470 = tpu.memref_slice %arg28[%dma_wait3A_468, %dma_wait3A_469] : memref<10240x16xf32, #tpu.memory_space<vmem_shared>> -> memref<10240x16xf32, #tpu.memory_space<vmem_shared>>
        tpu.wait_indirect_dma semaphore(%run_scoped3A_458 : memref<!tpu.dma_semaphore, #tpu.memory_space<semaphore_mem>>) src(%arg25 : memref<100x16xf32, #tpu.memory_space<vmem>>) dst(%dma_wait3A_470 : memref<10240x16xf32, #tpu.memory_space<vmem_shared>>)
        tpu.yield
      }) : () -> ()
      %add3A_448 = arith.constant 3 : i32
      %add3A_449 = arith.addi %mul3A_270, %add3A_448 : i32
      %add3A_450 = arith.constant 4 : i32
      %add3A_451 = arith.addi %add3A_449, %add3A_450 : i32
      %lt3A_452 = arith.constant 100 : i32
      %lt3A_453 = arith.cmpi slt, %add3A_451, %lt3A_452 : i32
      %convert_element_type3A_454 = arith.extui %lt3A_453 : i1 to i32
      %cond3A_455 = arith.constant 0 : i32
      %cond3A_456 = arith.cmpi ne, %convert_element_type3A_454, %cond3A_455 : i32
      scf.if %cond3A_456 {
        %add3A_458 = arith.constant 3 : i32
        %add3A_459 = arith.addi %mul3A_270, %add3A_458 : i32
        %add3A_460 = arith.constant 4 : i32
        %add3A_461 = arith.addi %add3A_459, %add3A_460 : i32
        %dma_start3A_462 = arith.constant 0 : i32
        %dma_start3A_463 = tpu.memref_slice %arg12[%add3A_461, %dma_start3A_462] : memref<100x100xi32, #tpu.memory_space<vmem>> -> memref<1x100xi32, #tpu.memory_space<vmem>>
        %dma_start3A_464 = tpu.memref_squeeze %dma_start3A_463 : memref<1x100xi32, #tpu.memory_space<vmem>> -> memref<100xi32, #tpu.memory_space<vmem>>
        %dma_start3A_465 = arith.constant 0 : i32
        %dma_start3A_466 = arith.constant 0 : i32
        %dma_start3A_467 = tpu.memref_slice %arg5[%dma_start3A_465, %dma_start3A_466] : memref<10240x16xf32, #tpu.memory_space<hbm>> -> memref<10240x16xf32, #tpu.memory_space<hbm>>
        tpu.enqueue_indirect_dma source(%dma_start3A_467 : memref<10240x16xf32, #tpu.memory_space<hbm>>) target(%arg25 : memref<100x16xf32, #tpu.memory_space<vmem>>) offsets(%dma_start3A_464 : memref<100xi32, #tpu.memory_space<vmem>>) semaphore(%arg40 : memref<!tpu.dma_semaphore, #tpu.memory_space<semaphore_mem>>)
      } else {
      }
      %scan3A_457 = arith.constant 0 : i32
      scf.yield %scan3A_457 : i32
    }
    %scan3A_205 = arith.constant 25 : i32
    %run_scoped3A_206 = arith.constant 0 : i32
    "tpu.region"() ({
      %run_scoped3A_267 = tpu.sem_alloc : memref<!tpu.dma_semaphore, #tpu.memory_space<semaphore_mem>>
      %dma_start3A_268 = arith.constant 100 : i32
      %dma_start3A_269 = arith.constant 0 : i32
      %dma_start3A_270 = tpu.memref_slice %arg3[%run_scoped3A_206, %arg1, %dma_start3A_268, %dma_start3A_269] : memref<2x16x200x100xi32, #tpu.memory_space<hbm>> -> memref<1x1x100x100xi32, #tpu.memory_space<hbm>>
      %dma_start3A_271 = tpu.memref_squeeze %dma_start3A_270 : memref<1x1x100x100xi32, #tpu.memory_space<hbm>> -> memref<100x100xi32, #tpu.memory_space<hbm>>
      %dma_start3A_272 = arith.constant 100 : i32
      %dma_start3A_273 = arith.constant 0 : i32
      %dma_start3A_274 = tpu.memref_slice %arg3[%run_scoped3A_206, %arg1, %dma_start3A_272, %dma_start3A_273] : memref<2x16x200x100xi32, #tpu.memory_space<hbm>> -> memref<1x1x100x100xi32, #tpu.memory_space<hbm>>
      %dma_start3A_275 = tpu.memref_squeeze %dma_start3A_274 : memref<1x1x100x100xi32, #tpu.memory_space<hbm>> -> memref<100x100xi32, #tpu.memory_space<hbm>>
      tpu.enqueue_dma source(%dma_start3A_275 : memref<100x100xi32, #tpu.memory_space<hbm>>) target(%arg10 : memref<100x100xi32, #tpu.memory_space<vmem>>) target_semaphore(%run_scoped3A_267 : memref<!tpu.dma_semaphore, #tpu.memory_space<semaphore_mem>>)
      %dma_wait3A = arith.constant 100 : i32
      %dma_wait3A_276 = arith.constant 0 : i32
      %dma_wait3A_277 = tpu.memref_slice %arg3[%run_scoped3A_206, %arg1, %dma_wait3A, %dma_wait3A_276] : memref<2x16x200x100xi32, #tpu.memory_space<hbm>> -> memref<1x1x100x100xi32, #tpu.memory_space<hbm>>
      %dma_wait3A_278 = tpu.memref_squeeze %dma_wait3A_277 : memref<1x1x100x100xi32, #tpu.memory_space<hbm>> -> memref<100x100xi32, #tpu.memory_space<hbm>>
      %dma_wait3A_279 = arith.constant 100 : i32
      %dma_wait3A_280 = arith.constant 0 : i32
      %dma_wait3A_281 = tpu.memref_slice %arg3[%run_scoped3A_206, %arg1, %dma_wait3A_279, %dma_wait3A_280] : memref<2x16x200x100xi32, #tpu.memory_space<hbm>> -> memref<1x1x100x100xi32, #tpu.memory_space<hbm>>
      %dma_wait3A_282 = tpu.memref_squeeze %dma_wait3A_281 : memref<1x1x100x100xi32, #tpu.memory_space<hbm>> -> memref<100x100xi32, #tpu.memory_space<hbm>>
      tpu.wait_dma2 semaphore(%run_scoped3A_267 : memref<!tpu.dma_semaphore, #tpu.memory_space<semaphore_mem>>) src(%dma_wait3A_282 : memref<100x100xi32, #tpu.memory_space<hbm>>) dst(%arg10 : memref<100x100xi32, #tpu.memory_space<vmem>>)
      tpu.yield
    }) : () -> ()
    %run_scoped3A_207 = arith.constant 1 : i32
    "tpu.region"() ({
      %run_scoped3A_267 = tpu.sem_alloc : memref<!tpu.dma_semaphore, #tpu.memory_space<semaphore_mem>>
      %dma_start3A_268 = arith.constant 100 : i32
      %dma_start3A_269 = arith.constant 0 : i32
      %dma_start3A_270 = tpu.memref_slice %arg3[%run_scoped3A_207, %arg1, %dma_start3A_268, %dma_start3A_269] : memref<2x16x200x100xi32, #tpu.memory_space<hbm>> -> memref<1x1x100x100xi32, #tpu.memory_space<hbm>>
      %dma_start3A_271 = tpu.memref_squeeze %dma_start3A_270 : memref<1x1x100x100xi32, #tpu.memory_space<hbm>> -> memref<100x100xi32, #tpu.memory_space<hbm>>
      %dma_start3A_272 = arith.constant 100 : i32
      %dma_start3A_273 = arith.constant 0 : i32
      %dma_start3A_274 = tpu.memref_slice %arg3[%run_scoped3A_207, %arg1, %dma_start3A_272, %dma_start3A_273] : memref<2x16x200x100xi32, #tpu.memory_space<hbm>> -> memref<1x1x100x100xi32, #tpu.memory_space<hbm>>
      %dma_start3A_275 = tpu.memref_squeeze %dma_start3A_274 : memref<1x1x100x100xi32, #tpu.memory_space<hbm>> -> memref<100x100xi32, #tpu.memory_space<hbm>>
      tpu.enqueue_dma source(%dma_start3A_275 : memref<100x100xi32, #tpu.memory_space<hbm>>) target(%arg11 : memref<100x100xi32, #tpu.memory_space<vmem>>) target_semaphore(%run_scoped3A_267 : memref<!tpu.dma_semaphore, #tpu.memory_space<semaphore_mem>>)
      %dma_wait3A = arith.constant 100 : i32
      %dma_wait3A_276 = arith.constant 0 : i32
      %dma_wait3A_277 = tpu.memref_slice %arg3[%run_scoped3A_207, %arg1, %dma_wait3A, %dma_wait3A_276] : memref<2x16x200x100xi32, #tpu.memory_space<hbm>> -> memref<1x1x100x100xi32, #tpu.memory_space<hbm>>
      %dma_wait3A_278 = tpu.memref_squeeze %dma_wait3A_277 : memref<1x1x100x100xi32, #tpu.memory_space<hbm>> -> memref<100x100xi32, #tpu.memory_space<hbm>>
      %dma_wait3A_279 = arith.constant 100 : i32
      %dma_wait3A_280 = arith.constant 0 : i32
      %dma_wait3A_281 = tpu.memref_slice %arg3[%run_scoped3A_207, %arg1, %dma_wait3A_279, %dma_wait3A_280] : memref<2x16x200x100xi32, #tpu.memory_space<hbm>> -> memref<1x1x100x100xi32, #tpu.memory_space<hbm>>
      %dma_wait3A_282 = tpu.memref_squeeze %dma_wait3A_281 : memref<1x1x100x100xi32, #tpu.memory_space<hbm>> -> memref<100x100xi32, #tpu.memory_space<hbm>>
      tpu.wait_dma2 semaphore(%run_scoped3A_267 : memref<!tpu.dma_semaphore, #tpu.memory_space<semaphore_mem>>) src(%dma_wait3A_282 : memref<100x100xi32, #tpu.memory_space<hbm>>) dst(%arg11 : memref<100x100xi32, #tpu.memory_space<vmem>>)
      tpu.yield
    }) : () -> ()
    %dma_start3A_208 = arith.constant 0 : i32
    %dma_start3A_209 = arith.constant 0 : i32
    %dma_start3A_210 = tpu.memref_slice %arg10[%dma_start3A_208, %dma_start3A_209] : memref<100x100xi32, #tpu.memory_space<vmem>> -> memref<1x100xi32, #tpu.memory_space<vmem>>
    %dma_start3A_211 = tpu.memref_squeeze %dma_start3A_210 : memref<1x100xi32, #tpu.memory_space<vmem>> -> memref<100xi32, #tpu.memory_space<vmem>>
    %dma_start3A_212 = arith.constant 0 : i32
    %dma_start3A_213 = arith.constant 0 : i32
    %dma_start3A_214 = tpu.memref_slice %arg2[%arg0, %dma_start3A_212, %dma_start3A_213] : memref<2x10240x64xf32, #tpu.memory_space<hbm>> -> memref<1x10240x64xf32, #tpu.memory_space<hbm>>
    %dma_start3A_215 = tpu.memref_squeeze %dma_start3A_214 : memref<1x10240x64xf32, #tpu.memory_space<hbm>> -> memref<10240x64xf32, #tpu.memory_space<hbm>>
    %dma_start3A_216 = arith.constant 0 : i32
    %dma_start3A_217 = arith.constant 0 : i32
    %dma_start3A_218 = tpu.memref_slice %dma_start3A_215[%dma_start3A_216, %dma_start3A_217] : memref<10240x64xf32, #tpu.memory_space<hbm>> -> memref<10240x64xf32, #tpu.memory_space<hbm>>
    tpu.enqueue_indirect_dma source(%dma_start3A_218 : memref<10240x64xf32, #tpu.memory_space<hbm>>) target(%arg14 : memref<100x64xf32, #tpu.memory_space<vmem>>) offsets(%dma_start3A_211 : memref<100xi32, #tpu.memory_space<vmem>>) semaphore(%arg29 : memref<!tpu.dma_semaphore, #tpu.memory_space<semaphore_mem>>)
    %dma_start3A_219 = arith.constant 1 : i32
    %dma_start3A_220 = arith.constant 0 : i32
    %dma_start3A_221 = tpu.memref_slice %arg10[%dma_start3A_219, %dma_start3A_220] : memref<100x100xi32, #tpu.memory_space<vmem>> -> memref<1x100xi32, #tpu.memory_space<vmem>>
    %dma_start3A_222 = tpu.memref_squeeze %dma_start3A_221 : memref<1x100xi32, #tpu.memory_space<vmem>> -> memref<100xi32, #tpu.memory_space<vmem>>
    %dma_start3A_223 = arith.constant 0 : i32
    %dma_start3A_224 = arith.constant 0 : i32
    %dma_start3A_225 = tpu.memref_slice %arg2[%arg0, %dma_start3A_223, %dma_start3A_224] : memref<2x10240x64xf32, #tpu.memory_space<hbm>> -> memref<1x10240x64xf32, #tpu.memory_space<hbm>>
    %dma_start3A_226 = tpu.memref_squeeze %dma_start3A_225 : memref<1x10240x64xf32, #tpu.memory_space<hbm>> -> memref<10240x64xf32, #tpu.memory_space<hbm>>
    %dma_start3A_227 = arith.constant 0 : i32
    %dma_start3A_228 = arith.constant 0 : i32
    %dma_start3A_229 = tpu.memref_slice %dma_start3A_226[%dma_start3A_227, %dma_start3A_228] : memref<10240x64xf32, #tpu.memory_space<hbm>> -> memref<10240x64xf32, #tpu.memory_space<hbm>>
    tpu.enqueue_indirect_dma source(%dma_start3A_229 : memref<10240x64xf32, #tpu.memory_space<hbm>>) target(%arg15 : memref<100x64xf32, #tpu.memory_space<vmem>>) offsets(%dma_start3A_222 : memref<100xi32, #tpu.memory_space<vmem>>) semaphore(%arg30 : memref<!tpu.dma_semaphore, #tpu.memory_space<semaphore_mem>>)
    %dma_start3A_230 = arith.constant 2 : i32
    %dma_start3A_231 = arith.constant 0 : i32
    %dma_start3A_232 = tpu.memref_slice %arg10[%dma_start3A_230, %dma_start3A_231] : memref<100x100xi32, #tpu.memory_space<vmem>> -> memref<1x100xi32, #tpu.memory_space<vmem>>
    %dma_start3A_233 = tpu.memref_squeeze %dma_start3A_232 : memref<1x100xi32, #tpu.memory_space<vmem>> -> memref<100xi32, #tpu.memory_space<vmem>>
    %dma_start3A_234 = arith.constant 0 : i32
    %dma_start3A_235 = arith.constant 0 : i32
    %dma_start3A_236 = tpu.memref_slice %arg2[%arg0, %dma_start3A_234, %dma_start3A_235] : memref<2x10240x64xf32, #tpu.memory_space<hbm>> -> memref<1x10240x64xf32, #tpu.memory_space<hbm>>
    %dma_start3A_237 = tpu.memref_squeeze %dma_start3A_236 : memref<1x10240x64xf32, #tpu.memory_space<hbm>> -> memref<10240x64xf32, #tpu.memory_space<hbm>>
    %dma_start3A_238 = arith.constant 0 : i32
    %dma_start3A_239 = arith.constant 0 : i32
    %dma_start3A_240 = tpu.memref_slice %dma_start3A_237[%dma_start3A_238, %dma_start3A_239] : memref<10240x64xf32, #tpu.memory_space<hbm>> -> memref<10240x64xf32, #tpu.memory_space<hbm>>
    tpu.enqueue_indirect_dma source(%dma_start3A_240 : memref<10240x64xf32, #tpu.memory_space<hbm>>) target(%arg16 : memref<100x64xf32, #tpu.memory_space<vmem>>) offsets(%dma_start3A_233 : memref<100xi32, #tpu.memory_space<vmem>>) semaphore(%arg31 : memref<!tpu.dma_semaphore, #tpu.memory_space<semaphore_mem>>)
    %dma_start3A_241 = arith.constant 3 : i32
    %dma_start3A_242 = arith.constant 0 : i32
    %dma_start3A_243 = tpu.memref_slice %arg10[%dma_start3A_241, %dma_start3A_242] : memref<100x100xi32, #tpu.memory_space<vmem>> -> memref<1x100xi32, #tpu.memory_space<vmem>>
    %dma_start3A_244 = tpu.memref_squeeze %dma_start3A_243 : memref<1x100xi32, #tpu.memory_space<vmem>> -> memref<100xi32, #tpu.memory_space<vmem>>
    %dma_start3A_245 = arith.constant 0 : i32
    %dma_start3A_246 = arith.constant 0 : i32
    %dma_start3A_247 = tpu.memref_slice %arg2[%arg0, %dma_start3A_245, %dma_start3A_246] : memref<2x10240x64xf32, #tpu.memory_space<hbm>> -> memref<1x10240x64xf32, #tpu.memory_space<hbm>>
    %dma_start3A_248 = tpu.memref_squeeze %dma_start3A_247 : memref<1x10240x64xf32, #tpu.memory_space<hbm>> -> memref<10240x64xf32, #tpu.memory_space<hbm>>
    %dma_start3A_249 = arith.constant 0 : i32
    %dma_start3A_250 = arith.constant 0 : i32
    %dma_start3A_251 = tpu.memref_slice %dma_start3A_248[%dma_start3A_249, %dma_start3A_250] : memref<10240x64xf32, #tpu.memory_space<hbm>> -> memref<10240x64xf32, #tpu.memory_space<hbm>>
    tpu.enqueue_indirect_dma source(%dma_start3A_251 : memref<10240x64xf32, #tpu.memory_space<hbm>>) target(%arg17 : memref<100x64xf32, #tpu.memory_space<vmem>>) offsets(%dma_start3A_244 : memref<100xi32, #tpu.memory_space<vmem>>) semaphore(%arg32 : memref<!tpu.dma_semaphore, #tpu.memory_space<semaphore_mem>>)
    %eq3A_252 = arith.constant 1 : i32
    %eq3A_253 = arith.cmpi eq, %arg0, %eq3A_252 : i32
    %convert_element_type3A_254 = arith.extui %eq3A_253 : i1 to i32
    %cond3A_255 = arith.constant 0 : i32
    %cond3A_256 = arith.cmpi ne, %convert_element_type3A_254, %cond3A_255 : i32
    scf.if %cond3A_256 {
      %dma_start3A_267 = arith.constant 0 : i32
      %dma_start3A_268 = arith.constant 0 : i32
      %dma_start3A_269 = tpu.memref_slice %arg11[%dma_start3A_267, %dma_start3A_268] : memref<100x100xi32, #tpu.memory_space<vmem>> -> memref<1x100xi32, #tpu.memory_space<vmem>>
      %dma_start3A_270 = tpu.memref_squeeze %dma_start3A_269 : memref<1x100xi32, #tpu.memory_space<vmem>> -> memref<100xi32, #tpu.memory_space<vmem>>
      %dma_start3A_271 = arith.constant 0 : i32
      %dma_start3A_272 = tpu.memref_slice %arg4[%dma_start3A_271] : memref<10240xf32, #tpu.memory_space<hbm>> -> memref<10240xf32, #tpu.memory_space<hbm>>
      tpu.enqueue_indirect_dma source(%dma_start3A_272 : memref<10240xf32, #tpu.memory_space<hbm>>) target(%arg18 : memref<100xf32, #tpu.memory_space<vmem>>) offsets(%dma_start3A_270 : memref<100xi32, #tpu.memory_space<vmem>>) semaphore(%arg33 : memref<!tpu.dma_semaphore, #tpu.memory_space<semaphore_mem>>)
      %dma_start3A_273 = arith.constant 1 : i32
      %dma_start3A_274 = arith.constant 0 : i32
      %dma_start3A_275 = tpu.memref_slice %arg11[%dma_start3A_273, %dma_start3A_274] : memref<100x100xi32, #tpu.memory_space<vmem>> -> memref<1x100xi32, #tpu.memory_space<vmem>>
      %dma_start3A_276 = tpu.memref_squeeze %dma_start3A_275 : memref<1x100xi32, #tpu.memory_space<vmem>> -> memref<100xi32, #tpu.memory_space<vmem>>
      %dma_start3A_277 = arith.constant 0 : i32
      %dma_start3A_278 = tpu.memref_slice %arg4[%dma_start3A_277] : memref<10240xf32, #tpu.memory_space<hbm>> -> memref<10240xf32, #tpu.memory_space<hbm>>
      tpu.enqueue_indirect_dma source(%dma_start3A_278 : memref<10240xf32, #tpu.memory_space<hbm>>) target(%arg19 : memref<100xf32, #tpu.memory_space<vmem>>) offsets(%dma_start3A_276 : memref<100xi32, #tpu.memory_space<vmem>>) semaphore(%arg34 : memref<!tpu.dma_semaphore, #tpu.memory_space<semaphore_mem>>)
      %dma_start3A_279 = arith.constant 2 : i32
      %dma_start3A_280 = arith.constant 0 : i32
      %dma_start3A_281 = tpu.memref_slice %arg11[%dma_start3A_279, %dma_start3A_280] : memref<100x100xi32, #tpu.memory_space<vmem>> -> memref<1x100xi32, #tpu.memory_space<vmem>>
      %dma_start3A_282 = tpu.memref_squeeze %dma_start3A_281 : memref<1x100xi32, #tpu.memory_space<vmem>> -> memref<100xi32, #tpu.memory_space<vmem>>
      %dma_start3A_283 = arith.constant 0 : i32
      %dma_start3A_284 = tpu.memref_slice %arg4[%dma_start3A_283] : memref<10240xf32, #tpu.memory_space<hbm>> -> memref<10240xf32, #tpu.memory_space<hbm>>
      tpu.enqueue_indirect_dma source(%dma_start3A_284 : memref<10240xf32, #tpu.memory_space<hbm>>) target(%arg20 : memref<100xf32, #tpu.memory_space<vmem>>) offsets(%dma_start3A_282 : memref<100xi32, #tpu.memory_space<vmem>>) semaphore(%arg35 : memref<!tpu.dma_semaphore, #tpu.memory_space<semaphore_mem>>)
      %dma_start3A_285 = arith.constant 3 : i32
      %dma_start3A_286 = arith.constant 0 : i32
      %dma_start3A_287 = tpu.memref_slice %arg11[%dma_start3A_285, %dma_start3A_286] : memref<100x100xi32, #tpu.memory_space<vmem>> -> memref<1x100xi32, #tpu.memory_space<vmem>>
      %dma_start3A_288 = tpu.memref_squeeze %dma_start3A_287 : memref<1x100xi32, #tpu.memory_space<vmem>> -> memref<100xi32, #tpu.memory_space<vmem>>
      %dma_start3A_289 = arith.constant 0 : i32
      %dma_start3A_290 = tpu.memref_slice %arg4[%dma_start3A_289] : memref<10240xf32, #tpu.memory_space<hbm>> -> memref<10240xf32, #tpu.memory_space<hbm>>
      tpu.enqueue_indirect_dma source(%dma_start3A_290 : memref<10240xf32, #tpu.memory_space<hbm>>) target(%arg21 : memref<100xf32, #tpu.memory_space<vmem>>) offsets(%dma_start3A_288 : memref<100xi32, #tpu.memory_space<vmem>>) semaphore(%arg36 : memref<!tpu.dma_semaphore, #tpu.memory_space<semaphore_mem>>)
    } else {
    }
    %scan3A_257 = arith.constant 0 : i32
    %scan3A_258 = arith.constant 0 : i32
    %scan3A_259 = arith.constant 25 : i32
    %scan3A_260 = arith.addi %scan3A_258, %scan3A_259 : i32
    %scan3A_261 = arith.constant 1 : i32
    %scan3A_262 = scf.for %scan3A_267 = %scan3A_258 to %scan3A_260 step %scan3A_261 iter_args(%scan3A_268 = %scan3A_257) -> (i32)  : i32 {
      %mul3A_269 = arith.constant 4 : i32
      %mul3A_270 = arith.muli %mul3A_269, %scan3A_267 : i32
      %dma_wait3A = arith.constant 0 : i32
      %dma_wait3A_271 = arith.constant 0 : i32
      %dma_wait3A_272 = tpu.memref_slice %arg2[%arg0, %dma_wait3A, %dma_wait3A_271] : memref<2x10240x64xf32, #tpu.memory_space<hbm>> -> memref<1x10240x64xf32, #tpu.memory_space<hbm>>
      %dma_wait3A_273 = tpu.memref_squeeze %dma_wait3A_272 : memref<1x10240x64xf32, #tpu.memory_space<hbm>> -> memref<10240x64xf32, #tpu.memory_space<hbm>>
      %dma_wait3A_274 = arith.constant 0 : i32
      %dma_wait3A_275 = arith.constant 0 : i32
      %dma_wait3A_276 = tpu.memref_slice %dma_wait3A_273[%dma_wait3A_274, %dma_wait3A_275] : memref<10240x64xf32, #tpu.memory_space<hbm>> -> memref<100x64xf32, #tpu.memory_space<hbm>>
      %dma_wait3A_277 = arith.constant 0 : i32
      %dma_wait3A_278 = arith.constant 0 : i32
      %dma_wait3A_279 = tpu.memref_slice %arg2[%arg0, %dma_wait3A_277, %dma_wait3A_278] : memref<2x10240x64xf32, #tpu.memory_space<hbm>> -> memref<1x10240x64xf32, #tpu.memory_space<hbm>>
      %dma_wait3A_280 = tpu.memref_squeeze %dma_wait3A_279 : memref<1x10240x64xf32, #tpu.memory_space<hbm>> -> memref<10240x64xf32, #tpu.memory_space<hbm>>
      %dma_wait3A_281 = arith.constant 0 : i32
      %dma_wait3A_282 = arith.constant 0 : i32
      %dma_wait3A_283 = tpu.memref_slice %dma_wait3A_280[%dma_wait3A_281, %dma_wait3A_282] : memref<10240x64xf32, #tpu.memory_space<hbm>> -> memref<100x64xf32, #tpu.memory_space<hbm>>
      tpu.wait_dma2 semaphore(%arg29 : memref<!tpu.dma_semaphore, #tpu.memory_space<semaphore_mem>>) src(%dma_wait3A_283 : memref<100x64xf32, #tpu.memory_space<hbm>>) dst(%arg14 : memref<100x64xf32, #tpu.memory_space<vmem>>)
      %add3A_284 = arith.constant 0 : i32
      %add3A_285 = arith.addi %mul3A_270, %add3A_284 : i32
      "tpu.region"() ({
        %run_scoped3A_390 = tpu.sem_alloc : memref<!tpu.dma_semaphore, #tpu.memory_space<semaphore_mem>>
        %dma_start3A_391 = arith.constant 0 : i32
        %dma_start3A_392 = tpu.memref_slice %arg11[%add3A_285, %dma_start3A_391] : memref<100x100xi32, #tpu.memory_space<vmem>> -> memref<1x100xi32, #tpu.memory_space<vmem>>
        %dma_start3A_393 = tpu.memref_squeeze %dma_start3A_392 : memref<1x100xi32, #tpu.memory_space<vmem>> -> memref<100xi32, #tpu.memory_space<vmem>>
        %dma_start3A_394 = arith.constant 0 : i32
        %dma_start3A_395 = arith.constant 0 : i32
        %dma_start3A_396 = tpu.memref_slice %arg26[%dma_start3A_394, %dma_start3A_395] : memref<10240x64xf32, #tpu.memory_space<vmem_shared>> -> memref<10240x64xf32, #tpu.memory_space<vmem_shared>>
        tpu.enqueue_indirect_dma source(%arg14 : memref<100x64xf32, #tpu.memory_space<vmem>>) target(%dma_start3A_396 : memref<10240x64xf32, #tpu.memory_space<vmem_shared>>) offsets(%dma_start3A_393 : memref<100xi32, #tpu.memory_space<vmem>>) semaphore(%run_scoped3A_390 : memref<!tpu.dma_semaphore, #tpu.memory_space<semaphore_mem>>) {add = true}
        %dma_wait3A_397 = arith.constant 0 : i32
        %dma_wait3A_398 = tpu.memref_slice %arg11[%add3A_285, %dma_wait3A_397] : memref<100x100xi32, #tpu.memory_space<vmem>> -> memref<1x100xi32, #tpu.memory_space<vmem>>
        %dma_wait3A_399 = tpu.memref_squeeze %dma_wait3A_398 : memref<1x100xi32, #tpu.memory_space<vmem>> -> memref<100xi32, #tpu.memory_space<vmem>>
        %dma_wait3A_400 = arith.constant 0 : i32
        %dma_wait3A_401 = arith.constant 0 : i32
        %dma_wait3A_402 = tpu.memref_slice %arg26[%dma_wait3A_400, %dma_wait3A_401] : memref<10240x64xf32, #tpu.memory_space<vmem_shared>> -> memref<10240x64xf32, #tpu.memory_space<vmem_shared>>
        tpu.wait_indirect_dma semaphore(%run_scoped3A_390 : memref<!tpu.dma_semaphore, #tpu.memory_space<semaphore_mem>>) src(%arg14 : memref<100x64xf32, #tpu.memory_space<vmem>>) dst(%dma_wait3A_402 : memref<10240x64xf32, #tpu.memory_space<vmem_shared>>)
        tpu.yield
      }) : () -> ()
      %add3A_286 = arith.constant 0 : i32
      %add3A_287 = arith.addi %mul3A_270, %add3A_286 : i32
      %add3A_288 = arith.constant 4 : i32
      %add3A_289 = arith.addi %add3A_287, %add3A_288 : i32
      %lt3A = arith.constant 100 : i32
      %lt3A_290 = arith.cmpi slt, %add3A_289, %lt3A : i32
      %convert_element_type3A_291 = arith.extui %lt3A_290 : i1 to i32
      %cond3A_292 = arith.constant 0 : i32
      %cond3A_293 = arith.cmpi ne, %convert_element_type3A_291, %cond3A_292 : i32
      scf.if %cond3A_293 {
        %add3A_390 = arith.constant 0 : i32
        %add3A_391 = arith.addi %mul3A_270, %add3A_390 : i32
        %add3A_392 = arith.constant 4 : i32
        %add3A_393 = arith.addi %add3A_391, %add3A_392 : i32
        %dma_start3A_394 = arith.constant 0 : i32
        %dma_start3A_395 = tpu.memref_slice %arg10[%add3A_393, %dma_start3A_394] : memref<100x100xi32, #tpu.memory_space<vmem>> -> memref<1x100xi32, #tpu.memory_space<vmem>>
        %dma_start3A_396 = tpu.memref_squeeze %dma_start3A_395 : memref<1x100xi32, #tpu.memory_space<vmem>> -> memref<100xi32, #tpu.memory_space<vmem>>
        %dma_start3A_397 = arith.constant 0 : i32
        %dma_start3A_398 = arith.constant 0 : i32
        %dma_start3A_399 = tpu.memref_slice %arg2[%arg0, %dma_start3A_397, %dma_start3A_398] : memref<2x10240x64xf32, #tpu.memory_space<hbm>> -> memref<1x10240x64xf32, #tpu.memory_space<hbm>>
        %dma_start3A_400 = tpu.memref_squeeze %dma_start3A_399 : memref<1x10240x64xf32, #tpu.memory_space<hbm>> -> memref<10240x64xf32, #tpu.memory_space<hbm>>
        %dma_start3A_401 = arith.constant 0 : i32
        %dma_start3A_402 = arith.constant 0 : i32
        %dma_start3A_403 = tpu.memref_slice %dma_start3A_400[%dma_start3A_401, %dma_start3A_402] : memref<10240x64xf32, #tpu.memory_space<hbm>> -> memref<10240x64xf32, #tpu.memory_space<hbm>>
        tpu.enqueue_indirect_dma source(%dma_start3A_403 : memref<10240x64xf32, #tpu.memory_space<hbm>>) target(%arg14 : memref<100x64xf32, #tpu.memory_space<vmem>>) offsets(%dma_start3A_396 : memref<100xi32, #tpu.memory_space<vmem>>) semaphore(%arg29 : memref<!tpu.dma_semaphore, #tpu.memory_space<semaphore_mem>>)
      } else {
      }
      %eq3A_294 = arith.constant 1 : i32
      %eq3A_295 = arith.cmpi eq, %arg0, %eq3A_294 : i32
      %convert_element_type3A_296 = arith.extui %eq3A_295 : i1 to i32
      %cond3A_297 = arith.constant 0 : i32
      %cond3A_298 = arith.cmpi ne, %convert_element_type3A_296, %cond3A_297 : i32
      scf.if %cond3A_298 {
        %dma_wait3A_390 = arith.constant 0 : i32
        %dma_wait3A_391 = tpu.memref_slice %arg4[%dma_wait3A_390] : memref<10240xf32, #tpu.memory_space<hbm>> -> memref<100xf32, #tpu.memory_space<hbm>>
        %dma_wait3A_392 = arith.constant 0 : i32
        %dma_wait3A_393 = tpu.memref_slice %arg4[%dma_wait3A_392] : memref<10240xf32, #tpu.memory_space<hbm>> -> memref<100xf32, #tpu.memory_space<hbm>>
        tpu.wait_dma2 semaphore(%arg33 : memref<!tpu.dma_semaphore, #tpu.memory_space<semaphore_mem>>) src(%dma_wait3A_393 : memref<100xf32, #tpu.memory_space<hbm>>) dst(%arg18 : memref<100xf32, #tpu.memory_space<vmem>>)
        %add3A_394 = arith.constant 0 : i32
        %add3A_395 = arith.addi %mul3A_270, %add3A_394 : i32
        "tpu.region"() ({
          %run_scoped3A_405 = tpu.sem_alloc : memref<!tpu.dma_semaphore, #tpu.memory_space<semaphore_mem>>
          %dma_start3A_406 = arith.constant 0 : i32
          %dma_start3A_407 = tpu.memref_slice %arg10[%add3A_395, %dma_start3A_406] : memref<100x100xi32, #tpu.memory_space<vmem>> -> memref<1x100xi32, #tpu.memory_space<vmem>>
          %dma_start3A_408 = tpu.memref_squeeze %dma_start3A_407 : memref<1x100xi32, #tpu.memory_space<vmem>> -> memref<100xi32, #tpu.memory_space<vmem>>
          %dma_start3A_409 = arith.constant 0 : i32
          %dma_start3A_410 = tpu.memref_slice %arg27[%dma_start3A_409] : memref<10240xf32, #tpu.memory_space<vmem_shared>> -> memref<10240xf32, #tpu.memory_space<vmem_shared>>
          tpu.enqueue_indirect_dma source(%arg18 : memref<100xf32, #tpu.memory_space<vmem>>) target(%dma_start3A_410 : memref<10240xf32, #tpu.memory_space<vmem_shared>>) offsets(%dma_start3A_408 : memref<100xi32, #tpu.memory_space<vmem>>) semaphore(%run_scoped3A_405 : memref<!tpu.dma_semaphore, #tpu.memory_space<semaphore_mem>>) {add = true}
          %dma_wait3A_411 = arith.constant 0 : i32
          %dma_wait3A_412 = tpu.memref_slice %arg10[%add3A_395, %dma_wait3A_411] : memref<100x100xi32, #tpu.memory_space<vmem>> -> memref<1x100xi32, #tpu.memory_space<vmem>>
          %dma_wait3A_413 = tpu.memref_squeeze %dma_wait3A_412 : memref<1x100xi32, #tpu.memory_space<vmem>> -> memref<100xi32, #tpu.memory_space<vmem>>
          %dma_wait3A_414 = arith.constant 0 : i32
          %dma_wait3A_415 = tpu.memref_slice %arg27[%dma_wait3A_414] : memref<10240xf32, #tpu.memory_space<vmem_shared>> -> memref<10240xf32, #tpu.memory_space<vmem_shared>>
          tpu.wait_indirect_dma semaphore(%run_scoped3A_405 : memref<!tpu.dma_semaphore, #tpu.memory_space<semaphore_mem>>) src(%arg18 : memref<100xf32, #tpu.memory_space<vmem>>) dst(%dma_wait3A_415 : memref<10240xf32, #tpu.memory_space<vmem_shared>>)
          tpu.yield
        }) : () -> ()
        %add3A_396 = arith.constant 0 : i32
        %add3A_397 = arith.addi %mul3A_270, %add3A_396 : i32
        %add3A_398 = arith.constant 4 : i32
        %add3A_399 = arith.addi %add3A_397, %add3A_398 : i32
        %lt3A_400 = arith.constant 100 : i32
        %lt3A_401 = arith.cmpi slt, %add3A_399, %lt3A_400 : i32
        %convert_element_type3A_402 = arith.extui %lt3A_401 : i1 to i32
        %cond3A_403 = arith.constant 0 : i32
        %cond3A_404 = arith.cmpi ne, %convert_element_type3A_402, %cond3A_403 : i32
        scf.if %cond3A_404 {
          %add3A_405 = arith.constant 0 : i32
          %add3A_406 = arith.addi %mul3A_270, %add3A_405 : i32
          %add3A_407 = arith.constant 4 : i32
          %add3A_408 = arith.addi %add3A_406, %add3A_407 : i32
          %dma_start3A_409 = arith.constant 0 : i32
          %dma_start3A_410 = tpu.memref_slice %arg11[%add3A_408, %dma_start3A_409] : memref<100x100xi32, #tpu.memory_space<vmem>> -> memref<1x100xi32, #tpu.memory_space<vmem>>
          %dma_start3A_411 = tpu.memref_squeeze %dma_start3A_410 : memref<1x100xi32, #tpu.memory_space<vmem>> -> memref<100xi32, #tpu.memory_space<vmem>>
          %dma_start3A_412 = arith.constant 0 : i32
          %dma_start3A_413 = tpu.memref_slice %arg4[%dma_start3A_412] : memref<10240xf32, #tpu.memory_space<hbm>> -> memref<10240xf32, #tpu.memory_space<hbm>>
          tpu.enqueue_indirect_dma source(%dma_start3A_413 : memref<10240xf32, #tpu.memory_space<hbm>>) target(%arg18 : memref<100xf32, #tpu.memory_space<vmem>>) offsets(%dma_start3A_411 : memref<100xi32, #tpu.memory_space<vmem>>) semaphore(%arg33 : memref<!tpu.dma_semaphore, #tpu.memory_space<semaphore_mem>>)
        } else {
        }
      } else {
      }
      %dma_wait3A_299 = arith.constant 0 : i32
      %dma_wait3A_300 = arith.constant 0 : i32
      %dma_wait3A_301 = tpu.memref_slice %arg2[%arg0, %dma_wait3A_299, %dma_wait3A_300] : memref<2x10240x64xf32, #tpu.memory_space<hbm>> -> memref<1x10240x64xf32, #tpu.memory_space<hbm>>
      %dma_wait3A_302 = tpu.memref_squeeze %dma_wait3A_301 : memref<1x10240x64xf32, #tpu.memory_space<hbm>> -> memref<10240x64xf32, #tpu.memory_space<hbm>>
      %dma_wait3A_303 = arith.constant 0 : i32
      %dma_wait3A_304 = arith.constant 0 : i32
      %dma_wait3A_305 = tpu.memref_slice %dma_wait3A_302[%dma_wait3A_303, %dma_wait3A_304] : memref<10240x64xf32, #tpu.memory_space<hbm>> -> memref<100x64xf32, #tpu.memory_space<hbm>>
      %dma_wait3A_306 = arith.constant 0 : i32
      %dma_wait3A_307 = arith.constant 0 : i32
      %dma_wait3A_308 = tpu.memref_slice %arg2[%arg0, %dma_wait3A_306, %dma_wait3A_307] : memref<2x10240x64xf32, #tpu.memory_space<hbm>> -> memref<1x10240x64xf32, #tpu.memory_space<hbm>>
      %dma_wait3A_309 = tpu.memref_squeeze %dma_wait3A_308 : memref<1x10240x64xf32, #tpu.memory_space<hbm>> -> memref<10240x64xf32, #tpu.memory_space<hbm>>
      %dma_wait3A_310 = arith.constant 0 : i32
      %dma_wait3A_311 = arith.constant 0 : i32
      %dma_wait3A_312 = tpu.memref_slice %dma_wait3A_309[%dma_wait3A_310, %dma_wait3A_311] : memref<10240x64xf32, #tpu.memory_space<hbm>> -> memref<100x64xf32, #tpu.memory_space<hbm>>
      tpu.wait_dma2 semaphore(%arg30 : memref<!tpu.dma_semaphore, #tpu.memory_space<semaphore_mem>>) src(%dma_wait3A_312 : memref<100x64xf32, #tpu.memory_space<hbm>>) dst(%arg15 : memref<100x64xf32, #tpu.memory_space<vmem>>)
      %add3A_313 = arith.constant 1 : i32
      %add3A_314 = arith.addi %mul3A_270, %add3A_313 : i32
      "tpu.region"() ({
        %run_scoped3A_390 = tpu.sem_alloc : memref<!tpu.dma_semaphore, #tpu.memory_space<semaphore_mem>>
        %dma_start3A_391 = arith.constant 0 : i32
        %dma_start3A_392 = tpu.memref_slice %arg11[%add3A_314, %dma_start3A_391] : memref<100x100xi32, #tpu.memory_space<vmem>> -> memref<1x100xi32, #tpu.memory_space<vmem>>
        %dma_start3A_393 = tpu.memref_squeeze %dma_start3A_392 : memref<1x100xi32, #tpu.memory_space<vmem>> -> memref<100xi32, #tpu.memory_space<vmem>>
        %dma_start3A_394 = arith.constant 0 : i32
        %dma_start3A_395 = arith.constant 0 : i32
        %dma_start3A_396 = tpu.memref_slice %arg26[%dma_start3A_394, %dma_start3A_395] : memref<10240x64xf32, #tpu.memory_space<vmem_shared>> -> memref<10240x64xf32, #tpu.memory_space<vmem_shared>>
        tpu.enqueue_indirect_dma source(%arg15 : memref<100x64xf32, #tpu.memory_space<vmem>>) target(%dma_start3A_396 : memref<10240x64xf32, #tpu.memory_space<vmem_shared>>) offsets(%dma_start3A_393 : memref<100xi32, #tpu.memory_space<vmem>>) semaphore(%run_scoped3A_390 : memref<!tpu.dma_semaphore, #tpu.memory_space<semaphore_mem>>) {add = true}
        %dma_wait3A_397 = arith.constant 0 : i32
        %dma_wait3A_398 = tpu.memref_slice %arg11[%add3A_314, %dma_wait3A_397] : memref<100x100xi32, #tpu.memory_space<vmem>> -> memref<1x100xi32, #tpu.memory_space<vmem>>
        %dma_wait3A_399 = tpu.memref_squeeze %dma_wait3A_398 : memref<1x100xi32, #tpu.memory_space<vmem>> -> memref<100xi32, #tpu.memory_space<vmem>>
        %dma_wait3A_400 = arith.constant 0 : i32
        %dma_wait3A_401 = arith.constant 0 : i32
        %dma_wait3A_402 = tpu.memref_slice %arg26[%dma_wait3A_400, %dma_wait3A_401] : memref<10240x64xf32, #tpu.memory_space<vmem_shared>> -> memref<10240x64xf32, #tpu.memory_space<vmem_shared>>
        tpu.wait_indirect_dma semaphore(%run_scoped3A_390 : memref<!tpu.dma_semaphore, #tpu.memory_space<semaphore_mem>>) src(%arg15 : memref<100x64xf32, #tpu.memory_space<vmem>>) dst(%dma_wait3A_402 : memref<10240x64xf32, #tpu.memory_space<vmem_shared>>)
        tpu.yield
      }) : () -> ()
      %add3A_315 = arith.constant 1 : i32
      %add3A_316 = arith.addi %mul3A_270, %add3A_315 : i32
      %add3A_317 = arith.constant 4 : i32
      %add3A_318 = arith.addi %add3A_316, %add3A_317 : i32
      %lt3A_319 = arith.constant 100 : i32
      %lt3A_320 = arith.cmpi slt, %add3A_318, %lt3A_319 : i32
      %convert_element_type3A_321 = arith.extui %lt3A_320 : i1 to i32
      %cond3A_322 = arith.constant 0 : i32
      %cond3A_323 = arith.cmpi ne, %convert_element_type3A_321, %cond3A_322 : i32
      scf.if %cond3A_323 {
        %add3A_390 = arith.constant 1 : i32
        %add3A_391 = arith.addi %mul3A_270, %add3A_390 : i32
        %add3A_392 = arith.constant 4 : i32
        %add3A_393 = arith.addi %add3A_391, %add3A_392 : i32
        %dma_start3A_394 = arith.constant 0 : i32
        %dma_start3A_395 = tpu.memref_slice %arg10[%add3A_393, %dma_start3A_394] : memref<100x100xi32, #tpu.memory_space<vmem>> -> memref<1x100xi32, #tpu.memory_space<vmem>>
        %dma_start3A_396 = tpu.memref_squeeze %dma_start3A_395 : memref<1x100xi32, #tpu.memory_space<vmem>> -> memref<100xi32, #tpu.memory_space<vmem>>
        %dma_start3A_397 = arith.constant 0 : i32
        %dma_start3A_398 = arith.constant 0 : i32
        %dma_start3A_399 = tpu.memref_slice %arg2[%arg0, %dma_start3A_397, %dma_start3A_398] : memref<2x10240x64xf32, #tpu.memory_space<hbm>> -> memref<1x10240x64xf32, #tpu.memory_space<hbm>>
        %dma_start3A_400 = tpu.memref_squeeze %dma_start3A_399 : memref<1x10240x64xf32, #tpu.memory_space<hbm>> -> memref<10240x64xf32, #tpu.memory_space<hbm>>
        %dma_start3A_401 = arith.constant 0 : i32
        %dma_start3A_402 = arith.constant 0 : i32
        %dma_start3A_403 = tpu.memref_slice %dma_start3A_400[%dma_start3A_401, %dma_start3A_402] : memref<10240x64xf32, #tpu.memory_space<hbm>> -> memref<10240x64xf32, #tpu.memory_space<hbm>>
        tpu.enqueue_indirect_dma source(%dma_start3A_403 : memref<10240x64xf32, #tpu.memory_space<hbm>>) target(%arg15 : memref<100x64xf32, #tpu.memory_space<vmem>>) offsets(%dma_start3A_396 : memref<100xi32, #tpu.memory_space<vmem>>) semaphore(%arg30 : memref<!tpu.dma_semaphore, #tpu.memory_space<semaphore_mem>>)
      } else {
      }
      %eq3A_324 = arith.constant 1 : i32
      %eq3A_325 = arith.cmpi eq, %arg0, %eq3A_324 : i32
      %convert_element_type3A_326 = arith.extui %eq3A_325 : i1 to i32
      %cond3A_327 = arith.constant 0 : i32
      %cond3A_328 = arith.cmpi ne, %convert_element_type3A_326, %cond3A_327 : i32
      scf.if %cond3A_328 {
        %dma_wait3A_390 = arith.constant 0 : i32
        %dma_wait3A_391 = tpu.memref_slice %arg4[%dma_wait3A_390] : memref<10240xf32, #tpu.memory_space<hbm>> -> memref<100xf32, #tpu.memory_space<hbm>>
        %dma_wait3A_392 = arith.constant 0 : i32
        %dma_wait3A_393 = tpu.memref_slice %arg4[%dma_wait3A_392] : memref<10240xf32, #tpu.memory_space<hbm>> -> memref<100xf32, #tpu.memory_space<hbm>>
        tpu.wait_dma2 semaphore(%arg34 : memref<!tpu.dma_semaphore, #tpu.memory_space<semaphore_mem>>) src(%dma_wait3A_393 : memref<100xf32, #tpu.memory_space<hbm>>) dst(%arg19 : memref<100xf32, #tpu.memory_space<vmem>>)
        %add3A_394 = arith.constant 1 : i32
        %add3A_395 = arith.addi %mul3A_270, %add3A_394 : i32
        "tpu.region"() ({
          %run_scoped3A_405 = tpu.sem_alloc : memref<!tpu.dma_semaphore, #tpu.memory_space<semaphore_mem>>
          %dma_start3A_406 = arith.constant 0 : i32
          %dma_start3A_407 = tpu.memref_slice %arg10[%add3A_395, %dma_start3A_406] : memref<100x100xi32, #tpu.memory_space<vmem>> -> memref<1x100xi32, #tpu.memory_space<vmem>>
          %dma_start3A_408 = tpu.memref_squeeze %dma_start3A_407 : memref<1x100xi32, #tpu.memory_space<vmem>> -> memref<100xi32, #tpu.memory_space<vmem>>
          %dma_start3A_409 = arith.constant 0 : i32
          %dma_start3A_410 = tpu.memref_slice %arg27[%dma_start3A_409] : memref<10240xf32, #tpu.memory_space<vmem_shared>> -> memref<10240xf32, #tpu.memory_space<vmem_shared>>
          tpu.enqueue_indirect_dma source(%arg19 : memref<100xf32, #tpu.memory_space<vmem>>) target(%dma_start3A_410 : memref<10240xf32, #tpu.memory_space<vmem_shared>>) offsets(%dma_start3A_408 : memref<100xi32, #tpu.memory_space<vmem>>) semaphore(%run_scoped3A_405 : memref<!tpu.dma_semaphore, #tpu.memory_space<semaphore_mem>>) {add = true}
          %dma_wait3A_411 = arith.constant 0 : i32
          %dma_wait3A_412 = tpu.memref_slice %arg10[%add3A_395, %dma_wait3A_411] : memref<100x100xi32, #tpu.memory_space<vmem>> -> memref<1x100xi32, #tpu.memory_space<vmem>>
          %dma_wait3A_413 = tpu.memref_squeeze %dma_wait3A_412 : memref<1x100xi32, #tpu.memory_space<vmem>> -> memref<100xi32, #tpu.memory_space<vmem>>
          %dma_wait3A_414 = arith.constant 0 : i32
          %dma_wait3A_415 = tpu.memref_slice %arg27[%dma_wait3A_414] : memref<10240xf32, #tpu.memory_space<vmem_shared>> -> memref<10240xf32, #tpu.memory_space<vmem_shared>>
          tpu.wait_indirect_dma semaphore(%run_scoped3A_405 : memref<!tpu.dma_semaphore, #tpu.memory_space<semaphore_mem>>) src(%arg19 : memref<100xf32, #tpu.memory_space<vmem>>) dst(%dma_wait3A_415 : memref<10240xf32, #tpu.memory_space<vmem_shared>>)
          tpu.yield
        }) : () -> ()
        %add3A_396 = arith.constant 1 : i32
        %add3A_397 = arith.addi %mul3A_270, %add3A_396 : i32
        %add3A_398 = arith.constant 4 : i32
        %add3A_399 = arith.addi %add3A_397, %add3A_398 : i32
        %lt3A_400 = arith.constant 100 : i32
        %lt3A_401 = arith.cmpi slt, %add3A_399, %lt3A_400 : i32
        %convert_element_type3A_402 = arith.extui %lt3A_401 : i1 to i32
        %cond3A_403 = arith.constant 0 : i32
        %cond3A_404 = arith.cmpi ne, %convert_element_type3A_402, %cond3A_403 : i32
        scf.if %cond3A_404 {
          %add3A_405 = arith.constant 1 : i32
          %add3A_406 = arith.addi %mul3A_270, %add3A_405 : i32
          %add3A_407 = arith.constant 4 : i32
          %add3A_408 = arith.addi %add3A_406, %add3A_407 : i32
          %dma_start3A_409 = arith.constant 0 : i32
          %dma_start3A_410 = tpu.memref_slice %arg11[%add3A_408, %dma_start3A_409] : memref<100x100xi32, #tpu.memory_space<vmem>> -> memref<1x100xi32, #tpu.memory_space<vmem>>
          %dma_start3A_411 = tpu.memref_squeeze %dma_start3A_410 : memref<1x100xi32, #tpu.memory_space<vmem>> -> memref<100xi32, #tpu.memory_space<vmem>>
          %dma_start3A_412 = arith.constant 0 : i32
          %dma_start3A_413 = tpu.memref_slice %arg4[%dma_start3A_412] : memref<10240xf32, #tpu.memory_space<hbm>> -> memref<10240xf32, #tpu.memory_space<hbm>>
          tpu.enqueue_indirect_dma source(%dma_start3A_413 : memref<10240xf32, #tpu.memory_space<hbm>>) target(%arg19 : memref<100xf32, #tpu.memory_space<vmem>>) offsets(%dma_start3A_411 : memref<100xi32, #tpu.memory_space<vmem>>) semaphore(%arg34 : memref<!tpu.dma_semaphore, #tpu.memory_space<semaphore_mem>>)
        } else {
        }
      } else {
      }
      %dma_wait3A_329 = arith.constant 0 : i32
      %dma_wait3A_330 = arith.constant 0 : i32
      %dma_wait3A_331 = tpu.memref_slice %arg2[%arg0, %dma_wait3A_329, %dma_wait3A_330] : memref<2x10240x64xf32, #tpu.memory_space<hbm>> -> memref<1x10240x64xf32, #tpu.memory_space<hbm>>
      %dma_wait3A_332 = tpu.memref_squeeze %dma_wait3A_331 : memref<1x10240x64xf32, #tpu.memory_space<hbm>> -> memref<10240x64xf32, #tpu.memory_space<hbm>>
      %dma_wait3A_333 = arith.constant 0 : i32
      %dma_wait3A_334 = arith.constant 0 : i32
      %dma_wait3A_335 = tpu.memref_slice %dma_wait3A_332[%dma_wait3A_333, %dma_wait3A_334] : memref<10240x64xf32, #tpu.memory_space<hbm>> -> memref<100x64xf32, #tpu.memory_space<hbm>>
      %dma_wait3A_336 = arith.constant 0 : i32
      %dma_wait3A_337 = arith.constant 0 : i32
      %dma_wait3A_338 = tpu.memref_slice %arg2[%arg0, %dma_wait3A_336, %dma_wait3A_337] : memref<2x10240x64xf32, #tpu.memory_space<hbm>> -> memref<1x10240x64xf32, #tpu.memory_space<hbm>>
      %dma_wait3A_339 = tpu.memref_squeeze %dma_wait3A_338 : memref<1x10240x64xf32, #tpu.memory_space<hbm>> -> memref<10240x64xf32, #tpu.memory_space<hbm>>
      %dma_wait3A_340 = arith.constant 0 : i32
      %dma_wait3A_341 = arith.constant 0 : i32
      %dma_wait3A_342 = tpu.memref_slice %dma_wait3A_339[%dma_wait3A_340, %dma_wait3A_341] : memref<10240x64xf32, #tpu.memory_space<hbm>> -> memref<100x64xf32, #tpu.memory_space<hbm>>
      tpu.wait_dma2 semaphore(%arg31 : memref<!tpu.dma_semaphore, #tpu.memory_space<semaphore_mem>>) src(%dma_wait3A_342 : memref<100x64xf32, #tpu.memory_space<hbm>>) dst(%arg16 : memref<100x64xf32, #tpu.memory_space<vmem>>)
      %add3A_343 = arith.constant 2 : i32
      %add3A_344 = arith.addi %mul3A_270, %add3A_343 : i32
      "tpu.region"() ({
        %run_scoped3A_390 = tpu.sem_alloc : memref<!tpu.dma_semaphore, #tpu.memory_space<semaphore_mem>>
        %dma_start3A_391 = arith.constant 0 : i32
        %dma_start3A_392 = tpu.memref_slice %arg11[%add3A_344, %dma_start3A_391] : memref<100x100xi32, #tpu.memory_space<vmem>> -> memref<1x100xi32, #tpu.memory_space<vmem>>
        %dma_start3A_393 = tpu.memref_squeeze %dma_start3A_392 : memref<1x100xi32, #tpu.memory_space<vmem>> -> memref<100xi32, #tpu.memory_space<vmem>>
        %dma_start3A_394 = arith.constant 0 : i32
        %dma_start3A_395 = arith.constant 0 : i32
        %dma_start3A_396 = tpu.memref_slice %arg26[%dma_start3A_394, %dma_start3A_395] : memref<10240x64xf32, #tpu.memory_space<vmem_shared>> -> memref<10240x64xf32, #tpu.memory_space<vmem_shared>>
        tpu.enqueue_indirect_dma source(%arg16 : memref<100x64xf32, #tpu.memory_space<vmem>>) target(%dma_start3A_396 : memref<10240x64xf32, #tpu.memory_space<vmem_shared>>) offsets(%dma_start3A_393 : memref<100xi32, #tpu.memory_space<vmem>>) semaphore(%run_scoped3A_390 : memref<!tpu.dma_semaphore, #tpu.memory_space<semaphore_mem>>) {add = true}
        %dma_wait3A_397 = arith.constant 0 : i32
        %dma_wait3A_398 = tpu.memref_slice %arg11[%add3A_344, %dma_wait3A_397] : memref<100x100xi32, #tpu.memory_space<vmem>> -> memref<1x100xi32, #tpu.memory_space<vmem>>
        %dma_wait3A_399 = tpu.memref_squeeze %dma_wait3A_398 : memref<1x100xi32, #tpu.memory_space<vmem>> -> memref<100xi32, #tpu.memory_space<vmem>>
        %dma_wait3A_400 = arith.constant 0 : i32
        %dma_wait3A_401 = arith.constant 0 : i32
        %dma_wait3A_402 = tpu.memref_slice %arg26[%dma_wait3A_400, %dma_wait3A_401] : memref<10240x64xf32, #tpu.memory_space<vmem_shared>> -> memref<10240x64xf32, #tpu.memory_space<vmem_shared>>
        tpu.wait_indirect_dma semaphore(%run_scoped3A_390 : memref<!tpu.dma_semaphore, #tpu.memory_space<semaphore_mem>>) src(%arg16 : memref<100x64xf32, #tpu.memory_space<vmem>>) dst(%dma_wait3A_402 : memref<10240x64xf32, #tpu.memory_space<vmem_shared>>)
        tpu.yield
      }) : () -> ()
      %add3A_345 = arith.constant 2 : i32
      %add3A_346 = arith.addi %mul3A_270, %add3A_345 : i32
      %add3A_347 = arith.constant 4 : i32
      %add3A_348 = arith.addi %add3A_346, %add3A_347 : i32
      %lt3A_349 = arith.constant 100 : i32
      %lt3A_350 = arith.cmpi slt, %add3A_348, %lt3A_349 : i32
      %convert_element_type3A_351 = arith.extui %lt3A_350 : i1 to i32
      %cond3A_352 = arith.constant 0 : i32
      %cond3A_353 = arith.cmpi ne, %convert_element_type3A_351, %cond3A_352 : i32
      scf.if %cond3A_353 {
        %add3A_390 = arith.constant 2 : i32
        %add3A_391 = arith.addi %mul3A_270, %add3A_390 : i32
        %add3A_392 = arith.constant 4 : i32
        %add3A_393 = arith.addi %add3A_391, %add3A_392 : i32
        %dma_start3A_394 = arith.constant 0 : i32
        %dma_start3A_395 = tpu.memref_slice %arg10[%add3A_393, %dma_start3A_394] : memref<100x100xi32, #tpu.memory_space<vmem>> -> memref<1x100xi32, #tpu.memory_space<vmem>>
        %dma_start3A_396 = tpu.memref_squeeze %dma_start3A_395 : memref<1x100xi32, #tpu.memory_space<vmem>> -> memref<100xi32, #tpu.memory_space<vmem>>
        %dma_start3A_397 = arith.constant 0 : i32
        %dma_start3A_398 = arith.constant 0 : i32
        %dma_start3A_399 = tpu.memref_slice %arg2[%arg0, %dma_start3A_397, %dma_start3A_398] : memref<2x10240x64xf32, #tpu.memory_space<hbm>> -> memref<1x10240x64xf32, #tpu.memory_space<hbm>>
        %dma_start3A_400 = tpu.memref_squeeze %dma_start3A_399 : memref<1x10240x64xf32, #tpu.memory_space<hbm>> -> memref<10240x64xf32, #tpu.memory_space<hbm>>
        %dma_start3A_401 = arith.constant 0 : i32
        %dma_start3A_402 = arith.constant 0 : i32
        %dma_start3A_403 = tpu.memref_slice %dma_start3A_400[%dma_start3A_401, %dma_start3A_402] : memref<10240x64xf32, #tpu.memory_space<hbm>> -> memref<10240x64xf32, #tpu.memory_space<hbm>>
        tpu.enqueue_indirect_dma source(%dma_start3A_403 : memref<10240x64xf32, #tpu.memory_space<hbm>>) target(%arg16 : memref<100x64xf32, #tpu.memory_space<vmem>>) offsets(%dma_start3A_396 : memref<100xi32, #tpu.memory_space<vmem>>) semaphore(%arg31 : memref<!tpu.dma_semaphore, #tpu.memory_space<semaphore_mem>>)
      } else {
      }
      %eq3A_354 = arith.constant 1 : i32
      %eq3A_355 = arith.cmpi eq, %arg0, %eq3A_354 : i32
      %convert_element_type3A_356 = arith.extui %eq3A_355 : i1 to i32
      %cond3A_357 = arith.constant 0 : i32
      %cond3A_358 = arith.cmpi ne, %convert_element_type3A_356, %cond3A_357 : i32
      scf.if %cond3A_358 {
        %dma_wait3A_390 = arith.constant 0 : i32
        %dma_wait3A_391 = tpu.memref_slice %arg4[%dma_wait3A_390] : memref<10240xf32, #tpu.memory_space<hbm>> -> memref<100xf32, #tpu.memory_space<hbm>>
        %dma_wait3A_392 = arith.constant 0 : i32
        %dma_wait3A_393 = tpu.memref_slice %arg4[%dma_wait3A_392] : memref<10240xf32, #tpu.memory_space<hbm>> -> memref<100xf32, #tpu.memory_space<hbm>>
        tpu.wait_dma2 semaphore(%arg35 : memref<!tpu.dma_semaphore, #tpu.memory_space<semaphore_mem>>) src(%dma_wait3A_393 : memref<100xf32, #tpu.memory_space<hbm>>) dst(%arg20 : memref<100xf32, #tpu.memory_space<vmem>>)
        %add3A_394 = arith.constant 2 : i32
        %add3A_395 = arith.addi %mul3A_270, %add3A_394 : i32
        "tpu.region"() ({
          %run_scoped3A_405 = tpu.sem_alloc : memref<!tpu.dma_semaphore, #tpu.memory_space<semaphore_mem>>
          %dma_start3A_406 = arith.constant 0 : i32
          %dma_start3A_407 = tpu.memref_slice %arg10[%add3A_395, %dma_start3A_406] : memref<100x100xi32, #tpu.memory_space<vmem>> -> memref<1x100xi32, #tpu.memory_space<vmem>>
          %dma_start3A_408 = tpu.memref_squeeze %dma_start3A_407 : memref<1x100xi32, #tpu.memory_space<vmem>> -> memref<100xi32, #tpu.memory_space<vmem>>
          %dma_start3A_409 = arith.constant 0 : i32
          %dma_start3A_410 = tpu.memref_slice %arg27[%dma_start3A_409] : memref<10240xf32, #tpu.memory_space<vmem_shared>> -> memref<10240xf32, #tpu.memory_space<vmem_shared>>
          tpu.enqueue_indirect_dma source(%arg20 : memref<100xf32, #tpu.memory_space<vmem>>) target(%dma_start3A_410 : memref<10240xf32, #tpu.memory_space<vmem_shared>>) offsets(%dma_start3A_408 : memref<100xi32, #tpu.memory_space<vmem>>) semaphore(%run_scoped3A_405 : memref<!tpu.dma_semaphore, #tpu.memory_space<semaphore_mem>>) {add = true}
          %dma_wait3A_411 = arith.constant 0 : i32
          %dma_wait3A_412 = tpu.memref_slice %arg10[%add3A_395, %dma_wait3A_411] : memref<100x100xi32, #tpu.memory_space<vmem>> -> memref<1x100xi32, #tpu.memory_space<vmem>>
          %dma_wait3A_413 = tpu.memref_squeeze %dma_wait3A_412 : memref<1x100xi32, #tpu.memory_space<vmem>> -> memref<100xi32, #tpu.memory_space<vmem>>
          %dma_wait3A_414 = arith.constant 0 : i32
          %dma_wait3A_415 = tpu.memref_slice %arg27[%dma_wait3A_414] : memref<10240xf32, #tpu.memory_space<vmem_shared>> -> memref<10240xf32, #tpu.memory_space<vmem_shared>>
          tpu.wait_indirect_dma semaphore(%run_scoped3A_405 : memref<!tpu.dma_semaphore, #tpu.memory_space<semaphore_mem>>) src(%arg20 : memref<100xf32, #tpu.memory_space<vmem>>) dst(%dma_wait3A_415 : memref<10240xf32, #tpu.memory_space<vmem_shared>>)
          tpu.yield
        }) : () -> ()
        %add3A_396 = arith.constant 2 : i32
        %add3A_397 = arith.addi %mul3A_270, %add3A_396 : i32
        %add3A_398 = arith.constant 4 : i32
        %add3A_399 = arith.addi %add3A_397, %add3A_398 : i32
        %lt3A_400 = arith.constant 100 : i32
        %lt3A_401 = arith.cmpi slt, %add3A_399, %lt3A_400 : i32
        %convert_element_type3A_402 = arith.extui %lt3A_401 : i1 to i32
        %cond3A_403 = arith.constant 0 : i32
        %cond3A_404 = arith.cmpi ne, %convert_element_type3A_402, %cond3A_403 : i32
        scf.if %cond3A_404 {
          %add3A_405 = arith.constant 2 : i32
          %add3A_406 = arith.addi %mul3A_270, %add3A_405 : i32
          %add3A_407 = arith.constant 4 : i32
          %add3A_408 = arith.addi %add3A_406, %add3A_407 : i32
          %dma_start3A_409 = arith.constant 0 : i32
          %dma_start3A_410 = tpu.memref_slice %arg11[%add3A_408, %dma_start3A_409] : memref<100x100xi32, #tpu.memory_space<vmem>> -> memref<1x100xi32, #tpu.memory_space<vmem>>
          %dma_start3A_411 = tpu.memref_squeeze %dma_start3A_410 : memref<1x100xi32, #tpu.memory_space<vmem>> -> memref<100xi32, #tpu.memory_space<vmem>>
          %dma_start3A_412 = arith.constant 0 : i32
          %dma_start3A_413 = tpu.memref_slice %arg4[%dma_start3A_412] : memref<10240xf32, #tpu.memory_space<hbm>> -> memref<10240xf32, #tpu.memory_space<hbm>>
          tpu.enqueue_indirect_dma source(%dma_start3A_413 : memref<10240xf32, #tpu.memory_space<hbm>>) target(%arg20 : memref<100xf32, #tpu.memory_space<vmem>>) offsets(%dma_start3A_411 : memref<100xi32, #tpu.memory_space<vmem>>) semaphore(%arg35 : memref<!tpu.dma_semaphore, #tpu.memory_space<semaphore_mem>>)
        } else {
        }
      } else {
      }
      %dma_wait3A_359 = arith.constant 0 : i32
      %dma_wait3A_360 = arith.constant 0 : i32
      %dma_wait3A_361 = tpu.memref_slice %arg2[%arg0, %dma_wait3A_359, %dma_wait3A_360] : memref<2x10240x64xf32, #tpu.memory_space<hbm>> -> memref<1x10240x64xf32, #tpu.memory_space<hbm>>
      %dma_wait3A_362 = tpu.memref_squeeze %dma_wait3A_361 : memref<1x10240x64xf32, #tpu.memory_space<hbm>> -> memref<10240x64xf32, #tpu.memory_space<hbm>>
      %dma_wait3A_363 = arith.constant 0 : i32
      %dma_wait3A_364 = arith.constant 0 : i32
      %dma_wait3A_365 = tpu.memref_slice %dma_wait3A_362[%dma_wait3A_363, %dma_wait3A_364] : memref<10240x64xf32, #tpu.memory_space<hbm>> -> memref<100x64xf32, #tpu.memory_space<hbm>>
      %dma_wait3A_366 = arith.constant 0 : i32
      %dma_wait3A_367 = arith.constant 0 : i32
      %dma_wait3A_368 = tpu.memref_slice %arg2[%arg0, %dma_wait3A_366, %dma_wait3A_367] : memref<2x10240x64xf32, #tpu.memory_space<hbm>> -> memref<1x10240x64xf32, #tpu.memory_space<hbm>>
      %dma_wait3A_369 = tpu.memref_squeeze %dma_wait3A_368 : memref<1x10240x64xf32, #tpu.memory_space<hbm>> -> memref<10240x64xf32, #tpu.memory_space<hbm>>
      %dma_wait3A_370 = arith.constant 0 : i32
      %dma_wait3A_371 = arith.constant 0 : i32
      %dma_wait3A_372 = tpu.memref_slice %dma_wait3A_369[%dma_wait3A_370, %dma_wait3A_371] : memref<10240x64xf32, #tpu.memory_space<hbm>> -> memref<100x64xf32, #tpu.memory_space<hbm>>
      tpu.wait_dma2 semaphore(%arg32 : memref<!tpu.dma_semaphore, #tpu.memory_space<semaphore_mem>>) src(%dma_wait3A_372 : memref<100x64xf32, #tpu.memory_space<hbm>>) dst(%arg17 : memref<100x64xf32, #tpu.memory_space<vmem>>)
      %add3A_373 = arith.constant 3 : i32
      %add3A_374 = arith.addi %mul3A_270, %add3A_373 : i32
      "tpu.region"() ({
        %run_scoped3A_390 = tpu.sem_alloc : memref<!tpu.dma_semaphore, #tpu.memory_space<semaphore_mem>>
        %dma_start3A_391 = arith.constant 0 : i32
        %dma_start3A_392 = tpu.memref_slice %arg11[%add3A_374, %dma_start3A_391] : memref<100x100xi32, #tpu.memory_space<vmem>> -> memref<1x100xi32, #tpu.memory_space<vmem>>
        %dma_start3A_393 = tpu.memref_squeeze %dma_start3A_392 : memref<1x100xi32, #tpu.memory_space<vmem>> -> memref<100xi32, #tpu.memory_space<vmem>>
        %dma_start3A_394 = arith.constant 0 : i32
        %dma_start3A_395 = arith.constant 0 : i32
        %dma_start3A_396 = tpu.memref_slice %arg26[%dma_start3A_394, %dma_start3A_395] : memref<10240x64xf32, #tpu.memory_space<vmem_shared>> -> memref<10240x64xf32, #tpu.memory_space<vmem_shared>>
        tpu.enqueue_indirect_dma source(%arg17 : memref<100x64xf32, #tpu.memory_space<vmem>>) target(%dma_start3A_396 : memref<10240x64xf32, #tpu.memory_space<vmem_shared>>) offsets(%dma_start3A_393 : memref<100xi32, #tpu.memory_space<vmem>>) semaphore(%run_scoped3A_390 : memref<!tpu.dma_semaphore, #tpu.memory_space<semaphore_mem>>) {add = true}
        %dma_wait3A_397 = arith.constant 0 : i32
        %dma_wait3A_398 = tpu.memref_slice %arg11[%add3A_374, %dma_wait3A_397] : memref<100x100xi32, #tpu.memory_space<vmem>> -> memref<1x100xi32, #tpu.memory_space<vmem>>
        %dma_wait3A_399 = tpu.memref_squeeze %dma_wait3A_398 : memref<1x100xi32, #tpu.memory_space<vmem>> -> memref<100xi32, #tpu.memory_space<vmem>>
        %dma_wait3A_400 = arith.constant 0 : i32
        %dma_wait3A_401 = arith.constant 0 : i32
        %dma_wait3A_402 = tpu.memref_slice %arg26[%dma_wait3A_400, %dma_wait3A_401] : memref<10240x64xf32, #tpu.memory_space<vmem_shared>> -> memref<10240x64xf32, #tpu.memory_space<vmem_shared>>
        tpu.wait_indirect_dma semaphore(%run_scoped3A_390 : memref<!tpu.dma_semaphore, #tpu.memory_space<semaphore_mem>>) src(%arg17 : memref<100x64xf32, #tpu.memory_space<vmem>>) dst(%dma_wait3A_402 : memref<10240x64xf32, #tpu.memory_space<vmem_shared>>)
        tpu.yield
      }) : () -> ()
      %add3A_375 = arith.constant 3 : i32
      %add3A_376 = arith.addi %mul3A_270, %add3A_375 : i32
      %add3A_377 = arith.constant 4 : i32
      %add3A_378 = arith.addi %add3A_376, %add3A_377 : i32
      %lt3A_379 = arith.constant 100 : i32
      %lt3A_380 = arith.cmpi slt, %add3A_378, %lt3A_379 : i32
      %convert_element_type3A_381 = arith.extui %lt3A_380 : i1 to i32
      %cond3A_382 = arith.constant 0 : i32
      %cond3A_383 = arith.cmpi ne, %convert_element_type3A_381, %cond3A_382 : i32
      scf.if %cond3A_383 {
        %add3A_390 = arith.constant 3 : i32
        %add3A_391 = arith.addi %mul3A_270, %add3A_390 : i32
        %add3A_392 = arith.constant 4 : i32
        %add3A_393 = arith.addi %add3A_391, %add3A_392 : i32
        %dma_start3A_394 = arith.constant 0 : i32
        %dma_start3A_395 = tpu.memref_slice %arg10[%add3A_393, %dma_start3A_394] : memref<100x100xi32, #tpu.memory_space<vmem>> -> memref<1x100xi32, #tpu.memory_space<vmem>>
        %dma_start3A_396 = tpu.memref_squeeze %dma_start3A_395 : memref<1x100xi32, #tpu.memory_space<vmem>> -> memref<100xi32, #tpu.memory_space<vmem>>
        %dma_start3A_397 = arith.constant 0 : i32
        %dma_start3A_398 = arith.constant 0 : i32
        %dma_start3A_399 = tpu.memref_slice %arg2[%arg0, %dma_start3A_397, %dma_start3A_398] : memref<2x10240x64xf32, #tpu.memory_space<hbm>> -> memref<1x10240x64xf32, #tpu.memory_space<hbm>>
        %dma_start3A_400 = tpu.memref_squeeze %dma_start3A_399 : memref<1x10240x64xf32, #tpu.memory_space<hbm>> -> memref<10240x64xf32, #tpu.memory_space<hbm>>
        %dma_start3A_401 = arith.constant 0 : i32
        %dma_start3A_402 = arith.constant 0 : i32
        %dma_start3A_403 = tpu.memref_slice %dma_start3A_400[%dma_start3A_401, %dma_start3A_402] : memref<10240x64xf32, #tpu.memory_space<hbm>> -> memref<10240x64xf32, #tpu.memory_space<hbm>>
        tpu.enqueue_indirect_dma source(%dma_start3A_403 : memref<10240x64xf32, #tpu.memory_space<hbm>>) target(%arg17 : memref<100x64xf32, #tpu.memory_space<vmem>>) offsets(%dma_start3A_396 : memref<100xi32, #tpu.memory_space<vmem>>) semaphore(%arg32 : memref<!tpu.dma_semaphore, #tpu.memory_space<semaphore_mem>>)
      } else {
      }
      %eq3A_384 = arith.constant 1 : i32
      %eq3A_385 = arith.cmpi eq, %arg0, %eq3A_384 : i32
      %convert_element_type3A_386 = arith.extui %eq3A_385 : i1 to i32
      %cond3A_387 = arith.constant 0 : i32
      %cond3A_388 = arith.cmpi ne, %convert_element_type3A_386, %cond3A_387 : i32
      scf.if %cond3A_388 {
        %dma_wait3A_390 = arith.constant 0 : i32
        %dma_wait3A_391 = tpu.memref_slice %arg4[%dma_wait3A_390] : memref<10240xf32, #tpu.memory_space<hbm>> -> memref<100xf32, #tpu.memory_space<hbm>>
        %dma_wait3A_392 = arith.constant 0 : i32
        %dma_wait3A_393 = tpu.memref_slice %arg4[%dma_wait3A_392] : memref<10240xf32, #tpu.memory_space<hbm>> -> memref<100xf32, #tpu.memory_space<hbm>>
        tpu.wait_dma2 semaphore(%arg36 : memref<!tpu.dma_semaphore, #tpu.memory_space<semaphore_mem>>) src(%dma_wait3A_393 : memref<100xf32, #tpu.memory_space<hbm>>) dst(%arg21 : memref<100xf32, #tpu.memory_space<vmem>>)
        %add3A_394 = arith.constant 3 : i32
        %add3A_395 = arith.addi %mul3A_270, %add3A_394 : i32
        "tpu.region"() ({
          %run_scoped3A_405 = tpu.sem_alloc : memref<!tpu.dma_semaphore, #tpu.memory_space<semaphore_mem>>
          %dma_start3A_406 = arith.constant 0 : i32
          %dma_start3A_407 = tpu.memref_slice %arg10[%add3A_395, %dma_start3A_406] : memref<100x100xi32, #tpu.memory_space<vmem>> -> memref<1x100xi32, #tpu.memory_space<vmem>>
          %dma_start3A_408 = tpu.memref_squeeze %dma_start3A_407 : memref<1x100xi32, #tpu.memory_space<vmem>> -> memref<100xi32, #tpu.memory_space<vmem>>
          %dma_start3A_409 = arith.constant 0 : i32
          %dma_start3A_410 = tpu.memref_slice %arg27[%dma_start3A_409] : memref<10240xf32, #tpu.memory_space<vmem_shared>> -> memref<10240xf32, #tpu.memory_space<vmem_shared>>
          tpu.enqueue_indirect_dma source(%arg21 : memref<100xf32, #tpu.memory_space<vmem>>) target(%dma_start3A_410 : memref<10240xf32, #tpu.memory_space<vmem_shared>>) offsets(%dma_start3A_408 : memref<100xi32, #tpu.memory_space<vmem>>) semaphore(%run_scoped3A_405 : memref<!tpu.dma_semaphore, #tpu.memory_space<semaphore_mem>>) {add = true}
          %dma_wait3A_411 = arith.constant 0 : i32
          %dma_wait3A_412 = tpu.memref_slice %arg10[%add3A_395, %dma_wait3A_411] : memref<100x100xi32, #tpu.memory_space<vmem>> -> memref<1x100xi32, #tpu.memory_space<vmem>>
          %dma_wait3A_413 = tpu.memref_squeeze %dma_wait3A_412 : memref<1x100xi32, #tpu.memory_space<vmem>> -> memref<100xi32, #tpu.memory_space<vmem>>
          %dma_wait3A_414 = arith.constant 0 : i32
          %dma_wait3A_415 = tpu.memref_slice %arg27[%dma_wait3A_414] : memref<10240xf32, #tpu.memory_space<vmem_shared>> -> memref<10240xf32, #tpu.memory_space<vmem_shared>>
          tpu.wait_indirect_dma semaphore(%run_scoped3A_405 : memref<!tpu.dma_semaphore, #tpu.memory_space<semaphore_mem>>) src(%arg21 : memref<100xf32, #tpu.memory_space<vmem>>) dst(%dma_wait3A_415 : memref<10240xf32, #tpu.memory_space<vmem_shared>>)
          tpu.yield
        }) : () -> ()
        %add3A_396 = arith.constant 3 : i32
        %add3A_397 = arith.addi %mul3A_270, %add3A_396 : i32
        %add3A_398 = arith.constant 4 : i32
        %add3A_399 = arith.addi %add3A_397, %add3A_398 : i32
        %lt3A_400 = arith.constant 100 : i32
        %lt3A_401 = arith.cmpi slt, %add3A_399, %lt3A_400 : i32
        %convert_element_type3A_402 = arith.extui %lt3A_401 : i1 to i32
        %cond3A_403 = arith.constant 0 : i32
        %cond3A_404 = arith.cmpi ne, %convert_element_type3A_402, %cond3A_403 : i32
        scf.if %cond3A_404 {
          %add3A_405 = arith.constant 3 : i32
          %add3A_406 = arith.addi %mul3A_270, %add3A_405 : i32
          %add3A_407 = arith.constant 4 : i32
          %add3A_408 = arith.addi %add3A_406, %add3A_407 : i32
          %dma_start3A_409 = arith.constant 0 : i32
          %dma_start3A_410 = tpu.memref_slice %arg11[%add3A_408, %dma_start3A_409] : memref<100x100xi32, #tpu.memory_space<vmem>> -> memref<1x100xi32, #tpu.memory_space<vmem>>
          %dma_start3A_411 = tpu.memref_squeeze %dma_start3A_410 : memref<1x100xi32, #tpu.memory_space<vmem>> -> memref<100xi32, #tpu.memory_space<vmem>>
          %dma_start3A_412 = arith.constant 0 : i32
          %dma_start3A_413 = tpu.memref_slice %arg4[%dma_start3A_412] : memref<10240xf32, #tpu.memory_space<hbm>> -> memref<10240xf32, #tpu.memory_space<hbm>>
          tpu.enqueue_indirect_dma source(%dma_start3A_413 : memref<10240xf32, #tpu.memory_space<hbm>>) target(%arg21 : memref<100xf32, #tpu.memory_space<vmem>>) offsets(%dma_start3A_411 : memref<100xi32, #tpu.memory_space<vmem>>) semaphore(%arg36 : memref<!tpu.dma_semaphore, #tpu.memory_space<semaphore_mem>>)
        } else {
        }
      } else {
      }
      %scan3A_389 = arith.constant 0 : i32
      scf.yield %scan3A_389 : i32
    }
    %scan3A_263 = arith.constant 25 : i32
    %barrier3A_264 = arith.constant 0 : index
    tpu.barrier barrier_id(%barrier3A_264)
    %mul3A_265 = arith.constant 640 : i32
    %mul3A_266 = arith.muli %arg1, %mul3A_265 : i32
    "tpu.region"() ({
      %run_scoped3A_267 = tpu.sem_alloc : memref<!tpu.dma_semaphore, #tpu.memory_space<semaphore_mem>>
      %dma_start3A_268 = arith.constant 0 : i32
      %dma_start3A_269 = tpu.memref_slice %arg7[%arg0, %mul3A_266, %dma_start3A_268] : memref<2x10240x64xf32, #tpu.memory_space<hbm>> -> memref<1x640x64xf32, #tpu.memory_space<hbm>>
      %dma_start3A_270 = tpu.memref_squeeze %dma_start3A_269 : memref<1x640x64xf32, #tpu.memory_space<hbm>> -> memref<640x64xf32, #tpu.memory_space<hbm>>
      %dma_start3A_271 = arith.constant 0 : i32
      %dma_start3A_272 = tpu.memref_slice %arg26[%mul3A_266, %dma_start3A_271] : memref<10240x64xf32, #tpu.memory_space<vmem_shared>> -> memref<640x64xf32, #tpu.memory_space<vmem_shared>>
      tpu.enqueue_dma source(%dma_start3A_272 : memref<640x64xf32, #tpu.memory_space<vmem_shared>>) target(%dma_start3A_270 : memref<640x64xf32, #tpu.memory_space<hbm>>) target_semaphore(%run_scoped3A_267 : memref<!tpu.dma_semaphore, #tpu.memory_space<semaphore_mem>>)
      %dma_wait3A = arith.constant 0 : i32
      %dma_wait3A_273 = tpu.memref_slice %arg7[%arg0, %mul3A_266, %dma_wait3A] : memref<2x10240x64xf32, #tpu.memory_space<hbm>> -> memref<1x640x64xf32, #tpu.memory_space<hbm>>
      %dma_wait3A_274 = tpu.memref_squeeze %dma_wait3A_273 : memref<1x640x64xf32, #tpu.memory_space<hbm>> -> memref<640x64xf32, #tpu.memory_space<hbm>>
      %dma_wait3A_275 = arith.constant 0 : i32
      %dma_wait3A_276 = tpu.memref_slice %arg26[%mul3A_266, %dma_wait3A_275] : memref<10240x64xf32, #tpu.memory_space<vmem_shared>> -> memref<640x64xf32, #tpu.memory_space<vmem_shared>>
      tpu.wait_dma2 semaphore(%run_scoped3A_267 : memref<!tpu.dma_semaphore, #tpu.memory_space<semaphore_mem>>) src(%dma_wait3A_276 : memref<640x64xf32, #tpu.memory_space<vmem_shared>>) dst(%dma_wait3A_274 : memref<640x64xf32, #tpu.memory_space<hbm>>)
      tpu.yield
    }) : () -> ()
    "tpu.region"() ({
      %run_scoped3A_267 = tpu.sem_alloc : memref<!tpu.dma_semaphore, #tpu.memory_space<semaphore_mem>>
      %dma_start3A_268 = tpu.memref_slice %arg8[%arg0, %mul3A_266] : memref<2x10240xf32, #tpu.memory_space<hbm>> -> memref<1x640xf32, #tpu.memory_space<hbm>>
      %dma_start3A_269 = tpu.memref_squeeze %dma_start3A_268 : memref<1x640xf32, #tpu.memory_space<hbm>> -> memref<640xf32, #tpu.memory_space<hbm>>
      %dma_start3A_270 = tpu.memref_slice %arg27[%mul3A_266] : memref<10240xf32, #tpu.memory_space<vmem_shared>> -> memref<640xf32, #tpu.memory_space<vmem_shared>>
      tpu.enqueue_dma source(%dma_start3A_270 : memref<640xf32, #tpu.memory_space<vmem_shared>>) target(%dma_start3A_269 : memref<640xf32, #tpu.memory_space<hbm>>) target_semaphore(%run_scoped3A_267 : memref<!tpu.dma_semaphore, #tpu.memory_space<semaphore_mem>>)
      %dma_wait3A = tpu.memref_slice %arg8[%arg0, %mul3A_266] : memref<2x10240xf32, #tpu.memory_space<hbm>> -> memref<1x640xf32, #tpu.memory_space<hbm>>
      %dma_wait3A_271 = tpu.memref_squeeze %dma_wait3A : memref<1x640xf32, #tpu.memory_space<hbm>> -> memref<640xf32, #tpu.memory_space<hbm>>
      %dma_wait3A_272 = tpu.memref_slice %arg27[%mul3A_266] : memref<10240xf32, #tpu.memory_space<vmem_shared>> -> memref<640xf32, #tpu.memory_space<vmem_shared>>
      tpu.wait_dma2 semaphore(%run_scoped3A_267 : memref<!tpu.dma_semaphore, #tpu.memory_space<semaphore_mem>>) src(%dma_wait3A_272 : memref<640xf32, #tpu.memory_space<vmem_shared>>) dst(%dma_wait3A_271 : memref<640xf32, #tpu.memory_space<hbm>>)
      tpu.yield
    }) : () -> ()
    "tpu.region"() ({
      %run_scoped3A_267 = tpu.sem_alloc : memref<!tpu.dma_semaphore, #tpu.memory_space<semaphore_mem>>
      %dma_start3A_268 = arith.constant 0 : i32
      %dma_start3A_269 = tpu.memref_slice %arg9[%arg0, %mul3A_266, %dma_start3A_268] : memref<2x10240x16xf32, #tpu.memory_space<hbm>> -> memref<1x640x16xf32, #tpu.memory_space<hbm>>
      %dma_start3A_270 = tpu.memref_squeeze %dma_start3A_269 : memref<1x640x16xf32, #tpu.memory_space<hbm>> -> memref<640x16xf32, #tpu.memory_space<hbm>>
      %dma_start3A_271 = arith.constant 0 : i32
      %dma_start3A_272 = tpu.memref_slice %arg28[%mul3A_266, %dma_start3A_271] : memref<10240x16xf32, #tpu.memory_space<vmem_shared>> -> memref<640x16xf32, #tpu.memory_space<vmem_shared>>
      tpu.enqueue_dma source(%dma_start3A_272 : memref<640x16xf32, #tpu.memory_space<vmem_shared>>) target(%dma_start3A_270 : memref<640x16xf32, #tpu.memory_space<hbm>>) target_semaphore(%run_scoped3A_267 : memref<!tpu.dma_semaphore, #tpu.memory_space<semaphore_mem>>)
      %dma_wait3A = arith.constant 0 : i32
      %dma_wait3A_273 = tpu.memref_slice %arg9[%arg0, %mul3A_266, %dma_wait3A] : memref<2x10240x16xf32, #tpu.memory_space<hbm>> -> memref<1x640x16xf32, #tpu.memory_space<hbm>>
      %dma_wait3A_274 = tpu.memref_squeeze %dma_wait3A_273 : memref<1x640x16xf32, #tpu.memory_space<hbm>> -> memref<640x16xf32, #tpu.memory_space<hbm>>
      %dma_wait3A_275 = arith.constant 0 : i32
      %dma_wait3A_276 = tpu.memref_slice %arg28[%mul3A_266, %dma_wait3A_275] : memref<10240x16xf32, #tpu.memory_space<vmem_shared>> -> memref<640x16xf32, #tpu.memory_space<vmem_shared>>
      tpu.wait_dma2 semaphore(%run_scoped3A_267 : memref<!tpu.dma_semaphore, #tpu.memory_space<semaphore_mem>>) src(%dma_wait3A_276 : memref<640x16xf32, #tpu.memory_space<vmem_shared>>) dst(%dma_wait3A_274 : memref<640x16xf32, #tpu.memory_space<hbm>>)
      tpu.yield
    }) : () -> ()
    return
  }
}

module attributes {stable_mosaic.version = 14 : i64} {
  func.func @_prep_body(%arg0: i32, %arg1: memref<512x1xf32, #tpu.memory_space<vmem>>, %arg2: memref<512x1xf32, #tpu.memory_space<vmem>>, %arg3: memref<512x128xf32, #tpu.memory_space<vmem>>, %arg4: memref<512x15xf32, #tpu.memory_space<vmem>>, %arg5: memref<2x512x64xf32, #tpu.memory_space<vmem>>, %arg6: memref<512x16xf32, #tpu.memory_space<vmem>>, %arg7: memref<512x1xf32, #tpu.memory_space<vmem>>, %arg8: memref<512x1xf32, #tpu.memory_space<vmem>>) attributes {dimension_semantics = [#tpu.dimension_semantics<arbitrary>], iteration_bounds = array<i64: 20>, scalar_prefetch = 0 : i64, scratch_operands = 0 : i64, tpu.core_type = #tpu.core_type<tc>, window_params = [{transform_indices = @transform_0, window_bounds = array<i64: 512, 1>}, {transform_indices = @transform_1, window_bounds = array<i64: 512, 1>}, {transform_indices = @transform_2, window_bounds = array<i64: 512, 128>}, {transform_indices = @transform_3, window_bounds = array<i64: 512, 15>}, {transform_indices = @transform_4, window_bounds = array<i64: 2, 512, 64>}, {transform_indices = @transform_5, window_bounds = array<i64: 512, 16>}, {transform_indices = @transform_6, window_bounds = array<i64: 512, 1>}, {transform_indices = @transform_7, window_bounds = array<i64: 512, 1>}]} {
    %get3A = arith.constant 0 : index
    %get3A_0 = arith.constant 0 : index
    %get3A_1 = vector.load %arg1[%get3A, %get3A_0] : memref<512x1xf32, #tpu.memory_space<vmem>>, vector<512x1xf32>
    %rsqrt3A = math.rsqrt %get3A_1 : vector<512x1xf32>
    %get3A_2 = arith.constant 0 : index
    %get3A_3 = arith.constant 0 : index
    %get3A_4 = vector.load %arg2[%get3A_2, %get3A_3] : memref<512x1xf32, #tpu.memory_space<vmem>>, vector<512x1xf32>
    %rsqrt3A_5 = math.rsqrt %get3A_4 : vector<512x1xf32>
    %swap3A = arith.constant 0 : index
    %swap3A_6 = arith.constant 0 : index
    %swap3A_7 = vector.load %arg7[%swap3A, %swap3A_6] : memref<512x1xf32, #tpu.memory_space<vmem>>, vector<512x1xf32>
    tpu.vector_store %arg7[%swap3A, %swap3A_6], %rsqrt3A {strides = array<i32>} : memref<512x1xf32, #tpu.memory_space<vmem>>, vector<512x1xf32>,
    %swap3A_8 = arith.constant 0 : index
    %swap3A_9 = arith.constant 0 : index
    %swap3A_10 = vector.load %arg8[%swap3A_8, %swap3A_9] : memref<512x1xf32, #tpu.memory_space<vmem>>, vector<512x1xf32>
    tpu.vector_store %arg8[%swap3A_8, %swap3A_9], %rsqrt3A_5 {strides = array<i32>} : memref<512x1xf32, #tpu.memory_space<vmem>>, vector<512x1xf32>,
    %get3A_11 = arith.constant 0 : index
    %get3A_12 = arith.constant 0 : index
    %get3A_13 = vector.load %arg3[%get3A_11, %get3A_12] : memref<512x128xf32, #tpu.memory_space<vmem>>, vector<512x128xf32>
    %mul3A = vector.broadcast %rsqrt3A : vector<512x1xf32> to vector<512x128xf32>
    %mul3A_14 = arith.mulf %get3A_13, %mul3A : vector<512x128xf32>
    %slice3A = vector.extract_strided_slice %mul3A_14 {offsets = [0, 0], sizes = [512, 64], strides = [1, 1]} : vector<512x128xf32> to vector<512x64xf32>
    %swap3A_15 = arith.constant 0 : index
    %swap3A_16 = arith.constant 0 : index
    %swap3A_17 = arith.constant 0 : index
    %swap3A_18 = vector.load %arg5[%swap3A_15, %swap3A_16, %swap3A_17] : memref<2x512x64xf32, #tpu.memory_space<vmem>>, vector<1x512x64xf32>
    %swap3A_19 = vector.shape_cast %swap3A_18 : vector<1x512x64xf32> to vector<512x64xf32>
    %swap3A_20 = vector.shape_cast %slice3A : vector<512x64xf32> to vector<1x512x64xf32>
    tpu.vector_store %arg5[%swap3A_15, %swap3A_16, %swap3A_17], %swap3A_20 {strides = array<i32>} : memref<2x512x64xf32, #tpu.memory_space<vmem>>, vector<1x512x64xf32>,
    %slice3A_21 = vector.extract_strided_slice %mul3A_14 {offsets = [0, 64], sizes = [512, 64], strides = [1, 1]} : vector<512x128xf32> to vector<512x64xf32>
    %swap3A_22 = arith.constant 1 : index
    %swap3A_23 = arith.constant 0 : index
    %swap3A_24 = arith.constant 0 : index
    %swap3A_25 = vector.load %arg5[%swap3A_22, %swap3A_23, %swap3A_24] : memref<2x512x64xf32, #tpu.memory_space<vmem>>, vector<1x512x64xf32>
    %swap3A_26 = vector.shape_cast %swap3A_25 : vector<1x512x64xf32> to vector<512x64xf32>
    %swap3A_27 = vector.shape_cast %slice3A_21 : vector<512x64xf32> to vector<1x512x64xf32>
    tpu.vector_store %arg5[%swap3A_22, %swap3A_23, %swap3A_24], %swap3A_27 {strides = array<i32>} : memref<2x512x64xf32, #tpu.memory_space<vmem>>, vector<1x512x64xf32>,
    %get3A_28 = arith.constant 0 : index
    %get3A_29 = arith.constant 0 : index
    %get3A_30 = vector.load %arg4[%get3A_28, %get3A_29] : memref<512x15xf32, #tpu.memory_space<vmem>>, vector<512x15xf32>
    %broadcast_in_dim3A = arith.constant 0.000000e+00 : f32
    %broadcast_in_dim3A_31 = vector.broadcast %broadcast_in_dim3A : f32 to vector<512x1xf32>
    %concatenate3A = tpu.concatenate %get3A_30, %broadcast_in_dim3A_31 in 1 : vector<512x15xf32>, vector<512x1xf32> -> vector<512x16xf32>
    %mul3A_32 = vector.broadcast %rsqrt3A_5 : vector<512x1xf32> to vector<512x16xf32>
    %mul3A_33 = arith.mulf %concatenate3A, %mul3A_32 : vector<512x16xf32>
    %swap3A_34 = arith.constant 0 : index
    %swap3A_35 = arith.constant 0 : index
    %swap3A_36 = vector.load %arg6[%swap3A_34, %swap3A_35] : memref<512x16xf32, #tpu.memory_space<vmem>>, vector<512x16xf32>
    tpu.vector_store %arg6[%swap3A_34, %swap3A_35], %mul3A_33 {strides = array<i32>} : memref<512x16xf32, #tpu.memory_space<vmem>>, vector<512x16xf32>,
    return
  }
  func.func @transform_0(%arg0: i32) -> (i32, i32) {
    %c0_i32 = arith.constant 0 : i32
    %c0_i32_0 = arith.constant 0 : i32
    return %arg0, %c0_i32 : i32, i32
  }
  func.func @transform_1(%arg0: i32) -> (i32, i32) {
    %c0_i32 = arith.constant 0 : i32
    %c0_i32_0 = arith.constant 0 : i32
    return %arg0, %c0_i32 : i32, i32
  }
  func.func @transform_2(%arg0: i32) -> (i32, i32) {
    %c0_i32 = arith.constant 0 : i32
    %c0_i32_0 = arith.constant 0 : i32
    return %arg0, %c0_i32 : i32, i32
  }
  func.func @transform_3(%arg0: i32) -> (i32, i32) {
    %c0_i32 = arith.constant 0 : i32
    %c0_i32_0 = arith.constant 0 : i32
    return %arg0, %c0_i32 : i32, i32
  }
  func.func @transform_4(%arg0: i32) -> (i32, i32, i32) {
    %c0_i32 = arith.constant 0 : i32
    %c0_i32_0 = arith.constant 0 : i32
    %c0_i32_1 = arith.constant 0 : i32
    return %c0_i32, %arg0, %c0_i32_0 : i32, i32, i32
  }
  func.func @transform_5(%arg0: i32) -> (i32, i32) {
    %c0_i32 = arith.constant 0 : i32
    %c0_i32_0 = arith.constant 0 : i32
    return %arg0, %c0_i32 : i32, i32
  }
  func.func @transform_6(%arg0: i32) -> (i32, i32) {
    %c0_i32 = arith.constant 0 : i32
    %c0_i32_0 = arith.constant 0 : i32
    return %arg0, %c0_i32 : i32, i32
  }
  func.func @transform_7(%arg0: i32) -> (i32, i32) {
    %c0_i32 = arith.constant 0 : i32
    %c0_i32_0 = arith.constant 0 : i32
    return %arg0, %c0_i32 : i32, i32
  }
}

module attributes {stable_mosaic.version = 14 : i64} {
  func.func @_mid_tc_body(%arg0: i32, %arg1: memref<2x512x64xf32, #tpu.memory_space<vmem>>, %arg2: memref<2x512x64xf32, #tpu.memory_space<vmem>>, %arg3: memref<512x1xf32, #tpu.memory_space<vmem>>, %arg4: memref<512x1xf32, #tpu.memory_space<vmem>>, %arg5: memref<2x512x16xf32, #tpu.memory_space<vmem>>, %arg6: memref<512x16xf32, #tpu.memory_space<vmem>>, %arg7: memref<512x1xf32, #tpu.memory_space<vmem>>, %arg8: memref<128x128xf32, #tpu.memory_space<vmem>>, %arg9: memref<1x128xf32, #tpu.memory_space<vmem>>, %arg10: memref<128x128xf32, #tpu.memory_space<vmem>>, %arg11: memref<1x128xf32, #tpu.memory_space<vmem>>, %arg12: memref<15x128xf32, #tpu.memory_space<vmem>>, %arg13: memref<1x128xf32, #tpu.memory_space<vmem>>, %arg14: memref<2x512x64xf32, #tpu.memory_space<vmem>>, %arg15: memref<128xf32, #tpu.memory_space<vmem>>, %arg16: memref<1x128xf32, #tpu.memory_space<vmem>>) attributes {dimension_semantics = [#tpu.dimension_semantics<arbitrary>], iteration_bounds = array<i64: 20>, scalar_prefetch = 0 : i64, scratch_operands = 1 : i64, tpu.core_type = #tpu.core_type<tc>, window_params = [{transform_indices = @transform_0, window_bounds = array<i64: 2, 512, 64>}, {transform_indices = @transform_1, window_bounds = array<i64: 2, 512, 64>}, {transform_indices = @transform_2, window_bounds = array<i64: 512, 1>}, {transform_indices = @transform_3, window_bounds = array<i64: 512, 1>}, {transform_indices = @transform_4, window_bounds = array<i64: 2, 512, 16>}, {transform_indices = @transform_5, window_bounds = array<i64: 512, 16>}, {transform_indices = @transform_6, window_bounds = array<i64: 512, 1>}, {pipeline_mode = #tpu.pipeline_mode<synchronous>, transform_indices = @transform_7, window_bounds = array<i64: 128, 128>}, {pipeline_mode = #tpu.pipeline_mode<synchronous>, transform_indices = @transform_8, window_bounds = array<i64: 1, 128>}, {pipeline_mode = #tpu.pipeline_mode<synchronous>, transform_indices = @transform_9, window_bounds = array<i64: 128, 128>}, {pipeline_mode = #tpu.pipeline_mode<synchronous>, transform_indices = @transform_10, window_bounds = array<i64: 1, 128>}, {pipeline_mode = #tpu.pipeline_mode<synchronous>, transform_indices = @transform_11, window_bounds = array<i64: 15, 128>}, {pipeline_mode = #tpu.pipeline_mode<synchronous>, transform_indices = @transform_12, window_bounds = array<i64: 1, 128>}, {transform_indices = @transform_13, window_bounds = array<i64: 2, 512, 64>}, {pipeline_mode = #tpu.pipeline_mode<synchronous>, transform_indices = @transform_14, window_bounds = array<i64: 128>}]} {
    %get3A = arith.constant 0 : index
    %get3A_0 = arith.constant 0 : index
    %get3A_1 = vector.load %arg3[%get3A, %get3A_0] : memref<512x1xf32, #tpu.memory_space<vmem>>, vector<512x1xf32>
    %get3A_2 = arith.constant 0 : index
    %get3A_3 = arith.constant 0 : index
    %get3A_4 = arith.constant 0 : index
    %get3A_5 = vector.load %arg1[%get3A_2, %get3A_3, %get3A_4] : memref<2x512x64xf32, #tpu.memory_space<vmem>>, vector<1x512x64xf32>
    %get3A_6 = vector.shape_cast %get3A_5 : vector<1x512x64xf32> to vector<512x64xf32>
    %get3A_7 = arith.constant 0 : index
    %get3A_8 = arith.constant 0 : index
    %get3A_9 = arith.constant 0 : index
    %get3A_10 = vector.load %arg2[%get3A_7, %get3A_8, %get3A_9] : memref<2x512x64xf32, #tpu.memory_space<vmem>>, vector<1x512x64xf32>
    %get3A_11 = vector.shape_cast %get3A_10 : vector<1x512x64xf32> to vector<512x64xf32>
    %add3A = arith.addf %get3A_6, %get3A_11 : vector<512x64xf32>
    %get3A_12 = arith.constant 1 : index
    %get3A_13 = arith.constant 0 : index
    %get3A_14 = arith.constant 0 : index
    %get3A_15 = vector.load %arg1[%get3A_12, %get3A_13, %get3A_14] : memref<2x512x64xf32, #tpu.memory_space<vmem>>, vector<1x512x64xf32>
    %get3A_16 = vector.shape_cast %get3A_15 : vector<1x512x64xf32> to vector<512x64xf32>
    %get3A_17 = arith.constant 1 : index
    %get3A_18 = arith.constant 0 : index
    %get3A_19 = arith.constant 0 : index
    %get3A_20 = vector.load %arg2[%get3A_17, %get3A_18, %get3A_19] : memref<2x512x64xf32, #tpu.memory_space<vmem>>, vector<1x512x64xf32>
    %get3A_21 = vector.shape_cast %get3A_20 : vector<1x512x64xf32> to vector<512x64xf32>
    %add3A_22 = arith.addf %get3A_16, %get3A_21 : vector<512x64xf32>
    %concatenate3A = tpu.concatenate %add3A, %add3A_22 in 1 : vector<512x64xf32>, vector<512x64xf32> -> vector<512x128xf32>
    %mul3A = vector.broadcast %get3A_1 : vector<512x1xf32> to vector<512x128xf32>
    %mul3A_23 = arith.mulf %mul3A, %concatenate3A : vector<512x128xf32>
    %get3A_24 = arith.constant 0 : index
    %get3A_25 = arith.constant 0 : index
    %get3A_26 = vector.load %arg8[%get3A_24, %get3A_25] : memref<128x128xf32, #tpu.memory_space<vmem>>, vector<128x128xf32>
    %dot_general3A = arith.constant dense<0.000000e+00> : vector<512x128xf32>
    %dot_general3A_27 = tpu.matmul %mul3A_23, %get3A_26, %dot_general3A {dimension_numbers = #tpu.dot_dimension_numbers<[1], [0], [0], [1], [0, 0, 1, 1], [], []>, transpose_lhs_hint = false} : vector<512x128xf32>, vector<128x128xf32>, vector<512x128xf32> -> vector<512x128xf32>
    %get3A_28 = arith.constant 0 : index
    %get3A_29 = arith.constant 0 : index
    %get3A_30 = vector.load %arg9[%get3A_28, %get3A_29] : memref<1x128xf32, #tpu.memory_space<vmem>>, vector<1x128xf32>
    %add3A_31 = vector.broadcast %get3A_30 : vector<1x128xf32> to vector<512x128xf32>
    %add3A_32 = arith.addf %dot_general3A_27, %add3A_31 : vector<512x128xf32>
    %max3A = arith.constant 0.000000e+00 : f32
    %max3A_33 = vector.broadcast %max3A : f32 to vector<512x128xf32>
    %max3A_34 = arith.maximumf %add3A_32, %max3A_33 : vector<512x128xf32>
    %iota3A = tpu.iota {dimensions = array<i32: 0>} : vector<512x1xi32>
    %mul3A_35 = arith.constant 512 : i32
    %mul3A_36 = arith.muli %arg0, %mul3A_35 : i32
    %add3A_37 = vector.broadcast %mul3A_36 : i32 to vector<512x1xi32>
    %add3A_38 = arith.addi %iota3A, %add3A_37 : vector<512x1xi32>
    %lt3A = arith.constant 10000 : i32
    %lt3A_39 = vector.broadcast %lt3A : i32 to vector<512x1xi32>
    %lt3A_40 = arith.cmpi slt, %add3A_38, %lt3A_39 : vector<512x1xi32>
    %get3A_41 = arith.constant 0 : index
    %get3A_42 = arith.constant 0 : index
    %get3A_43 = vector.load %arg4[%get3A_41, %get3A_42] : memref<512x1xf32, #tpu.memory_space<vmem>>, vector<512x1xf32>
    %add3A_44 = arith.addf %get3A_43, %get3A_1 : vector<512x1xf32>
    %mul3A_45 = arith.mulf %get3A_1, %add3A_44 : vector<512x1xf32>
    %jit3A = arith.constant 0.000000e+00 : f32
    %broadcast_in_dim3A = vector.broadcast %jit3A : f32 to vector<512x1xf32>
    %select_n3A = arith.select %lt3A_40, %mul3A_45, %broadcast_in_dim3A : vector<512x1xi1>, vector<512x1xf32>
    %eq3A = arith.constant 0 : i32
    %eq3A_46 = arith.cmpi eq, %arg0, %eq3A : i32
    %convert_element_type3A = arith.extui %eq3A_46 : i1 to i32
    %cond3A = arith.constant 0 : i32
    %cond3A_47 = arith.cmpi ne, %convert_element_type3A, %cond3A : i32
    scf.if %cond3A_47 {
      %broadcast_in_dim3A_114 = arith.constant 0.000000e+00 : f32
      %broadcast_in_dim3A_115 = vector.broadcast %broadcast_in_dim3A_114 : f32 to vector<1x128xf32>
      %swap3A_116 = arith.constant 0 : index
      %swap3A_117 = arith.constant 0 : index
      %swap3A_118 = vector.load %arg16[%swap3A_116, %swap3A_117] : memref<1x128xf32, #tpu.memory_space<vmem>>, vector<1x128xf32>
      tpu.vector_store %arg16[%swap3A_116, %swap3A_117], %broadcast_in_dim3A_115 {strides = array<i32>} : memref<1x128xf32, #tpu.memory_space<vmem>>, vector<1x128xf32>,
    } else {
    }
    %get3A_48 = arith.constant 0 : index
    %get3A_49 = arith.constant 0 : index
    %get3A_50 = vector.load %arg16[%get3A_48, %get3A_49] : memref<1x128xf32, #tpu.memory_space<vmem>>, vector<1x128xf32>
    %mul3A_51 = vector.broadcast %select_n3A : vector<512x1xf32> to vector<512x128xf32>
    %mul3A_52 = arith.mulf %mul3A_51, %max3A_34 : vector<512x128xf32>
    %reduce_sum3A = arith.constant dense<0.000000e+00> : vector<128xf32>
    %reduce_sum3A_53 = vector.multi_reduction <add>, %mul3A_52, %reduce_sum3A [0] : vector<512x128xf32> to vector<128xf32>
    %broadcast_in_dim3A_54 = vector.shape_cast %reduce_sum3A_53 : vector<128xf32> to vector<1x128xf32>
    %add3A_55 = arith.addf %get3A_50, %broadcast_in_dim3A_54 : vector<1x128xf32>
    %swap3A = arith.constant 0 : index
    %swap3A_56 = arith.constant 0 : index
    %swap3A_57 = vector.load %arg16[%swap3A, %swap3A_56] : memref<1x128xf32, #tpu.memory_space<vmem>>, vector<1x128xf32>
    tpu.vector_store %arg16[%swap3A, %swap3A_56], %add3A_55 {strides = array<i32>} : memref<1x128xf32, #tpu.memory_space<vmem>>, vector<1x128xf32>,
    %get3A_58 = arith.constant 0 : index
    %get3A_59 = arith.constant 0 : index
    %get3A_60 = vector.load %arg7[%get3A_58, %get3A_59] : memref<512x1xf32, #tpu.memory_space<vmem>>, vector<512x1xf32>
    %get3A_61 = arith.constant 0 : index
    %get3A_62 = arith.constant 0 : index
    %get3A_63 = arith.constant 0 : index
    %get3A_64 = vector.load %arg5[%get3A_61, %get3A_62, %get3A_63] : memref<2x512x16xf32, #tpu.memory_space<vmem>>, vector<1x512x16xf32>
    %get3A_65 = vector.shape_cast %get3A_64 : vector<1x512x16xf32> to vector<512x16xf32>
    %get3A_66 = arith.constant 1 : index
    %get3A_67 = arith.constant 0 : index
    %get3A_68 = arith.constant 0 : index
    %get3A_69 = vector.load %arg5[%get3A_66, %get3A_67, %get3A_68] : memref<2x512x16xf32, #tpu.memory_space<vmem>>, vector<1x512x16xf32>
    %get3A_70 = vector.shape_cast %get3A_69 : vector<1x512x16xf32> to vector<512x16xf32>
    %add3A_71 = arith.addf %get3A_65, %get3A_70 : vector<512x16xf32>
    %get3A_72 = arith.constant 0 : index
    %get3A_73 = arith.constant 0 : index
    %get3A_74 = vector.load %arg6[%get3A_72, %get3A_73] : memref<512x16xf32, #tpu.memory_space<vmem>>, vector<512x16xf32>
    %add3A_75 = arith.addf %add3A_71, %get3A_74 : vector<512x16xf32>
    %mul3A_76 = vector.broadcast %get3A_60 : vector<512x1xf32> to vector<512x16xf32>
    %mul3A_77 = arith.mulf %mul3A_76, %add3A_75 : vector<512x16xf32>
    %get3A_78 = arith.constant 0 : index
    %get3A_79 = arith.constant 0 : index
    %get3A_80 = vector.load %arg12[%get3A_78, %get3A_79] : memref<15x128xf32, #tpu.memory_space<vmem>>, vector<15x128xf32>
    %broadcast_in_dim3A_81 = arith.constant 0.000000e+00 : f32
    %broadcast_in_dim3A_82 = vector.broadcast %broadcast_in_dim3A_81 : f32 to vector<1x128xf32>
    %concatenate3A_83 = tpu.concatenate %get3A_80, %broadcast_in_dim3A_82 in 0 : vector<15x128xf32>, vector<1x128xf32> -> vector<16x128xf32>
    %dot_general3A_84 = arith.constant dense<0.000000e+00> : vector<512x128xf32>
    %dot_general3A_85 = tpu.matmul %mul3A_77, %concatenate3A_83, %dot_general3A_84 {dimension_numbers = #tpu.dot_dimension_numbers<[1], [0], [0], [1], [0, 0, 1, 1], [], []>, transpose_lhs_hint = false} : vector<512x16xf32>, vector<16x128xf32>, vector<512x128xf32> -> vector<512x128xf32>
    %get3A_86 = arith.constant 0 : index
    %get3A_87 = arith.constant 0 : index
    %get3A_88 = vector.load %arg13[%get3A_86, %get3A_87] : memref<1x128xf32, #tpu.memory_space<vmem>>, vector<1x128xf32>
    %add3A_89 = vector.broadcast %get3A_88 : vector<1x128xf32> to vector<512x128xf32>
    %add3A_90 = arith.addf %dot_general3A_85, %add3A_89 : vector<512x128xf32>
    %max3A_91 = arith.constant 0.000000e+00 : f32
    %max3A_92 = vector.broadcast %max3A_91 : f32 to vector<512x128xf32>
    %max3A_93 = arith.maximumf %add3A_90, %max3A_92 : vector<512x128xf32>
    %mul3A_94 = vector.broadcast %get3A_60 : vector<512x1xf32> to vector<512x128xf32>
    %mul3A_95 = arith.mulf %mul3A_94, %max3A_93 : vector<512x128xf32>
    %slice3A = vector.extract_strided_slice %mul3A_95 {offsets = [0, 0], sizes = [512, 64], strides = [1, 1]} : vector<512x128xf32> to vector<512x64xf32>
    %swap3A_96 = arith.constant 0 : index
    %swap3A_97 = arith.constant 0 : index
    %swap3A_98 = arith.constant 0 : index
    %swap3A_99 = vector.load %arg14[%swap3A_96, %swap3A_97, %swap3A_98] : memref<2x512x64xf32, #tpu.memory_space<vmem>>, vector<1x512x64xf32>
    %swap3A_100 = vector.shape_cast %swap3A_99 : vector<1x512x64xf32> to vector<512x64xf32>
    %swap3A_101 = vector.shape_cast %slice3A : vector<512x64xf32> to vector<1x512x64xf32>
    tpu.vector_store %arg14[%swap3A_96, %swap3A_97, %swap3A_98], %swap3A_101 {strides = array<i32>} : memref<2x512x64xf32, #tpu.memory_space<vmem>>, vector<1x512x64xf32>,
    %slice3A_102 = vector.extract_strided_slice %mul3A_95 {offsets = [0, 64], sizes = [512, 64], strides = [1, 1]} : vector<512x128xf32> to vector<512x64xf32>
    %swap3A_103 = arith.constant 1 : index
    %swap3A_104 = arith.constant 0 : index
    %swap3A_105 = arith.constant 0 : index
    %swap3A_106 = vector.load %arg14[%swap3A_103, %swap3A_104, %swap3A_105] : memref<2x512x64xf32, #tpu.memory_space<vmem>>, vector<1x512x64xf32>
    %swap3A_107 = vector.shape_cast %swap3A_106 : vector<1x512x64xf32> to vector<512x64xf32>
    %swap3A_108 = vector.shape_cast %slice3A_102 : vector<512x64xf32> to vector<1x512x64xf32>
    tpu.vector_store %arg14[%swap3A_103, %swap3A_104, %swap3A_105], %swap3A_108 {strides = array<i32>} : memref<2x512x64xf32, #tpu.memory_space<vmem>>, vector<1x512x64xf32>,
    %eq3A_109 = arith.constant 19 : i32
    %eq3A_110 = arith.cmpi eq, %arg0, %eq3A_109 : i32
    %convert_element_type3A_111 = arith.extui %eq3A_110 : i1 to i32
    %cond3A_112 = arith.constant 0 : i32
    %cond3A_113 = arith.cmpi ne, %convert_element_type3A_111, %cond3A_112 : i32
    scf.if %cond3A_113 {
      %get3A_114 = arith.constant 0 : index
      %get3A_115 = arith.constant 0 : index
      %get3A_116 = vector.load %arg16[%get3A_114, %get3A_115] : memref<1x128xf32, #tpu.memory_space<vmem>>, vector<1x128xf32>
      %div3A = arith.constant 1.000000e+04 : f32
      %div3A_117 = vector.broadcast %div3A : f32 to vector<1x128xf32>
      %div3A_118 = arith.divf %get3A_116, %div3A_117 : vector<1x128xf32>
      %get3A_119 = arith.constant 0 : index
      %get3A_120 = arith.constant 0 : index
      %get3A_121 = vector.load %arg10[%get3A_119, %get3A_120] : memref<128x128xf32, #tpu.memory_space<vmem>>, vector<128x128xf32>
      %dot_general3A_122 = arith.constant dense<0.000000e+00> : vector<1x128xf32>
      %dot_general3A_123 = tpu.matmul %div3A_118, %get3A_121, %dot_general3A_122 {dimension_numbers = #tpu.dot_dimension_numbers<[1], [0], [0], [1], [0, 0, 1, 1], [], []>, transpose_lhs_hint = false} : vector<1x128xf32>, vector<128x128xf32>, vector<1x128xf32> -> vector<1x128xf32>
      %get3A_124 = arith.constant 0 : index
      %get3A_125 = arith.constant 0 : index
      %get3A_126 = vector.load %arg11[%get3A_124, %get3A_125] : memref<1x128xf32, #tpu.memory_space<vmem>>, vector<1x128xf32>
      %add3A_127 = arith.addf %dot_general3A_123, %get3A_126 : vector<1x128xf32>
      %squeeze3A = vector.shape_cast %add3A_127 : vector<1x128xf32> to vector<128xf32>
      %swap3A_128 = arith.constant 0 : index
      %swap3A_129 = vector.load %arg15[%swap3A_128] : memref<128xf32, #tpu.memory_space<vmem>>, vector<128xf32>
      tpu.vector_store %arg15[%swap3A_128], %squeeze3A {strides = array<i32>} : memref<128xf32, #tpu.memory_space<vmem>>, vector<128xf32>,
    } else {
    }
    return
  }
  func.func @transform_0(%arg0: i32) -> (i32, i32, i32) {
    %c0_i32 = arith.constant 0 : i32
    %c0_i32_0 = arith.constant 0 : i32
    %c0_i32_1 = arith.constant 0 : i32
    return %c0_i32, %arg0, %c0_i32_0 : i32, i32, i32
  }
  func.func @transform_1(%arg0: i32) -> (i32, i32, i32) {
    %c0_i32 = arith.constant 0 : i32
    %c0_i32_0 = arith.constant 0 : i32
    %c0_i32_1 = arith.constant 0 : i32
    return %c0_i32, %arg0, %c0_i32_0 : i32, i32, i32
  }
  func.func @transform_2(%arg0: i32) -> (i32, i32) {
    %c0_i32 = arith.constant 0 : i32
    %c0_i32_0 = arith.constant 0 : i32
    return %arg0, %c0_i32 : i32, i32
  }
  func.func @transform_3(%arg0: i32) -> (i32, i32) {
    %c0_i32 = arith.constant 0 : i32
    %c0_i32_0 = arith.constant 0 : i32
    return %arg0, %c0_i32 : i32, i32
  }
  func.func @transform_4(%arg0: i32) -> (i32, i32, i32) {
    %c0_i32 = arith.constant 0 : i32
    %c0_i32_0 = arith.constant 0 : i32
    %c0_i32_1 = arith.constant 0 : i32
    return %c0_i32, %arg0, %c0_i32_0 : i32, i32, i32
  }
  func.func @transform_5(%arg0: i32) -> (i32, i32) {
    %c0_i32 = arith.constant 0 : i32
    %c0_i32_0 = arith.constant 0 : i32
    return %arg0, %c0_i32 : i32, i32
  }
  func.func @transform_6(%arg0: i32) -> (i32, i32) {
    %c0_i32 = arith.constant 0 : i32
    %c0_i32_0 = arith.constant 0 : i32
    return %arg0, %c0_i32 : i32, i32
  }
  func.func @transform_7(%arg0: i32) -> (i32, i32) {
    %c0_i32 = arith.constant 0 : i32
    %c0_i32_0 = arith.constant 0 : i32
    %c0_i32_1 = arith.constant 0 : i32
    return %c0_i32, %c0_i32_0 : i32, i32
  }
  func.func @transform_8(%arg0: i32) -> (i32, i32) {
    %c0_i32 = arith.constant 0 : i32
    %c0_i32_0 = arith.constant 0 : i32
    %c0_i32_1 = arith.constant 0 : i32
    return %c0_i32, %c0_i32_0 : i32, i32
  }
  func.func @transform_9(%arg0: i32) -> (i32, i32) {
    %c0_i32 = arith.constant 0 : i32
    %c0_i32_0 = arith.constant 0 : i32
    %c0_i32_1 = arith.constant 0 : i32
    return %c0_i32, %c0_i32_0 : i32, i32
  }
  func.func @transform_10(%arg0: i32) -> (i32, i32) {
    %c0_i32 = arith.constant 0 : i32
    %c0_i32_0 = arith.constant 0 : i32
    %c0_i32_1 = arith.constant 0 : i32
    return %c0_i32, %c0_i32_0 : i32, i32
  }
  func.func @transform_11(%arg0: i32) -> (i32, i32) {
    %c0_i32 = arith.constant 0 : i32
    %c0_i32_0 = arith.constant 0 : i32
    %c0_i32_1 = arith.constant 0 : i32
    return %c0_i32, %c0_i32_0 : i32, i32
  }
  func.func @transform_12(%arg0: i32) -> (i32, i32) {
    %c0_i32 = arith.constant 0 : i32
    %c0_i32_0 = arith.constant 0 : i32
    %c0_i32_1 = arith.constant 0 : i32
    return %c0_i32, %c0_i32_0 : i32, i32
  }
  func.func @transform_13(%arg0: i32) -> (i32, i32, i32) {
    %c0_i32 = arith.constant 0 : i32
    %c0_i32_0 = arith.constant 0 : i32
    %c0_i32_1 = arith.constant 0 : i32
    return %c0_i32, %arg0, %c0_i32_0 : i32, i32, i32
  }
  func.func @transform_14(%arg0: i32) -> i32 {
    %c0_i32 = arith.constant 0 : i32
    %c0_i32_0 = arith.constant 0 : i32
    return %c0_i32 : i32
  }
}

module attributes {stable_mosaic.version = 14 : i64} {
  func.func @_dec_body(%arg0: i32, %arg1: memref<2x1xi32, #tpu.memory_space<smem>>, %arg2: memref<512x15xf32, #tpu.memory_space<vmem>>, %arg3: memref<10000x15xf32, #tpu.memory_space<vmem>>, %arg4: memref<11x128xf32, #tpu.memory_space<vmem>>, %arg5: memref<1x128xf32, #tpu.memory_space<vmem>>, %arg6: memref<128x128xf32, #tpu.memory_space<vmem>>, %arg7: memref<1x128xf32, #tpu.memory_space<vmem>>, %arg8: memref<512x128xf32, #tpu.memory_space<vmem>>, %arg9: memref<139xf32, #tpu.memory_space<vmem>>, %arg10: memref<1x128xf32, #tpu.memory_space<vmem>>, %arg11: memref<1x11xf32, #tpu.memory_space<vmem>>) attributes {dimension_semantics = [#tpu.dimension_semantics<arbitrary>], iteration_bounds = array<i64: 20>, scalar_prefetch = 0 : i64, scratch_operands = 2 : i64, tpu.core_type = #tpu.core_type<tc>, window_params = [{transform_indices = @transform_0, window_bounds = array<i64: 2, 1>}, {transform_indices = @transform_1, window_bounds = array<i64: 512, 15>}, {pipeline_mode = #tpu.pipeline_mode<synchronous>, transform_indices = @transform_2, window_bounds = array<i64: 10000, 15>}, {pipeline_mode = #tpu.pipeline_mode<synchronous>, transform_indices = @transform_3, window_bounds = array<i64: 11, 128>}, {pipeline_mode = #tpu.pipeline_mode<synchronous>, transform_indices = @transform_4, window_bounds = array<i64: 1, 128>}, {pipeline_mode = #tpu.pipeline_mode<synchronous>, transform_indices = @transform_5, window_bounds = array<i64: 128, 128>}, {pipeline_mode = #tpu.pipeline_mode<synchronous>, transform_indices = @transform_6, window_bounds = array<i64: 1, 128>}, {transform_indices = @transform_7, window_bounds = array<i64: 512, 128>}, {pipeline_mode = #tpu.pipeline_mode<synchronous>, transform_indices = @transform_8, window_bounds = array<i64: 139>}]} {
    %iota3A = tpu.iota {dimensions = array<i32: 0>} : vector<512x1xi32>
    %mul3A = arith.constant 512 : i32
    %mul3A_0 = arith.muli %arg0, %mul3A : i32
    %add3A = vector.broadcast %mul3A_0 : i32 to vector<512x1xi32>
    %add3A_1 = arith.addi %iota3A, %add3A : vector<512x1xi32>
    %eq3A = arith.constant 0 : i32
    %eq3A_2 = arith.cmpi eq, %arg0, %eq3A : i32
    %convert_element_type3A = arith.extui %eq3A_2 : i1 to i32
    %cond3A = arith.constant 0 : i32
    %cond3A_3 = arith.cmpi ne, %convert_element_type3A, %cond3A : i32
    scf.if %cond3A_3 {
      %broadcast_in_dim3A_168 = arith.constant 0.000000e+00 : f32
      %broadcast_in_dim3A_169 = vector.broadcast %broadcast_in_dim3A_168 : f32 to vector<1x128xf32>
      %swap3A_170 = arith.constant 0 : index
      %swap3A_171 = arith.constant 0 : index
      %swap3A_172 = vector.load %arg10[%swap3A_170, %swap3A_171] : memref<1x128xf32, #tpu.memory_space<vmem>>, vector<1x128xf32>
      tpu.vector_store %arg10[%swap3A_170, %swap3A_171], %broadcast_in_dim3A_169 {strides = array<i32>} : memref<1x128xf32, #tpu.memory_space<vmem>>, vector<1x128xf32>,
      %broadcast_in_dim3A_173 = arith.constant 0.000000e+00 : f32
      %broadcast_in_dim3A_174 = vector.broadcast %broadcast_in_dim3A_173 : f32 to vector<1x11xf32>
      %swap3A_175 = arith.constant 0 : index
      %swap3A_176 = arith.constant 0 : index
      %swap3A_177 = vector.load %arg11[%swap3A_175, %swap3A_176] : memref<1x11xf32, #tpu.memory_space<vmem>>, vector<1x11xf32>
      tpu.vector_store %arg11[%swap3A_175, %swap3A_176], %broadcast_in_dim3A_174 {strides = array<i32>} : memref<1x11xf32, #tpu.memory_space<vmem>>, vector<1x11xf32>,
    } else {
    }
    %iota3A_4 = tpu.iota {dimensions = array<i32: 1>} : vector<1x11xi32>
    %eq3A_5 = arith.constant 10 : i32
    %eq3A_6 = vector.broadcast %eq3A_5 : i32 to vector<1x11xi32>
    %eq3A_7 = arith.cmpi eq, %iota3A_4, %eq3A_6 : vector<1x11xi32>
    %jit3A = arith.constant 1.000000e+00 : f32
    %jit3A_8 = arith.constant 0.000000e+00 : f32
    %broadcast_in_dim3A = vector.broadcast %jit3A : f32 to vector<1x11xf32>
    %broadcast_in_dim3A_9 = vector.broadcast %jit3A_8 : f32 to vector<1x11xf32>
    %select_n3A = arith.select %eq3A_7, %broadcast_in_dim3A, %broadcast_in_dim3A_9 : vector<1x11xi1>, vector<1x11xf32>
    %lt3A = arith.constant 10000 : i32
    %lt3A_10 = vector.broadcast %lt3A : i32 to vector<512x1xi32>
    %lt3A_11 = arith.cmpi slt, %add3A_1, %lt3A_10 : vector<512x1xi32>
    %get3A = arith.constant 0 : index
    %get3A_12 = arith.constant 0 : index
    %get3A_13 = vector.load %arg2[%get3A, %get3A_12] : memref<512x15xf32, #tpu.memory_space<vmem>>, vector<512x15xf32>
    %slice3A = vector.extract_strided_slice %get3A_13 {offsets = [0, 4], sizes = [512, 11], strides = [1, 1]} : vector<512x15xf32> to vector<512x11xf32>
    %jit3A_14 = arith.constant 0.000000e+00 : f32
    %broadcast_in_dim3A_15 = vector.shape_cast %lt3A_11 : vector<512x1xi1> to vector<512x1xi1>
    %broadcast_in_dim3A_16 = vector.broadcast %broadcast_in_dim3A_15 : vector<512x1xi1> to vector<512x11xi1>
    %broadcast_in_dim3A_17 = vector.broadcast %jit3A_14 : f32 to vector<512x11xf32>
    %select_n3A_18 = arith.select %broadcast_in_dim3A_16, %slice3A, %broadcast_in_dim3A_17 : vector<512x11xi1>, vector<512x11xf32>
    %eq3A_19 = arith.constant 10000 : i32
    %eq3A_20 = vector.broadcast %eq3A_19 : i32 to vector<512x1xi32>
    %eq3A_21 = arith.cmpi eq, %add3A_1, %eq3A_20 : vector<512x1xi32>
    %broadcast_in_dim3A_22 = vector.shape_cast %eq3A_21 : vector<512x1xi1> to vector<512x1xi1>
    %broadcast_in_dim3A_23 = vector.broadcast %broadcast_in_dim3A_22 : vector<512x1xi1> to vector<512x11xi1>
    %broadcast_in_dim3A_24 = vector.shape_cast %select_n3A : vector<1x11xf32> to vector<1x11xf32>
    %broadcast_in_dim3A_25 = vector.broadcast %broadcast_in_dim3A_24 : vector<1x11xf32> to vector<512x11xf32>
    %select_n3A_26 = arith.select %broadcast_in_dim3A_23, %broadcast_in_dim3A_25, %select_n3A_18 : vector<512x11xi1>, vector<512x11xf32>
    %get3A_27 = arith.constant 0 : index
    %get3A_28 = arith.constant 0 : index
    %get3A_29 = vector.load %arg11[%get3A_27, %get3A_28] : memref<1x11xf32, #tpu.memory_space<vmem>>, vector<1x11xf32>
    %lt3A_30 = arith.constant 10001 : i32
    %lt3A_31 = vector.broadcast %lt3A_30 : i32 to vector<512x1xi32>
    %lt3A_32 = arith.cmpi slt, %add3A_1, %lt3A_31 : vector<512x1xi32>
    %jit3A_33 = arith.constant 0.000000e+00 : f32
    %broadcast_in_dim3A_34 = vector.shape_cast %lt3A_32 : vector<512x1xi1> to vector<512x1xi1>
    %broadcast_in_dim3A_35 = vector.broadcast %broadcast_in_dim3A_34 : vector<512x1xi1> to vector<512x11xi1>
    %broadcast_in_dim3A_36 = vector.broadcast %jit3A_33 : f32 to vector<512x11xf32>
    %select_n3A_37 = arith.select %broadcast_in_dim3A_35, %select_n3A_26, %broadcast_in_dim3A_36 : vector<512x11xi1>, vector<512x11xf32>
    %reduce_sum3A = arith.constant dense<0.000000e+00> : vector<11xf32>
    %reduce_sum3A_38 = vector.multi_reduction <add>, %select_n3A_37, %reduce_sum3A [0] : vector<512x11xf32> to vector<11xf32>
    %broadcast_in_dim3A_39 = vector.shape_cast %reduce_sum3A_38 : vector<11xf32> to vector<1x11xf32>
    %add3A_40 = arith.addf %get3A_29, %broadcast_in_dim3A_39 : vector<1x11xf32>
    %swap3A = arith.constant 0 : index
    %swap3A_41 = arith.constant 0 : index
    %swap3A_42 = vector.load %arg11[%swap3A, %swap3A_41] : memref<1x11xf32, #tpu.memory_space<vmem>>, vector<1x11xf32>
    tpu.vector_store %arg11[%swap3A, %swap3A_41], %add3A_40 {strides = array<i32>} : memref<1x11xf32, #tpu.memory_space<vmem>>, vector<1x11xf32>,
    %get3A_43 = arith.constant 0 : index
    %get3A_44 = arith.constant 0 : index
    %get3A_45 = memref.load %arg1[%get3A_43, %get3A_44] : memref<2x1xi32, #tpu.memory_space<smem>>
    %get3A_46 = arith.constant 1 : index
    %get3A_47 = arith.constant 0 : index
    %get3A_48 = memref.load %arg1[%get3A_46, %get3A_47] : memref<2x1xi32, #tpu.memory_space<smem>>
    %eq3A_49 = arith.cmpi eq, %get3A_45, %get3A_48 : i32
    %get3A_50 = arith.index_cast %get3A_45 : i32 to index
    %get3A_51 = arith.constant 0 : index
    %get3A_52 = vector.load %arg3[%get3A_50, %get3A_51] : memref<10000x15xf32, #tpu.memory_space<vmem>>, vector<1x15xf32>
    %slice3A_53 = vector.extract_strided_slice %get3A_52 {offsets = [0, 4], sizes = [1, 11], strides = [1, 1]} : vector<1x15xf32> to vector<1x11xf32>
    %get3A_54 = arith.index_cast %get3A_48 : i32 to index
    %get3A_55 = arith.constant 0 : index
    %get3A_56 = vector.load %arg3[%get3A_54, %get3A_55] : memref<10000x15xf32, #tpu.memory_space<vmem>>, vector<1x15xf32>
    %slice3A_57 = vector.extract_strided_slice %get3A_56 {offsets = [0, 4], sizes = [1, 11], strides = [1, 1]} : vector<1x15xf32> to vector<1x11xf32>
    %mul3A_58 = arith.constant 0.707106769 : f32
    %mul3A_59 = vector.broadcast %mul3A_58 : f32 to vector<1x11xf32>
    %mul3A_60 = arith.mulf %mul3A_59, %slice3A_53 : vector<1x11xf32>
    %mul3A_61 = arith.constant 5.000000e-01 : f32
    %mul3A_62 = vector.broadcast %mul3A_61 : f32 to vector<1x11xf32>
    %mul3A_63 = arith.mulf %mul3A_62, %slice3A_57 : vector<1x11xf32>
    %add3A_64 = arith.addf %mul3A_60, %mul3A_63 : vector<1x11xf32>
    %select_n3A_65 = arith.select %eq3A_49, %slice3A_57, %add3A_64 : vector<1x11xf32>
    %get3A_66 = arith.constant 0 : index
    %get3A_67 = arith.constant 0 : index
    %get3A_68 = vector.load %arg4[%get3A_66, %get3A_67] : memref<11x128xf32, #tpu.memory_space<vmem>>, vector<11x128xf32>
    %dot_general3A = arith.constant dense<0.000000e+00> : vector<1x128xf32>
    %dot_general3A_69 = tpu.matmul %select_n3A_65, %get3A_68, %dot_general3A {dimension_numbers = #tpu.dot_dimension_numbers<[1], [0], [0], [1], [0, 0, 1, 1], [], []>, transpose_lhs_hint = false} : vector<1x11xf32>, vector<11x128xf32>, vector<1x128xf32> -> vector<1x128xf32>
    %get3A_70 = arith.constant 0 : index
    %get3A_71 = arith.constant 0 : index
    %get3A_72 = vector.load %arg5[%get3A_70, %get3A_71] : memref<1x128xf32, #tpu.memory_space<vmem>>, vector<1x128xf32>
    %add3A_73 = arith.addf %dot_general3A_69, %get3A_72 : vector<1x128xf32>
    %max3A = arith.constant 0.000000e+00 : f32
    %max3A_74 = vector.broadcast %max3A : f32 to vector<1x128xf32>
    %max3A_75 = arith.maximumf %add3A_73, %max3A_74 : vector<1x128xf32>
    %get3A_76 = arith.constant 0 : index
    %get3A_77 = arith.constant 0 : index
    %get3A_78 = vector.load %arg4[%get3A_76, %get3A_77] : memref<11x128xf32, #tpu.memory_space<vmem>>, vector<11x128xf32>
    %dot_general3A_79 = arith.constant dense<0.000000e+00> : vector<1x128xf32>
    %dot_general3A_80 = tpu.matmul %slice3A_53, %get3A_78, %dot_general3A_79 {dimension_numbers = #tpu.dot_dimension_numbers<[1], [0], [0], [1], [0, 0, 1, 1], [], []>, transpose_lhs_hint = false} : vector<1x11xf32>, vector<11x128xf32>, vector<1x128xf32> -> vector<1x128xf32>
    %get3A_81 = arith.constant 0 : index
    %get3A_82 = arith.constant 0 : index
    %get3A_83 = vector.load %arg5[%get3A_81, %get3A_82] : memref<1x128xf32, #tpu.memory_space<vmem>>, vector<1x128xf32>
    %add3A_84 = arith.addf %dot_general3A_80, %get3A_83 : vector<1x128xf32>
    %max3A_85 = arith.constant 0.000000e+00 : f32
    %max3A_86 = vector.broadcast %max3A_85 : f32 to vector<1x128xf32>
    %max3A_87 = arith.maximumf %add3A_84, %max3A_86 : vector<1x128xf32>
    %mul3A_88 = arith.constant 0.707106769 : f32
    %mul3A_89 = vector.broadcast %mul3A_88 : f32 to vector<1x128xf32>
    %mul3A_90 = arith.mulf %mul3A_89, %max3A_87 : vector<1x128xf32>
    %mul3A_91 = arith.constant 5.000000e-01 : f32
    %mul3A_92 = vector.broadcast %mul3A_91 : f32 to vector<1x128xf32>
    %mul3A_93 = arith.mulf %mul3A_92, %max3A_75 : vector<1x128xf32>
    %add3A_94 = arith.addf %mul3A_90, %mul3A_93 : vector<1x128xf32>
    %select_n3A_95 = arith.select %eq3A_49, %max3A_75, %add3A_94 : vector<1x128xf32>
    %get3A_96 = arith.constant 0 : index
    %get3A_97 = arith.constant 0 : index
    %get3A_98 = vector.load %arg6[%get3A_96, %get3A_97] : memref<128x128xf32, #tpu.memory_space<vmem>>, vector<128x128xf32>
    %dot_general3A_99 = arith.constant dense<0.000000e+00> : vector<1x128xf32>
    %dot_general3A_100 = tpu.matmul %select_n3A_95, %get3A_98, %dot_general3A_99 {dimension_numbers = #tpu.dot_dimension_numbers<[1], [0], [0], [1], [0, 0, 1, 1], [], []>, transpose_lhs_hint = false} : vector<1x128xf32>, vector<128x128xf32>, vector<1x128xf32> -> vector<1x128xf32>
    %get3A_101 = arith.constant 0 : index
    %get3A_102 = arith.constant 0 : index
    %get3A_103 = vector.load %arg7[%get3A_101, %get3A_102] : memref<1x128xf32, #tpu.memory_space<vmem>>, vector<1x128xf32>
    %add3A_104 = arith.addf %dot_general3A_100, %get3A_103 : vector<1x128xf32>
    %get3A_105 = arith.constant 0 : index
    %get3A_106 = arith.constant 0 : index
    %get3A_107 = vector.load %arg4[%get3A_105, %get3A_106] : memref<11x128xf32, #tpu.memory_space<vmem>>, vector<11x128xf32>
    %dot_general3A_108 = arith.constant dense<0.000000e+00> : vector<512x128xf32>
    %dot_general3A_109 = tpu.matmul %select_n3A_26, %get3A_107, %dot_general3A_108 {dimension_numbers = #tpu.dot_dimension_numbers<[1], [0], [0], [1], [0, 0, 1, 1], [], []>, transpose_lhs_hint = false} : vector<512x11xf32>, vector<11x128xf32>, vector<512x128xf32> -> vector<512x128xf32>
    %get3A_110 = arith.constant 0 : index
    %get3A_111 = arith.constant 0 : index
    %get3A_112 = vector.load %arg5[%get3A_110, %get3A_111] : memref<1x128xf32, #tpu.memory_space<vmem>>, vector<1x128xf32>
    %add3A_113 = vector.broadcast %get3A_112 : vector<1x128xf32> to vector<512x128xf32>
    %add3A_114 = arith.addf %dot_general3A_109, %add3A_113 : vector<512x128xf32>
    %max3A_115 = arith.constant 0.000000e+00 : f32
    %max3A_116 = vector.broadcast %max3A_115 : f32 to vector<512x128xf32>
    %max3A_117 = arith.maximumf %add3A_114, %max3A_116 : vector<512x128xf32>
    %eq3A_118 = vector.broadcast %get3A_48 : i32 to vector<512x1xi32>
    %eq3A_119 = arith.cmpi eq, %add3A_1, %eq3A_118 : vector<512x1xi32>
    %broadcast_in_dim3A_120 = vector.shape_cast %eq3A_119 : vector<512x1xi1> to vector<512x1xi1>
    %broadcast_in_dim3A_121 = vector.broadcast %broadcast_in_dim3A_120 : vector<512x1xi1> to vector<512x128xi1>
    %broadcast_in_dim3A_122 = vector.shape_cast %max3A_75 : vector<1x128xf32> to vector<1x128xf32>
    %broadcast_in_dim3A_123 = vector.broadcast %broadcast_in_dim3A_122 : vector<1x128xf32> to vector<512x128xf32>
    %select_n3A_124 = arith.select %broadcast_in_dim3A_121, %broadcast_in_dim3A_123, %max3A_117 : vector<512x128xi1>, vector<512x128xf32>
    %get3A_125 = arith.constant 0 : index
    %get3A_126 = arith.constant 0 : index
    %get3A_127 = vector.load %arg6[%get3A_125, %get3A_126] : memref<128x128xf32, #tpu.memory_space<vmem>>, vector<128x128xf32>
    %dot_general3A_128 = arith.constant dense<0.000000e+00> : vector<512x128xf32>
    %dot_general3A_129 = tpu.matmul %select_n3A_124, %get3A_127, %dot_general3A_128 {dimension_numbers = #tpu.dot_dimension_numbers<[1], [0], [0], [1], [0, 0, 1, 1], [], []>, transpose_lhs_hint = false} : vector<512x128xf32>, vector<128x128xf32>, vector<512x128xf32> -> vector<512x128xf32>
    %get3A_130 = arith.constant 0 : index
    %get3A_131 = arith.constant 0 : index
    %get3A_132 = vector.load %arg7[%get3A_130, %get3A_131] : memref<1x128xf32, #tpu.memory_space<vmem>>, vector<1x128xf32>
    %add3A_133 = vector.broadcast %get3A_132 : vector<1x128xf32> to vector<512x128xf32>
    %add3A_134 = arith.addf %dot_general3A_129, %add3A_133 : vector<512x128xf32>
    %eq3A_135 = vector.broadcast %get3A_48 : i32 to vector<512x1xi32>
    %eq3A_136 = arith.cmpi eq, %add3A_1, %eq3A_135 : vector<512x1xi32>
    %broadcast_in_dim3A_137 = vector.shape_cast %eq3A_136 : vector<512x1xi1> to vector<512x1xi1>
    %broadcast_in_dim3A_138 = vector.broadcast %broadcast_in_dim3A_137 : vector<512x1xi1> to vector<512x128xi1>
    %broadcast_in_dim3A_139 = vector.shape_cast %add3A_104 : vector<1x128xf32> to vector<1x128xf32>
    %broadcast_in_dim3A_140 = vector.broadcast %broadcast_in_dim3A_139 : vector<1x128xf32> to vector<512x128xf32>
    %select_n3A_141 = arith.select %broadcast_in_dim3A_138, %broadcast_in_dim3A_140, %add3A_134 : vector<512x128xi1>, vector<512x128xf32>
    %swap3A_142 = arith.constant 0 : index
    %swap3A_143 = arith.constant 0 : index
    %swap3A_144 = vector.load %arg8[%swap3A_142, %swap3A_143] : memref<512x128xf32, #tpu.memory_space<vmem>>, vector<512x128xf32>
    tpu.vector_store %arg8[%swap3A_142, %swap3A_143], %select_n3A_141 {strides = array<i32>} : memref<512x128xf32, #tpu.memory_space<vmem>>, vector<512x128xf32>,
    %get3A_145 = arith.constant 0 : index
    %get3A_146 = arith.constant 0 : index
    %get3A_147 = vector.load %arg10[%get3A_145, %get3A_146] : memref<1x128xf32, #tpu.memory_space<vmem>>, vector<1x128xf32>
    %lt3A_148 = arith.constant 10001 : i32
    %lt3A_149 = vector.broadcast %lt3A_148 : i32 to vector<512x1xi32>
    %lt3A_150 = arith.cmpi slt, %add3A_1, %lt3A_149 : vector<512x1xi32>
    %jit3A_151 = arith.constant 0.000000e+00 : f32
    %broadcast_in_dim3A_152 = vector.shape_cast %lt3A_150 : vector<512x1xi1> to vector<512x1xi1>
    %broadcast_in_dim3A_153 = vector.broadcast %broadcast_in_dim3A_152 : vector<512x1xi1> to vector<512x128xi1>
    %broadcast_in_dim3A_154 = vector.broadcast %jit3A_151 : f32 to vector<512x128xf32>
    %select_n3A_155 = arith.select %broadcast_in_dim3A_153, %select_n3A_141, %broadcast_in_dim3A_154 : vector<512x128xi1>, vector<512x128xf32>
    %reduce_sum3A_156 = arith.constant dense<0.000000e+00> : vector<128xf32>
    %reduce_sum3A_157 = vector.multi_reduction <add>, %select_n3A_155, %reduce_sum3A_156 [0] : vector<512x128xf32> to vector<128xf32>
    %broadcast_in_dim3A_158 = vector.shape_cast %reduce_sum3A_157 : vector<128xf32> to vector<1x128xf32>
    %add3A_159 = arith.addf %get3A_147, %broadcast_in_dim3A_158 : vector<1x128xf32>
    %swap3A_160 = arith.constant 0 : index
    %swap3A_161 = arith.constant 0 : index
    %swap3A_162 = vector.load %arg10[%swap3A_160, %swap3A_161] : memref<1x128xf32, #tpu.memory_space<vmem>>, vector<1x128xf32>
    tpu.vector_store %arg10[%swap3A_160, %swap3A_161], %add3A_159 {strides = array<i32>} : memref<1x128xf32, #tpu.memory_space<vmem>>, vector<1x128xf32>,
    %eq3A_163 = arith.constant 19 : i32
    %eq3A_164 = arith.cmpi eq, %arg0, %eq3A_163 : i32
    %convert_element_type3A_165 = arith.extui %eq3A_164 : i1 to i32
    %cond3A_166 = arith.constant 0 : i32
    %cond3A_167 = arith.cmpi ne, %convert_element_type3A_165, %cond3A_166 : i32
    scf.if %cond3A_167 {
      %get3A_168 = arith.constant 0 : index
      %get3A_169 = arith.constant 0 : index
      %get3A_170 = vector.load %arg10[%get3A_168, %get3A_169] : memref<1x128xf32, #tpu.memory_space<vmem>>, vector<1x128xf32>
      %div3A = arith.constant 1.000100e+04 : f32
      %div3A_171 = vector.broadcast %div3A : f32 to vector<1x128xf32>
      %div3A_172 = arith.divf %get3A_170, %div3A_171 : vector<1x128xf32>
      %get3A_173 = arith.constant 0 : index
      %get3A_174 = arith.constant 0 : index
      %get3A_175 = vector.load %arg11[%get3A_173, %get3A_174] : memref<1x11xf32, #tpu.memory_space<vmem>>, vector<1x11xf32>
      %div3A_176 = arith.constant 1.000100e+04 : f32
      %div3A_177 = vector.broadcast %div3A_176 : f32 to vector<1x11xf32>
      %div3A_178 = arith.divf %get3A_175, %div3A_177 : vector<1x11xf32>
      %concatenate3A = tpu.concatenate %div3A_172, %div3A_178 in 1 : vector<1x128xf32>, vector<1x11xf32> -> vector<1x139xf32>
      %squeeze3A = vector.shape_cast %concatenate3A : vector<1x139xf32> to vector<139xf32>
      %swap3A_179 = arith.constant 0 : index
      %swap3A_180 = vector.load %arg9[%swap3A_179] : memref<139xf32, #tpu.memory_space<vmem>>, vector<139xf32>
      tpu.vector_store %arg9[%swap3A_179], %squeeze3A {strides = array<i32>} : memref<139xf32, #tpu.memory_space<vmem>>, vector<139xf32>,
    } else {
    }
    return
  }
  func.func @transform_0(%arg0: i32) -> (i32, i32) {
    %c0_i32 = arith.constant 0 : i32
    %c0_i32_0 = arith.constant 0 : i32
    %c0_i32_1 = arith.constant 0 : i32
    return %c0_i32, %c0_i32_0 : i32, i32
  }
  func.func @transform_1(%arg0: i32) -> (i32, i32) {
    %c0_i32 = arith.constant 0 : i32
    %c0_i32_0 = arith.constant 0 : i32
    return %arg0, %c0_i32 : i32, i32
  }
  func.func @transform_2(%arg0: i32) -> (i32, i32) {
    %c0_i32 = arith.constant 0 : i32
    %c0_i32_0 = arith.constant 0 : i32
    %c0_i32_1 = arith.constant 0 : i32
    return %c0_i32, %c0_i32_0 : i32, i32
  }
  func.func @transform_3(%arg0: i32) -> (i32, i32) {
    %c0_i32 = arith.constant 0 : i32
    %c0_i32_0 = arith.constant 0 : i32
    %c0_i32_1 = arith.constant 0 : i32
    return %c0_i32, %c0_i32_0 : i32, i32
  }
  func.func @transform_4(%arg0: i32) -> (i32, i32) {
    %c0_i32 = arith.constant 0 : i32
    %c0_i32_0 = arith.constant 0 : i32
    %c0_i32_1 = arith.constant 0 : i32
    return %c0_i32, %c0_i32_0 : i32, i32
  }
  func.func @transform_5(%arg0: i32) -> (i32, i32) {
    %c0_i32 = arith.constant 0 : i32
    %c0_i32_0 = arith.constant 0 : i32
    %c0_i32_1 = arith.constant 0 : i32
    return %c0_i32, %c0_i32_0 : i32, i32
  }
  func.func @transform_6(%arg0: i32) -> (i32, i32) {
    %c0_i32 = arith.constant 0 : i32
    %c0_i32_0 = arith.constant 0 : i32
    %c0_i32_1 = arith.constant 0 : i32
    return %c0_i32, %c0_i32_0 : i32, i32
  }
  func.func @transform_7(%arg0: i32) -> (i32, i32) {
    %c0_i32 = arith.constant 0 : i32
    %c0_i32_0 = arith.constant 0 : i32
    return %arg0, %c0_i32 : i32, i32
  }
  func.func @transform_8(%arg0: i32) -> i32 {
    %c0_i32 = arith.constant 0 : i32
    %c0_i32_0 = arith.constant 0 : i32
    return %c0_i32 : i32
  }
}

module attributes {stable_mosaic.version = 14 : i64} {
  func.func @_lig_body(%arg0: i32, %arg1: memref<2x512x64xf32, #tpu.memory_space<vmem>>, %arg2: memref<2x512x64xf32, #tpu.memory_space<vmem>>, %arg3: memref<512x1xf32, #tpu.memory_space<vmem>>, %arg4: memref<512x15xf32, #tpu.memory_space<vmem>>, %arg5: memref<128x128xf32, #tpu.memory_space<vmem>>, %arg6: memref<1x128xf32, #tpu.memory_space<vmem>>, %arg7: memref<128x11xf32, #tpu.memory_space<vmem>>, %arg8: memref<1x11xf32, #tpu.memory_space<vmem>>, %arg9: memref<1x1xf32, #tpu.memory_space<vmem>>, %arg10: memref<139xf32, #tpu.memory_space<vmem>>, %arg11: memref<1x128xf32, #tpu.memory_space<vmem>>, %arg12: memref<1x11xf32, #tpu.memory_space<vmem>>) attributes {dimension_semantics = [#tpu.dimension_semantics<arbitrary>], iteration_bounds = array<i64: 20>, scalar_prefetch = 0 : i64, scratch_operands = 2 : i64, tpu.core_type = #tpu.core_type<tc>, window_params = [{transform_indices = @transform_0, window_bounds = array<i64: 2, 512, 64>}, {transform_indices = @transform_1, window_bounds = array<i64: 2, 512, 64>}, {transform_indices = @transform_2, window_bounds = array<i64: 512, 1>}, {transform_indices = @transform_3, window_bounds = array<i64: 512, 15>}, {pipeline_mode = #tpu.pipeline_mode<synchronous>, transform_indices = @transform_4, window_bounds = array<i64: 128, 128>}, {pipeline_mode = #tpu.pipeline_mode<synchronous>, transform_indices = @transform_5, window_bounds = array<i64: 1, 128>}, {pipeline_mode = #tpu.pipeline_mode<synchronous>, transform_indices = @transform_6, window_bounds = array<i64: 128, 11>}, {pipeline_mode = #tpu.pipeline_mode<synchronous>, transform_indices = @transform_7, window_bounds = array<i64: 1, 11>}, {pipeline_mode = #tpu.pipeline_mode<synchronous>, transform_indices = @transform_8, window_bounds = array<i64: 1, 1>}, {pipeline_mode = #tpu.pipeline_mode<synchronous>, transform_indices = @transform_9, window_bounds = array<i64: 139>}]} {
    %iota3A = tpu.iota {dimensions = array<i32: 0>} : vector<512x1xi32>
    %mul3A = arith.constant 512 : i32
    %mul3A_0 = arith.muli %arg0, %mul3A : i32
    %add3A = vector.broadcast %mul3A_0 : i32 to vector<512x1xi32>
    %add3A_1 = arith.addi %iota3A, %add3A : vector<512x1xi32>
    %eq3A = arith.constant 0 : i32
    %eq3A_2 = arith.cmpi eq, %arg0, %eq3A : i32
    %convert_element_type3A = arith.extui %eq3A_2 : i1 to i32
    %cond3A = arith.constant 0 : i32
    %cond3A_3 = arith.cmpi ne, %convert_element_type3A, %cond3A : i32
    scf.if %cond3A_3 {
      %broadcast_in_dim3A_126 = arith.constant 0.000000e+00 : f32
      %broadcast_in_dim3A_127 = vector.broadcast %broadcast_in_dim3A_126 : f32 to vector<1x1xf32>
      %swap3A_128 = arith.constant 0 : index
      %swap3A_129 = arith.constant 0 : index
      %swap3A_130 = vector.load %arg9[%swap3A_128, %swap3A_129] : memref<1x1xf32, #tpu.memory_space<vmem>>, vector<1x1xf32>
      tpu.vector_store %arg9[%swap3A_128, %swap3A_129], %broadcast_in_dim3A_127 {strides = array<i32>} : memref<1x1xf32, #tpu.memory_space<vmem>>, vector<1x1xf32>,
      %broadcast_in_dim3A_131 = arith.constant 0.000000e+00 : f32
      %broadcast_in_dim3A_132 = vector.broadcast %broadcast_in_dim3A_131 : f32 to vector<1x128xf32>
      %swap3A_133 = arith.constant 0 : index
      %swap3A_134 = arith.constant 0 : index
      %swap3A_135 = vector.load %arg11[%swap3A_133, %swap3A_134] : memref<1x128xf32, #tpu.memory_space<vmem>>, vector<1x128xf32>
      tpu.vector_store %arg11[%swap3A_133, %swap3A_134], %broadcast_in_dim3A_132 {strides = array<i32>} : memref<1x128xf32, #tpu.memory_space<vmem>>, vector<1x128xf32>,
      %broadcast_in_dim3A_136 = arith.constant 0.000000e+00 : f32
      %broadcast_in_dim3A_137 = vector.broadcast %broadcast_in_dim3A_136 : f32 to vector<1x11xf32>
      %swap3A_138 = arith.constant 0 : index
      %swap3A_139 = arith.constant 0 : index
      %swap3A_140 = vector.load %arg12[%swap3A_138, %swap3A_139] : memref<1x11xf32, #tpu.memory_space<vmem>>, vector<1x11xf32>
      tpu.vector_store %arg12[%swap3A_138, %swap3A_139], %broadcast_in_dim3A_137 {strides = array<i32>} : memref<1x11xf32, #tpu.memory_space<vmem>>, vector<1x11xf32>,
    } else {
    }
    %lt3A = arith.constant 10000 : i32
    %lt3A_4 = vector.broadcast %lt3A : i32 to vector<512x1xi32>
    %lt3A_5 = arith.cmpi slt, %add3A_1, %lt3A_4 : vector<512x1xi32>
    %get3A = arith.constant 0 : index
    %get3A_6 = arith.constant 0 : index
    %get3A_7 = vector.load %arg4[%get3A, %get3A_6] : memref<512x15xf32, #tpu.memory_space<vmem>>, vector<512x15xf32>
    %slice3A = vector.extract_strided_slice %get3A_7 {offsets = [0, 4], sizes = [512, 11], strides = [1, 1]} : vector<512x15xf32> to vector<512x11xf32>
    %jit3A = arith.constant 0.000000e+00 : f32
    %broadcast_in_dim3A = vector.shape_cast %lt3A_5 : vector<512x1xi1> to vector<512x1xi1>
    %broadcast_in_dim3A_8 = vector.broadcast %broadcast_in_dim3A : vector<512x1xi1> to vector<512x11xi1>
    %broadcast_in_dim3A_9 = vector.broadcast %jit3A : f32 to vector<512x11xf32>
    %select_n3A = arith.select %broadcast_in_dim3A_8, %slice3A, %broadcast_in_dim3A_9 : vector<512x11xi1>, vector<512x11xf32>
    %get3A_10 = arith.constant 0 : index
    %get3A_11 = arith.constant 0 : index
    %get3A_12 = vector.load %arg3[%get3A_10, %get3A_11] : memref<512x1xf32, #tpu.memory_space<vmem>>, vector<512x1xf32>
    %get3A_13 = arith.constant 0 : index
    %get3A_14 = arith.constant 0 : index
    %get3A_15 = arith.constant 0 : index
    %get3A_16 = vector.load %arg1[%get3A_13, %get3A_14, %get3A_15] : memref<2x512x64xf32, #tpu.memory_space<vmem>>, vector<1x512x64xf32>
    %get3A_17 = vector.shape_cast %get3A_16 : vector<1x512x64xf32> to vector<512x64xf32>
    %get3A_18 = arith.constant 0 : index
    %get3A_19 = arith.constant 0 : index
    %get3A_20 = arith.constant 0 : index
    %get3A_21 = vector.load %arg2[%get3A_18, %get3A_19, %get3A_20] : memref<2x512x64xf32, #tpu.memory_space<vmem>>, vector<1x512x64xf32>
    %get3A_22 = vector.shape_cast %get3A_21 : vector<1x512x64xf32> to vector<512x64xf32>
    %add3A_23 = arith.addf %get3A_17, %get3A_22 : vector<512x64xf32>
    %get3A_24 = arith.constant 1 : index
    %get3A_25 = arith.constant 0 : index
    %get3A_26 = arith.constant 0 : index
    %get3A_27 = vector.load %arg1[%get3A_24, %get3A_25, %get3A_26] : memref<2x512x64xf32, #tpu.memory_space<vmem>>, vector<1x512x64xf32>
    %get3A_28 = vector.shape_cast %get3A_27 : vector<1x512x64xf32> to vector<512x64xf32>
    %get3A_29 = arith.constant 1 : index
    %get3A_30 = arith.constant 0 : index
    %get3A_31 = arith.constant 0 : index
    %get3A_32 = vector.load %arg2[%get3A_29, %get3A_30, %get3A_31] : memref<2x512x64xf32, #tpu.memory_space<vmem>>, vector<1x512x64xf32>
    %get3A_33 = vector.shape_cast %get3A_32 : vector<1x512x64xf32> to vector<512x64xf32>
    %add3A_34 = arith.addf %get3A_28, %get3A_33 : vector<512x64xf32>
    %concatenate3A = tpu.concatenate %add3A_23, %add3A_34 in 1 : vector<512x64xf32>, vector<512x64xf32> -> vector<512x128xf32>
    %mul3A_35 = vector.broadcast %get3A_12 : vector<512x1xf32> to vector<512x128xf32>
    %mul3A_36 = arith.mulf %mul3A_35, %concatenate3A : vector<512x128xf32>
    %get3A_37 = arith.constant 0 : index
    %get3A_38 = arith.constant 0 : index
    %get3A_39 = vector.load %arg5[%get3A_37, %get3A_38] : memref<128x128xf32, #tpu.memory_space<vmem>>, vector<128x128xf32>
    %dot_general3A = arith.constant dense<0.000000e+00> : vector<512x128xf32>
    %dot_general3A_40 = tpu.matmul %mul3A_36, %get3A_39, %dot_general3A {dimension_numbers = #tpu.dot_dimension_numbers<[1], [0], [0], [1], [0, 0, 1, 1], [], []>, transpose_lhs_hint = false} : vector<512x128xf32>, vector<128x128xf32>, vector<512x128xf32> -> vector<512x128xf32>
    %get3A_41 = arith.constant 0 : index
    %get3A_42 = arith.constant 0 : index
    %get3A_43 = vector.load %arg6[%get3A_41, %get3A_42] : memref<1x128xf32, #tpu.memory_space<vmem>>, vector<1x128xf32>
    %add3A_44 = vector.broadcast %get3A_43 : vector<1x128xf32> to vector<512x128xf32>
    %add3A_45 = arith.addf %dot_general3A_40, %add3A_44 : vector<512x128xf32>
    %iota3A_46 = tpu.iota {dimensions = array<i32: 1>} : vector<1x11xi32>
    %eq3A_47 = arith.constant 10 : i32
    %eq3A_48 = vector.broadcast %eq3A_47 : i32 to vector<1x11xi32>
    %eq3A_49 = arith.cmpi eq, %iota3A_46, %eq3A_48 : vector<1x11xi32>
    %jit3A_50 = arith.constant -1.000000e+09 : f32
    %jit3A_51 = arith.constant 0.000000e+00 : f32
    %broadcast_in_dim3A_52 = vector.broadcast %jit3A_50 : f32 to vector<1x11xf32>
    %broadcast_in_dim3A_53 = vector.broadcast %jit3A_51 : f32 to vector<1x11xf32>
    %select_n3A_54 = arith.select %eq3A_49, %broadcast_in_dim3A_52, %broadcast_in_dim3A_53 : vector<1x11xi1>, vector<1x11xf32>
    %get3A_55 = arith.constant 0 : index
    %get3A_56 = arith.constant 0 : index
    %get3A_57 = vector.load %arg7[%get3A_55, %get3A_56] : memref<128x11xf32, #tpu.memory_space<vmem>>, vector<128x11xf32>
    %dot_general3A_58 = arith.constant dense<0.000000e+00> : vector<512x11xf32>
    %dot_general3A_59 = tpu.matmul %add3A_45, %get3A_57, %dot_general3A_58 {dimension_numbers = #tpu.dot_dimension_numbers<[1], [0], [0], [1], [0, 0, 1, 1], [], []>, transpose_lhs_hint = false} : vector<512x128xf32>, vector<128x11xf32>, vector<512x11xf32> -> vector<512x11xf32>
    %get3A_60 = arith.constant 0 : index
    %get3A_61 = arith.constant 0 : index
    %get3A_62 = vector.load %arg8[%get3A_60, %get3A_61] : memref<1x11xf32, #tpu.memory_space<vmem>>, vector<1x11xf32>
    %add3A_63 = vector.broadcast %get3A_62 : vector<1x11xf32> to vector<512x11xf32>
    %add3A_64 = arith.addf %dot_general3A_59, %add3A_63 : vector<512x11xf32>
    %add3A_65 = vector.broadcast %select_n3A_54 : vector<1x11xf32> to vector<512x11xf32>
    %add3A_66 = arith.addf %add3A_64, %add3A_65 : vector<512x11xf32>
    %reduce_max3A = arith.constant dense<0xFF800000> : vector<512xf32>
    %reduce_max3A_67 = vector.multi_reduction <maximumf>, %add3A_66, %reduce_max3A [1] : vector<512x11xf32> to vector<512xf32>
    %broadcast_in_dim3A_68 = vector.shape_cast %reduce_max3A_67 : vector<512xf32> to vector<512x1xf32>
    %sub3A = vector.broadcast %broadcast_in_dim3A_68 : vector<512x1xf32> to vector<512x11xf32>
    %sub3A_69 = arith.subf %add3A_66, %sub3A : vector<512x11xf32>
    %exp3A = math.exp %sub3A_69 : vector<512x11xf32>
    %mul3A_70 = arith.mulf %exp3A, %select_n3A : vector<512x11xf32>
    %reduce_sum3A = arith.constant dense<0.000000e+00> : vector<512xf32>
    %reduce_sum3A_71 = vector.multi_reduction <add>, %mul3A_70, %reduce_sum3A [1] : vector<512x11xf32> to vector<512xf32>
    %broadcast_in_dim3A_72 = vector.shape_cast %reduce_sum3A_71 : vector<512xf32> to vector<512x1xf32>
    %reduce_sum3A_73 = arith.constant dense<0.000000e+00> : vector<512xf32>
    %reduce_sum3A_74 = vector.multi_reduction <add>, %exp3A, %reduce_sum3A_73 [1] : vector<512x11xf32> to vector<512xf32>
    %broadcast_in_dim3A_75 = vector.shape_cast %reduce_sum3A_74 : vector<512xf32> to vector<512x1xf32>
    %lt3A_76 = arith.constant 10000 : i32
    %lt3A_77 = vector.broadcast %lt3A_76 : i32 to vector<512x1xi32>
    %lt3A_78 = arith.cmpi slt, %add3A_1, %lt3A_77 : vector<512x1xi32>
    %div3A = arith.divf %broadcast_in_dim3A_72, %broadcast_in_dim3A_75 : vector<512x1xf32>
    %jit3A_79 = arith.constant 1.000000e+00 : f32
    %broadcast_in_dim3A_80 = vector.broadcast %jit3A_79 : f32 to vector<512x1xf32>
    %select_n3A_81 = arith.select %lt3A_78, %div3A, %broadcast_in_dim3A_80 : vector<512x1xi1>, vector<512x1xf32>
    %get3A_82 = arith.constant 0 : index
    %get3A_83 = arith.constant 0 : index
    %get3A_84 = vector.load %arg9[%get3A_82, %get3A_83] : memref<1x1xf32, #tpu.memory_space<vmem>>, vector<1x1xf32>
    %log3A = math.log %select_n3A_81 : vector<512x1xf32>
    %reduce_sum3A_85 = arith.constant dense<0.000000e+00> : vector<1xf32>
    %reduce_sum3A_86 = vector.multi_reduction <add>, %log3A, %reduce_sum3A_85 [0] : vector<512x1xf32> to vector<1xf32>
    %broadcast_in_dim3A_87 = vector.shape_cast %reduce_sum3A_86 : vector<1xf32> to vector<1x1xf32>
    %add3A_88 = arith.addf %get3A_84, %broadcast_in_dim3A_87 : vector<1x1xf32>
    %swap3A = arith.constant 0 : index
    %swap3A_89 = arith.constant 0 : index
    %swap3A_90 = vector.load %arg9[%swap3A, %swap3A_89] : memref<1x1xf32, #tpu.memory_space<vmem>>, vector<1x1xf32>
    tpu.vector_store %arg9[%swap3A, %swap3A_89], %add3A_88 {strides = array<i32>} : memref<1x1xf32, #tpu.memory_space<vmem>>, vector<1x1xf32>,
    %get3A_91 = arith.constant 0 : index
    %get3A_92 = arith.constant 0 : index
    %get3A_93 = vector.load %arg11[%get3A_91, %get3A_92] : memref<1x128xf32, #tpu.memory_space<vmem>>, vector<1x128xf32>
    %jit3A_94 = arith.constant 0.000000e+00 : f32
    %broadcast_in_dim3A_95 = vector.shape_cast %lt3A_78 : vector<512x1xi1> to vector<512x1xi1>
    %broadcast_in_dim3A_96 = vector.broadcast %broadcast_in_dim3A_95 : vector<512x1xi1> to vector<512x128xi1>
    %broadcast_in_dim3A_97 = vector.broadcast %jit3A_94 : f32 to vector<512x128xf32>
    %select_n3A_98 = arith.select %broadcast_in_dim3A_96, %add3A_45, %broadcast_in_dim3A_97 : vector<512x128xi1>, vector<512x128xf32>
    %reduce_sum3A_99 = arith.constant dense<0.000000e+00> : vector<128xf32>
    %reduce_sum3A_100 = vector.multi_reduction <add>, %select_n3A_98, %reduce_sum3A_99 [0] : vector<512x128xf32> to vector<128xf32>
    %broadcast_in_dim3A_101 = vector.shape_cast %reduce_sum3A_100 : vector<128xf32> to vector<1x128xf32>
    %add3A_102 = arith.addf %get3A_93, %broadcast_in_dim3A_101 : vector<1x128xf32>
    %swap3A_103 = arith.constant 0 : index
    %swap3A_104 = arith.constant 0 : index
    %swap3A_105 = vector.load %arg11[%swap3A_103, %swap3A_104] : memref<1x128xf32, #tpu.memory_space<vmem>>, vector<1x128xf32>
    tpu.vector_store %arg11[%swap3A_103, %swap3A_104], %add3A_102 {strides = array<i32>} : memref<1x128xf32, #tpu.memory_space<vmem>>, vector<1x128xf32>,
    %get3A_106 = arith.constant 0 : index
    %get3A_107 = arith.constant 0 : index
    %get3A_108 = vector.load %arg12[%get3A_106, %get3A_107] : memref<1x11xf32, #tpu.memory_space<vmem>>, vector<1x11xf32>
    %jit3A_109 = arith.constant 0.000000e+00 : f32
    %broadcast_in_dim3A_110 = vector.shape_cast %lt3A_78 : vector<512x1xi1> to vector<512x1xi1>
    %broadcast_in_dim3A_111 = vector.broadcast %broadcast_in_dim3A_110 : vector<512x1xi1> to vector<512x11xi1>
    %broadcast_in_dim3A_112 = vector.broadcast %jit3A_109 : f32 to vector<512x11xf32>
    %select_n3A_113 = arith.select %broadcast_in_dim3A_111, %select_n3A, %broadcast_in_dim3A_112 : vector<512x11xi1>, vector<512x11xf32>
    %reduce_sum3A_114 = arith.constant dense<0.000000e+00> : vector<11xf32>
    %reduce_sum3A_115 = vector.multi_reduction <add>, %select_n3A_113, %reduce_sum3A_114 [0] : vector<512x11xf32> to vector<11xf32>
    %broadcast_in_dim3A_116 = vector.shape_cast %reduce_sum3A_115 : vector<11xf32> to vector<1x11xf32>
    %add3A_117 = arith.addf %get3A_108, %broadcast_in_dim3A_116 : vector<1x11xf32>
    %swap3A_118 = arith.constant 0 : index
    %swap3A_119 = arith.constant 0 : index
    %swap3A_120 = vector.load %arg12[%swap3A_118, %swap3A_119] : memref<1x11xf32, #tpu.memory_space<vmem>>, vector<1x11xf32>
    tpu.vector_store %arg12[%swap3A_118, %swap3A_119], %add3A_117 {strides = array<i32>} : memref<1x11xf32, #tpu.memory_space<vmem>>, vector<1x11xf32>,
    %eq3A_121 = arith.constant 19 : i32
    %eq3A_122 = arith.cmpi eq, %arg0, %eq3A_121 : i32
    %convert_element_type3A_123 = arith.extui %eq3A_122 : i1 to i32
    %cond3A_124 = arith.constant 0 : i32
    %cond3A_125 = arith.cmpi ne, %convert_element_type3A_123, %cond3A_124 : i32
    scf.if %cond3A_125 {
      %get3A_126 = arith.constant 0 : index
      %get3A_127 = arith.constant 0 : index
      %get3A_128 = vector.load %arg11[%get3A_126, %get3A_127] : memref<1x128xf32, #tpu.memory_space<vmem>>, vector<1x128xf32>
      %div3A_129 = arith.constant 1.000000e+04 : f32
      %div3A_130 = vector.broadcast %div3A_129 : f32 to vector<1x128xf32>
      %div3A_131 = arith.divf %get3A_128, %div3A_130 : vector<1x128xf32>
      %get3A_132 = arith.constant 0 : index
      %get3A_133 = arith.constant 0 : index
      %get3A_134 = vector.load %arg12[%get3A_132, %get3A_133] : memref<1x11xf32, #tpu.memory_space<vmem>>, vector<1x11xf32>
      %div3A_135 = arith.constant 1.000000e+04 : f32
      %div3A_136 = vector.broadcast %div3A_135 : f32 to vector<1x11xf32>
      %div3A_137 = arith.divf %get3A_134, %div3A_136 : vector<1x11xf32>
      %concatenate3A_138 = tpu.concatenate %div3A_131, %div3A_137 in 1 : vector<1x128xf32>, vector<1x11xf32> -> vector<1x139xf32>
      %squeeze3A = vector.shape_cast %concatenate3A_138 : vector<1x139xf32> to vector<139xf32>
      %swap3A_139 = arith.constant 0 : index
      %swap3A_140 = vector.load %arg10[%swap3A_139] : memref<139xf32, #tpu.memory_space<vmem>>, vector<139xf32>
      tpu.vector_store %arg10[%swap3A_139], %squeeze3A {strides = array<i32>} : memref<139xf32, #tpu.memory_space<vmem>>, vector<139xf32>,
    } else {
    }
    return
  }
  func.func @transform_0(%arg0: i32) -> (i32, i32, i32) {
    %c0_i32 = arith.constant 0 : i32
    %c0_i32_0 = arith.constant 0 : i32
    %c0_i32_1 = arith.constant 0 : i32
    return %c0_i32, %arg0, %c0_i32_0 : i32, i32, i32
  }
  func.func @transform_1(%arg0: i32) -> (i32, i32, i32) {
    %c0_i32 = arith.constant 0 : i32
    %c0_i32_0 = arith.constant 0 : i32
    %c0_i32_1 = arith.constant 0 : i32
    return %c0_i32, %arg0, %c0_i32_0 : i32, i32, i32
  }
  func.func @transform_2(%arg0: i32) -> (i32, i32) {
    %c0_i32 = arith.constant 0 : i32
    %c0_i32_0 = arith.constant 0 : i32
    return %arg0, %c0_i32 : i32, i32
  }
  func.func @transform_3(%arg0: i32) -> (i32, i32) {
    %c0_i32 = arith.constant 0 : i32
    %c0_i32_0 = arith.constant 0 : i32
    return %arg0, %c0_i32 : i32, i32
  }
  func.func @transform_4(%arg0: i32) -> (i32, i32) {
    %c0_i32 = arith.constant 0 : i32
    %c0_i32_0 = arith.constant 0 : i32
    %c0_i32_1 = arith.constant 0 : i32
    return %c0_i32, %c0_i32_0 : i32, i32
  }
  func.func @transform_5(%arg0: i32) -> (i32, i32) {
    %c0_i32 = arith.constant 0 : i32
    %c0_i32_0 = arith.constant 0 : i32
    %c0_i32_1 = arith.constant 0 : i32
    return %c0_i32, %c0_i32_0 : i32, i32
  }
  func.func @transform_6(%arg0: i32) -> (i32, i32) {
    %c0_i32 = arith.constant 0 : i32
    %c0_i32_0 = arith.constant 0 : i32
    %c0_i32_1 = arith.constant 0 : i32
    return %c0_i32, %c0_i32_0 : i32, i32
  }
  func.func @transform_7(%arg0: i32) -> (i32, i32) {
    %c0_i32 = arith.constant 0 : i32
    %c0_i32_0 = arith.constant 0 : i32
    %c0_i32_1 = arith.constant 0 : i32
    return %c0_i32, %c0_i32_0 : i32, i32
  }
  func.func @transform_8(%arg0: i32) -> (i32, i32) {
    %c0_i32 = arith.constant 0 : i32
    %c0_i32_0 = arith.constant 0 : i32
    %c0_i32_1 = arith.constant 0 : i32
    return %c0_i32, %c0_i32_0 : i32, i32
  }
  func.func @transform_9(%arg0: i32) -> i32 {
    %c0_i32 = arith.constant 0 : i32
    %c0_i32_0 = arith.constant 0 : i32
    return %c0_i32 : i32
  }
}

</mosaic_0001>

<sc_bundles>
// kernel: kernel.12.cloned.1.call-start
scs
__scs_entry_jumppad:
0x0: {  	(pc) =	sbr.rel $0x88, $3  }
0x1: {  	(tag) =	ssettag $0x0;
	lr =	simm.s32 $0x1  }
0x2: {  	[smem:$0x3F8E] =	sst lr;
	_ =	strace $0xD0000000  }
0x3: {  	_ = 	snop  }
0x4: {  	_ = 	snop  }
0x5: {  	_ = 	snop  }
0x6: {  	_ = 	snop  }
0x7: {  	_ = 	snop  }
__scs_overlays_trampoline_lowered:
0x8: {  	[smem:$0x3F9D] =	sst s0  }
0x9: {  	[smem:$0x3F9E] =	sst s1  }
0xa: {  	[smem:$0x3F9F] =	sst s2  }
0xb: {  	[smem:$0x3FA0] =	sst s3  }
0xc: {  	[smem:$0x3FA1] =	sst s4  }
0xd: {  	[smem:$0x3FA2] =	sst s5  }
0xe: {  	[smem:$0x3FA3] =	sst s6  }
0xf: {  	[smem:$0x3FA4] =	sst s7  }
0x10: {  	[smem:$0x3FA5] =	sst s8  }
0x11: {  	[smem:$0x3FA6] =	sst s9;
	s0 =	simm.s32 @!p0 $0x0  }
0x12: {  	s1 =	sld [smem:$0x3F8C];
	s0 =	simm.s32 @p0 $0x1  }
0x13: {  	[smem:$0x3FA7] =	sst s0;
	s0 =	simm.s32 @!p1 $0x0  }
0x14: {  	s2 =	sld [smem:$0x3F8B];
	s0 =	simm.s32 @p1 $0x1  }
0x15: {  	[smem:$0x3FA8] =	sst s0;
	s0 =	simm.s32 @!p2 $0x0  }
0x16: {  	s3 =	sld [smem:$0x3FDB];
	s0 =	simm.s32 @p2 $0x1  }
0x17: {  	s4 =	simm.s32 $0x1BF5;
	[smem:$0x3FAA] =	sst s0  }
0x18: {  	s0 =	sld [smem:$0x3F8D];
	_ =	swait.ge [sflag:s4], $0x0  }
0x19: {  	s7 =	sld [smem:$0x3F8E]  }
0x1a: {  	s8 =	sadd.s32 $0xFFFFE003, lr  }
0x1b: {  	s9 =	sadd.s32 $0xFFFFFEF7, lr;
	s5 =	simm.s32 $0xFFFFFFFF;
	p2 =	slt.u32 s8, $0xFFFFF086  }
0x1c: {  	p1 =	slt.u32 s9, $0xF7A;
	s5 =	simm.s32 @!p2 $0x0  }
0x1d: {  	s5 =	simm.s32 @p1 $0x1;
	p0 =	seq.s32 s7, s2  }
0x1e: {  	s7 =	smul.u32 @!p0 $0xF7A, s2;
	p2 =	seq.s32 @!p0 s5, $0x0  }
0x1f: {  	s9 =	smul.u32 $0xF7A, s1;
	s8 =	simm.s32 @!p0 $0x1BF5;
	p2 =	por !p2, p0  }
0x20: {  	[sflag:s8] =	ssyncset.s32 @!p0 $0xFFFFF086;
	s6 =	sadd.s32 @!p0 s3, s7;
	s7 =	simm.s32 @!p0 $0x108  }
0x21: {  	s3 =	sadd.s32 s3, s9;
	s6 =	sadd.s32 @!p0 $0x88, s6;
	s7 =	simm.s32 @p2 $0x1082  }
0x22: {  	[simem:s7], [sflag:s8] =	dma.local @!p0 [hbm:s6], $0xF7A  }
0x23: {  	s9 =	sor.u32 $0xD0000000, s2;
	s6 =	simm.s32 $0x108;
	_ =	swait.ge @!p0 [sflag:s8], $0x0  }
0x24: {  	s3 =	sadd.s32 $0x88, s3;
	s6 =	simm.s32 @!p1 $0x1082;
	[sflag:s4] =	ssyncset.s32 $0xFFFFF086  }
0x25: {  	[simem:s6], [sflag:s4] =	dma.local [hbm:s3], $0xF7A  }
0x26: {  	[smem:$0x3F8E] =	sst s1;
	(tag) =	ssettag s2;
	_ =	strace s9  }
0x27: {  	s1 =	sld [smem:$0x3F9E]  }
0x28: {  	s2 =	sld [smem:$0x3F9F]  }
0x29: {  	s4 =	sld [smem:$0x3FA1]  }
0x2a: {  	p0 =	seq.s32 s5, $0x0;
	s5 =	sld [smem:$0x3FA2]  }
0x2b: {  	s6 =	sld [smem:$0x3FA3]  }
0x2c: {  	s7 =	sld [smem:$0x3FA4]  }
0x2d: {  	s3 =	simm.s32 $0x108;
	s8 =	sld [smem:$0x3FA5]  }
0x2e: {  	s3 =	simm.s32 @!p0 $0x1082;
	s9 =	sld [smem:$0x3FA6]  }
0x2f: {  	lr =	sadd.s32 s0, s3;
	s0 =	sld [smem:$0x3F9D]  }
0x30: {  	s3 =	sld [smem:$0x3FA0]  }
0x31: {  	[smem:$0x3FA9] =	sst s10  }
0x32: {  	s10 =	sld [smem:$0x3FA7];
	_ =	sdelay $0x3  }
0x33: {  	p0 =	seq.s32 s10, $0x1;
	s10 =	sld [smem:$0x3FA9];
	_ =	sdelay $0x3  }
0x34: {  	[smem:$0x3FA9] =	sst s10  }
0x35: {  	s10 =	sld [smem:$0x3FA8];
	_ =	sdelay $0x3  }
0x36: {  	p1 =	seq.s32 s10, $0x1;
	s10 =	sld [smem:$0x3FA9];
	_ =	sdelay $0x3  }
0x37: {  	[smem:$0x3FA9] =	sst s10  }
0x38: {  	s10 =	sld [smem:$0x3FAA]  }
0x39: {  	_ = 	snop;
	(pc) =	sbr.ind lr, $3  }
0x3a: {  	_ = 	snop  }
0x3b: {  	_ = 	snop  }
0x3c: {  	p2 =	seq.s32 s10, $0x1;
	s10 =	sld [smem:$0x3FA9]  }
0x3d: {  	_ =	shalt  }
0x3e: {  	_ =	shalt  }
0x3f: {  	_ =	shalt  }
0x40: {  	_ =	shalt  }
0x41: {  	_ =	shalt  }
0x42: {  	_ =	shalt  }
0x43: {  	_ =	shalt  }
0x44: {  	_ =	shalt  }
0x45: {  	_ =	shalt  }
0x46: {  	_ =	shalt  }
0x47: {  	_ =	shalt  }
0x48: {  	_ =	shalt  }
0x49: {  	_ =	shalt  }
0x4a: {  	_ =	shalt  }
0x4b: {  	_ =	shalt  }
0x4c: {  	_ =	shalt  }
0x4d: {  	_ =	shalt  }
0x4e: {  	_ =	shalt  }
0x4f: {  	_ =	shalt  }
0x50: {  	_ =	shalt  }
0x51: {  	_ =	shalt  }
0x52: {  	_ =	shalt  }
0x53: {  	_ =	shalt  }
0x54: {  	_ =	shalt  }
0x55: {  	_ =	shalt  }
0x56: {  	_ =	shalt  }
0x57: {  	_ =	shalt  }
0x58: {  	_ =	shalt  }
0x59: {  	_ =	shalt  }
0x5a: {  	_ =	shalt  }
0x5b: {  	_ =	shalt  }
0x5c: {  	_ =	shalt  }
0x5d: {  	_ =	shalt  }
0x5e: {  	_ =	shalt  }
0x5f: {  	_ =	shalt  }
0x60: {  	_ =	shalt  }
0x61: {  	_ =	shalt  }
0x62: {  	_ =	shalt  }
0x63: {  	_ =	shalt  }
0x64: {  	_ =	shalt  }
0x65: {  	_ =	shalt  }
0x66: {  	_ =	shalt  }
0x67: {  	_ =	shalt  }
0x68: {  	_ =	shalt  }
0x69: {  	_ =	shalt  }
0x6a: {  	_ =	shalt  }
0x6b: {  	_ =	shalt  }
0x6c: {  	_ =	shalt  }
0x6d: {  	_ =	shalt  }
0x6e: {  	_ =	shalt  }
0x6f: {  	_ =	shalt  }
0x70: {  	_ =	shalt  }
0x71: {  	_ =	shalt  }
0x72: {  	_ =	shalt  }
0x73: {  	_ =	shalt  }
0x74: {  	_ =	shalt  }
0x75: {  	_ =	shalt  }
0x76: {  	_ =	shalt  }
0x77: {  	_ =	shalt  }
0x78: {  	_ =	shalt  }
0x79: {  	_ =	shalt  }
0x7a: {  	_ =	shalt  }
0x7b: {  	_ =	shalt  }
0x7c: {  	_ =	shalt  }
0x7d: {  	_ =	shalt  }
0x7e: {  	_ =	shalt  }
0x7f: {  	_ =	shalt  }
0x80: {  	_ =	shalt  }
0x81: {  	_ =	shalt  }
0x82: {  	_ =	shalt  }
0x83: {  	_ =	shalt  }
0x84: {  	_ =	shalt  }
0x85: {  	_ =	shalt  }
0x86: {  	_ =	shalt  }
0x87: {  	_ =	shalt  }
.Lfunc_end0:
.L_simem_size_0:
called_computation.1_lowered:
.L_overlay_start_0:
0x88: {  	s2 =	sld [smem:$0x3FD9]  }
0x89: {  	s3 =	sld [smem:$0x3FFE];
	_ =	sdelay $0x1  }
0x8a: {  	s1 =	srdreg.scid  }
0x8b: {  	s0 =	sand.u32 $0x1, s1  }
0x8c: {  	s14 =	sshll.u32 s0, $0xA;
	s2 =	sadd.s32 s3, s2  }
0x8d: {  	s2 =	sadd.s32 s2, s14  }
0x8e: {  	[smem:$0x3FB5] =	sst s2  }
0x8f: {  	_ = 	snop  }
0x90: {  	s2 =	sld [smem:$0x3FD0];
	_ =	sdelay $0x2  }
0x91: {  	s15 =	simm.s32 $0xA;
	s4 =	simm.s32 $0x10  }
0x92: {  	[smem:s4], [sflag:s15] =	dma.local [hbm:s2], $0x1  }
0x93: {  	_ =	swait.eq [sflag:s15], $0x1  }
0x94: {  	[sflag:s15] =	ssyncset.done $0x0  }
0x95: {  	[sflag:s15] =	ssyncadd.s32 $0xFFFFFFFF  }
0x96: {  	s16 =	sld [smem:$0x12];
	(tm) =	ssettm $0x1  }
0x97: {  	s17 =	sld [smem:$0x3FFB];
	_ =	sdelay $0x3  }
0x98: {  	_ =	strace s17  }
0x99: {  	s3 =	sld [smem:$0x3FFC];
	_ =	sdelay $0x3  }
0x9a: {  	_ =	strace s3  }
0x9b: {  	s3 =	sld [smem:$0x3FFD];
	_ =	sdelay $0x3  }
0x9c: {  	_ =	strace s3  }
0x9d: {  	_ =	strace $0x8FFFFFFF  }
0x9e: {  	s18 =	sld [smem:$0x3FDB];
	_ =	sdelay $0x1  }
0x9f: {  	s19 =	simm.s32 $_scs_section_size  }
0xa0: {  	s5 =	simm.s32 $_size__tile_overlayer_lowered;
	s6 =	simm.s32 $_tile_overlayer_lowered  }
0xa1: {  	s22 =	simm.s32 $0x1BFF;
	s21 =	sshll.u32 s6, $0x1;
	s3 =	sadd.s32 s19, s18  }
0xa2: {  	s7 =	simm.s32 $0x0;
	s20 =	sshll.u32 s5, $0x1;
	s5 =	sadd.s32 s21, s3  }
0xa3: {  	[timem:s7], [sflag:s22] =	dma.local [hbm:s5], s20  }
0xa4: {  	_ =	swait.ge [sflag:s22], s20  }
0xa5: {  	s4 =	ssub.s32 $0x0, s20;
	[sflag:s22] =	ssyncset.done $0x0  }
0xa6: {  	[sflag:s22] =	ssyncadd.s32 s4;
	_ =	sdelay $0x1  }
0xa7: {  	s23 =	simm.s32 $0x1B8B  }
0xa8: {  	_ =	swait.ge [sflag:s23], $0x1  }
0xa9: {  	[sflag:s23] =	ssyncset.done $0x0  }
0xaa: {  	s25 =	simm.s32 $0x1B8E;
	s24 =	sld [smem:$0x3FFE];
	[sflag:s23] =	ssyncadd.s32 $0xFFFFFFFF  }
0xab: {  	s26 =	simm.s32 $execute0_lowered;
	[smem:$0x3FD2] =	sst s25  }
0xac: {  	s5 =	sshll.u32 s26, $0x1;
	_ =	strace $0x80000049;
	[dreg:$0x1] =	wrdreg $0xFFFFFFFF  }
0xad: {  	s28 =	simm.s32 $_size_execute0_lowered;
	s3 =	sadd.s32 s3, s5;
	[dreg:$0x0] =	wrdreg $0x0  }
0xae: {  	s5 =	sshll.u32 s28, $0x1;
	[dreg:$0x2] =	wrdreg s3  }
0xaf: {  	[dreg:$0x3] =	wrdreg s5  }
0xb0: {  	[dreg:$0x4] =	wrdreg $0xC0  }
0xb1: {  	_ =	task [dreg:s7], $0x5FFFF  }
0xb2: {  	[dreg:$0x1] =	wrdreg $0xFFFFFFFF  }
0xb3: {  	[dreg:$0x0] =	wrdreg $0x60  }
0xb4: {  	[dreg:$0x2] =	wrdreg s24  }
0xb5: {  	[dreg:$0x3] =	wrdreg s16  }
0xb6: {  	[dreg:$0x4] =	wrdreg $0x121200  }
0xb7: {  	[dreg:$0x5] =	wrdreg $0x1C3A00  }
0xb8: {  	[dreg:$0x6] =	wrdreg $0x1C1200  }
0xb9: {  	[dreg:$0x7] =	wrdreg $0x9  }
0xba: {  	_ =	task.clear_ibuf [dreg:s7], $0x8FFFF;
	_ =	strace $0x90000049  }
0xbb: {  	s29 =	simm.s32 $0x9;
	_ =	strace $0x8000004B  }
0xbc: {  	_ =	swait.ge [sflag:s29], $0x1  }
0xbd: {  	[sflag:s29] =	ssyncadd.s32 $0xFFFFFFFF  }
0xbe: {  	_ =	strace $0x9000004B  }
0xbf: {  	_ =	sfence  }
0xc0: {  	s30 =	sld [smem:$0x0];
	_ =	sdelay $0x2  }
0xc1: {  	s31 =	sshll.u32 s1, $0xD;
	s1 =	sshrl.u32 s1, $0x2  }
0xc2: {  	s3 =	sand.u32 $0x4000, s31;
	s1 =	sadd.s32 s1, s30  }
0xc3: {  	s0 =	sor.u32 s3, s0;
	s1 =	sshll.u32 s1, $0x11  }
0xc4: {  	s0 =	sor.u32 s1, s0  }
0xc5: {  	s0 =	sadd.s32 $0x8F2B, s0  }
0xc6: {  	[sflag:s0] =	ssyncadd.remote.s32 $0x1  }
0xc7: {  	_ =	sfence.sel $0xFFFF  }
0xc8: {  	[dreg:$0x0] =	wrdreg $0xFFFFFFFF;
	(pc) =	sbr.abs _section_cstart, $3  }
0xc9: {  	[dreg:$0x1] =	wrdreg $0xFFFFFFFF  }
0xca: {  	_ =	task.clear_ibuf [dreg:s7], $0x2FFFF;
	_ =	strace $0x9FFFFFFF  }
0xcb: {  	(tm) =	ssettm $0x7FFFFFFF  }
tec
execute0_lowered:
.L_overlay_start_1:
0x0: {  	(tag) =	ssettag $0x1  }
0x1: {  	s14 =	stileid.u32  }
0x2: {  	s5 =	rddreg [dreg:$0x0];
	s10 =	smul.u32 $0x5140, s14  }
0x3: {  	s8 =	rddreg [dreg:$0x1];
	s12 =	smul.u32 $0xA000, s14  }
0x4: {  	s0 =	srdreg.scid;
	s2 =	smul.u32 $0x280, s14  }
0x5: {  	s1 =	rddreg [dreg:$0x2];
	s9 =	sand.u32 $0x1, s0;
	s14 =	smul.u32 $0x2800, s14  }
0x6: {  	s3 =	rddreg [dreg:$0x3];
	s7 =	smul.u32 $0xA0000, s9  }
0x7: {  	s4 =	rddreg [dreg:$0x4];
	s23 =	simm.s32 $0x0;
	s11 =	smul.u32 $0x28A0, s9  }
0x8: {  	[smem:$0x7FF] =	sst s23;
	s6 =	sadd.s32 $0x46E00, s5;
	s13 =	smul.u32 $0x2800, s9  }
0x9: {  	_ =	strace $0x8000004A;
	s16 =	smul.u32 $0x28000, s9;
	s17 =	ssub.s32 $0x2, s9  }
0xa: {  	p0 =	sne.s32 s9, $0x0;
	p1 =	seq.s32 s9, $0x0;
	s21 =	sshrl.u32 s17, $0x1  }
0xb: {  	s24 =	sadd.s32 s12, s1;
	s18 =	sadd.s32 $0xA0, s2;
	s19 =	sadd.s32 $0xF0, s2  }
0xc: {  	s20 =	sshrl.u32 s7, $0x3;
	s11 =	sadd.s32 s11, s10;
	s15 =	sadd.s32 s12, s7  }
0xd: {  	s7 =	sadd.s32 $0x41E00, s5;
	s13 =	sadd.s32 s2, s13;
	s16 =	sadd.s32 s14, s16  }
0xe: {  	s12 =	sor.u32 $0x50, s2;
	s25 =	sshll.u32 s18, $0x6;
	s10 =	sshrl.u32 s10, $0x3  }
0xf: {  	[dreg:$0x6] =	wrdreg s24;
	s0 =	sadd.s32 s20, s5;
	s11 =	sshrl.u32 s11, $0x3  }
0x10: {  	s15 =	sshrl.u32 s15, $0x3;
	s13 =	sshrl.u32 s13, $0x3;
	s16 =	sshrl.u32 s16, $0x3  }
0x11: {  	s22 =	sshll.u32 s12, $0x6;
	s20 =	sshll.u32 s19, $0x6;
	s11 =	sadd.s32 s11, s5  }
0x12: {  	s15 =	sadd.s32 s15, s5;
	s13 =	sadd.s32 s13, s5;
	s5 =	sadd.s32 s16, s5  }
0x13: {  	s16 =	ssub.s32 s17, s21;
	s17 =	sadd.s32 s22, s1;
	s26 =	sadd.s32 s20, s1  }
0x14: {  	s22 =	sadd.s32 s8, s10;
	s8 =	sadd.s32 $0x140, s2;
	[dreg:$0x7] =	wrdreg s17  }
0x15: {  	s10 =	sadd.s32 $0x190, s2;
	s17 =	sadd.s32 s25, s1;
	[dreg:$0x9] =	wrdreg s26  }
0x16: {  	s20 =	sshll.u32 s8, $0x6;
	s21 =	sshll.u32 s10, $0x6;
	[dreg:$0xa] =	wrdreg s22  }
0x17: {  	[dreg:$0x8] =	wrdreg s17;
	s9 =	sadd.s32 s20, s1;
	s17 =	sadd.s32 $0x1E0, s2  }
0x18: {  	[dreg:$0xb] =	wrdreg s9;
	s9 =	sadd.s32 s21, s1;
	s25 =	sshll.u32 s17, $0x6  }
0x19: {  	s21 =	sshll.u32 s12, $0x4;
	s12 =	sadd.s32 s12, s4;
	[dreg:$0xc] =	wrdreg s9  }
0x1a: {  	s9 =	sadd.s32 s25, s1;
	[dreg:$0x18] =	wrdreg s12  }
0x1b: {  	s20 =	sadd.s32 $0x230, s2;
	s25 =	sadd.s32 s14, s3;
	[dreg:$0xd] =	wrdreg s9  }
0x1c: {  	s14 =	sshll.u32 s18, $0x4;
	s18 =	sadd.s32 s18, s4;
	[dreg:$0xf] =	wrdreg s25  }
0x1d: {  	s26 =	sshll.u32 s20, $0x6;
	s12 =	sadd.s32 $0xFA80, s11;
	[dreg:$0x19] =	wrdreg s18  }
0x1e: {  	s9 =	sadd.s32 s26, s1;
	[smem:$0x7F6] =	sst s12  }
0x1f: {  	s26 =	sadd.s32 s21, s3;
	[dreg:$0xe] =	wrdreg s9  }
0x20: {  	s18 =	sadd.s32 $0x51400, s13;
	[dreg:$0x10] =	wrdreg s26  }
0x21: {  	s21 =	sshll.u32 s19, $0x4;
	s9 =	sadd.s32 s14, s3;
	[smem:$0x7F8] =	sst s18  }
0x22: {  	s25 =	sshll.u32 s8, $0x4;
	s26 =	sadd.s32 s21, s3;
	[dreg:$0x11] =	wrdreg s9  }
0x23: {  	s14 =	sadd.s32 s25, s3;
	s21 =	sshll.u32 s10, $0x4;
	[dreg:$0x12] =	wrdreg s26  }
0x24: {  	s25 =	sshll.u32 s17, $0x4;
	[dreg:$0x13] =	wrdreg s14;
	s9 =	sadd.s32 s21, s3  }
0x25: {  	s25 =	sadd.s32 s25, s3;
	[dreg:$0x14] =	wrdreg s9  }
0x26: {  	s29 =	simm.s32 $0x64;
	s21 =	sadd.s32 s19, s4;
	[dreg:$0x15] =	wrdreg s25  }
0x27: {  	s31 =	simm.s32 $0xED80;
	s19 =	sadd.s32 $0x47400, s5;
	[dreg:$0x1a] =	wrdreg s21  }
0x28: {  	s26 =	sshll.u32 s20, $0x4;
	s14 =	sadd.s32 s2, s4;
	[smem:$0x7F9] =	sst s19  }
0x29: {  	s28 =	simm.s32 $0x114A0;
	s26 =	sadd.s32 s26, s3;
	[dreg:$0x17] =	wrdreg s14  }
0x2a: {  	s30 =	simm.s32 $0xC;
	s25 =	sadd.s32 s8, s4;
	[dreg:$0x16] =	wrdreg s26  }
0x2b: {  	s18 =	simm.s32 $0x2;
	s8 =	sadd.s32 s17, s4;
	[dreg:$0x1b] =	wrdreg s25  }
0x2c: {  	s5 =	simm.s32 $0x10820;
	s9 =	sadd.s32 s20, s4;
	[dreg:$0x1d] =	wrdreg s8  }
0x2d: {  	s2 =	simm.s32 $0x3;
	s17 =	sadd.s32 $0xE3200, s15;
	[dreg:$0x1e] =	wrdreg s9  }
0x2e: {  	s20 =	smax.u32 s16, $0x1;
	s21 =	sadd.s32 $0xA280, s22;
	[smem:$0x7F7] =	sst s17  }
0x2f: {  	s15 =	simm.s32 $0x1;
	s26 =	sadd.s32 s10, s4;
	[smem:$0x7FA] =	sst s20  }
0x30: {  	s10 =	sadd.s32 $0x5800, s11;
	s11 =	sadd.s32 $0x19E00, s0;
	[smem:$0x7FB] =	sst s21  }
.Ltmp0:
0x31: {  	s25 =	sadd.s32 $0x514, s22;
	[dreg:$0x1c] =	wrdreg s26;
	(pc) =	sbr.rel .LBB2_1-.Ltmp0, $4  }
0x32: {  	s21 =	simm.s32 $0xBB80;
	s20 =	simm.s32 $0x10E60;
	[dreg:$0x1f] =	wrdreg s10  }
0x33: {  	s17 =	simm.s32 $0x4;
	s8 =	simm.s32 $0x0;
	[smem:$0x7FC] =	sst s25  }
0x34: {  	s26 =	sadd.s32 $0xA794, s22;
	s10 =	simm.s32 $0xA280;
	s22 =	simm.s32 $0xD  }
0x35: {  	v0 =	vimm.f32 $0.0e+00;
	s25 =	simm.s32 $0x107B8;
	[smem:$0x7FD] =	sst s26;
	s26 =	simm.s32 $0xD480  }
.LBB2_32:
0x36: {  	[bflag:$0x0] =	sbarrier.arrive $0xFFFF  }
0x37: {  	s0 =	stileid.u32;
	s9 =	sld [smem:$0x7F7]  }
0x38: {  	s0 =	sshll.u32 s0, $0x6;
	s24 =	rddreg [dreg:$0x6]  }
0x39: {  	s0 =	sor.u32 $0x1C0D, s0;
	s5 =	sshrl.u32 s24, $0x3  }
0x3a: {  	[hbm:s9], [sflag:s0] =	dma.local [spmem:s5], $0x1400  }
0x3b: {  	_ =	swait.ge [sflag:s22], $0x1400  }
0x3c: {  	s20 =	sld [smem:$0x7F8]  }
0x3d: {  	[sflag:s22] =	ssyncset.done $0x0;
	s14 =	rddreg [dreg:$0x17]  }
0x3e: {  	[sflag:s22] =	ssyncadd.s32 $0xFFFFEC00;
	s19 =	sshrl.u32 s14, $0x3  }
0x3f: {  	[hbm:s20], [sflag:s0] =	dma.local [spmem:s19], $0x50  }
0x40: {  	_ =	swait.ge [sflag:s22], $0x50  }
0x41: {  	s23 =	sld [smem:$0x7F9]  }
0x42: {  	[sflag:s22] =	ssyncset.done $0x0;
	s21 =	rddreg [dreg:$0xf]  }
0x43: {  	[sflag:s22] =	ssyncadd.s32 $0xFFFFFFB0;
	s5 =	sshrl.u32 s21, $0x3  }
0x44: {  	[hbm:s23], [sflag:s0] =	dma.local [spmem:s5], $0x500  }
0x45: {  	_ =	swait.ge [sflag:s22], $0x500  }
0x46: {  	s8 =	sld [smem:$0x7F5]  }
0x47: {  	s26 =	sld [smem:$0x7FA];
	_ =	sdelay $0x1  }
0x48: {  	s8 =	sadd.s32 $0x1, s8  }
0x49: {  	p2 =	sne.s32 s8, s26  }
.Ltmp1:
0x4a: {  	_ = 	snop;
	(pc) =	sbr.rel @!p2 .LBB2_33-.Ltmp1, $4  }
0x4b: {  	_ = 	snop  }
0x4c: {  	s31 =	simm.s32 $0xED80;
	s28 =	simm.s32 $0x114A0;
	s20 =	simm.s32 $0x10E60  }
0x4d: {  	s21 =	simm.s32 $0xBB80;
	s23 =	simm.s32 $0x0;
	[sflag:s22] =	ssyncset.done $0x0  }
0x4e: {  	s5 =	simm.s32 $0x10820;
	[sflag:s22] =	ssyncadd.s32 $0xFFFFFB00;
	s26 =	simm.s32 $0xD480  }
.LBB2_1:
0x4f: {  	s12 =	simm.s32 $0x100;
	s9 =	simm.s32 $0x0  }
.LBB2_2:
0x50: {  	p2 =	sne.s32 s12, $0x6300;
	[tilespmem:s9+$0xA2B0] =	vst v0;
	s13 =	smov.u32 s12;
	s12 =	sadd.s32 $0x100, s12  }
.Ltmp2:
0x51: {  	[tilespmem:s9+$0xA2A0] =	vst v0;
	(pc) =	sbr.rel @p2 .LBB2_2-.Ltmp2, $3  }
0x52: {  	[tilespmem:s9+$0xA280] =	vst v0  }
0x53: {  	[tilespmem:s9+$0xA290] =	vst v0;
	_ =	sdelay $0x1  }
0x54: {  	s9 =	sshra.s32 s13, $0x2  }
0x55: {  	[tilespmem:s9+$0xA2B0] =	vst v0  }
0x56: {  	[tilespmem:s9+$0xA2A0] =	vst v0  }
0x57: {  	[tilespmem:s9+$0xA280] =	vst v0  }
0x58: {  	[smem:$0x7F5] =	sst s8;
	[tilespmem:s9+$0xA290] =	vst v0  }
0x59: {  	[spmem:s24] =	stream.linear.scatter [tilespmem:s10], [sflag:$0xD], $0x1400, $0x38;
	[tilespmem:$0x1EBA0] =	vst v63  }
0x5a: {  	_ =	swait.ge [sflag:s22], $0x1400  }
0x5b: {  	[sflag:s22] =	ssyncset.done $0x0  }
0x5c: {  	s0 =	rddreg [dreg:$0x7];
	[sflag:s22] =	ssyncadd.s32 $0xFFFFEC00  }
0x5d: {  	[spmem:s0] =	stream.linear.scatter [tilespmem:s10], [sflag:$0xD], $0x1400, $0x38;
	[tilespmem:$0x1EBA0] =	vst v63  }
0x5e: {  	_ =	swait.ge [sflag:s22], $0x1400  }
0x5f: {  	[sflag:s22] =	ssyncset.done $0x0  }
0x60: {  	s9 =	rddreg [dreg:$0x8];
	[sflag:s22] =	ssyncadd.s32 $0xFFFFEC00  }
0x61: {  	[spmem:s9] =	stream.linear.scatter [tilespmem:s10], [sflag:$0xD], $0x1400, $0x38;
	[tilespmem:$0x1EBA0] =	vst v63  }
0x62: {  	_ =	swait.ge [sflag:s22], $0x1400  }
0x63: {  	[sflag:s22] =	ssyncset.done $0x0  }
0x64: {  	s12 =	rddreg [dreg:$0x9];
	[sflag:s22] =	ssyncadd.s32 $0xFFFFEC00  }
0x65: {  	[spmem:s12] =	stream.linear.scatter [tilespmem:s10], [sflag:$0xD], $0x1400, $0x38;
	[tilespmem:$0x1EBA0] =	vst v63  }
0x66: {  	_ =	swait.ge [sflag:s22], $0x1400  }
0x67: {  	[sflag:s22] =	ssyncset.done $0x0  }
0x68: {  	s13 =	rddreg [dreg:$0xb];
	[sflag:s22] =	ssyncadd.s32 $0xFFFFEC00  }
0x69: {  	[spmem:s13] =	stream.linear.scatter [tilespmem:s10], [sflag:$0xD], $0x1400, $0x38;
	[tilespmem:$0x1EBA0] =	vst v63  }
0x6a: {  	_ =	swait.ge [sflag:s22], $0x1400  }
0x6b: {  	[sflag:s22] =	ssyncset.done $0x0  }
0x6c: {  	s16 =	rddreg [dreg:$0xc];
	[sflag:s22] =	ssyncadd.s32 $0xFFFFEC00  }
0x6d: {  	[spmem:s16] =	stream.linear.scatter [tilespmem:s10], [sflag:$0xD], $0x1400, $0x38;
	[tilespmem:$0x1EBA0] =	vst v63  }
0x6e: {  	_ =	swait.ge [sflag:s22], $0x1400  }
0x6f: {  	[sflag:s22] =	ssyncset.done $0x0  }
0x70: {  	s19 =	rddreg [dreg:$0xd];
	[sflag:s22] =	ssyncadd.s32 $0xFFFFEC00  }
0x71: {  	[spmem:s19] =	stream.linear.scatter [tilespmem:s10], [sflag:$0xD], $0x1400, $0x38;
	[tilespmem:$0x1EBA0] =	vst v63  }
0x72: {  	_ =	swait.ge [sflag:s22], $0x1400  }
0x73: {  	[sflag:s22] =	ssyncset.done $0x0  }
0x74: {  	s24 =	rddreg [dreg:$0xe];
	[sflag:s22] =	ssyncadd.s32 $0xFFFFEC00  }
0x75: {  	[spmem:s24] =	stream.linear.scatter [tilespmem:s10], [sflag:$0xD], $0x1400, $0x38;
	[tilespmem:$0x1EBA0] =	vst v63  }
0x76: {  	_ =	swait.ge [sflag:s22], $0x1400  }
0x77: {  	[sflag:s22] =	ssyncset.done $0x0  }
0x78: {  	s9 =	simm.s32 $0x40;
	s12 =	simm.s32 $0x0;
	[sflag:s22] =	ssyncadd.s32 $0xFFFFEC00  }
.LBB2_4:
0x79: {  	p2 =	sne.s32 s9, $0x18C0;
	[tilespmem:s12+$0x10820] =	vst v0;
	s12 =	smov.u32 s9;
	s9 =	sadd.s32 $0x40, s9  }
.Ltmp3:
0x7a: {  	(pc) =	sbr.rel @p2 .LBB2_4-.Ltmp3, $2  }
0x7b: {  	_ =	sdelay $0x2  }
0x7c: {  	s12 =	sshra.s32 s12, $0x2  }
0x7d: {  	[tilespmem:s12+$0x10820] =	vst v0;
	s0 =	rddreg [dreg:$0xf]  }
0x7e: {  	[spmem:s0] =	stream.linear.scatter [tilespmem:s5], [sflag:$0xD], $0x500, $0x38;
	[tilespmem:$0x1EBA0] =	vst v63  }
0x7f: {  	_ =	swait.ge [sflag:s22], $0x500  }
0x80: {  	[sflag:s22] =	ssyncset.done $0x0  }
0x81: {  	s12 =	rddreg [dreg:$0x10];
	[sflag:s22] =	ssyncadd.s32 $0xFFFFFB00  }
0x82: {  	[spmem:s12] =	stream.linear.scatter [tilespmem:s5], [sflag:$0xD], $0x500, $0x38;
	[tilespmem:$0x1EBA0] =	vst v63  }
0x83: {  	_ =	swait.ge [sflag:s22], $0x500  }
0x84: {  	[sflag:s22] =	ssyncset.done $0x0  }
0x85: {  	s13 =	rddreg [dreg:$0x11];
	[sflag:s22] =	ssyncadd.s32 $0xFFFFFB00  }
0x86: {  	[spmem:s13] =	stream.linear.scatter [tilespmem:s5], [sflag:$0xD], $0x500, $0x38;
	[tilespmem:$0x1EBA0] =	vst v63  }
0x87: {  	_ =	swait.ge [sflag:s22], $0x500  }
0x88: {  	[sflag:s22] =	ssyncset.done $0x0  }
0x89: {  	s16 =	rddreg [dreg:$0x12];
	[sflag:s22] =	ssyncadd.s32 $0xFFFFFB00  }
0x8a: {  	[spmem:s16] =	stream.linear.scatter [tilespmem:s5], [sflag:$0xD], $0x500, $0x38;
	[tilespmem:$0x1EBA0] =	vst v63  }
0x8b: {  	_ =	swait.ge [sflag:s22], $0x500  }
0x8c: {  	[sflag:s22] =	ssyncset.done $0x0  }
0x8d: {  	s19 =	rddreg [dreg:$0x13];
	[sflag:s22] =	ssyncadd.s32 $0xFFFFFB00  }
0x8e: {  	[spmem:s19] =	stream.linear.scatter [tilespmem:s5], [sflag:$0xD], $0x500, $0x38;
	[tilespmem:$0x1EBA0] =	vst v63  }
0x8f: {  	_ =	swait.ge [sflag:s22], $0x500  }
0x90: {  	[sflag:s22] =	ssyncset.done $0x0  }
0x91: {  	s24 =	rddreg [dreg:$0x14];
	[sflag:s22] =	ssyncadd.s32 $0xFFFFFB00  }
0x92: {  	[spmem:s24] =	stream.linear.scatter [tilespmem:s5], [sflag:$0xD], $0x500, $0x38;
	[tilespmem:$0x1EBA0] =	vst v63  }
0x93: {  	_ =	swait.ge [sflag:s22], $0x500  }
0x94: {  	[sflag:s22] =	ssyncset.done $0x0  }
0x95: {  	s8 =	rddreg [dreg:$0x15];
	[sflag:s22] =	ssyncadd.s32 $0xFFFFFB00  }
0x96: {  	[spmem:s8] =	stream.linear.scatter [tilespmem:s5], [sflag:$0xD], $0x500, $0x38;
	[tilespmem:$0x1EBA0] =	vst v63  }
0x97: {  	_ =	swait.ge [sflag:s22], $0x500  }
0x98: {  	[sflag:s22] =	ssyncset.done $0x0  }
0x99: {  	s9 =	rddreg [dreg:$0x16];
	[sflag:s22] =	ssyncadd.s32 $0xFFFFFB00  }
0x9a: {  	[spmem:s9] =	stream.linear.scatter [tilespmem:s5], [sflag:$0xD], $0x500, $0x38;
	[tilespmem:$0x1EBA0] =	vst v63  }
0x9b: {  	_ =	swait.ge [sflag:s22], $0x500  }
0x9c: {  	[sflag:s22] =	ssyncset.done $0x0  }
0x9d: {  	[sflag:s22] =	ssyncadd.s32 $0xFFFFFB00  }
0x9e: {  	[tilespmem:$0x10680] =	vst v0  }
0x9f: {  	[tilespmem:$0x10690] =	vst v0  }
0xa0: {  	[tilespmem:$0x106A0] =	vst v0  }
0xa1: {  	[tilespmem:$0x106B0] =	vst v0  }
0xa2: {  	[tilespmem:$0x106C0] =	vst v0  }
0xa3: {  	s9 =	simm.s32 $0x10680;
	[tilespmem:$0x106D0] =	vst v0  }
0xa4: {  	[spmem:s14] =	stream.linear.scatter [tilespmem:s9], [sflag:$0xD], $0x50, $0x38;
	[tilespmem:$0x1EBA0] =	vst v63  }
0xa5: {  	_ =	swait.ge [sflag:s22], $0x50  }
0xa6: {  	[sflag:s22] =	ssyncset.done $0x0  }
0xa7: {  	s12 =	rddreg [dreg:$0x18];
	[sflag:s22] =	ssyncadd.s32 $0xFFFFFFB0  }
0xa8: {  	[spmem:s12] =	stream.linear.scatter [tilespmem:s9], [sflag:$0xD], $0x50, $0x38;
	[tilespmem:$0x1EBA0] =	vst v63  }
0xa9: {  	_ =	swait.ge [sflag:s22], $0x50  }
0xaa: {  	[sflag:s22] =	ssyncset.done $0x0  }
0xab: {  	s13 =	rddreg [dreg:$0x19];
	[sflag:s22] =	ssyncadd.s32 $0xFFFFFFB0  }
0xac: {  	[spmem:s13] =	stream.linear.scatter [tilespmem:s9], [sflag:$0xD], $0x50, $0x38;
	[tilespmem:$0x1EBA0] =	vst v63  }
0xad: {  	_ =	swait.ge [sflag:s22], $0x50  }
0xae: {  	[sflag:s22] =	ssyncset.done $0x0  }
0xaf: {  	s14 =	rddreg [dreg:$0x1a];
	[sflag:s22] =	ssyncadd.s32 $0xFFFFFFB0  }
0xb0: {  	[spmem:s14] =	stream.linear.scatter [tilespmem:s9], [sflag:$0xD], $0x50, $0x38;
	[tilespmem:$0x1EBA0] =	vst v63  }
0xb1: {  	_ =	swait.ge [sflag:s22], $0x50  }
0xb2: {  	[sflag:s22] =	ssyncset.done $0x0  }
0xb3: {  	s16 =	rddreg [dreg:$0x1b];
	[sflag:s22] =	ssyncadd.s32 $0xFFFFFFB0  }
0xb4: {  	[spmem:s16] =	stream.linear.scatter [tilespmem:s9], [sflag:$0xD], $0x50, $0x38;
	[tilespmem:$0x1EBA0] =	vst v63  }
0xb5: {  	_ =	swait.ge [sflag:s22], $0x50  }
0xb6: {  	[sflag:s22] =	ssyncset.done $0x0  }
0xb7: {  	s19 =	rddreg [dreg:$0x1c];
	[sflag:s22] =	ssyncadd.s32 $0xFFFFFFB0  }
0xb8: {  	[spmem:s19] =	stream.linear.scatter [tilespmem:s9], [sflag:$0xD], $0x50, $0x38;
	[tilespmem:$0x1EBA0] =	vst v63  }
0xb9: {  	_ =	swait.ge [sflag:s22], $0x50  }
0xba: {  	[sflag:s22] =	ssyncset.done $0x0  }
0xbb: {  	s24 =	rddreg [dreg:$0x1d];
	[sflag:s22] =	ssyncadd.s32 $0xFFFFFFB0  }
0xbc: {  	[spmem:s24] =	stream.linear.scatter [tilespmem:s9], [sflag:$0xD], $0x50, $0x38;
	[tilespmem:$0x1EBA0] =	vst v63  }
0xbd: {  	_ =	swait.ge [sflag:s22], $0x50  }
0xbe: {  	[sflag:s22] =	ssyncset.done $0x0  }
0xbf: {  	s8 =	rddreg [dreg:$0x1e];
	[sflag:s22] =	ssyncadd.s32 $0xFFFFFFB0  }
0xc0: {  	[spmem:s8] =	stream.linear.scatter [tilespmem:s9], [sflag:$0xD], $0x50, $0x38;
	[tilespmem:$0x1EBA0] =	vst v63  }
0xc1: {  	_ =	swait.ge [sflag:s22], $0x50  }
0xc2: {  	[sflag:s22] =	ssyncset.done $0x0  }
0xc3: {  	[sflag:s22] =	ssyncadd.s32 $0xFFFFFFB0  }
0xc4: {  	[bflag:$0x0] =	sbarrier.arrive $0xFFFF  }
0xc5: {  	s14 =	simm.s32 $0x5140;
	s9 =	rddreg [dreg:$0x1f]  }
0xc6: {  	[tilespmem:s14], [sflag:$0xD] =	stream.linear.gather [hbm4b:s9+s23], $0x28A0, $0x38;
	[tilespmem:$0x1EBA0] =	vst v63  }
0xc7: {  	_ =	swait.ge [sflag:s22], $0x28A0  }
0xc8: {  	s12 =	sld [smem:$0x7F6]  }
0xc9: {  	[sflag:s22] =	ssyncset.done $0x0  }
0xca: {  	s13 =	simm.s32 $0x79E0;
	[sflag:s22] =	ssyncadd.s32 $0xFFFFD760  }
0xcb: {  	[tilespmem:s13], [sflag:$0xD] =	stream.linear.gather [hbm4b:s12+s23], $0x28A0, $0x38;
	[tilespmem:$0x1EBA0] =	vst v63  }
0xcc: {  	_ =	swait.ge [sflag:s22], $0x28A0  }
0xcd: {  	[sflag:s22] =	ssyncset.done $0x0  }
0xce: {  	s16 =	rddreg [dreg:$0xa];
	[sflag:s22] =	ssyncadd.s32 $0xFFFFD760  }
0xcf: {  	[tilespmem:s23], [sflag:$0xD] =	stream.linear.gather [hbm4b:s16+s23], $0x28A0, $0x38;
	[tilespmem:$0x1EBA0] =	vst v63  }
0xd0: {  	_ =	swait.ge [sflag:s22], $0x28A0  }
0xd1: {  	s19 =	sld [smem:$0x7FB]  }
0xd2: {  	[sflag:s22] =	ssyncset.done $0x0  }
0xd3: {  	s24 =	simm.s32 $0x28A0;
	[sflag:s22] =	ssyncadd.s32 $0xFFFFD760  }
0xd4: {  	[tilespmem:s24], [sflag:$0xD] =	stream.linear.gather [hbm4b:s19+s23], $0x28A0, $0x38;
	[tilespmem:$0x1EBA0] =	vst v63  }
0xd5: {  	_ =	swait.ge [sflag:s22], $0x28A0  }
0xd6: {  	[sflag:s22] =	ssyncset.done $0x0  }
0xd7: {  	[sflag:s22] =	ssyncadd.s32 $0xFFFFD760  }
0xd8: {  	[tilespmem:s10], [sflag:$0x1] =	stream.indirect.gather [hbm4b:s11+s29], $0x40, s23, s29, $0xb8;
	[tilespmem:$0x1EBA0] =	vst v63  }
0xd9: {  	s8 =	simm.s32 $0x68  }
0xda: {  	[tilespmem:s21], [sflag:$0x2] =	stream.indirect.gather [hbm4b:s11+s29], $0x40, s8, s29, $0xb8;
	[tilespmem:$0x1EBA0] =	vst v63  }
0xdb: {  	s12 =	simm.s32 $0xD0  }
0xdc: {  	[tilespmem:s26], [sflag:$0x3] =	stream.indirect.gather [hbm4b:s11+s29], $0x40, s12, s29, $0xb8;
	[tilespmem:$0x1EBA0] =	vst v63  }
0xdd: {  	s13 =	simm.s32 $0x138  }
0xde: {  	[tilespmem:s31], [sflag:$0x4] =	stream.indirect.gather [hbm4b:s11+s29], $0x40, s13, s29, $0xb8;
	[tilespmem:$0x1EBA0] =	vst v63  }
0xdf: {  	s9 =	simm.s32 @!p0 $0x64;
	s12 =	simm.s32 @!p0 $0x28A0;
	s13 =	simm.s32 @!p0 $0x10680  }
0xe0: {  	[tilespmem:s13], [sflag:$0x5] =	stream.indirect.gather @!p0 [hbm4b:s6+s9], $0x1, s12, s9, $0xb8;
	[tilespmem:$0x1EBA0] =	vst v63  }
0xe1: {  	s12 =	simm.s32 @!p0 $0x2908;
	s13 =	simm.s32 @!p0 $0x106E8  }
0xe2: {  	[tilespmem:s13], [sflag:$0x6] =	stream.indirect.gather @!p0 [hbm4b:s6+s9], $0x1, s12, s9, $0xb8;
	[tilespmem:$0x1EBA0] =	vst v63  }
0xe3: {  	s12 =	simm.s32 @!p0 $0x2970;
	s13 =	simm.s32 @!p0 $0x10750  }
0xe4: {  	[tilespmem:s13], [sflag:$0x7] =	stream.indirect.gather @!p0 [hbm4b:s6+s9], $0x1, s12, s9, $0xb8;
	[tilespmem:$0x1EBA0] =	vst v63  }
0xe5: {  	s12 =	simm.s32 @!p0 $0x29D8;
	s13 =	simm.s32 @!p0 $0x107B8  }
0xe6: {  	[tilespmem:s13], [sflag:$0x8] =	stream.indirect.gather @!p0 [hbm4b:s6+s9], $0x1, s12, s9, $0xb8;
	[tilespmem:$0x1EBA0] =	vst v63  }
0xe7: {  	_ = 	snop  }
0xe8: {  	[tilespmem:s5], [sflag:$0x9] =	stream.indirect.gather [hbm4b:s7+s29], $0x10, s14, s29, $0xb8;
	[tilespmem:$0x1EBA0] =	vst v63  }
0xe9: {  	s8 =	simm.s32 $0x51A8  }
0xea: {  	[tilespmem:s20], [sflag:$0xA] =	stream.indirect.gather [hbm4b:s7+s29], $0x10, s8, s29, $0xb8;
	[tilespmem:$0x1EBA0] =	vst v63  }
0xeb: {  	s0 =	simm.s32 $0x10680;
	s16 =	simm.s32 $0x5210;
	s19 =	simm.s32 $0x5278  }
0xec: {  	[tilespmem:s28], [sflag:$0xB] =	stream.indirect.gather [hbm4b:s7+s29], $0x10, s16, s29, $0xb8;
	[tilespmem:$0x1EBA0] =	vst v63  }
0xed: {  	s24 =	simm.s32 $0x11AE0;
	s12 =	simm.s32 $0x0;
	s8 =	simm.s32 $0x11AE0  }
0xee: {  	[tilespmem:s24], [sflag:$0xC] =	stream.indirect.gather [hbm4b:s7+s29], $0x10, s19, s29, $0xb8;
	[tilespmem:$0x1EBA0] =	vst v63  }
.LBB2_6:
0xef: {  	_ =	swait.ge [sflag:s15], $0x1900  }
0xf0: {  	s13 =	sshra.s32 s12, $0x2;
	[sflag:s15] =	ssyncset.done $0x0  }
0xf1: {  	s9 =	sadd.s32 $0x28A0, s13;
	[sflag:s15] =	ssyncadd.s32 $0xFFFFE700  }
0xf2: {  	[spmem:s1] =	stream.indirect.scatter.add.f32 [tilespmem:s10], [sflag:$0xD], $0x40, s9, s29, $0xb8;
	[tilespmem:$0x1EBA0] =	vst v63  }
.Ltmp4:
0xf3: {  	_ = 	snop;
	(pc) =	sbr.rel @p0 .LBB2_9-.Ltmp4, $4  }
0xf4: {  	p2 =	seq.s32 s12, $0x9C00;
	_ =	swait.ge [sflag:s22], $0x1900  }
0xf5: {  	s14 =	sshra.s32 @!p2 s12, $0x2;
	s19 =	simm.s32 @!p2 $0xA280;
	[sflag:s22] =	ssyncset.done $0x0  }
0xf6: {  	s16 =	sadd.s32 @!p2 $0x1A0, s14;
	s9 =	simm.s32 @!p2 $0x64;
	[sflag:s22] =	ssyncadd.s32 $0xFFFFE700  }
0xf7: {  	[tilespmem:s19], [sflag:$0x1] =	stream.indirect.gather @!p2 [hbm4b:s11+s9], $0x40, s16, s9, $0xb8;
	[tilespmem:$0x1EBA0] =	vst v63  }
0xf8: {  	s16 =	simm.s32 $0x5  }
0xf9: {  	_ =	swait.ge [sflag:s16], $0x64  }
0xfa: {  	[sflag:s16] =	ssyncset.done $0x0  }
.Ltmp5:
0xfb: {  	[sflag:s16] =	ssyncadd.s32 $0xFFFFFF9C;
	(pc) =	sbr.rel @!p2 .LBB2_8-.Ltmp5, $4  }
0xfc: {  	[spmem:s4] =	stream.indirect.scatter.add.f32 [tilespmem:s0], [sflag:$0xD], $0x1, s13, s29, $0xb8;
	[tilespmem:$0x1EBA0] =	vst v63  }
0xfd: {  	_ =	swait.ge [sflag:s22], $0x64  }
0xfe: {  	[sflag:s22] =	ssyncset.done $0x0  }
0xff: {  	[sflag:s22] =	ssyncadd.s32 $0xFFFFFF9C  }
0x100: {  	s9 =	simm.s32 $0x9  }
0x101: {  	_ =	swait.ge [sflag:s9], $0x640  }
0x102: {  	[sflag:s9] =	ssyncset.done $0x0  }
.Ltmp6:
0x103: {  	s24 =	sadd.s32 $0x79E0, s13;
	[sflag:s9] =	ssyncadd.s32 $0xFFFFF9C0;
	(pc) =	sbr.rel .LBB2_11-.Ltmp6, $4  }
0x104: {  	[spmem:s3] =	stream.indirect.scatter.add.f32 [tilespmem:s5], [sflag:$0xD], $0x10, s24, s29, $0xb8;
	[tilespmem:$0x1EBA0] =	vst v63  }
0x105: {  	_ =	swait.ge [sflag:s22], $0x640  }
0x106: {  	[sflag:s22] =	ssyncset.done $0x0  }
0x107: {  	[sflag:s22] =	ssyncadd.s32 $0xFFFFF9C0  }
.LBB2_8:
0x108: {  	s16 =	sadd.s32 $0x2A40, s13  }
0x109: {  	[tilespmem:s0], [sflag:$0x5] =	stream.indirect.gather [hbm4b:s6+s29], $0x1, s16, s29, $0xb8;
	[tilespmem:$0x1EBA0] =	vst v63  }
.LBB2_9:
0x10a: {  	s16 =	simm.s32 $0x9  }
0x10b: {  	_ =	swait.ge [sflag:s16], $0x640  }
0x10c: {  	[sflag:s16] =	ssyncset.done $0x0  }
0x10d: {  	s24 =	sadd.s32 $0x79E0, s13;
	[sflag:s16] =	ssyncadd.s32 $0xFFFFF9C0  }
0x10e: {  	[spmem:s3] =	stream.indirect.scatter.add.f32 [tilespmem:s5], [sflag:$0xD], $0x10, s24, s29, $0xb8;
	[tilespmem:$0x1EBA0] =	vst v63  }
0x10f: {  	_ =	swait.ge [sflag:s22], $0x640  }
0x110: {  	[sflag:s22] =	ssyncset.done $0x0  }
0x111: {  	s19 =	simm.s32 @!p2 $0x10820;
	s16 =	sadd.s32 @!p2 $0x52E0, s14;
	[sflag:s22] =	ssyncadd.s32 $0xFFFFF9C0  }
0x112: {  	[tilespmem:s19], [sflag:$0x9] =	stream.indirect.gather @!p2 [hbm4b:s7+s9], $0x10, s16, s9, $0xb8;
	[tilespmem:$0x1EBA0] =	vst v63  }
.LBB2_11:
0x113: {  	_ =	swait.ge [sflag:s18], $0x1900  }
0x114: {  	[sflag:s18] =	ssyncset.done $0x0  }
0x115: {  	s9 =	sadd.s32 $0x2908, s13;
	[sflag:s18] =	ssyncadd.s32 $0xFFFFE700  }
0x116: {  	[spmem:s1] =	stream.indirect.scatter.add.f32 [tilespmem:s21], [sflag:$0xD], $0x40, s9, s29, $0xb8;
	[tilespmem:$0x1EBA0] =	vst v63  }
.Ltmp7:
0x117: {  	_ = 	snop;
	(pc) =	sbr.rel @p0 .LBB2_14-.Ltmp7, $4  }
0x118: {  	_ =	swait.ge [sflag:s22], $0x1900  }
0x119: {  	s16 =	sadd.s32 @!p2 $0x208, s14;
	[sflag:s22] =	ssyncset.done $0x0  }
0x11a: {  	s19 =	simm.s32 @!p2 $0xBB80;
	s9 =	simm.s32 @!p2 $0x64;
	[sflag:s22] =	ssyncadd.s32 $0xFFFFE700  }
0x11b: {  	[tilespmem:s19], [sflag:$0x2] =	stream.indirect.gather @!p2 [hbm4b:s11+s9], $0x40, s16, s9, $0xb8;
	[tilespmem:$0x1EBA0] =	vst v63  }
0x11c: {  	s16 =	simm.s32 $0x6  }
0x11d: {  	_ =	swait.ge [sflag:s16], $0x64  }
0x11e: {  	s24 =	sadd.s32 $0x68, s13;
	[sflag:s16] =	ssyncset.done $0x0  }
.Ltmp8:
0x11f: {  	s19 =	simm.s32 $0x106E8;
	[sflag:s16] =	ssyncadd.s32 $0xFFFFFF9C;
	(pc) =	sbr.rel @!p2 .LBB2_13-.Ltmp8, $4  }
0x120: {  	[spmem:s4] =	stream.indirect.scatter.add.f32 [tilespmem:s19], [sflag:$0xD], $0x1, s24, s29, $0xb8;
	[tilespmem:$0x1EBA0] =	vst v63  }
0x121: {  	_ =	swait.ge [sflag:s22], $0x64  }
0x122: {  	[sflag:s22] =	ssyncset.done $0x0  }
0x123: {  	[sflag:s22] =	ssyncadd.s32 $0xFFFFFF9C  }
0x124: {  	s9 =	simm.s32 $0xA  }
0x125: {  	_ =	swait.ge [sflag:s9], $0x640  }
0x126: {  	[sflag:s9] =	ssyncset.done $0x0  }
.Ltmp9:
0x127: {  	s24 =	sadd.s32 $0x7A48, s13;
	[sflag:s9] =	ssyncadd.s32 $0xFFFFF9C0;
	(pc) =	sbr.rel .LBB2_16-.Ltmp9, $4  }
0x128: {  	[spmem:s3] =	stream.indirect.scatter.add.f32 [tilespmem:s20], [sflag:$0xD], $0x10, s24, s29, $0xb8;
	[tilespmem:$0x1EBA0] =	vst v63  }
0x129: {  	_ =	swait.ge [sflag:s22], $0x640  }
0x12a: {  	[sflag:s22] =	ssyncset.done $0x0  }
0x12b: {  	[sflag:s22] =	ssyncadd.s32 $0xFFFFF9C0  }
.LBB2_13:
0x12c: {  	s16 =	sadd.s32 $0x2AA8, s13  }
0x12d: {  	[tilespmem:s19], [sflag:$0x6] =	stream.indirect.gather [hbm4b:s6+s29], $0x1, s16, s29, $0xb8;
	[tilespmem:$0x1EBA0] =	vst v63  }
.LBB2_14:
0x12e: {  	s16 =	simm.s32 $0xA  }
0x12f: {  	_ =	swait.ge [sflag:s16], $0x640  }
0x130: {  	[sflag:s16] =	ssyncset.done $0x0  }
0x131: {  	s24 =	sadd.s32 $0x7A48, s13;
	[sflag:s16] =	ssyncadd.s32 $0xFFFFF9C0  }
0x132: {  	[spmem:s3] =	stream.indirect.scatter.add.f32 [tilespmem:s20], [sflag:$0xD], $0x10, s24, s29, $0xb8;
	[tilespmem:$0x1EBA0] =	vst v63  }
0x133: {  	_ =	swait.ge [sflag:s22], $0x640  }
0x134: {  	[sflag:s22] =	ssyncset.done $0x0  }
0x135: {  	s19 =	simm.s32 @!p2 $0x10E60;
	s16 =	sadd.s32 @!p2 $0x5348, s14;
	[sflag:s22] =	ssyncadd.s32 $0xFFFFF9C0  }
0x136: {  	[tilespmem:s19], [sflag:$0xA] =	stream.indirect.gather @!p2 [hbm4b:s7+s9], $0x10, s16, s9, $0xb8;
	[tilespmem:$0x1EBA0] =	vst v63  }
.LBB2_16:
0x137: {  	_ =	swait.ge [sflag:s2], $0x1900  }
0x138: {  	[sflag:s2] =	ssyncset.done $0x0  }
0x139: {  	s9 =	sadd.s32 $0x2970, s13;
	[sflag:s2] =	ssyncadd.s32 $0xFFFFE700  }
0x13a: {  	[spmem:s1] =	stream.indirect.scatter.add.f32 [tilespmem:s26], [sflag:$0xD], $0x40, s9, s29, $0xb8;
	[tilespmem:$0x1EBA0] =	vst v63  }
.Ltmp10:
0x13b: {  	_ = 	snop;
	(pc) =	sbr.rel @p0 .LBB2_19-.Ltmp10, $4  }
0x13c: {  	_ =	swait.ge [sflag:s22], $0x1900  }
0x13d: {  	s16 =	sadd.s32 @!p2 $0x270, s14;
	[sflag:s22] =	ssyncset.done $0x0  }
0x13e: {  	s19 =	simm.s32 @!p2 $0xD480;
	s9 =	simm.s32 @!p2 $0x64;
	[sflag:s22] =	ssyncadd.s32 $0xFFFFE700  }
0x13f: {  	[tilespmem:s19], [sflag:$0x3] =	stream.indirect.gather @!p2 [hbm4b:s11+s9], $0x40, s16, s9, $0xb8;
	[tilespmem:$0x1EBA0] =	vst v63  }
0x140: {  	s16 =	simm.s32 $0x7  }
0x141: {  	_ =	swait.ge [sflag:s16], $0x64  }
0x142: {  	s24 =	sadd.s32 $0xD0, s13;
	[sflag:s16] =	ssyncset.done $0x0  }
.Ltmp11:
0x143: {  	s19 =	simm.s32 $0x10750;
	[sflag:s16] =	ssyncadd.s32 $0xFFFFFF9C;
	(pc) =	sbr.rel @!p2 .LBB2_18-.Ltmp11, $4  }
0x144: {  	[spmem:s4] =	stream.indirect.scatter.add.f32 [tilespmem:s19], [sflag:$0xD], $0x1, s24, s29, $0xb8;
	[tilespmem:$0x1EBA0] =	vst v63  }
0x145: {  	_ =	swait.ge [sflag:s22], $0x64  }
0x146: {  	[sflag:s22] =	ssyncset.done $0x0  }
0x147: {  	[sflag:s22] =	ssyncadd.s32 $0xFFFFFF9C  }
0x148: {  	s9 =	simm.s32 $0xB  }
0x149: {  	_ =	swait.ge [sflag:s9], $0x640  }
0x14a: {  	[sflag:s9] =	ssyncset.done $0x0  }
.Ltmp12:
0x14b: {  	s24 =	sadd.s32 $0x7AB0, s13;
	[sflag:s9] =	ssyncadd.s32 $0xFFFFF9C0;
	(pc) =	sbr.rel .LBB2_21-.Ltmp12, $4  }
0x14c: {  	[spmem:s3] =	stream.indirect.scatter.add.f32 [tilespmem:s28], [sflag:$0xD], $0x10, s24, s29, $0xb8;
	[tilespmem:$0x1EBA0] =	vst v63  }
0x14d: {  	_ =	swait.ge [sflag:s22], $0x640  }
0x14e: {  	[sflag:s22] =	ssyncset.done $0x0  }
0x14f: {  	[sflag:s22] =	ssyncadd.s32 $0xFFFFF9C0  }
.LBB2_18:
0x150: {  	s16 =	sadd.s32 $0x2B10, s13  }
0x151: {  	[tilespmem:s19], [sflag:$0x7] =	stream.indirect.gather [hbm4b:s6+s29], $0x1, s16, s29, $0xb8;
	[tilespmem:$0x1EBA0] =	vst v63  }
.LBB2_19:
0x152: {  	s16 =	simm.s32 $0xB  }
0x153: {  	_ =	swait.ge [sflag:s16], $0x640  }
0x154: {  	[sflag:s16] =	ssyncset.done $0x0  }
0x155: {  	s24 =	sadd.s32 $0x7AB0, s13;
	[sflag:s16] =	ssyncadd.s32 $0xFFFFF9C0  }
0x156: {  	[spmem:s3] =	stream.indirect.scatter.add.f32 [tilespmem:s28], [sflag:$0xD], $0x10, s24, s29, $0xb8;
	[tilespmem:$0x1EBA0] =	vst v63  }
0x157: {  	_ =	swait.ge [sflag:s22], $0x640  }
0x158: {  	[sflag:s22] =	ssyncset.done $0x0  }
0x159: {  	s19 =	simm.s32 @!p2 $0x114A0;
	s16 =	sadd.s32 @!p2 $0x53B0, s14;
	[sflag:s22] =	ssyncadd.s32 $0xFFFFF9C0  }
0x15a: {  	[tilespmem:s19], [sflag:$0xB] =	stream.indirect.gather @!p2 [hbm4b:s7+s9], $0x10, s16, s9, $0xb8;
	[tilespmem:$0x1EBA0] =	vst v63  }
.LBB2_21:
0x15b: {  	_ =	swait.ge [sflag:s17], $0x1900  }
0x15c: {  	[sflag:s17] =	ssyncset.done $0x0  }
0x15d: {  	s9 =	sadd.s32 $0x29D8, s13;
	[sflag:s17] =	ssyncadd.s32 $0xFFFFE700  }
0x15e: {  	[spmem:s1] =	stream.indirect.scatter.add.f32 [tilespmem:s31], [sflag:$0xD], $0x40, s9, s29, $0xb8;
	[tilespmem:$0x1EBA0] =	vst v63  }
.Ltmp13:
0x15f: {  	_ = 	snop;
	(pc) =	sbr.rel @p0 .LBB2_24-.Ltmp13, $4  }
0x160: {  	_ =	swait.ge [sflag:s22], $0x1900  }
0x161: {  	s16 =	simm.s32 @!p2 $0xED80;
	[sflag:s22] =	ssyncset.done $0x0  }
0x162: {  	s9 =	sadd.s32 @!p2 $0x2D8, s14;
	s14 =	simm.s32 @!p2 $0x64;
	[sflag:s22] =	ssyncadd.s32 $0xFFFFE700  }
0x163: {  	[tilespmem:s16], [sflag:$0x4] =	stream.indirect.gather @!p2 [hbm4b:s11+s14], $0x40, s9, s14, $0xb8;
	[tilespmem:$0x1EBA0] =	vst v63  }
0x164: {  	s9 =	simm.s32 $0x8  }
0x165: {  	_ =	swait.ge [sflag:s9], $0x64  }
0x166: {  	s25 =	sadd.s32 $0x138, s13;
	[sflag:s9] =	ssyncset.done $0x0  }
.Ltmp14:
0x167: {  	s14 =	simm.s32 $0x107B8;
	[sflag:s9] =	ssyncadd.s32 $0xFFFFFF9C;
	(pc) =	sbr.rel @p2 .LBB2_26-.Ltmp14, $4  }
0x168: {  	[spmem:s4] =	stream.indirect.scatter.add.f32 [tilespmem:s14], [sflag:$0xD], $0x1, s25, s29, $0xb8;
	[tilespmem:$0x1EBA0] =	vst v63  }
0x169: {  	_ =	swait.ge [sflag:s22], $0x64  }
0x16a: {  	[sflag:s22] =	ssyncset.done $0x0  }
0x16b: {  	[sflag:s22] =	ssyncadd.s32 $0xFFFFFF9C  }
0x16c: {  	s9 =	sadd.s32 $0x2B78, s13;
	s25 =	simm.s32 $0x107B8  }
0x16d: {  	[tilespmem:s14], [sflag:$0x8] =	stream.indirect.gather [hbm4b:s6+s29], $0x1, s9, s29, $0xb8;
	[tilespmem:$0x1EBA0] =	vst v63  }
.LBB2_24:
0x16e: {  	_ =	swait.ge [sflag:s30], $0x640  }
0x16f: {  	[sflag:s30] =	ssyncset.done $0x0  }
.Ltmp15:
0x170: {  	s9 =	sadd.s32 $0x7B18, s13;
	[sflag:s30] =	ssyncadd.s32 $0xFFFFF9C0;
	(pc) =	sbr.rel @p2 .LBB2_27-.Ltmp15, $4  }
0x171: {  	[spmem:s3] =	stream.indirect.scatter.add.f32 [tilespmem:s8], [sflag:$0xD], $0x10, s9, s29, $0xb8;
	[tilespmem:$0x1EBA0] =	vst v63  }
0x172: {  	_ =	swait.ge [sflag:s22], $0x640  }
0x173: {  	[sflag:s22] =	ssyncset.done $0x0  }
0x174: {  	[sflag:s22] =	ssyncadd.s32 $0xFFFFF9C0  }
.Ltmp16:
0x175: {  	(pc) =	sbr.rel .LBB2_6-.Ltmp16, $3  }
0x176: {  	_ =	sdelay $0x1  }
0x177: {  	s9 =	sadd.s32 $0x5418, s13;
	s12 =	sadd.s32 $0x680, s12  }
0x178: {  	[tilespmem:s8], [sflag:$0xC] =	stream.indirect.gather [hbm4b:s7+s29], $0x10, s9, s29, $0xb8;
	[tilespmem:$0x1EBA0] =	vst v63  }
.LBB2_26:
0x179: {  	_ =	swait.ge [sflag:s30], $0x640  }
0x17a: {  	[sflag:s30] =	ssyncset.done $0x0  }
0x17b: {  	s9 =	sadd.s32 $0x7B18, s13;
	[sflag:s30] =	ssyncadd.s32 $0xFFFFF9C0  }
0x17c: {  	[spmem:s3] =	stream.indirect.scatter.add.f32 [tilespmem:s8], [sflag:$0xD], $0x10, s9, s29, $0xb8;
	[tilespmem:$0x1EBA0] =	vst v63  }
0x17d: {  	_ =	swait.ge [sflag:s22], $0x640  }
0x17e: {  	[sflag:s22] =	ssyncset.done $0x0  }
0x17f: {  	s25 =	simm.s32 $0x107B8;
	[sflag:s22] =	ssyncadd.s32 $0xFFFFF9C0  }
.LBB2_27:
0x180: {  	s0 =	sld [smem:$0x7FC];
	_ =	sdelay $0x2  }
0x181: {  	[tilespmem:s23], [sflag:$0xD] =	stream.linear.gather [hbm4b:s0+s23], $0x28A0, $0x38;
	[tilespmem:$0x1EBA0] =	vst v63  }
0x182: {  	_ =	swait.ge [sflag:s22], $0x28A0  }
0x183: {  	s20 =	sld [smem:$0x7FD]  }
0x184: {  	[sflag:s22] =	ssyncset.done $0x0  }
0x185: {  	s5 =	simm.s32 $0x28A0;
	[sflag:s22] =	ssyncadd.s32 $0xFFFFD760  }
0x186: {  	[tilespmem:s5], [sflag:$0xD] =	stream.linear.gather [hbm4b:s20+s23], $0x28A0, $0x38;
	[tilespmem:$0x1EBA0] =	vst v63  }
0x187: {  	_ =	swait.ge [sflag:s22], $0x28A0  }
0x188: {  	[sflag:s22] =	ssyncset.done $0x0  }
0x189: {  	[sflag:s22] =	ssyncadd.s32 $0xFFFFD760  }
0x18a: {  	[tilespmem:s10], [sflag:$0x1] =	stream.indirect.gather [hbm4b:s11+s29], $0x40, s23, s29, $0xb8;
	[tilespmem:$0x1EBA0] =	vst v63  }
0x18b: {  	s23 =	simm.s32 $0x68  }
0x18c: {  	[tilespmem:s21], [sflag:$0x2] =	stream.indirect.gather [hbm4b:s11+s29], $0x40, s23, s29, $0xb8;
	[tilespmem:$0x1EBA0] =	vst v63  }
0x18d: {  	s24 =	simm.s32 $0xD0  }
0x18e: {  	[tilespmem:s26], [sflag:$0x3] =	stream.indirect.gather [hbm4b:s11+s29], $0x40, s24, s29, $0xb8;
	[tilespmem:$0x1EBA0] =	vst v63  }
0x18f: {  	s26 =	simm.s32 $0x138  }
0x190: {  	[tilespmem:s31], [sflag:$0x4] =	stream.indirect.gather [hbm4b:s11+s29], $0x40, s26, s29, $0xb8;
	[tilespmem:$0x1EBA0] =	vst v63  }
0x191: {  	s12 =	simm.s32 @!p1 $0x64;
	s9 =	simm.s32 @!p1 $0x28A0;
	s13 =	simm.s32 @!p1 $0x10680  }
0x192: {  	[tilespmem:s13], [sflag:$0x5] =	stream.indirect.gather @!p1 [hbm4b:s6+s12], $0x1, s9, s12, $0xb8;
	[tilespmem:$0x1EBA0] =	vst v63  }
0x193: {  	s14 =	simm.s32 @!p1 $0x106E8;
	s9 =	simm.s32 @!p1 $0x2908  }
0x194: {  	[tilespmem:s14], [sflag:$0x6] =	stream.indirect.gather @!p1 [hbm4b:s6+s12], $0x1, s9, s12, $0xb8;
	[tilespmem:$0x1EBA0] =	vst v63  }
.Ltmp17:
0x195: {  	s28 =	simm.s32 $0xBB80;
	s8 =	simm.s32 $0xED80;
	(pc) =	sbr.rel .LBB2_28-.Ltmp17, $4  }
0x196: {  	s16 =	simm.s32 @!p1 $0x107B8;
	s24 =	simm.s32 @!p1 $0x10750;
	s9 =	simm.s32 @!p1 $0x2970  }
0x197: {  	[tilespmem:s24], [sflag:$0x7] =	stream.indirect.gather @!p1 [hbm4b:s6+s12], $0x1, s9, s12, $0xb8;
	[tilespmem:$0x1EBA0] =	vst v63  }
0x198: {  	s20 =	simm.s32 $0xD480;
	s23 =	simm.s32 $0x0;
	s9 =	simm.s32 @!p1 $0x29D8  }
0x199: {  	[tilespmem:s16], [sflag:$0x8] =	stream.indirect.gather @!p1 [hbm4b:s6+s12], $0x1, s9, s12, $0xb8;
	[tilespmem:$0x1EBA0] =	vst v63  }
.LBB2_31:
0x19a: {  	s23 =	sadd.s32 $0x680, s23  }
0x19b: {  	p2 =	sne.s32 s23, $0xA280  }
.Ltmp18:
0x19c: {  	_ = 	snop;
	(pc) =	sbr.rel @!p2 .LBB2_32-.Ltmp18, $1  }
0x19d: {  	_ =	sdelay $0x3  }
.LBB2_28:
0x19e: {  	_ =	swait.ge [sflag:s15], $0x1900  }
0x19f: {  	s16 =	sshra.s32 s23, $0x2;
	[sflag:s15] =	ssyncset.done $0x0  }
0x1a0: {  	s9 =	sadd.s32 $0x28A0, s16;
	[sflag:s15] =	ssyncadd.s32 $0xFFFFE700  }
0x1a1: {  	[spmem:s1] =	stream.indirect.scatter.add.f32 [tilespmem:s10], [sflag:$0xD], $0x40, s9, s29, $0xb8;
	[tilespmem:$0x1EBA0] =	vst v63  }
0x1a2: {  	p2 =	seq.s32 s23, $0x9C00;
	_ =	swait.ge [sflag:s22], $0x1900  }
0x1a3: {  	s19 =	sshra.s32 @!p2 s23, $0x2;
	s5 =	simm.s32 @!p2 $0xA280;
	[sflag:s22] =	ssyncset.done $0x0  }
0x1a4: {  	s26 =	sadd.s32 @!p2 $0x1A0, s19;
	s9 =	simm.s32 @!p2 $0x64;
	[sflag:s22] =	ssyncadd.s32 $0xFFFFE700  }
0x1a5: {  	[tilespmem:s5], [sflag:$0x1] =	stream.indirect.gather @!p2 [hbm4b:s11+s9], $0x40, s26, s9, $0xb8;
	[tilespmem:$0x1EBA0] =	vst v63  }
0x1a6: {  	s5 =	simm.s32 @!p1 $0x5  }
0x1a7: {  	_ =	swait.ge @!p1 [sflag:s5], $0x64  }
0x1a8: {  	p3 =	seq.s32 @!p1 s23, $0x9C00;
	[sflag:s5] =	ssyncset.done @!p1 $0x0  }
0x1a9: {  	s26 =	simm.s32 @!p1 $0xD;
	[sflag:s5] =	ssyncadd.s32 @!p1 $0xFFFFFF9C;
	s5 =	sshra.s32 @!p1 s23, $0x2  }
0x1aa: {  	[spmem:s4] =	stream.indirect.scatter.add.f32 @!p1 [tilespmem:s13], [sflag:$0xD], $0x1, s5, s12, $0xb8;
	[tilespmem:$0x1EBA0] =	vst v63  }
0x1ab: {  	p3 =	por p3, p1;
	_ =	swait.ge @!p1 [sflag:s26], $0x64  }
0x1ac: {  	s31 =	sshra.s32 @!p3 s23, $0x2;
	s21 =	simm.s32 @!p3 $0x10680;
	[sflag:s26] =	ssyncset.done @!p1 $0x0  }
0x1ad: {  	s0 =	sadd.s32 @!p3 $0x2A40, s31;
	s10 =	simm.s32 @!p3 $0x64;
	[sflag:s26] =	ssyncadd.s32 @!p1 $0xFFFFFF9C  }
0x1ae: {  	[tilespmem:s21], [sflag:$0x5] =	stream.indirect.gather @!p3 [hbm4b:s6+s10], $0x1, s0, s10, $0xb8;
	[tilespmem:$0x1EBA0] =	vst v63  }
0x1af: {  	_ =	swait.ge [sflag:s18], $0x1900  }
0x1b0: {  	[sflag:s18] =	ssyncset.done $0x0  }
0x1b1: {  	s21 =	sadd.s32 $0x2908, s16;
	[sflag:s18] =	ssyncadd.s32 $0xFFFFE700  }
0x1b2: {  	[spmem:s1] =	stream.indirect.scatter.add.f32 [tilespmem:s28], [sflag:$0xD], $0x40, s21, s29, $0xb8;
	[tilespmem:$0x1EBA0] =	vst v63  }
0x1b3: {  	_ =	swait.ge [sflag:s22], $0x1900  }
0x1b4: {  	[sflag:s22] =	ssyncset.done $0x0  }
0x1b5: {  	s0 =	sadd.s32 @!p2 $0x208, s19;
	s21 =	simm.s32 @!p2 $0xBB80;
	[sflag:s22] =	ssyncadd.s32 $0xFFFFE700  }
0x1b6: {  	[tilespmem:s21], [sflag:$0x2] =	stream.indirect.gather @!p2 [hbm4b:s11+s9], $0x40, s0, s9, $0xb8;
	[tilespmem:$0x1EBA0] =	vst v63  }
0x1b7: {  	s0 =	simm.s32 @!p1 $0x6  }
0x1b8: {  	_ =	swait.ge @!p1 [sflag:s0], $0x64  }
0x1b9: {  	[sflag:s0] =	ssyncset.done @!p1 $0x0  }
0x1ba: {  	[sflag:s0] =	ssyncadd.s32 @!p1 $0xFFFFFF9C;
	s0 =	sadd.s32 @!p1 $0x68, s5  }
0x1bb: {  	[spmem:s4] =	stream.indirect.scatter.add.f32 @!p1 [tilespmem:s14], [sflag:$0xD], $0x1, s0, s12, $0xb8;
	[tilespmem:$0x1EBA0] =	vst v63  }
0x1bc: {  	_ =	swait.ge @!p1 [sflag:s26], $0x64  }
0x1bd: {  	[sflag:s26] =	ssyncset.done @!p1 $0x0  }
0x1be: {  	s21 =	simm.s32 @!p3 $0x106E8;
	s0 =	sadd.s32 @!p3 $0x2AA8, s31;
	[sflag:s26] =	ssyncadd.s32 @!p1 $0xFFFFFF9C  }
0x1bf: {  	[tilespmem:s21], [sflag:$0x6] =	stream.indirect.gather @!p3 [hbm4b:s6+s10], $0x1, s0, s10, $0xb8;
	[tilespmem:$0x1EBA0] =	vst v63  }
0x1c0: {  	_ =	swait.ge [sflag:s2], $0x1900  }
0x1c1: {  	[sflag:s2] =	ssyncset.done $0x0  }
0x1c2: {  	s21 =	sadd.s32 $0x2970, s16;
	[sflag:s2] =	ssyncadd.s32 $0xFFFFE700  }
0x1c3: {  	[spmem:s1] =	stream.indirect.scatter.add.f32 [tilespmem:s20], [sflag:$0xD], $0x40, s21, s29, $0xb8;
	[tilespmem:$0x1EBA0] =	vst v63  }
0x1c4: {  	_ =	swait.ge [sflag:s22], $0x1900  }
0x1c5: {  	[sflag:s22] =	ssyncset.done $0x0  }
0x1c6: {  	s0 =	sadd.s32 @!p2 $0x270, s19;
	s21 =	simm.s32 @!p2 $0xD480;
	[sflag:s22] =	ssyncadd.s32 $0xFFFFE700  }
0x1c7: {  	[tilespmem:s21], [sflag:$0x3] =	stream.indirect.gather @!p2 [hbm4b:s11+s9], $0x40, s0, s9, $0xb8;
	[tilespmem:$0x1EBA0] =	vst v63  }
0x1c8: {  	s0 =	simm.s32 @!p1 $0x7  }
0x1c9: {  	_ =	swait.ge @!p1 [sflag:s0], $0x64  }
0x1ca: {  	[sflag:s0] =	ssyncset.done @!p1 $0x0  }
0x1cb: {  	[sflag:s0] =	ssyncadd.s32 @!p1 $0xFFFFFF9C;
	s0 =	sadd.s32 @!p1 $0xD0, s5  }
0x1cc: {  	[spmem:s4] =	stream.indirect.scatter.add.f32 @!p1 [tilespmem:s24], [sflag:$0xD], $0x1, s0, s12, $0xb8;
	[tilespmem:$0x1EBA0] =	vst v63  }
0x1cd: {  	_ =	swait.ge @!p1 [sflag:s26], $0x64  }
0x1ce: {  	[sflag:s26] =	ssyncset.done @!p1 $0x0  }
0x1cf: {  	s5 =	simm.s32 @!p3 $0x10750;
	s0 =	sadd.s32 @!p3 $0x2B10, s31;
	[sflag:s26] =	ssyncadd.s32 @!p1 $0xFFFFFF9C  }
0x1d0: {  	[tilespmem:s5], [sflag:$0x7] =	stream.indirect.gather @!p3 [hbm4b:s6+s10], $0x1, s0, s10, $0xb8;
	[tilespmem:$0x1EBA0] =	vst v63  }
0x1d1: {  	_ =	swait.ge [sflag:s17], $0x1900  }
0x1d2: {  	[sflag:s17] =	ssyncset.done $0x0  }
0x1d3: {  	s31 =	sadd.s32 $0x29D8, s16;
	[sflag:s17] =	ssyncadd.s32 $0xFFFFE700  }
0x1d4: {  	[spmem:s1] =	stream.indirect.scatter.add.f32 [tilespmem:s8], [sflag:$0xD], $0x40, s31, s29, $0xb8;
	[tilespmem:$0x1EBA0] =	vst v63  }
.Ltmp19:
0x1d5: {  	_ = 	snop;
	(pc) =	sbr.rel @p1 .LBB2_31-.Ltmp19, $4  }
0x1d6: {  	_ =	swait.ge [sflag:s22], $0x1900  }
0x1d7: {  	s10 =	simm.s32 $0xA280;
	[sflag:s22] =	ssyncset.done $0x0  }
0x1d8: {  	s0 =	sadd.s32 @!p2 $0x2D8, s19;
	s5 =	simm.s32 @!p2 $0xED80;
	[sflag:s22] =	ssyncadd.s32 $0xFFFFE700  }
0x1d9: {  	[tilespmem:s5], [sflag:$0x4] =	stream.indirect.gather @!p2 [hbm4b:s11+s9], $0x40, s0, s9, $0xb8;
	[tilespmem:$0x1EBA0] =	vst v63  }
0x1da: {  	s0 =	simm.s32 $0x8  }
0x1db: {  	_ =	swait.ge [sflag:s0], $0x64  }
0x1dc: {  	[sflag:s0] =	ssyncset.done $0x0  }
.Ltmp20:
0x1dd: {  	s31 =	sadd.s32 $0x138, s16;
	[sflag:s0] =	ssyncadd.s32 $0xFFFFFF9C;
	(pc) =	sbr.rel @p2 .LBB2_32-.Ltmp20, $4  }
0x1de: {  	[spmem:s4] =	stream.indirect.scatter.add.f32 [tilespmem:s25], [sflag:$0xD], $0x1, s31, s29, $0xb8;
	[tilespmem:$0x1EBA0] =	vst v63  }
0x1df: {  	_ =	swait.ge [sflag:s22], $0x64  }
0x1e0: {  	[sflag:s22] =	ssyncset.done $0x0  }
0x1e1: {  	[sflag:s22] =	ssyncadd.s32 $0xFFFFFF9C  }
.Ltmp21:
0x1e2: {  	(pc) =	sbr.rel .LBB2_31-.Ltmp21, $3  }
0x1e3: {  	_ =	sdelay $0x1  }
0x1e4: {  	s0 =	sadd.s32 $0x2B78, s16  }
0x1e5: {  	[tilespmem:s25], [sflag:$0x8] =	stream.indirect.gather [hbm4b:s6+s29], $0x1, s0, s29, $0xb8;
	[tilespmem:$0x1EBA0] =	vst v63  }
.LBB2_33:
0x1e6: {  	_ =	sfence.sel $0x180000  }
0x1e7: {  	[bflag:$0x0] =	sbarrier.arrive $0xFFFF  }
0x1e8: {  	_ =	strace $0x9000004A  }
0x1e9: {  	s0 =	stileid.u32;
	[bflag:$0x2] =	sbarrier.arrive $0xFFFF  }
0x1ea: {  	p0 =	sne.s32 s0, $0x0;
	s0 =	rddreg [dreg:$0x5]  }
0x1eb: {  	s0 =	sadd.s32 @!p0 $0x100000, s0  }
0x1ec: {  	[sflag:s0] =	ssyncadd.tile.s32 @!p0 $0x1;
	_ =	shalt  }
.Lfunc_end2:
_tile_overlayer_lowered:
.L_overlay_start_2:
0x1ed: {  	(tag) =	ssettag $0x2  }
0x1ee: {  	s0 =	rddreg [dreg:$0x0];
	s2 =	stileid.u32  }
0x1ef: {  	s1 =	rddreg [dreg:$0x1];
	p0 =	sne.s32 s2, $0x0  }
0x1f0: {  	s3 =	rddreg [dreg:$0x2];
	[bflag:$0x3] =	sbarrier.arrive $0xFFFF;
	s2 =	simm.s32 @!p0 $0x1C0D  }
0x1f1: {  	[timem:s3], [sflag:s2] =	dma.local @!p0 [hbm:s0], s1  }
0x1f2: {  	s0 =	simm.s32 @!p0 $0xD  }
0x1f3: {  	_ =	swait.ge @!p0 [sflag:s0], s1  }
0x1f4: {  	s1 =	ssub.s32 @!p0 $0x0, s1;
	[sflag:s0] =	ssyncset.done @!p0 $0x0  }
0x1f5: {  	[sflag:s0] =	ssyncadd.s32 @!p0 s1  }
0x1f6: {  	[bflag:$0x3] =	sbarrier.arrive $0xFFFF  }
0x1f7: {  	_ =	shalt  }

// kernel: kernel.15.cloned.1.call-start
scs
__scs_entry_jumppad:
0x0: {  	(pc) =	sbr.rel $0x88, $3  }
0x1: {  	(tag) =	ssettag $0x0;
	lr =	simm.s32 $0x1  }
0x2: {  	[smem:$0x3F8E] =	sst lr;
	_ =	strace $0xD0000000  }
0x3: {  	_ = 	snop  }
0x4: {  	_ = 	snop  }
0x5: {  	_ = 	snop  }
0x6: {  	_ = 	snop  }
0x7: {  	_ = 	snop  }
__scs_overlays_trampoline_lowered:
0x8: {  	[smem:$0x3F9D] =	sst s0  }
0x9: {  	[smem:$0x3F9E] =	sst s1  }
0xa: {  	[smem:$0x3F9F] =	sst s2  }
0xb: {  	[smem:$0x3FA0] =	sst s3  }
0xc: {  	[smem:$0x3FA1] =	sst s4  }
0xd: {  	[smem:$0x3FA2] =	sst s5  }
0xe: {  	[smem:$0x3FA3] =	sst s6  }
0xf: {  	[smem:$0x3FA4] =	sst s7  }
0x10: {  	[smem:$0x3FA5] =	sst s8  }
0x11: {  	[smem:$0x3FA6] =	sst s9;
	s0 =	simm.s32 @!p0 $0x0  }
0x12: {  	s1 =	sld [smem:$0x3F8C];
	s0 =	simm.s32 @p0 $0x1  }
0x13: {  	[smem:$0x3FA7] =	sst s0;
	s0 =	simm.s32 @!p1 $0x0  }
0x14: {  	s2 =	sld [smem:$0x3F8B];
	s0 =	simm.s32 @p1 $0x1  }
0x15: {  	[smem:$0x3FA8] =	sst s0;
	s0 =	simm.s32 @!p2 $0x0  }
0x16: {  	s3 =	sld [smem:$0x3FDB];
	s0 =	simm.s32 @p2 $0x1  }
0x17: {  	s4 =	simm.s32 $0x1BF5;
	[smem:$0x3FAA] =	sst s0  }
0x18: {  	s0 =	sld [smem:$0x3F8D];
	_ =	swait.ge [sflag:s4], $0x0  }
0x19: {  	s7 =	sld [smem:$0x3F8E]  }
0x1a: {  	s8 =	sadd.s32 $0xFFFFE003, lr  }
0x1b: {  	s9 =	sadd.s32 $0xFFFFFEF7, lr;
	s5 =	simm.s32 $0xFFFFFFFF;
	p2 =	slt.u32 s8, $0xFFFFF086  }
0x1c: {  	p1 =	slt.u32 s9, $0xF7A;
	s5 =	simm.s32 @!p2 $0x0  }
0x1d: {  	s5 =	simm.s32 @p1 $0x1;
	p0 =	seq.s32 s7, s2  }
0x1e: {  	s7 =	smul.u32 @!p0 $0xF7A, s2;
	p2 =	seq.s32 @!p0 s5, $0x0  }
0x1f: {  	s9 =	smul.u32 $0xF7A, s1;
	s8 =	simm.s32 @!p0 $0x1BF5;
	p2 =	por !p2, p0  }
0x20: {  	[sflag:s8] =	ssyncset.s32 @!p0 $0xFFFFF086;
	s6 =	sadd.s32 @!p0 s3, s7;
	s7 =	simm.s32 @!p0 $0x108  }
0x21: {  	s3 =	sadd.s32 s3, s9;
	s6 =	sadd.s32 @!p0 $0x88, s6;
	s7 =	simm.s32 @p2 $0x1082  }
0x22: {  	[simem:s7], [sflag:s8] =	dma.local @!p0 [hbm:s6], $0xF7A  }
0x23: {  	s9 =	sor.u32 $0xD0000000, s2;
	s6 =	simm.s32 $0x108;
	_ =	swait.ge @!p0 [sflag:s8], $0x0  }
0x24: {  	s3 =	sadd.s32 $0x88, s3;
	s6 =	simm.s32 @!p1 $0x1082;
	[sflag:s4] =	ssyncset.s32 $0xFFFFF086  }
0x25: {  	[simem:s6], [sflag:s4] =	dma.local [hbm:s3], $0xF7A  }
0x26: {  	[smem:$0x3F8E] =	sst s1;
	(tag) =	ssettag s2;
	_ =	strace s9  }
0x27: {  	s1 =	sld [smem:$0x3F9E]  }
0x28: {  	s2 =	sld [smem:$0x3F9F]  }
0x29: {  	s4 =	sld [smem:$0x3FA1]  }
0x2a: {  	p0 =	seq.s32 s5, $0x0;
	s5 =	sld [smem:$0x3FA2]  }
0x2b: {  	s6 =	sld [smem:$0x3FA3]  }
0x2c: {  	s7 =	sld [smem:$0x3FA4]  }
0x2d: {  	s3 =	simm.s32 $0x108;
	s8 =	sld [smem:$0x3FA5]  }
0x2e: {  	s3 =	simm.s32 @!p0 $0x1082;
	s9 =	sld [smem:$0x3FA6]  }
0x2f: {  	lr =	sadd.s32 s0, s3;
	s0 =	sld [smem:$0x3F9D]  }
0x30: {  	s3 =	sld [smem:$0x3FA0]  }
0x31: {  	[smem:$0x3FA9] =	sst s10  }
0x32: {  	s10 =	sld [smem:$0x3FA7];
	_ =	sdelay $0x3  }
0x33: {  	p0 =	seq.s32 s10, $0x1;
	s10 =	sld [smem:$0x3FA9];
	_ =	sdelay $0x3  }
0x34: {  	[smem:$0x3FA9] =	sst s10  }
0x35: {  	s10 =	sld [smem:$0x3FA8];
	_ =	sdelay $0x3  }
0x36: {  	p1 =	seq.s32 s10, $0x1;
	s10 =	sld [smem:$0x3FA9];
	_ =	sdelay $0x3  }
0x37: {  	[smem:$0x3FA9] =	sst s10  }
0x38: {  	s10 =	sld [smem:$0x3FAA]  }
0x39: {  	_ = 	snop;
	(pc) =	sbr.ind lr, $3  }
0x3a: {  	_ = 	snop  }
0x3b: {  	_ = 	snop  }
0x3c: {  	p2 =	seq.s32 s10, $0x1;
	s10 =	sld [smem:$0x3FA9]  }
0x3d: {  	_ =	shalt  }
0x3e: {  	_ =	shalt  }
0x3f: {  	_ =	shalt  }
0x40: {  	_ =	shalt  }
0x41: {  	_ =	shalt  }
0x42: {  	_ =	shalt  }
0x43: {  	_ =	shalt  }
0x44: {  	_ =	shalt  }
0x45: {  	_ =	shalt  }
0x46: {  	_ =	shalt  }
0x47: {  	_ =	shalt  }
0x48: {  	_ =	shalt  }
0x49: {  	_ =	shalt  }
0x4a: {  	_ =	shalt  }
0x4b: {  	_ =	shalt  }
0x4c: {  	_ =	shalt  }
0x4d: {  	_ =	shalt  }
0x4e: {  	_ =	shalt  }
0x4f: {  	_ =	shalt  }
0x50: {  	_ =	shalt  }
0x51: {  	_ =	shalt  }
0x52: {  	_ =	shalt  }
0x53: {  	_ =	shalt  }
0x54: {  	_ =	shalt  }
0x55: {  	_ =	shalt  }
0x56: {  	_ =	shalt  }
0x57: {  	_ =	shalt  }
0x58: {  	_ =	shalt  }
0x59: {  	_ =	shalt  }
0x5a: {  	_ =	shalt  }
0x5b: {  	_ =	shalt  }
0x5c: {  	_ =	shalt  }
0x5d: {  	_ =	shalt  }
0x5e: {  	_ =	shalt  }
0x5f: {  	_ =	shalt  }
0x60: {  	_ =	shalt  }
0x61: {  	_ =	shalt  }
0x62: {  	_ =	shalt  }
0x63: {  	_ =	shalt  }
0x64: {  	_ =	shalt  }
0x65: {  	_ =	shalt  }
0x66: {  	_ =	shalt  }
0x67: {  	_ =	shalt  }
0x68: {  	_ =	shalt  }
0x69: {  	_ =	shalt  }
0x6a: {  	_ =	shalt  }
0x6b: {  	_ =	shalt  }
0x6c: {  	_ =	shalt  }
0x6d: {  	_ =	shalt  }
0x6e: {  	_ =	shalt  }
0x6f: {  	_ =	shalt  }
0x70: {  	_ =	shalt  }
0x71: {  	_ =	shalt  }
0x72: {  	_ =	shalt  }
0x73: {  	_ =	shalt  }
0x74: {  	_ =	shalt  }
0x75: {  	_ =	shalt  }
0x76: {  	_ =	shalt  }
0x77: {  	_ =	shalt  }
0x78: {  	_ =	shalt  }
0x79: {  	_ =	shalt  }
0x7a: {  	_ =	shalt  }
0x7b: {  	_ =	shalt  }
0x7c: {  	_ =	shalt  }
0x7d: {  	_ =	shalt  }
0x7e: {  	_ =	shalt  }
0x7f: {  	_ =	shalt  }
0x80: {  	_ =	shalt  }
0x81: {  	_ =	shalt  }
0x82: {  	_ =	shalt  }
0x83: {  	_ =	shalt  }
0x84: {  	_ =	shalt  }
0x85: {  	_ =	shalt  }
0x86: {  	_ =	shalt  }
0x87: {  	_ =	shalt  }
.Lfunc_end0:
.L_simem_size_0:
called_computation.2_lowered:
.L_overlay_start_0:
0x88: {  	s2 =	sld [smem:$0x3FD9]  }
0x89: {  	s3 =	sld [smem:$0x3FFE];
	_ =	sdelay $0x1  }
0x8a: {  	s1 =	srdreg.scid  }
0x8b: {  	s0 =	sand.u32 $0x1, s1  }
0x8c: {  	s16 =	sshll.u32 s0, $0xA;
	s2 =	sadd.s32 s3, s2  }
0x8d: {  	s2 =	sadd.s32 s2, s16  }
0x8e: {  	[smem:$0x3FB5] =	sst s2  }
0x8f: {  	_ = 	snop  }
0x90: {  	(tm) =	ssettm $0x1  }
0x91: {  	s17 =	sld [smem:$0x3FFB];
	_ =	sdelay $0x3  }
0x92: {  	_ =	strace s17  }
0x93: {  	s2 =	sld [smem:$0x3FFC];
	_ =	sdelay $0x3  }
0x94: {  	_ =	strace s2  }
0x95: {  	s2 =	sld [smem:$0x3FFD];
	_ =	sdelay $0x3  }
0x96: {  	_ =	strace s2  }
0x97: {  	_ =	strace $0x8FFFFFFF  }
0x98: {  	s18 =	sld [smem:$0x3FDB];
	_ =	sdelay $0x1  }
0x99: {  	s19 =	simm.s32 $_scs_section_size  }
0x9a: {  	s4 =	simm.s32 $_size__tile_overlayer_lowered;
	s5 =	simm.s32 $_tile_overlayer_lowered  }
0x9b: {  	s22 =	simm.s32 $0x1BFF;
	s21 =	sshll.u32 s5, $0x1;
	s2 =	sadd.s32 s19, s18  }
0x9c: {  	s6 =	simm.s32 $0x0;
	s20 =	sshll.u32 s4, $0x1;
	s4 =	sadd.s32 s21, s2  }
0x9d: {  	[timem:s6], [sflag:s22] =	dma.local [hbm:s4], s20  }
0x9e: {  	_ =	swait.ge [sflag:s22], s20  }
0x9f: {  	s3 =	ssub.s32 $0x0, s20;
	[sflag:s22] =	ssyncset.done $0x0  }
0xa0: {  	[sflag:s22] =	ssyncadd.s32 s3;
	_ =	sdelay $0x1  }
0xa1: {  	s23 =	simm.s32 $0x1B8B  }
0xa2: {  	_ =	swait.ge [sflag:s23], $0x1  }
0xa3: {  	[sflag:s23] =	ssyncset.done $0x0  }
0xa4: {  	s25 =	simm.s32 $0x1B8E;
	s24 =	sld [smem:$0x3FFE];
	[sflag:s23] =	ssyncadd.s32 $0xFFFFFFFF  }
0xa5: {  	s26 =	simm.s32 $execute0_lowered;
	[smem:$0x3FD2] =	sst s25  }
0xa6: {  	s4 =	sshll.u32 s26, $0x1;
	_ =	strace $0x8000004C;
	[dreg:$0x1] =	wrdreg $0xFFFFFFFF  }
0xa7: {  	s28 =	simm.s32 $_size_execute0_lowered;
	s2 =	sadd.s32 s2, s4;
	[dreg:$0x0] =	wrdreg $0x0  }
0xa8: {  	s4 =	sshll.u32 s28, $0x1;
	[dreg:$0x2] =	wrdreg s2  }
0xa9: {  	[dreg:$0x3] =	wrdreg s4  }
0xaa: {  	[dreg:$0x4] =	wrdreg $0xC0  }
0xab: {  	_ =	task [dreg:s6], $0x5FFFF  }
0xac: {  	[dreg:$0x1] =	wrdreg $0xFFFFFFFF  }
0xad: {  	[dreg:$0x0] =	wrdreg $0x60  }
0xae: {  	[dreg:$0x2] =	wrdreg s24  }
0xaf: {  	[dreg:$0x3] =	wrdreg $0x106800  }
0xb0: {  	[dreg:$0x4] =	wrdreg $0x9  }
0xb1: {  	_ =	task.clear_ibuf [dreg:s6], $0x5FFFF;
	_ =	strace $0x9000004C  }
0xb2: {  	s29 =	simm.s32 $0x9;
	_ =	strace $0x8000004E  }
0xb3: {  	_ =	swait.ge [sflag:s29], $0x1  }
0xb4: {  	[sflag:s29] =	ssyncadd.s32 $0xFFFFFFFF  }
0xb5: {  	_ =	strace $0x9000004E  }
0xb6: {  	_ =	sfence  }
0xb7: {  	s30 =	sld [smem:$0x0];
	_ =	sdelay $0x2  }
0xb8: {  	s31 =	sshll.u32 s1, $0xD;
	s1 =	sshrl.u32 s1, $0x2  }
0xb9: {  	s3 =	sand.u32 $0x4000, s31;
	s1 =	sadd.s32 s1, s30  }
0xba: {  	s0 =	sor.u32 s3, s0;
	s1 =	sshll.u32 s1, $0x11  }
0xbb: {  	s0 =	sor.u32 s1, s0  }
0xbc: {  	s0 =	sadd.s32 $0x8F2B, s0  }
0xbd: {  	[sflag:s0] =	ssyncadd.remote.s32 $0x1  }
0xbe: {  	_ =	sfence.sel $0xFFFF  }
0xbf: {  	[dreg:$0x0] =	wrdreg $0xFFFFFFFF;
	(pc) =	sbr.abs _section_cstart, $3  }
0xc0: {  	[dreg:$0x1] =	wrdreg $0xFFFFFFFF  }
0xc1: {  	_ =	task.clear_ibuf [dreg:s6], $0x2FFFF;
	_ =	strace $0x9FFFFFFF  }
0xc2: {  	(tm) =	ssettm $0x7FFFFFFF  }
0xc3: {  	_ =	shalt  }
tec
execute0_lowered:
.L_overlay_start_1:
0x0: {  	(tag) =	ssettag $0x1  }
0x1: {  	s0 =	rddreg [dreg:$0x0];
	s1 =	srdreg.scid  }
0x2: {  	s2 =	rddreg [dreg:$0x1];
	s8 =	stileid.u32;
	s3 =	simm.s32 $0x0  }
0x3: {  	s17 =	simm.s32 $0xA280;
	s18 =	simm.s32 $0x5;
	s20 =	simm.s32 $0x64  }
0x4: {  	s22 =	simm.s32 $0xBB80;
	s28 =	simm.s32 $0x1;
	s29 =	simm.s32 $0x2  }
0x5: {  	s30 =	simm.s32 $0x3;
	s31 =	simm.s32 $0x4;
	s5 =	smul.u32 $0x5140, s8  }
0x6: {  	s19 =	simm.s32 $0xA1B0;
	s21 =	simm.s32 $0xA218;
	s7 =	smul.u32 $0xA000, s8  }
0x7: {  	s1 =	sand.u32 $0x1, s1;
	[smem:$0x7FF] =	sst s3;
	s24 =	smul.u32 $0x28000, s8  }
0x8: {  	s4 =	smul.u32 $0xA0000, s1;
	_ =	strace $0x8000004D;
	s1 =	ssub.s32 $0x2, s1  }
0x9: {  	s5 =	sshrl.u32 s5, $0x3;
	s25 =	sshrl.u32 s1, $0x1;
	s26 =	sshrl.u32 s24, $0x2  }
0xa: {  	s24 =	simm.s32 $0xD480;
	s6 =	sshrl.u32 s4, $0x3;
	s4 =	sadd.s32 s7, s4  }
0xb: {  	s13 =	sadd.s32 s5, s0;
	s1 =	ssub.s32 s1, s25;
	s11 =	sadd.s32 s26, s2  }
0xc: {  	s26 =	simm.s32 $0xED80;
	s14 =	sadd.s32 s6, s0;
	s4 =	sshrl.u32 s4, $0x3  }
0xd: {  	s5 =	sadd.s32 $0x1400, s11;
	s6 =	sadd.s32 $0x2800, s11;
	s8 =	sadd.s32 $0x5000, s11  }
0xe: {  	s9 =	sadd.s32 $0x6400, s11;
	s10 =	sadd.s32 $0x7800, s11;
	s12 =	sadd.s32 $0x5800, s13  }
0xf: {  	s13 =	sadd.s32 $0xFA80, s13;
	s16 =	smax.u32 s1, $0x1;
	s1 =	simm.s32 $0xA148  }
0x10: {  	s0 =	sadd.s32 s4, s0;
	s4 =	sadd.s32 s7, s2;
	s7 =	sadd.s32 $0x3C00, s11  }
0x11: {  	v0 =	vimm.f32 $0.0e+00;
	s11 =	sadd.s32 $0x8C00, s11;
	s14 =	sadd.s32 $0x69E00, s14;
	s15 =	sadd.s32 $0x91E00, s0  }
.LBB2_1:
0x12: {  	s25 =	simm.s32 $0x100;
	s23 =	simm.s32 $0x0  }
.LBB2_2:
0x13: {  	p0 =	sne.s32 s25, $0x6300;
	[tilespmem:s23+$0xA2B0] =	vst v0;
	s0 =	smov.u32 s25;
	s25 =	sadd.s32 $0x100, s25  }
.Ltmp0:
0x14: {  	[tilespmem:s23+$0xA2A0] =	vst v0;
	(pc) =	sbr.rel @p0 .LBB2_2-.Ltmp0, $3  }
0x15: {  	[tilespmem:s23+$0xA280] =	vst v0  }
0x16: {  	[tilespmem:s23+$0xA290] =	vst v0;
	_ =	sdelay $0x1  }
0x17: {  	s23 =	sshra.s32 s0, $0x2  }
0x18: {  	[tilespmem:s23+$0xA2B0] =	vst v0  }
0x19: {  	[tilespmem:s23+$0xA2A0] =	vst v0  }
0x1a: {  	[tilespmem:s23+$0xA280] =	vst v0  }
0x1b: {  	[tilespmem:s23+$0xA290] =	vst v0  }
0x1c: {  	[spmem:s4] =	stream.linear.scatter [tilespmem:s17], [sflag:$0x5], $0x1400, $0x38;
	[tilespmem:$0x1A680] =	vst v63  }
0x1d: {  	_ =	swait.ge [sflag:s18], $0x1400  }
0x1e: {  	[sflag:s18] =	ssyncset.done $0x0  }
0x1f: {  	[sflag:s18] =	ssyncadd.s32 $0xFFFFEC00  }
0x20: {  	[spmem:s5] =	stream.linear.scatter [tilespmem:s17], [sflag:$0x5], $0x1400, $0x38;
	[tilespmem:$0x1A680] =	vst v63  }
0x21: {  	_ =	swait.ge [sflag:s18], $0x1400  }
0x22: {  	[sflag:s18] =	ssyncset.done $0x0  }
0x23: {  	[sflag:s18] =	ssyncadd.s32 $0xFFFFEC00  }
0x24: {  	[spmem:s6] =	stream.linear.scatter [tilespmem:s17], [sflag:$0x5], $0x1400, $0x38;
	[tilespmem:$0x1A680] =	vst v63  }
0x25: {  	_ =	swait.ge [sflag:s18], $0x1400  }
0x26: {  	[sflag:s18] =	ssyncset.done $0x0  }
0x27: {  	[sflag:s18] =	ssyncadd.s32 $0xFFFFEC00  }
0x28: {  	[spmem:s7] =	stream.linear.scatter [tilespmem:s17], [sflag:$0x5], $0x1400, $0x38;
	[tilespmem:$0x1A680] =	vst v63  }
0x29: {  	_ =	swait.ge [sflag:s18], $0x1400  }
0x2a: {  	[sflag:s18] =	ssyncset.done $0x0  }
0x2b: {  	[sflag:s18] =	ssyncadd.s32 $0xFFFFEC00  }
0x2c: {  	[spmem:s8] =	stream.linear.scatter [tilespmem:s17], [sflag:$0x5], $0x1400, $0x38;
	[tilespmem:$0x1A680] =	vst v63  }
0x2d: {  	_ =	swait.ge [sflag:s18], $0x1400  }
0x2e: {  	[sflag:s18] =	ssyncset.done $0x0  }
0x2f: {  	[sflag:s18] =	ssyncadd.s32 $0xFFFFEC00  }
0x30: {  	[spmem:s9] =	stream.linear.scatter [tilespmem:s17], [sflag:$0x5], $0x1400, $0x38;
	[tilespmem:$0x1A680] =	vst v63  }
0x31: {  	_ =	swait.ge [sflag:s18], $0x1400  }
0x32: {  	[sflag:s18] =	ssyncset.done $0x0  }
0x33: {  	[sflag:s18] =	ssyncadd.s32 $0xFFFFEC00  }
0x34: {  	[spmem:s10] =	stream.linear.scatter [tilespmem:s17], [sflag:$0x5], $0x1400, $0x38;
	[tilespmem:$0x1A680] =	vst v63  }
0x35: {  	_ =	swait.ge [sflag:s18], $0x1400  }
0x36: {  	[sflag:s18] =	ssyncset.done $0x0  }
0x37: {  	[sflag:s18] =	ssyncadd.s32 $0xFFFFEC00  }
0x38: {  	[spmem:s11] =	stream.linear.scatter [tilespmem:s17], [sflag:$0x5], $0x1400, $0x38;
	[tilespmem:$0x1A680] =	vst v63  }
0x39: {  	_ =	swait.ge [sflag:s18], $0x1400  }
0x3a: {  	[sflag:s18] =	ssyncset.done $0x0  }
0x3b: {  	[sflag:s18] =	ssyncadd.s32 $0xFFFFEC00  }
0x3c: {  	s0 =	simm.s32 $0x0;
	[bflag:$0x0] =	sbarrier.arrive $0xFFFF  }
0x3d: {  	[tilespmem:s0], [sflag:$0x5] =	stream.linear.gather [hbm4b:s12+s0], $0x5140, $0x38;
	[tilespmem:$0x1A680] =	vst v63  }
0x3e: {  	_ =	swait.ge [sflag:s18], $0x5140  }
0x3f: {  	[sflag:s18] =	ssyncset.done $0x0  }
0x40: {  	s25 =	simm.s32 $0x5140;
	[sflag:s18] =	ssyncadd.s32 $0xFFFFAEC0  }
0x41: {  	[tilespmem:s25], [sflag:$0x5] =	stream.linear.gather [hbm4b:s13+s0], $0x5140, $0x38;
	[tilespmem:$0x1A680] =	vst v63  }
0x42: {  	_ =	swait.ge [sflag:s18], $0x5140  }
0x43: {  	[sflag:s18] =	ssyncset.done $0x0  }
0x44: {  	[sflag:s18] =	ssyncadd.s32 $0xFFFFAEC0  }
0x45: {  	[tilespmem:s17], [sflag:$0x1] =	stream.indirect.gather [hbm4b:s14+s20], $0x40, s0, s20, $0xb8;
	[tilespmem:$0x1A680] =	vst v63  }
0x46: {  	s23 =	simm.s32 $0x68  }
0x47: {  	[tilespmem:s22], [sflag:$0x2] =	stream.indirect.gather [hbm4b:s14+s20], $0x40, s23, s20, $0xb8;
	[tilespmem:$0x1A680] =	vst v63  }
0x48: {  	s25 =	simm.s32 $0xD0  }
0x49: {  	[tilespmem:s24], [sflag:$0x3] =	stream.indirect.gather [hbm4b:s14+s20], $0x40, s25, s20, $0xb8;
	[tilespmem:$0x1A680] =	vst v63  }
0x4a: {  	s23 =	simm.s32 $0x138  }
0x4b: {  	[tilespmem:s26], [sflag:$0x4] =	stream.indirect.gather [hbm4b:s14+s20], $0x40, s23, s20, $0xb8;
	[tilespmem:$0x1A680] =	vst v63  }
0x4c: {  	_ =	swait.ge [sflag:s28], $0x1900  }
0x4d: {  	[sflag:s28] =	ssyncset.done $0x0  }
0x4e: {  	s25 =	simm.s32 $0x5140;
	[sflag:s28] =	ssyncadd.s32 $0xFFFFE700  }
0x4f: {  	[spmem:s2] =	stream.indirect.scatter.add.f32 [tilespmem:s17], [sflag:$0x5], $0x40, s25, s20, $0xb8;
	[tilespmem:$0x1A680] =	vst v63  }
0x50: {  	_ =	swait.ge [sflag:s18], $0x1900  }
0x51: {  	[sflag:s18] =	ssyncset.done $0x0  }
0x52: {  	s23 =	simm.s32 $0x1A0;
	[sflag:s18] =	ssyncadd.s32 $0xFFFFE700  }
0x53: {  	[tilespmem:s17], [sflag:$0x1] =	stream.indirect.gather [hbm4b:s14+s20], $0x40, s23, s20, $0xb8;
	[tilespmem:$0x1A680] =	vst v63  }
0x54: {  	_ =	swait.ge [sflag:s29], $0x1900  }
0x55: {  	[sflag:s29] =	ssyncset.done $0x0  }
0x56: {  	s25 =	simm.s32 $0x51A8;
	[sflag:s29] =	ssyncadd.s32 $0xFFFFE700  }
0x57: {  	[spmem:s2] =	stream.indirect.scatter.add.f32 [tilespmem:s22], [sflag:$0x5], $0x40, s25, s20, $0xb8;
	[tilespmem:$0x1A680] =	vst v63  }
0x58: {  	_ =	swait.ge [sflag:s18], $0x1900  }
0x59: {  	[sflag:s18] =	ssyncset.done $0x0  }
0x5a: {  	s23 =	simm.s32 $0x208;
	[sflag:s18] =	ssyncadd.s32 $0xFFFFE700  }
0x5b: {  	[tilespmem:s22], [sflag:$0x2] =	stream.indirect.gather [hbm4b:s14+s20], $0x40, s23, s20, $0xb8;
	[tilespmem:$0x1A680] =	vst v63  }
0x5c: {  	_ =	swait.ge [sflag:s30], $0x1900  }
0x5d: {  	[sflag:s30] =	ssyncset.done $0x0  }
0x5e: {  	s25 =	simm.s32 $0x5210;
	[sflag:s30] =	ssyncadd.s32 $0xFFFFE700  }
0x5f: {  	[spmem:s2] =	stream.indirect.scatter.add.f32 [tilespmem:s24], [sflag:$0x5], $0x40, s25, s20, $0xb8;
	[tilespmem:$0x1A680] =	vst v63  }
0x60: {  	_ =	swait.ge [sflag:s18], $0x1900  }
0x61: {  	[sflag:s18] =	ssyncset.done $0x0  }
0x62: {  	s23 =	simm.s32 $0x270;
	[sflag:s18] =	ssyncadd.s32 $0xFFFFE700  }
0x63: {  	[tilespmem:s24], [sflag:$0x3] =	stream.indirect.gather [hbm4b:s14+s20], $0x40, s23, s20, $0xb8;
	[tilespmem:$0x1A680] =	vst v63  }
0x64: {  	_ =	swait.ge [sflag:s31], $0x1900  }
0x65: {  	[sflag:s31] =	ssyncset.done $0x0  }
0x66: {  	s25 =	simm.s32 $0x5278;
	[sflag:s31] =	ssyncadd.s32 $0xFFFFE700  }
0x67: {  	[spmem:s2] =	stream.indirect.scatter.add.f32 [tilespmem:s26], [sflag:$0x5], $0x40, s25, s20, $0xb8;
	[tilespmem:$0x1A680] =	vst v63  }
0x68: {  	_ =	swait.ge [sflag:s18], $0x1900  }
0x69: {  	[sflag:s18] =	ssyncset.done $0x0  }
0x6a: {  	s23 =	simm.s32 $0x680;
	s25 =	simm.s32 $0x2D8;
	[sflag:s18] =	ssyncadd.s32 $0xFFFFE700  }
.LBB2_4:
0x6b: {  	[tilespmem:s26], [sflag:$0x4] =	stream.indirect.gather [hbm4b:s14+s20], $0x40, s25, s20, $0xb8;
	[tilespmem:$0x1A680] =	vst v63  }
0x6c: {  	s0 =	smov.u32 s23  }
0x6d: {  	p0 =	sne.s32 s23, $0x13800;
	s23 =	sadd.s32 $0x680, s23;
	_ =	swait.ge [sflag:s28], $0x1900  }
0x6e: {  	s25 =	sshra.s32 s0, $0x2;
	[sflag:s28] =	ssyncset.done $0x0  }
0x6f: {  	s0 =	sadd.s32 $0x5140, s25;
	[sflag:s28] =	ssyncadd.s32 $0xFFFFE700  }
0x70: {  	[spmem:s2] =	stream.indirect.scatter.add.f32 [tilespmem:s17], [sflag:$0x5], $0x40, s0, s20, $0xb8;
	[tilespmem:$0x1A680] =	vst v63  }
0x71: {  	_ =	swait.ge [sflag:s18], $0x1900  }
0x72: {  	[sflag:s18] =	ssyncset.done $0x0  }
0x73: {  	s0 =	sadd.s32 $0x1A0, s25;
	[sflag:s18] =	ssyncadd.s32 $0xFFFFE700  }
0x74: {  	[tilespmem:s17], [sflag:$0x1] =	stream.indirect.gather [hbm4b:s14+s20], $0x40, s0, s20, $0xb8;
	[tilespmem:$0x1A680] =	vst v63  }
0x75: {  	_ =	swait.ge [sflag:s29], $0x1900  }
0x76: {  	[sflag:s29] =	ssyncset.done $0x0  }
0x77: {  	s0 =	sadd.s32 $0x51A8, s25;
	[sflag:s29] =	ssyncadd.s32 $0xFFFFE700  }
0x78: {  	[spmem:s2] =	stream.indirect.scatter.add.f32 [tilespmem:s22], [sflag:$0x5], $0x40, s0, s20, $0xb8;
	[tilespmem:$0x1A680] =	vst v63  }
0x79: {  	_ =	swait.ge [sflag:s18], $0x1900  }
0x7a: {  	[sflag:s18] =	ssyncset.done $0x0  }
0x7b: {  	s0 =	sadd.s32 $0x208, s25;
	[sflag:s18] =	ssyncadd.s32 $0xFFFFE700  }
0x7c: {  	[tilespmem:s22], [sflag:$0x2] =	stream.indirect.gather [hbm4b:s14+s20], $0x40, s0, s20, $0xb8;
	[tilespmem:$0x1A680] =	vst v63  }
0x7d: {  	_ =	swait.ge [sflag:s30], $0x1900  }
0x7e: {  	[sflag:s30] =	ssyncset.done $0x0  }
0x7f: {  	s0 =	sadd.s32 $0x5210, s25;
	[sflag:s30] =	ssyncadd.s32 $0xFFFFE700  }
0x80: {  	[spmem:s2] =	stream.indirect.scatter.add.f32 [tilespmem:s24], [sflag:$0x5], $0x40, s0, s20, $0xb8;
	[tilespmem:$0x1A680] =	vst v63  }
0x81: {  	_ =	swait.ge [sflag:s18], $0x1900  }
0x82: {  	[sflag:s18] =	ssyncset.done $0x0  }
0x83: {  	s0 =	sadd.s32 $0x270, s25;
	[sflag:s18] =	ssyncadd.s32 $0xFFFFE700  }
0x84: {  	[tilespmem:s24], [sflag:$0x3] =	stream.indirect.gather [hbm4b:s14+s20], $0x40, s0, s20, $0xb8;
	[tilespmem:$0x1A680] =	vst v63  }
0x85: {  	_ =	swait.ge [sflag:s31], $0x1900  }
0x86: {  	[sflag:s31] =	ssyncset.done $0x0  }
.Ltmp1:
0x87: {  	s0 =	sadd.s32 $0x5278, s25;
	[sflag:s31] =	ssyncadd.s32 $0xFFFFE700;
	(pc) =	sbr.rel @p0 .LBB2_4-.Ltmp1, $4  }
0x88: {  	[spmem:s2] =	stream.indirect.scatter.add.f32 [tilespmem:s26], [sflag:$0x5], $0x40, s0, s20, $0xb8;
	[tilespmem:$0x1A680] =	vst v63  }
0x89: {  	_ =	swait.ge [sflag:s18], $0x1900  }
0x8a: {  	[sflag:s18] =	ssyncset.done $0x0  }
0x8b: {  	s25 =	sadd.s32 $0x2D8, s25;
	[sflag:s18] =	ssyncadd.s32 $0xFFFFE700  }
0x8c: {  	[tilespmem:s26], [sflag:$0x4] =	stream.indirect.gather [hbm4b:s14+s20], $0x40, s25, s20, $0xb8;
	[tilespmem:$0x1A680] =	vst v63  }
0x8d: {  	_ =	swait.ge [sflag:s28], $0x1900  }
0x8e: {  	[sflag:s28] =	ssyncset.done $0x0  }
0x8f: {  	s0 =	simm.s32 $0xA0E0;
	[sflag:s28] =	ssyncadd.s32 $0xFFFFE700  }
0x90: {  	[spmem:s2] =	stream.indirect.scatter.add.f32 [tilespmem:s17], [sflag:$0x5], $0x40, s0, s20, $0xb8;
	[tilespmem:$0x1A680] =	vst v63  }
0x91: {  	_ =	swait.ge [sflag:s18], $0x1900  }
0x92: {  	[sflag:s18] =	ssyncset.done $0x0  }
0x93: {  	[sflag:s18] =	ssyncadd.s32 $0xFFFFE700  }
0x94: {  	_ =	swait.ge [sflag:s29], $0x1900  }
0x95: {  	[sflag:s29] =	ssyncset.done $0x0  }
0x96: {  	[sflag:s29] =	ssyncadd.s32 $0xFFFFE700  }
0x97: {  	[spmem:s2] =	stream.indirect.scatter.add.f32 [tilespmem:s22], [sflag:$0x5], $0x40, s1, s20, $0xb8;
	[tilespmem:$0x1A680] =	vst v63  }
0x98: {  	_ =	swait.ge [sflag:s18], $0x1900  }
0x99: {  	[sflag:s18] =	ssyncset.done $0x0  }
0x9a: {  	[sflag:s18] =	ssyncadd.s32 $0xFFFFE700  }
0x9b: {  	_ =	swait.ge [sflag:s30], $0x1900  }
0x9c: {  	[sflag:s30] =	ssyncset.done $0x0  }
0x9d: {  	[sflag:s30] =	ssyncadd.s32 $0xFFFFE700  }
0x9e: {  	[spmem:s2] =	stream.indirect.scatter.add.f32 [tilespmem:s24], [sflag:$0x5], $0x40, s19, s20, $0xb8;
	[tilespmem:$0x1A680] =	vst v63  }
0x9f: {  	_ =	swait.ge [sflag:s18], $0x1900  }
0xa0: {  	[sflag:s18] =	ssyncset.done $0x0  }
0xa1: {  	[sflag:s18] =	ssyncadd.s32 $0xFFFFE700  }
0xa2: {  	_ =	swait.ge [sflag:s31], $0x1900  }
0xa3: {  	[sflag:s31] =	ssyncset.done $0x0  }
0xa4: {  	[sflag:s31] =	ssyncadd.s32 $0xFFFFE700  }
0xa5: {  	[spmem:s2] =	stream.indirect.scatter.add.f32 [tilespmem:s26], [sflag:$0x5], $0x40, s21, s20, $0xb8;
	[tilespmem:$0x1A680] =	vst v63  }
0xa6: {  	s25 =	stileid.u32;
	_ =	swait.ge [sflag:s18], $0x1900  }
0xa7: {  	s23 =	sshrl.u32 s4, $0x3;
	s3 =	sadd.s32 $0x1, s3;
	[sflag:s18] =	ssyncset.done $0x0  }
0xa8: {  	p0 =	sne.s32 s3, s16;
	s0 =	sshll.u32 s25, $0x6;
	[sflag:s18] =	ssyncadd.s32 $0xFFFFE700  }
.Ltmp2:
0xa9: {  	s0 =	sor.u32 $0x1C05, s0;
	[bflag:$0x0] =	sbarrier.arrive $0xFFFF;
	(pc) =	sbr.rel @p0 .LBB2_1-.Ltmp2, $4  }
0xaa: {  	[hbm:s15], [sflag:s0] =	dma.local [spmem:s23], $0x1400  }
0xab: {  	_ =	swait.ge [sflag:s18], $0x1400  }
0xac: {  	[sflag:s18] =	ssyncset.done $0x0  }
0xad: {  	[sflag:s18] =	ssyncadd.s32 $0xFFFFEC00  }
0xae: {  	_ =	sfence.sel $0x180000  }
0xaf: {  	[bflag:$0x0] =	sbarrier.arrive $0xFFFF  }
0xb0: {  	_ =	strace $0x9000004D  }
0xb1: {  	s0 =	stileid.u32;
	[bflag:$0x2] =	sbarrier.arrive $0xFFFF  }
0xb2: {  	p0 =	sne.s32 s0, $0x0;
	s0 =	rddreg [dreg:$0x2]  }
0xb3: {  	s0 =	sadd.s32 @!p0 $0x100000, s0  }
0xb4: {  	[sflag:s0] =	ssyncadd.tile.s32 @!p0 $0x1;
	_ =	shalt  }
.Lfunc_end2:
_tile_overlayer_lowered:
.L_overlay_start_2:
0xb5: {  	(tag) =	ssettag $0x2  }
0xb6: {  	s0 =	rddreg [dreg:$0x0];
	s2 =	stileid.u32  }
0xb7: {  	s1 =	rddreg [dreg:$0x1];
	p0 =	sne.s32 s2, $0x0  }
0xb8: {  	s3 =	rddreg [dreg:$0x2];
	[bflag:$0x3] =	sbarrier.arrive $0xFFFF;
	s2 =	simm.s32 @!p0 $0x1C05  }
0xb9: {  	[timem:s3], [sflag:s2] =	dma.local @!p0 [hbm:s0], s1  }
0xba: {  	s0 =	simm.s32 @!p0 $0x5  }
0xbb: {  	_ =	swait.ge @!p0 [sflag:s0], s1  }
0xbc: {  	s1 =	ssub.s32 @!p0 $0x0, s1;
	[sflag:s0] =	ssyncset.done @!p0 $0x0  }
0xbd: {  	[sflag:s0] =	ssyncadd.s32 @!p0 s1  }
0xbe: {  	[bflag:$0x3] =	sbarrier.arrive $0xFFFF  }
0xbf: {  	_ =	shalt  }

// kernel: kernel.9.cloned.1.call-start
scs
__scs_entry_jumppad:
0x0: {  	(pc) =	sbr.rel $0x88, $3  }
0x1: {  	(tag) =	ssettag $0x0;
	lr =	simm.s32 $0x1  }
0x2: {  	[smem:$0x3F8E] =	sst lr;
	_ =	strace $0xD0000000  }
0x3: {  	_ = 	snop  }
0x4: {  	_ = 	snop  }
0x5: {  	_ = 	snop  }
0x6: {  	_ = 	snop  }
0x7: {  	_ = 	snop  }
__scs_overlays_trampoline_lowered:
0x8: {  	[smem:$0x3F9D] =	sst s0  }
0x9: {  	[smem:$0x3F9E] =	sst s1  }
0xa: {  	[smem:$0x3F9F] =	sst s2  }
0xb: {  	[smem:$0x3FA0] =	sst s3  }
0xc: {  	[smem:$0x3FA1] =	sst s4  }
0xd: {  	[smem:$0x3FA2] =	sst s5  }
0xe: {  	[smem:$0x3FA3] =	sst s6  }
0xf: {  	[smem:$0x3FA4] =	sst s7  }
0x10: {  	[smem:$0x3FA5] =	sst s8  }
0x11: {  	[smem:$0x3FA6] =	sst s9;
	s0 =	simm.s32 @!p0 $0x0  }
0x12: {  	s1 =	sld [smem:$0x3F8C];
	s0 =	simm.s32 @p0 $0x1  }
0x13: {  	[smem:$0x3FA7] =	sst s0;
	s0 =	simm.s32 @!p1 $0x0  }
0x14: {  	s2 =	sld [smem:$0x3F8B];
	s0 =	simm.s32 @p1 $0x1  }
0x15: {  	[smem:$0x3FA8] =	sst s0;
	s0 =	simm.s32 @!p2 $0x0  }
0x16: {  	s3 =	sld [smem:$0x3FDB];
	s0 =	simm.s32 @p2 $0x1  }
0x17: {  	s4 =	simm.s32 $0x1BF5;
	[smem:$0x3FAA] =	sst s0  }
0x18: {  	s0 =	sld [smem:$0x3F8D];
	_ =	swait.ge [sflag:s4], $0x0  }
0x19: {  	s7 =	sld [smem:$0x3F8E]  }
0x1a: {  	s8 =	sadd.s32 $0xFFFFE003, lr  }
0x1b: {  	s9 =	sadd.s32 $0xFFFFFEF7, lr;
	s5 =	simm.s32 $0xFFFFFFFF;
	p2 =	slt.u32 s8, $0xFFFFF086  }
0x1c: {  	p1 =	slt.u32 s9, $0xF7A;
	s5 =	simm.s32 @!p2 $0x0  }
0x1d: {  	s5 =	simm.s32 @p1 $0x1;
	p0 =	seq.s32 s7, s2  }
0x1e: {  	s7 =	smul.u32 @!p0 $0xF7A, s2;
	p2 =	seq.s32 @!p0 s5, $0x0  }
0x1f: {  	s9 =	smul.u32 $0xF7A, s1;
	s8 =	simm.s32 @!p0 $0x1BF5;
	p2 =	por !p2, p0  }
0x20: {  	[sflag:s8] =	ssyncset.s32 @!p0 $0xFFFFF086;
	s6 =	sadd.s32 @!p0 s3, s7;
	s7 =	simm.s32 @!p0 $0x108  }
0x21: {  	s3 =	sadd.s32 s3, s9;
	s6 =	sadd.s32 @!p0 $0x88, s6;
	s7 =	simm.s32 @p2 $0x1082  }
0x22: {  	[simem:s7], [sflag:s8] =	dma.local @!p0 [hbm:s6], $0xF7A  }
0x23: {  	s9 =	sor.u32 $0xD0000000, s2;
	s6 =	simm.s32 $0x108;
	_ =	swait.ge @!p0 [sflag:s8], $0x0  }
0x24: {  	s3 =	sadd.s32 $0x88, s3;
	s6 =	simm.s32 @!p1 $0x1082;
	[sflag:s4] =	ssyncset.s32 $0xFFFFF086  }
0x25: {  	[simem:s6], [sflag:s4] =	dma.local [hbm:s3], $0xF7A  }
0x26: {  	[smem:$0x3F8E] =	sst s1;
	(tag) =	ssettag s2;
	_ =	strace s9  }
0x27: {  	s1 =	sld [smem:$0x3F9E]  }
0x28: {  	s2 =	sld [smem:$0x3F9F]  }
0x29: {  	s4 =	sld [smem:$0x3FA1]  }
0x2a: {  	p0 =	seq.s32 s5, $0x0;
	s5 =	sld [smem:$0x3FA2]  }
0x2b: {  	s6 =	sld [smem:$0x3FA3]  }
0x2c: {  	s7 =	sld [smem:$0x3FA4]  }
0x2d: {  	s3 =	simm.s32 $0x108;
	s8 =	sld [smem:$0x3FA5]  }
0x2e: {  	s3 =	simm.s32 @!p0 $0x1082;
	s9 =	sld [smem:$0x3FA6]  }
0x2f: {  	lr =	sadd.s32 s0, s3;
	s0 =	sld [smem:$0x3F9D]  }
0x30: {  	s3 =	sld [smem:$0x3FA0]  }
0x31: {  	[smem:$0x3FA9] =	sst s10  }
0x32: {  	s10 =	sld [smem:$0x3FA7];
	_ =	sdelay $0x3  }
0x33: {  	p0 =	seq.s32 s10, $0x1;
	s10 =	sld [smem:$0x3FA9];
	_ =	sdelay $0x3  }
0x34: {  	[smem:$0x3FA9] =	sst s10  }
0x35: {  	s10 =	sld [smem:$0x3FA8];
	_ =	sdelay $0x3  }
0x36: {  	p1 =	seq.s32 s10, $0x1;
	s10 =	sld [smem:$0x3FA9];
	_ =	sdelay $0x3  }
0x37: {  	[smem:$0x3FA9] =	sst s10  }
0x38: {  	s10 =	sld [smem:$0x3FAA]  }
0x39: {  	_ = 	snop;
	(pc) =	sbr.ind lr, $3  }
0x3a: {  	_ = 	snop  }
0x3b: {  	_ = 	snop  }
0x3c: {  	p2 =	seq.s32 s10, $0x1;
	s10 =	sld [smem:$0x3FA9]  }
0x3d: {  	_ =	shalt  }
0x3e: {  	_ =	shalt  }
0x3f: {  	_ =	shalt  }
0x40: {  	_ =	shalt  }
0x41: {  	_ =	shalt  }
0x42: {  	_ =	shalt  }
0x43: {  	_ =	shalt  }
0x44: {  	_ =	shalt  }
0x45: {  	_ =	shalt  }
0x46: {  	_ =	shalt  }
0x47: {  	_ =	shalt  }
0x48: {  	_ =	shalt  }
0x49: {  	_ =	shalt  }
0x4a: {  	_ =	shalt  }
0x4b: {  	_ =	shalt  }
0x4c: {  	_ =	shalt  }
0x4d: {  	_ =	shalt  }
0x4e: {  	_ =	shalt  }
0x4f: {  	_ =	shalt  }
0x50: {  	_ =	shalt  }
0x51: {  	_ =	shalt  }
0x52: {  	_ =	shalt  }
0x53: {  	_ =	shalt  }
0x54: {  	_ =	shalt  }
0x55: {  	_ =	shalt  }
0x56: {  	_ =	shalt  }
0x57: {  	_ =	shalt  }
0x58: {  	_ =	shalt  }
0x59: {  	_ =	shalt  }
0x5a: {  	_ =	shalt  }
0x5b: {  	_ =	shalt  }
0x5c: {  	_ =	shalt  }
0x5d: {  	_ =	shalt  }
0x5e: {  	_ =	shalt  }
0x5f: {  	_ =	shalt  }
0x60: {  	_ =	shalt  }
0x61: {  	_ =	shalt  }
0x62: {  	_ =	shalt  }
0x63: {  	_ =	shalt  }
0x64: {  	_ =	shalt  }
0x65: {  	_ =	shalt  }
0x66: {  	_ =	shalt  }
0x67: {  	_ =	shalt  }
0x68: {  	_ =	shalt  }
0x69: {  	_ =	shalt  }
0x6a: {  	_ =	shalt  }
0x6b: {  	_ =	shalt  }
0x6c: {  	_ =	shalt  }
0x6d: {  	_ =	shalt  }
0x6e: {  	_ =	shalt  }
0x6f: {  	_ =	shalt  }
0x70: {  	_ =	shalt  }
0x71: {  	_ =	shalt  }
0x72: {  	_ =	shalt  }
0x73: {  	_ =	shalt  }
0x74: {  	_ =	shalt  }
0x75: {  	_ =	shalt  }
0x76: {  	_ =	shalt  }
0x77: {  	_ =	shalt  }
0x78: {  	_ =	shalt  }
0x79: {  	_ =	shalt  }
0x7a: {  	_ =	shalt  }
0x7b: {  	_ =	shalt  }
0x7c: {  	_ =	shalt  }
0x7d: {  	_ =	shalt  }
0x7e: {  	_ =	shalt  }
0x7f: {  	_ =	shalt  }
0x80: {  	_ =	shalt  }
0x81: {  	_ =	shalt  }
0x82: {  	_ =	shalt  }
0x83: {  	_ =	shalt  }
0x84: {  	_ =	shalt  }
0x85: {  	_ =	shalt  }
0x86: {  	_ =	shalt  }
0x87: {  	_ =	shalt  }
.Lfunc_end0:
.L_simem_size_0:
called_computation_lowered:
.L_overlay_start_0:
0x88: {  	s2 =	sld [smem:$0x3FD9]  }
0x89: {  	s3 =	sld [smem:$0x3FFE];
	_ =	sdelay $0x1  }
0x8a: {  	s1 =	srdreg.scid  }
0x8b: {  	s0 =	sand.u32 $0x1, s1  }
0x8c: {  	s14 =	sshll.u32 s0, $0xA;
	s2 =	sadd.s32 s3, s2  }
0x8d: {  	s2 =	sadd.s32 s2, s14  }
0x8e: {  	[smem:$0x3FB5] =	sst s2  }
0x8f: {  	_ = 	snop  }
0x90: {  	s2 =	sld [smem:$0x3FD0];
	_ =	sdelay $0x2  }
0x91: {  	s15 =	simm.s32 $0xA;
	s4 =	simm.s32 $0x10  }
0x92: {  	[smem:s4], [sflag:s15] =	dma.local [hbm:s2], $0x1  }
0x93: {  	_ =	swait.eq [sflag:s15], $0x1  }
0x94: {  	[sflag:s15] =	ssyncset.done $0x0  }
0x95: {  	[sflag:s15] =	ssyncadd.s32 $0xFFFFFFFF  }
0x96: {  	s16 =	sld [smem:$0x12];
	(tm) =	ssettm $0x1  }
0x97: {  	s17 =	sld [smem:$0x3FFB];
	_ =	sdelay $0x3  }
0x98: {  	_ =	strace s17  }
0x99: {  	s3 =	sld [smem:$0x3FFC];
	_ =	sdelay $0x3  }
0x9a: {  	_ =	strace s3  }
0x9b: {  	s3 =	sld [smem:$0x3FFD];
	_ =	sdelay $0x3  }
0x9c: {  	_ =	strace s3  }
0x9d: {  	_ =	strace $0x8FFFFFFF  }
0x9e: {  	s18 =	sld [smem:$0x3FDB];
	_ =	sdelay $0x1  }
0x9f: {  	s19 =	simm.s32 $_scs_section_size  }
0xa0: {  	s5 =	simm.s32 $_size__tile_overlayer_lowered;
	s6 =	simm.s32 $_tile_overlayer_lowered  }
0xa1: {  	s22 =	simm.s32 $0x1BFF;
	s21 =	sshll.u32 s6, $0x1;
	s3 =	sadd.s32 s19, s18  }
0xa2: {  	s7 =	simm.s32 $0x0;
	s20 =	sshll.u32 s5, $0x1;
	s5 =	sadd.s32 s21, s3  }
0xa3: {  	[timem:s7], [sflag:s22] =	dma.local [hbm:s5], s20  }
0xa4: {  	_ =	swait.ge [sflag:s22], s20  }
0xa5: {  	s4 =	ssub.s32 $0x0, s20;
	[sflag:s22] =	ssyncset.done $0x0  }
0xa6: {  	[sflag:s22] =	ssyncadd.s32 s4;
	_ =	sdelay $0x1  }
0xa7: {  	s23 =	simm.s32 $0x1B8B  }
0xa8: {  	_ =	swait.ge [sflag:s23], $0x1  }
0xa9: {  	[sflag:s23] =	ssyncset.done $0x0  }
0xaa: {  	s25 =	simm.s32 $0x1B8E;
	s24 =	sld [smem:$0x3FFE];
	[sflag:s23] =	ssyncadd.s32 $0xFFFFFFFF  }
0xab: {  	s26 =	simm.s32 $execute0_lowered;
	[smem:$0x3FD2] =	sst s25  }
0xac: {  	s5 =	sshll.u32 s26, $0x1;
	_ =	strace $0x80000046;
	[dreg:$0x1] =	wrdreg $0xFFFFFFFF  }
0xad: {  	s28 =	simm.s32 $_size_execute0_lowered;
	s3 =	sadd.s32 s3, s5;
	[dreg:$0x0] =	wrdreg $0x0  }
0xae: {  	s5 =	sshll.u32 s28, $0x1;
	[dreg:$0x2] =	wrdreg s3  }
0xaf: {  	[dreg:$0x3] =	wrdreg s5  }
0xb0: {  	[dreg:$0x4] =	wrdreg $0xC0  }
0xb1: {  	_ =	task [dreg:s7], $0x5FFFF  }
0xb2: {  	[dreg:$0x1] =	wrdreg $0xFFFFFFFF  }
0xb3: {  	[dreg:$0x0] =	wrdreg $0x60  }
0xb4: {  	[dreg:$0x2] =	wrdreg s16  }
0xb5: {  	[dreg:$0x3] =	wrdreg s24  }
0xb6: {  	[dreg:$0x4] =	wrdreg $0x2B900  }
0xb7: {  	[dreg:$0x5] =	wrdreg $0x2E100  }
0xb8: {  	[dreg:$0x6] =	wrdreg $0x9  }
0xb9: {  	_ =	task.clear_ibuf [dreg:s7], $0x7FFFF;
	_ =	strace $0x90000046  }
0xba: {  	s29 =	simm.s32 $0x9;
	_ =	strace $0x80000048  }
0xbb: {  	_ =	swait.ge [sflag:s29], $0x1  }
0xbc: {  	[sflag:s29] =	ssyncadd.s32 $0xFFFFFFFF  }
0xbd: {  	_ =	strace $0x90000048  }
0xbe: {  	_ =	sfence  }
0xbf: {  	s30 =	sld [smem:$0x0];
	_ =	sdelay $0x2  }
0xc0: {  	s31 =	sshll.u32 s1, $0xD;
	s1 =	sshrl.u32 s1, $0x2  }
0xc1: {  	s3 =	sand.u32 $0x4000, s31;
	s1 =	sadd.s32 s1, s30  }
0xc2: {  	s0 =	sor.u32 s3, s0;
	s1 =	sshll.u32 s1, $0x11  }
0xc3: {  	s0 =	sor.u32 s1, s0  }
0xc4: {  	s0 =	sadd.s32 $0x8F2B, s0  }
0xc5: {  	[sflag:s0] =	ssyncadd.remote.s32 $0x1  }
0xc6: {  	_ =	sfence.sel $0xFFFF  }
0xc7: {  	[dreg:$0x0] =	wrdreg $0xFFFFFFFF;
	(pc) =	sbr.abs _section_cstart, $3  }
0xc8: {  	[dreg:$0x1] =	wrdreg $0xFFFFFFFF  }
0xc9: {  	_ =	task.clear_ibuf [dreg:s7], $0x2FFFF;
	_ =	strace $0x9FFFFFFF  }
0xca: {  	(tm) =	ssettm $0x7FFFFFFF  }
0xcb: {  	_ =	shalt  }
tec
execute0_lowered:
.L_overlay_start_1:
0x0: {  	(tag) =	ssettag $0x1  }
0x1: {  	s7 =	rddreg [dreg:$0x0]  }
0x2: {  	s5 =	rddreg [dreg:$0x1]  }
0x3: {  	s1 =	srdreg.scid;
	s2 =	rddreg [dreg:$0x2]  }
0x4: {  	s0 =	stileid.u32;
	s3 =	rddreg [dreg:$0x3];
	s4 =	simm.s32 $0x0  }
0x5: {  	s14 =	simm.s32 $0x64;
	s15 =	simm.s32 $0x28A0;
	s16 =	simm.s32 $0x68  }
0x6: {  	s17 =	simm.s32 $0xD0;
	s18 =	simm.s32 $0x138;
	s19 =	simm.s32 $0x1A0  }
0x7: {  	s20 =	simm.s32 $0x1;
	s24 =	simm.s32 $0x0;
	s8 =	smul.u32 $0x5140, s0  }
0x8: {  	s6 =	sand.u32 $0x1, s1;
	s1 =	rddreg [dreg:$0x4];
	s10 =	smul.u32 $0x280, s0  }
0x9: {  	[smem:$0x7FF] =	sst s4;
	s21 =	sshll.u32 s0, $0x6;
	s9 =	smul.u32 $0x28A0, s6  }
0xa: {  	s11 =	smul.u32 $0x2800, s6;
	_ =	strace $0x80000047;
	s6 =	ssub.s32 $0x2, s6  }
0xb: {  	s21 =	sor.u32 $0x1C02, s21;
	s31 =	sshrl.u32 s6, $0x1;
	s8 =	sadd.s32 s8, s9  }
0xc: {  	s30 =	sadd.s32 s10, s11;
	s11 =	ssub.s32 s6, s31;
	s6 =	sadd.s32 s10, s3  }
0xd: {  	s8 =	sshrl.u32 s8, $0x3;
	s9 =	sshrl.u32 s30, $0x3;
	s11 =	smax.u32 s11, $0x1  }
0xe: {  	s23 =	sshrl.u32 s6, $0x3;
	s8 =	sadd.s32 $0xA280, s8;
	s13 =	sadd.s32 s9, s5  }
0xf: {  	s12 =	sadd.s32 s8, s5;
	s5 =	sadd.s32 s10, s2;
	s7 =	sadd.s32 s7, s8  }
0x10: {  	s9 =	sadd.s32 $0x19E00, s13;
	s10 =	sadd.s32 $0x1A800, s13;
	s13 =	simm.s32 $0x2  }
0x11: {  	v0 =	vimm.f32 $0.0e+00;
	v1 =	vimm.f32 $1.000000000e+00;
	s8 =	sadd.s32 $0x5800, s12;
	s12 =	simm.s32 $0x2910;
	s22 =	sshrl.u32 s5, $0x3  }
.LBB2_1:
0x12: {  	[tilespmem:$0x2910] =	vst v0  }
0x13: {  	[tilespmem:$0x2920] =	vst v0  }
0x14: {  	[tilespmem:$0x2930] =	vst v0  }
0x15: {  	[tilespmem:$0x2940] =	vst v0  }
0x16: {  	[tilespmem:$0x2950] =	vst v0  }
0x17: {  	[tilespmem:$0x2960] =	vst v0  }
0x18: {  	[tilespmem:$0x2970] =	vst v0  }
0x19: {  	[tilespmem:$0x2980] =	vst v0  }
0x1a: {  	[tilespmem:$0x2990] =	vst v0  }
0x1b: {  	[tilespmem:$0x29A0] =	vst v0  }
0x1c: {  	[tilespmem:$0x29B0] =	vst v0  }
0x1d: {  	[tilespmem:$0x29C0] =	vst v0  }
0x1e: {  	[tilespmem:$0x29D0] =	vst v0  }
0x1f: {  	[tilespmem:$0x29E0] =	vst v0  }
0x20: {  	[tilespmem:$0x29F0] =	vst v0  }
0x21: {  	[tilespmem:$0x2A00] =	vst v0  }
0x22: {  	[tilespmem:$0x2A10] =	vst v0  }
0x23: {  	[tilespmem:$0x2A20] =	vst v0  }
0x24: {  	[tilespmem:$0x2A30] =	vst v0  }
0x25: {  	[tilespmem:$0x2A40] =	vst v0  }
0x26: {  	[tilespmem:$0x2A50] =	vst v0  }
0x27: {  	[tilespmem:$0x2A60] =	vst v0  }
0x28: {  	[tilespmem:$0x2A70] =	vst v0  }
0x29: {  	[tilespmem:$0x2A80] =	vst v0  }
0x2a: {  	[tilespmem:$0x2A90] =	vst v0  }
0x2b: {  	[tilespmem:$0x2AA0] =	vst v0  }
0x2c: {  	[tilespmem:$0x2AB0] =	vst v0  }
0x2d: {  	[tilespmem:$0x2AC0] =	vst v0  }
0x2e: {  	[tilespmem:$0x2AD0] =	vst v0  }
0x2f: {  	[tilespmem:$0x2AE0] =	vst v0  }
0x30: {  	[tilespmem:$0x2AF0] =	vst v0  }
0x31: {  	[tilespmem:$0x2B00] =	vst v0  }
0x32: {  	[tilespmem:$0x2B10] =	vst v0  }
0x33: {  	[tilespmem:$0x2B20] =	vst v0  }
0x34: {  	[tilespmem:$0x2B30] =	vst v0  }
0x35: {  	[tilespmem:$0x2B40] =	vst v0  }
0x36: {  	[tilespmem:$0x2B50] =	vst v0  }
0x37: {  	[tilespmem:$0x2B60] =	vst v0  }
0x38: {  	[tilespmem:$0x2B70] =	vst v0  }
0x39: {  	[tilespmem:$0x2B80] =	vst v0  }
0x3a: {  	[tilespmem:$0x28A0] =	vst v1  }
0x3b: {  	[tilespmem:$0x28B0] =	vst v1  }
0x3c: {  	[tilespmem:$0x28C0] =	vst v1  }
0x3d: {  	[tilespmem:$0x28D0] =	vst v1  }
0x3e: {  	[tilespmem:$0x28E0] =	vst v1  }
0x3f: {  	[tilespmem:$0x28F0] =	vst v1  }
0x40: {  	[tilespmem:$0x2900] =	vst v1  }
0x41: {  	[spmem:s5] =	stream.linear.scatter [tilespmem:s12], [sflag:$0x2], $0x280, $0x38;
	[tilespmem:$0x3090] =	vst v63  }
0x42: {  	_ =	swait.ge [sflag:s13], $0x280  }
0x43: {  	[sflag:s13] =	ssyncset.done $0x0  }
0x44: {  	[sflag:s13] =	ssyncadd.s32 $0xFFFFFD80  }
0x45: {  	[spmem:s6] =	stream.linear.scatter [tilespmem:s12], [sflag:$0x2], $0x280, $0x38;
	[tilespmem:$0x3090] =	vst v63  }
0x46: {  	_ =	swait.ge [sflag:s13], $0x280  }
0x47: {  	[sflag:s13] =	ssyncset.done $0x0  }
0x48: {  	[sflag:s13] =	ssyncadd.s32 $0xFFFFFD80  }
0x49: {  	[bflag:$0x0] =	sbarrier.arrive $0xFFFF  }
0x4a: {  	[tilespmem:s4], [sflag:$0x2] =	stream.linear.gather [hbm4b:s7+s4], $0x28A0, $0x38;
	[tilespmem:$0x3090] =	vst v63  }
0x4b: {  	_ =	swait.ge [sflag:s13], $0x28A0  }
0x4c: {  	[sflag:s13] =	ssyncset.done $0x0  }
0x4d: {  	[sflag:s13] =	ssyncadd.s32 $0xFFFFD760  }
0x4e: {  	[spmem:s2] =	stream.indirect.scatter.add.f32 [tilespmem:s15], [sflag:$0x1], $0x1, s4, s14, $0xb8;
	[tilespmem:$0x3090] =	vst v63  }
0x4f: {  	_ = 	snop  }
0x50: {  	[spmem:s2] =	stream.indirect.scatter.add.f32 [tilespmem:s15], [sflag:$0x1], $0x1, s16, s14, $0xb8;
	[tilespmem:$0x3090] =	vst v63  }
0x51: {  	_ = 	snop  }
0x52: {  	[spmem:s2] =	stream.indirect.scatter.add.f32 [tilespmem:s15], [sflag:$0x1], $0x1, s17, s14, $0xb8;
	[tilespmem:$0x3090] =	vst v63  }
0x53: {  	_ = 	snop  }
0x54: {  	[spmem:s2] =	stream.indirect.scatter.add.f32 [tilespmem:s15], [sflag:$0x1], $0x1, s18, s14, $0xb8;
	[tilespmem:$0x3090] =	vst v63  }
0x55: {  	_ = 	snop  }
0x56: {  	[spmem:s2] =	stream.indirect.scatter.add.f32 [tilespmem:s15], [sflag:$0x1], $0x1, s19, s14, $0xb8;
	[tilespmem:$0x3090] =	vst v63  }
0x57: {  	_ =	swait.ge [sflag:s20], $0x64  }
0x58: {  	[sflag:s20] =	ssyncset.done $0x0  }
0x59: {  	s25 =	simm.s32 $0x9C0;
	s26 =	simm.s32 $0x208;
	[sflag:s20] =	ssyncadd.s32 $0xFFFFFF9C  }
.LBB2_2:
0x5a: {  	[spmem:s2] =	stream.indirect.scatter.add.f32 [tilespmem:s15], [sflag:$0x1], $0x1, s26, s14, $0xb8;
	[tilespmem:$0x3090] =	vst v63  }
0x5b: {  	s26 =	smov.u32 s25;
	p0 =	sne.s32 s25, $0xA0E0  }
.Ltmp0:
0x5c: {  	s25 =	sadd.s32 $0x1A0, s25;
	(pc) =	sbr.rel @p0 .LBB2_2-.Ltmp0, $4  }
0x5d: {  	_ = 	snop  }
0x5e: {  	_ =	swait.ge [sflag:s20], $0x64  }
0x5f: {  	[sflag:s20] =	ssyncset.done $0x0  }
0x60: {  	s26 =	sshra.s32 s26, $0x2;
	[sflag:s20] =	ssyncadd.s32 $0xFFFFFF9C  }
0x61: {  	[spmem:s2] =	stream.indirect.scatter.add.f32 [tilespmem:s15], [sflag:$0x1], $0x1, s26, s14, $0xb8;
	[tilespmem:$0x3090] =	vst v63  }
0x62: {  	_ =	swait.ge [sflag:s20], $0x64  }
0x63: {  	[sflag:s20] =	ssyncset.done $0x0  }
0x64: {  	[sflag:s20] =	ssyncadd.s32 $0xFFFFFF9C  }
0x65: {  	_ =	swait.ge [sflag:s20], $0x64  }
0x66: {  	[sflag:s20] =	ssyncset.done $0x0  }
0x67: {  	[sflag:s20] =	ssyncadd.s32 $0xFFFFFF9C  }
0x68: {  	_ =	swait.ge [sflag:s20], $0x64  }
0x69: {  	[sflag:s20] =	ssyncset.done $0x0  }
0x6a: {  	[sflag:s20] =	ssyncadd.s32 $0xFFFFFF9C  }
0x6b: {  	_ =	swait.ge [sflag:s20], $0x64  }
0x6c: {  	[sflag:s20] =	ssyncset.done $0x0  }
0x6d: {  	[sflag:s20] =	ssyncadd.s32 $0xFFFFFF9C  }
0x6e: {  	_ =	swait.ge [sflag:s20], $0x64  }
0x6f: {  	[sflag:s20] =	ssyncset.done $0x0  }
0x70: {  	[sflag:s20] =	ssyncadd.s32 $0xFFFFFF9C  }
0x71: {  	[tilespmem:s4], [sflag:$0x2] =	stream.linear.gather [hbm4b:s8+s4], $0x28A0, $0x38;
	[tilespmem:$0x3090] =	vst v63  }
0x72: {  	_ =	swait.ge [sflag:s13], $0x28A0  }
0x73: {  	[sflag:s13] =	ssyncset.done $0x0  }
0x74: {  	[sflag:s13] =	ssyncadd.s32 $0xFFFFD760  }
0x75: {  	[spmem:s3] =	stream.indirect.scatter.add.f32 [tilespmem:s15], [sflag:$0x1], $0x1, s4, s14, $0xb8;
	[tilespmem:$0x3090] =	vst v63  }
0x76: {  	_ = 	snop  }
0x77: {  	[spmem:s3] =	stream.indirect.scatter.add.f32 [tilespmem:s15], [sflag:$0x1], $0x1, s16, s14, $0xb8;
	[tilespmem:$0x3090] =	vst v63  }
0x78: {  	_ = 	snop  }
0x79: {  	[spmem:s3] =	stream.indirect.scatter.add.f32 [tilespmem:s15], [sflag:$0x1], $0x1, s17, s14, $0xb8;
	[tilespmem:$0x3090] =	vst v63  }
0x7a: {  	_ = 	snop  }
0x7b: {  	[spmem:s3] =	stream.indirect.scatter.add.f32 [tilespmem:s15], [sflag:$0x1], $0x1, s18, s14, $0xb8;
	[tilespmem:$0x3090] =	vst v63  }
0x7c: {  	_ = 	snop  }
0x7d: {  	[spmem:s3] =	stream.indirect.scatter.add.f32 [tilespmem:s15], [sflag:$0x1], $0x1, s19, s14, $0xb8;
	[tilespmem:$0x3090] =	vst v63  }
0x7e: {  	_ =	swait.ge [sflag:s20], $0x64  }
0x7f: {  	[sflag:s20] =	ssyncset.done $0x0  }
0x80: {  	s25 =	simm.s32 $0x9C0;
	s26 =	simm.s32 $0x208;
	[sflag:s20] =	ssyncadd.s32 $0xFFFFFF9C  }
.LBB2_4:
0x81: {  	[spmem:s3] =	stream.indirect.scatter.add.f32 [tilespmem:s15], [sflag:$0x1], $0x1, s26, s14, $0xb8;
	[tilespmem:$0x3090] =	vst v63  }
0x82: {  	s26 =	smov.u32 s25;
	p0 =	sne.s32 s25, $0xA0E0  }
.Ltmp1:
0x83: {  	s25 =	sadd.s32 $0x1A0, s25;
	(pc) =	sbr.rel @p0 .LBB2_4-.Ltmp1, $4  }
0x84: {  	_ = 	snop  }
0x85: {  	_ =	swait.ge [sflag:s20], $0x64  }
0x86: {  	[sflag:s20] =	ssyncset.done $0x0  }
0x87: {  	s26 =	sshra.s32 s26, $0x2;
	[sflag:s20] =	ssyncadd.s32 $0xFFFFFF9C  }
0x88: {  	[spmem:s3] =	stream.indirect.scatter.add.f32 [tilespmem:s15], [sflag:$0x1], $0x1, s26, s14, $0xb8;
	[tilespmem:$0x3090] =	vst v63  }
0x89: {  	_ =	swait.ge [sflag:s20], $0x64  }
0x8a: {  	[sflag:s20] =	ssyncset.done $0x0  }
0x8b: {  	[sflag:s20] =	ssyncadd.s32 $0xFFFFFF9C  }
0x8c: {  	_ =	swait.ge [sflag:s20], $0x64  }
0x8d: {  	[sflag:s20] =	ssyncset.done $0x0  }
0x8e: {  	[sflag:s20] =	ssyncadd.s32 $0xFFFFFF9C  }
0x8f: {  	_ =	swait.ge [sflag:s20], $0x64  }
0x90: {  	[sflag:s20] =	ssyncset.done $0x0  }
0x91: {  	[sflag:s20] =	ssyncadd.s32 $0xFFFFFF9C  }
0x92: {  	_ =	swait.ge [sflag:s20], $0x64  }
0x93: {  	[sflag:s20] =	ssyncset.done $0x0  }
0x94: {  	[sflag:s20] =	ssyncadd.s32 $0xFFFFFF9C  }
0x95: {  	_ =	swait.ge [sflag:s20], $0x64  }
0x96: {  	[sflag:s20] =	ssyncset.done $0x0  }
0x97: {  	[sflag:s20] =	ssyncadd.s32 $0xFFFFFF9C  }
0x98: {  	[bflag:$0x0] =	sbarrier.arrive $0xFFFF  }
0x99: {  	[hbm:s9], [sflag:s21] =	dma.local [spmem:s22], $0x50  }
0x9a: {  	s24 =	sadd.s32 $0x1, s24;
	_ =	swait.ge [sflag:s13], $0x50  }
0x9b: {  	p0 =	sne.s32 s24, s11;
	[sflag:s13] =	ssyncset.done $0x0  }
.Ltmp2:
0x9c: {  	[sflag:s13] =	ssyncadd.s32 $0xFFFFFFB0;
	(pc) =	sbr.rel @p0 .LBB2_1-.Ltmp2, $4  }
0x9d: {  	[hbm:s10], [sflag:s21] =	dma.local [spmem:s23], $0x50  }
0x9e: {  	_ =	swait.ge [sflag:s13], $0x50  }
0x9f: {  	[sflag:s13] =	ssyncset.done $0x0  }
0xa0: {  	[sflag:s13] =	ssyncadd.s32 $0xFFFFFFB0  }
0xa1: {  	_ =	sfence.sel $0x180000  }
0xa2: {  	[bflag:$0x0] =	sbarrier.arrive $0xFFFF  }
0xa3: {  	p0 =	sne.s32 s0, $0x0;
	_ =	strace $0x90000047  }
0xa4: {  	s0 =	sadd.s32 @!p0 $0x100000, s1;
	[bflag:$0x2] =	sbarrier.arrive $0xFFFF  }
0xa5: {  	[sflag:s0] =	ssyncadd.tile.s32 @!p0 $0x1;
	_ =	shalt  }
.Lfunc_end2:
_tile_overlayer_lowered:
.L_overlay_start_2:
0xa6: {  	(tag) =	ssettag $0x2  }
0xa7: {  	s0 =	rddreg [dreg:$0x0];
	s2 =	stileid.u32  }
0xa8: {  	s1 =	rddreg [dreg:$0x1];
	p0 =	sne.s32 s2, $0x0  }
0xa9: {  	s3 =	rddreg [dreg:$0x2];
	[bflag:$0x3] =	sbarrier.arrive $0xFFFF;
	s2 =	simm.s32 @!p0 $0x1C02  }
0xaa: {  	[timem:s3], [sflag:s2] =	dma.local @!p0 [hbm:s0], s1  }
0xab: {  	s0 =	simm.s32 @!p0 $0x2  }
0xac: {  	_ =	swait.ge @!p0 [sflag:s0], s1  }
0xad: {  	s1 =	ssub.s32 @!p0 $0x0, s1;
	[sflag:s0] =	ssyncset.done @!p0 $0x0  }
0xae: {  	[sflag:s0] =	ssyncadd.s32 @!p0 s1  }
0xaf: {  	[bflag:$0x3] =	sbarrier.arrive $0xFFFF  }
0xb0: {  	_ =	shalt  }

</sc_bundles>
